<compile_context>
chip_gen: v7x
topology: tpu7x:2x2x1
jax: 0.10.2.dev20260603
libtpu: 0.0.44.dev20260713+nightly
codegen_flags: <defaults>
</compile_context>

<pallas_src>
import functools

import jax
import jax.numpy as jnp
from jax import lax
from jax.experimental import pallas as pl
from jax.experimental.pallas import tpu as pltpu
from jax.experimental.pallas import tpu_sc as plsc

_K = 128
_NW = 32
_R = 2048
_DW = 16

_PREC = jax.lax.Precision.DEFAULT



_NB = 8


@functools.lru_cache(maxsize=None)
def _sc_agg(n_pad: int, e_pad: int, h: int, gather: bool):
    ept = e_pad // _NW
    nchunks = ept // _K
    ngroups = nchunks // _NB
    rps = n_pad // 16
    mesh = plsc.VectorSubcoreMesh(core_axis_name="c", subcore_axis_name="s")

    row_scr = [pltpu.VMEM((_K, h), jnp.float32) for _ in range(_NB)]
    sem_scr = [pltpu.SemaphoreType.DMA for _ in range(2 * _NB + 1)]

    @functools.partial(
        pl.kernel,
        out_type=jax.ShapeDtypeStruct((2, n_pad, h), jnp.float32),
        mesh=mesh,
        compiler_params=pltpu.CompilerParams(use_tc_tiling_on_sc=False),
        scratch_types=[
            pltpu.VMEM((nchunks, _K), jnp.int32),
            pltpu.VMEM((nchunks, _K), jnp.int32),
            pltpu.VMEM_SHARED((n_pad, h), jnp.float32),
        ] + row_scr + sem_scr,
    )
    def agg(g_hbm, src_hbm, dst_hbm, zero_hbm, out_hbm,
            idx_s, idx_d, acc_sh, *rest):
        rows = rest[:_NB]
        gsem = rest[_NB:2 * _NB]
        ssem = rest[2 * _NB:3 * _NB]
        isem = rest[3 * _NB]
        c = lax.axis_index("c")
        s = lax.axis_index("s")
        wid = c * 16 + s
        cbase = wid * nchunks
        cp_d = pltpu.async_copy(dst_hbm.at[pl.ds(cbase, nchunks)], idx_d, isem)
        if gather:
            cp_s = pltpu.async_copy(src_hbm.at[pl.ds(cbase, nchunks)],
                                    idx_s, isem)
        pltpu.sync_copy(zero_hbm.at[pl.ds(s * rps, rps)],
                        acc_sh.at[pl.ds(s * rps, rps)])
        cp_d.wait()
        if gather:
            cp_s.wait()
        if not gather:
            pltpu.sync_copy(g_hbm, rows[0])
        plsc.subcore_barrier()

        def start_g(i, b):
            pltpu.async_copy(g_hbm.at[idx_s.at[i]], rows[b], gsem[b])

        def wait_g(b):
            pltpu.make_async_copy(g_hbm.at[idx_s.at[0]], rows[b],
                                  gsem[b]).wait()

        def start_s(i, b):
            pltpu.async_copy(rows[b], acc_sh.at[idx_d.at[i]], ssem[b],
                             add=True)

        def wait_s(b):
            pltpu.make_async_copy(rows[b], acc_sh.at[idx_d.at[0]],
                                  ssem[b]).wait()

        if gather:
            for b in range(_NB):
                start_g(b, b)

            def body(j, carry):
                for b in range(_NB):
                    i = j * _NB + b
                    wait_g(b)
                    start_s(i, b)
                    wait_s(b)
                    start_g(i + _NB, b)
                return carry

            lax.fori_loop(0, ngroups - 1, body, 0)
            tail = (ngroups - 1) * _NB
            for b in range(_NB):
                wait_g(b)
                start_s(tail + b, b)
            for b in range(_NB):
                wait_s(b)
        else:
            def body(j, carry):
                for b in range(_NB):
                    start_s(j * _NB + b, 0)
                for b in range(_NB):
                    wait_s(0)
                return carry

            lax.fori_loop(0, ngroups, body, 0)

        plsc.subcore_barrier()
        pltpu.sync_copy(acc_sh.at[pl.ds(s * rps, rps)],
                        out_hbm.at[c, pl.ds(s * rps, rps)])

    return agg



def _dinv(d_ref):
    deg = 1.0 + d_ref[0, :, 0:1] + d_ref[1, :, 0:1]
    return lax.rsqrt(deg)


def _b1_body(x_ref, d_ref, w_ref, o_ref):
    dinv = _dinv(d_ref)
    xw = jnp.dot(x_ref[...], w_ref[...], precision=_PREC,
                 preferred_element_type=jnp.float32)
    o_ref[...] = xw * dinv


def _mid_body(a_ref, g_ref, d_ref, w_ref, b_ref, o_ref):
    dinv = _dinv(d_ref)
    h = jnp.maximum((a_ref[0] + a_ref[1] + g_ref[...]) * dinv + b_ref[...], 0.0)
    hw = jnp.dot(h, w_ref[...], precision=_PREC,
                 preferred_element_type=jnp.float32)
    o_ref[...] = hw * dinv


def _head_body(a_ref, g_ref, d_ref, b3_ref, wc1_ref, bc1_ref, wc2_ref, bc2_ref,
               wf1_ref, bf1_ref, wf2_ref, bf2_ref, coords_ref, conf_ref):
    dinv = _dinv(d_ref)
    h3 = jnp.maximum((a_ref[0] + a_ref[1] + g_ref[...]) * dinv + b3_ref[...],
                     0.0)
    c1 = jnp.maximum(jnp.dot(h3, wc1_ref[...], precision=_PREC,
                             preferred_element_type=jnp.float32) + bc1_ref[...],
                     0.0)
    coords_ref[...] = jnp.dot(c1, wc2_ref[...], precision=_PREC,
                              preferred_element_type=jnp.float32) + bc2_ref[...]
    f1 = jnp.maximum(jnp.dot(h3, wf1_ref[...], precision=_PREC,
                             preferred_element_type=jnp.float32) + bf1_ref[...],
                     0.0)
    conf_ref[...] = jax.nn.sigmoid(
        jnp.dot(f1, wf2_ref[...], precision=_PREC,
                preferred_element_type=jnp.float32) + bf2_ref[...])


def _full(shape):
    return pl.BlockSpec(shape, lambda i: tuple(0 for _ in shape))


def _rows_spec(w):
    return pl.BlockSpec((_R, w), lambda i: (i, 0))


def _acc_spec(w):
    return pl.BlockSpec((2, _R, w), lambda i: (0, i, 0))


def _b1_call(n_pad, d, h):
    return pl.pallas_call(
        _b1_body,
        grid=(n_pad // _R,),
        in_specs=[_rows_spec(d), _acc_spec(_DW), _full((d, h))],
        out_specs=_rows_spec(h),
        out_shape=jax.ShapeDtypeStruct((n_pad, h), jnp.float32),
    )


def _mid_call(n_pad, h_in, h_out):
    return pl.pallas_call(
        _mid_body,
        grid=(n_pad // _R,),
        in_specs=[_acc_spec(h_in), _rows_spec(h_in), _acc_spec(_DW),
                  _full((h_in, h_out)), _full((1, h_in))],
        out_specs=_rows_spec(h_out),
        out_shape=jax.ShapeDtypeStruct((n_pad, h_out), jnp.float32),
    )


def _head_call(n, n_pad, h3, hm, co, fo):
    return pl.pallas_call(
        _head_body,
        grid=(n_pad // _R,),
        in_specs=[_acc_spec(h3), _rows_spec(h3), _acc_spec(_DW),
                  _full((1, h3)),
                  _full((h3, hm)), _full((1, hm)), _full((hm, co)),
                  _full((1, co)),
                  _full((h3, hm)), _full((1, hm)), _full((hm, fo)),
                  _full((1, fo))],
        out_specs=[_rows_spec(co), _rows_spec(fo)],
        out_shape=[jax.ShapeDtypeStruct((n, co), jnp.float32),
                   jax.ShapeDtypeStruct((n, fo), jnp.float32)],
    )



def kernel(x, edge_index, W1, b1, W2, b2, W3, b3,
           Wc1, bc1, Wc2, bc2, Wf1, bf1, Wf2, bf2):
    n, d = x.shape
    e = edge_index.shape[1]
    h = W1.shape[1]
    h3 = W3.shape[1]
    hm = Wc1.shape[1]
    co = Wc2.shape[1]
    fo = Wf2.shape[1]

    n_pad = -(-(n + 1) // _R) * _R
    e_grain = _NW * _K * _NB
    e_pad = -(-e // e_grain) * e_grain

    ei = edge_index.astype(jnp.int32)
    fill = n + jnp.arange(e_pad - e, dtype=jnp.int32) % (n_pad - n)
    src = jnp.concatenate([ei[0], fill]).reshape(-1, _K)
    dst = jnp.concatenate([ei[1], fill]).reshape(-1, _K)

    zeros_h = jnp.zeros((n_pad, h), jnp.float32)
    zeros_h3 = jnp.zeros((n_pad, h3), jnp.float32)
    zeros_dw = jnp.zeros((n_pad, _DW), jnp.float32)
    ones_rows = jnp.ones((_K, _DW), jnp.float32)

    dacc = _sc_agg(n_pad, e_pad, _DW, False)(ones_rows, src, dst, zeros_dw)

    g1 = _b1_call(n_pad, d, h)(x, dacc, W1)
    a1 = _sc_agg(n_pad, e_pad, h, True)(g1, src, dst, zeros_h)
    g2 = _mid_call(n_pad, h, h)(a1, g1, dacc, W2, b1.reshape(1, -1))
    a2 = _sc_agg(n_pad, e_pad, h, True)(g2, src, dst, zeros_h)
    g3 = _mid_call(n_pad, h, h3)(a2, g2, dacc, W3, b2.reshape(1, -1))
    a3 = _sc_agg(n_pad, e_pad, h3, True)(g3, src, dst, zeros_h3)
    coords, conf = _head_call(n, n_pad, h3, hm, co, fo)(
        a3, g3, dacc, b3.reshape(1, -1),
        Wc1, bc1.reshape(1, -1), Wc2, bc2.reshape(1, -1),
        Wf1, bf1.reshape(1, -1), Wf2, bf2.reshape(1, -1))

    return coords, conf[:, 0]

# --- scband reference (transcript-rebuilt; emitter-appended) ---
"""Pipeline reference for scband-coordinate-prediction-gcn-29669634081268 (READ-ONLY COPY).

The authoritative reference and input builder live on the scoring server;
editing this copy changes nothing except your own understanding.
"""

import jax, jax.numpy as jnp
import numpy as np

N = 10000
E = 320000
D = 128
H = 64


def gcn_conv(x, edge_index, W, b):
    n = x.shape[0]
    loop = jnp.arange(n, dtype=edge_index.dtype)
    src = jnp.concatenate([edge_index[0], loop])
    dst = jnp.concatenate([edge_index[1], loop])
    h = x @ W
    deg = jax.ops.segment_sum(jnp.ones_like(dst, dtype=h.dtype), dst, num_segments=n)
    dinv = jnp.where(deg > 0, jax.lax.rsqrt(jnp.maximum(deg, 1e-12)), 0.0)
    norm = dinv[src] * dinv[dst]
    msg = h[src] * norm[:, None]
    out = jax.ops.segment_sum(msg, dst, num_segments=n)
    return out + b


def setup_inputs(seed: int = 0):
    key = jax.random.key(seed)
    ks = jax.random.split(key, 20)
    x = jax.random.normal(ks[0], (N, D), dtype=jnp.float32)
    edge_index = jax.random.randint(ks[1], (2, E), 0, N, dtype=jnp.int32)

    def lin(k, fi, fo):
        return jax.random.normal(k, (fi, fo), dtype=jnp.float32) * (1.0 / np.sqrt(fi))

    W1 = lin(ks[2], D, H);        b1 = jnp.zeros((H,), jnp.float32)
    W2 = lin(ks[3], H, H);        b2 = jnp.zeros((H,), jnp.float32)
    W3 = lin(ks[4], H, H // 2);   b3 = jnp.zeros((H // 2,), jnp.float32)
    Wc1 = lin(ks[5], H // 2, H // 4); bc1 = jnp.zeros((H // 4,), jnp.float32)
    Wc2 = lin(ks[6], H // 4, 2);      bc2 = jnp.zeros((2,), jnp.float32)
    Wf1 = lin(ks[7], H // 2, H // 4); bf1 = jnp.zeros((H // 4,), jnp.float32)
    Wf2 = lin(ks[8], H // 4, 1);      bf2 = jnp.zeros((1,), jnp.float32)
    return {"x": x, "edge_index": edge_index,
            "W1": W1, "b1": b1, "W2": W2, "b2": b2, "W3": W3, "b3": b3,
            "Wc1": Wc1, "bc1": bc1, "Wc2": Wc2, "bc2": bc2,
            "Wf1": Wf1, "bf1": bf1, "Wf2": Wf2, "bf2": bf2}


def reference(x, edge_index, W1, b1, W2, b2, W3, b3, Wc1, bc1, Wc2, bc2, Wf1, bf1, Wf2, bf2):
    h1 = jax.nn.relu(gcn_conv(x, edge_index, W1, b1))
    # dropout is identity at inference
    h2 = jax.nn.relu(gcn_conv(h1, edge_index, W2, b2))
    h3 = jax.nn.relu(gcn_conv(h2, edge_index, W3, b3))
    coords = jax.nn.relu(h3 @ Wc1 + bc1) @ Wc2 + bc2
    conf = jax.nn.sigmoid(jax.nn.relu(h3 @ Wf1 + bf1) @ Wf2 + bf2)
    confidence = jnp.squeeze(conf, axis=-1)
    return (coords, confidence)

if __name__ == "__main__":
    import jax
    _d = setup_inputs()
    print(jax.jit(kernel)(*tuple(_d.values())))

</pallas_src>

<mosaic_0001>
#map = affine_map<(d0, d1) -> (0, 0)>
#map1 = affine_map<(d0, d1) -> (0, 0, 0)>
module attributes {stable_mosaic.version = 14 : i64} {
  func.func @agg(%arg0: i32, %arg1: i32, %arg2: memref<10240x64xf32, #tpu.memory_space<hbm>>, %arg3: memref<2560x128xi32, #tpu.memory_space<hbm>>, %arg4: memref<2560x128xi32, #tpu.memory_space<hbm>>, %arg5: memref<10240x64xf32, #tpu.memory_space<hbm>>, %arg6: memref<2x10240x64xf32, #tpu.memory_space<hbm>>, %arg7: memref<80x128xi32, #tpu.memory_space<vmem>>, %arg8: memref<80x128xi32, #tpu.memory_space<vmem>>, %arg9: memref<10240x64xf32, #tpu.memory_space<vmem_shared>>, %arg10: memref<128x64xf32, #tpu.memory_space<vmem>>, %arg11: memref<128x64xf32, #tpu.memory_space<vmem>>, %arg12: memref<128x64xf32, #tpu.memory_space<vmem>>, %arg13: memref<128x64xf32, #tpu.memory_space<vmem>>, %arg14: memref<128x64xf32, #tpu.memory_space<vmem>>, %arg15: memref<128x64xf32, #tpu.memory_space<vmem>>, %arg16: memref<128x64xf32, #tpu.memory_space<vmem>>, %arg17: memref<128x64xf32, #tpu.memory_space<vmem>>, %arg18: memref<!tpu.dma_semaphore, #tpu.memory_space<semaphore_mem>>, %arg19: memref<!tpu.dma_semaphore, #tpu.memory_space<semaphore_mem>>, %arg20: memref<!tpu.dma_semaphore, #tpu.memory_space<semaphore_mem>>, %arg21: memref<!tpu.dma_semaphore, #tpu.memory_space<semaphore_mem>>, %arg22: memref<!tpu.dma_semaphore, #tpu.memory_space<semaphore_mem>>, %arg23: memref<!tpu.dma_semaphore, #tpu.memory_space<semaphore_mem>>, %arg24: memref<!tpu.dma_semaphore, #tpu.memory_space<semaphore_mem>>, %arg25: memref<!tpu.dma_semaphore, #tpu.memory_space<semaphore_mem>>, %arg26: memref<!tpu.dma_semaphore, #tpu.memory_space<semaphore_mem>>, %arg27: memref<!tpu.dma_semaphore, #tpu.memory_space<semaphore_mem>>, %arg28: memref<!tpu.dma_semaphore, #tpu.memory_space<semaphore_mem>>, %arg29: memref<!tpu.dma_semaphore, #tpu.memory_space<semaphore_mem>>, %arg30: memref<!tpu.dma_semaphore, #tpu.memory_space<semaphore_mem>>, %arg31: memref<!tpu.dma_semaphore, #tpu.memory_space<semaphore_mem>>, %arg32: memref<!tpu.dma_semaphore, #tpu.memory_space<semaphore_mem>>, %arg33: memref<!tpu.dma_semaphore, #tpu.memory_space<semaphore_mem>>, %arg34: memref<!tpu.dma_semaphore, #tpu.memory_space<semaphore_mem>>) attributes {dimension_semantics = [#tpu.dimension_semantics<core_parallel>, #tpu.dimension_semantics<subcore_parallel>], iteration_bounds = array<i64: 2, 16>, scalar_prefetch = 0 : i64, scratch_operands = 28 : i64, tpu.core_type = #tpu.core_type<sc_vector_subcore>, window_params = [{transform_indices = #map}, {transform_indices = #map}, {transform_indices = #map}, {transform_indices = #map}, {transform_indices = #map1}]} {
    %mul3A = arith.constant 16 : i32
    %mul3A_0 = arith.muli %arg0, %mul3A : i32
    %add3A = arith.addi %mul3A_0, %arg1 : i32
    %mul3A_1 = arith.constant 80 : i32
    %mul3A_2 = arith.muli %add3A, %mul3A_1 : i32
    %dma_start3A = arith.constant 0 : i32
    %dma_start3A_3 = tpu.memref_slice %arg4[%mul3A_2, %dma_start3A] : memref<2560x128xi32, #tpu.memory_space<hbm>> -> memref<80x128xi32, #tpu.memory_space<hbm>>
    %dma_start3A_4 = arith.constant 0 : i32
    %dma_start3A_5 = tpu.memref_slice %arg4[%mul3A_2, %dma_start3A_4] : memref<2560x128xi32, #tpu.memory_space<hbm>> -> memref<80x128xi32, #tpu.memory_space<hbm>>
    tpu.enqueue_dma source(%dma_start3A_5 : memref<80x128xi32, #tpu.memory_space<hbm>>) target(%arg8 : memref<80x128xi32, #tpu.memory_space<vmem>>) target_semaphore(%arg34 : memref<!tpu.dma_semaphore, #tpu.memory_space<semaphore_mem>>)
    %dma_start3A_6 = arith.constant 0 : i32
    %dma_start3A_7 = tpu.memref_slice %arg3[%mul3A_2, %dma_start3A_6] : memref<2560x128xi32, #tpu.memory_space<hbm>> -> memref<80x128xi32, #tpu.memory_space<hbm>>
    %dma_start3A_8 = arith.constant 0 : i32
    %dma_start3A_9 = tpu.memref_slice %arg3[%mul3A_2, %dma_start3A_8] : memref<2560x128xi32, #tpu.memory_space<hbm>> -> memref<80x128xi32, #tpu.memory_space<hbm>>
    tpu.enqueue_dma source(%dma_start3A_9 : memref<80x128xi32, #tpu.memory_space<hbm>>) target(%arg7 : memref<80x128xi32, #tpu.memory_space<vmem>>) target_semaphore(%arg34 : memref<!tpu.dma_semaphore, #tpu.memory_space<semaphore_mem>>)
    %mul3A_10 = arith.constant 640 : i32
    %mul3A_11 = arith.muli %arg1, %mul3A_10 : i32
    %mul3A_12 = arith.constant 640 : i32
    %mul3A_13 = arith.muli %arg1, %mul3A_12 : i32
    "tpu.region"() ({
      %run_scoped3A = tpu.sem_alloc : memref<!tpu.dma_semaphore, #tpu.memory_space<semaphore_mem>>
      %dma_start3A_255 = arith.constant 0 : i32
      %dma_start3A_256 = tpu.memref_slice %arg9[%mul3A_13, %dma_start3A_255] : memref<10240x64xf32, #tpu.memory_space<vmem_shared>> -> memref<640x64xf32, #tpu.memory_space<vmem_shared>>
      %dma_start3A_257 = arith.constant 0 : i32
      %dma_start3A_258 = tpu.memref_slice %arg5[%mul3A_11, %dma_start3A_257] : memref<10240x64xf32, #tpu.memory_space<hbm>> -> memref<640x64xf32, #tpu.memory_space<hbm>>
      tpu.enqueue_dma source(%dma_start3A_258 : memref<640x64xf32, #tpu.memory_space<hbm>>) target(%dma_start3A_256 : memref<640x64xf32, #tpu.memory_space<vmem_shared>>) target_semaphore(%run_scoped3A : memref<!tpu.dma_semaphore, #tpu.memory_space<semaphore_mem>>)
      %dma_wait3A_259 = arith.constant 0 : i32
      %dma_wait3A_260 = tpu.memref_slice %arg9[%mul3A_13, %dma_wait3A_259] : memref<10240x64xf32, #tpu.memory_space<vmem_shared>> -> memref<640x64xf32, #tpu.memory_space<vmem_shared>>
      %dma_wait3A_261 = arith.constant 0 : i32
      %dma_wait3A_262 = tpu.memref_slice %arg5[%mul3A_11, %dma_wait3A_261] : memref<10240x64xf32, #tpu.memory_space<hbm>> -> memref<640x64xf32, #tpu.memory_space<hbm>>
      tpu.wait_dma2 semaphore(%run_scoped3A : memref<!tpu.dma_semaphore, #tpu.memory_space<semaphore_mem>>) src(%dma_wait3A_262 : memref<640x64xf32, #tpu.memory_space<hbm>>) dst(%dma_wait3A_260 : memref<640x64xf32, #tpu.memory_space<vmem_shared>>)
      tpu.yield
    }) : () -> ()
    %dma_wait3A = arith.constant 0 : i32
    %dma_wait3A_14 = tpu.memref_slice %arg4[%mul3A_2, %dma_wait3A] : memref<2560x128xi32, #tpu.memory_space<hbm>> -> memref<80x128xi32, #tpu.memory_space<hbm>>
    %dma_wait3A_15 = arith.constant 0 : i32
    %dma_wait3A_16 = tpu.memref_slice %arg4[%mul3A_2, %dma_wait3A_15] : memref<2560x128xi32, #tpu.memory_space<hbm>> -> memref<80x128xi32, #tpu.memory_space<hbm>>
    tpu.wait_dma2 semaphore(%arg34 : memref<!tpu.dma_semaphore, #tpu.memory_space<semaphore_mem>>) src(%dma_wait3A_16 : memref<80x128xi32, #tpu.memory_space<hbm>>) dst(%arg8 : memref<80x128xi32, #tpu.memory_space<vmem>>)
    %dma_wait3A_17 = arith.constant 0 : i32
    %dma_wait3A_18 = tpu.memref_slice %arg3[%mul3A_2, %dma_wait3A_17] : memref<2560x128xi32, #tpu.memory_space<hbm>> -> memref<80x128xi32, #tpu.memory_space<hbm>>
    %dma_wait3A_19 = arith.constant 0 : i32
    %dma_wait3A_20 = tpu.memref_slice %arg3[%mul3A_2, %dma_wait3A_19] : memref<2560x128xi32, #tpu.memory_space<hbm>> -> memref<80x128xi32, #tpu.memory_space<hbm>>
    tpu.wait_dma2 semaphore(%arg34 : memref<!tpu.dma_semaphore, #tpu.memory_space<semaphore_mem>>) src(%dma_wait3A_20 : memref<80x128xi32, #tpu.memory_space<hbm>>) dst(%arg7 : memref<80x128xi32, #tpu.memory_space<vmem>>)
    %barrier3A = arith.constant 0 : index
    tpu.barrier barrier_id(%barrier3A)
    %dma_start3A_21 = arith.constant 0 : i32
    %dma_start3A_22 = arith.constant 0 : i32
    %dma_start3A_23 = tpu.memref_slice %arg7[%dma_start3A_21, %dma_start3A_22] : memref<80x128xi32, #tpu.memory_space<vmem>> -> memref<1x128xi32, #tpu.memory_space<vmem>>
    %dma_start3A_24 = tpu.memref_squeeze %dma_start3A_23 : memref<1x128xi32, #tpu.memory_space<vmem>> -> memref<128xi32, #tpu.memory_space<vmem>>
    %dma_start3A_25 = arith.constant 0 : i32
    %dma_start3A_26 = arith.constant 0 : i32
    %dma_start3A_27 = tpu.memref_slice %arg2[%dma_start3A_25, %dma_start3A_26] : memref<10240x64xf32, #tpu.memory_space<hbm>> -> memref<10240x64xf32, #tpu.memory_space<hbm>>
    tpu.enqueue_indirect_dma source(%dma_start3A_27 : memref<10240x64xf32, #tpu.memory_space<hbm>>) target(%arg10 : memref<128x64xf32, #tpu.memory_space<vmem>>) offsets(%dma_start3A_24 : memref<128xi32, #tpu.memory_space<vmem>>) semaphore(%arg18 : memref<!tpu.dma_semaphore, #tpu.memory_space<semaphore_mem>>)
    %dma_start3A_28 = arith.constant 1 : i32
    %dma_start3A_29 = arith.constant 0 : i32
    %dma_start3A_30 = tpu.memref_slice %arg7[%dma_start3A_28, %dma_start3A_29] : memref<80x128xi32, #tpu.memory_space<vmem>> -> memref<1x128xi32, #tpu.memory_space<vmem>>
    %dma_start3A_31 = tpu.memref_squeeze %dma_start3A_30 : memref<1x128xi32, #tpu.memory_space<vmem>> -> memref<128xi32, #tpu.memory_space<vmem>>
    %dma_start3A_32 = arith.constant 0 : i32
    %dma_start3A_33 = arith.constant 0 : i32
    %dma_start3A_34 = tpu.memref_slice %arg2[%dma_start3A_32, %dma_start3A_33] : memref<10240x64xf32, #tpu.memory_space<hbm>> -> memref<10240x64xf32, #tpu.memory_space<hbm>>
    tpu.enqueue_indirect_dma source(%dma_start3A_34 : memref<10240x64xf32, #tpu.memory_space<hbm>>) target(%arg11 : memref<128x64xf32, #tpu.memory_space<vmem>>) offsets(%dma_start3A_31 : memref<128xi32, #tpu.memory_space<vmem>>) semaphore(%arg19 : memref<!tpu.dma_semaphore, #tpu.memory_space<semaphore_mem>>)
    %dma_start3A_35 = arith.constant 2 : i32
    %dma_start3A_36 = arith.constant 0 : i32
    %dma_start3A_37 = tpu.memref_slice %arg7[%dma_start3A_35, %dma_start3A_36] : memref<80x128xi32, #tpu.memory_space<vmem>> -> memref<1x128xi32, #tpu.memory_space<vmem>>
    %dma_start3A_38 = tpu.memref_squeeze %dma_start3A_37 : memref<1x128xi32, #tpu.memory_space<vmem>> -> memref<128xi32, #tpu.memory_space<vmem>>
    %dma_start3A_39 = arith.constant 0 : i32
    %dma_start3A_40 = arith.constant 0 : i32
    %dma_start3A_41 = tpu.memref_slice %arg2[%dma_start3A_39, %dma_start3A_40] : memref<10240x64xf32, #tpu.memory_space<hbm>> -> memref<10240x64xf32, #tpu.memory_space<hbm>>
    tpu.enqueue_indirect_dma source(%dma_start3A_41 : memref<10240x64xf32, #tpu.memory_space<hbm>>) target(%arg12 : memref<128x64xf32, #tpu.memory_space<vmem>>) offsets(%dma_start3A_38 : memref<128xi32, #tpu.memory_space<vmem>>) semaphore(%arg20 : memref<!tpu.dma_semaphore, #tpu.memory_space<semaphore_mem>>)
    %dma_start3A_42 = arith.constant 3 : i32
    %dma_start3A_43 = arith.constant 0 : i32
    %dma_start3A_44 = tpu.memref_slice %arg7[%dma_start3A_42, %dma_start3A_43] : memref<80x128xi32, #tpu.memory_space<vmem>> -> memref<1x128xi32, #tpu.memory_space<vmem>>
    %dma_start3A_45 = tpu.memref_squeeze %dma_start3A_44 : memref<1x128xi32, #tpu.memory_space<vmem>> -> memref<128xi32, #tpu.memory_space<vmem>>
    %dma_start3A_46 = arith.constant 0 : i32
    %dma_start3A_47 = arith.constant 0 : i32
    %dma_start3A_48 = tpu.memref_slice %arg2[%dma_start3A_46, %dma_start3A_47] : memref<10240x64xf32, #tpu.memory_space<hbm>> -> memref<10240x64xf32, #tpu.memory_space<hbm>>
    tpu.enqueue_indirect_dma source(%dma_start3A_48 : memref<10240x64xf32, #tpu.memory_space<hbm>>) target(%arg13 : memref<128x64xf32, #tpu.memory_space<vmem>>) offsets(%dma_start3A_45 : memref<128xi32, #tpu.memory_space<vmem>>) semaphore(%arg21 : memref<!tpu.dma_semaphore, #tpu.memory_space<semaphore_mem>>)
    %dma_start3A_49 = arith.constant 4 : i32
    %dma_start3A_50 = arith.constant 0 : i32
    %dma_start3A_51 = tpu.memref_slice %arg7[%dma_start3A_49, %dma_start3A_50] : memref<80x128xi32, #tpu.memory_space<vmem>> -> memref<1x128xi32, #tpu.memory_space<vmem>>
    %dma_start3A_52 = tpu.memref_squeeze %dma_start3A_51 : memref<1x128xi32, #tpu.memory_space<vmem>> -> memref<128xi32, #tpu.memory_space<vmem>>
    %dma_start3A_53 = arith.constant 0 : i32
    %dma_start3A_54 = arith.constant 0 : i32
    %dma_start3A_55 = tpu.memref_slice %arg2[%dma_start3A_53, %dma_start3A_54] : memref<10240x64xf32, #tpu.memory_space<hbm>> -> memref<10240x64xf32, #tpu.memory_space<hbm>>
    tpu.enqueue_indirect_dma source(%dma_start3A_55 : memref<10240x64xf32, #tpu.memory_space<hbm>>) target(%arg14 : memref<128x64xf32, #tpu.memory_space<vmem>>) offsets(%dma_start3A_52 : memref<128xi32, #tpu.memory_space<vmem>>) semaphore(%arg22 : memref<!tpu.dma_semaphore, #tpu.memory_space<semaphore_mem>>)
    %dma_start3A_56 = arith.constant 5 : i32
    %dma_start3A_57 = arith.constant 0 : i32
    %dma_start3A_58 = tpu.memref_slice %arg7[%dma_start3A_56, %dma_start3A_57] : memref<80x128xi32, #tpu.memory_space<vmem>> -> memref<1x128xi32, #tpu.memory_space<vmem>>
    %dma_start3A_59 = tpu.memref_squeeze %dma_start3A_58 : memref<1x128xi32, #tpu.memory_space<vmem>> -> memref<128xi32, #tpu.memory_space<vmem>>
    %dma_start3A_60 = arith.constant 0 : i32
    %dma_start3A_61 = arith.constant 0 : i32
    %dma_start3A_62 = tpu.memref_slice %arg2[%dma_start3A_60, %dma_start3A_61] : memref<10240x64xf32, #tpu.memory_space<hbm>> -> memref<10240x64xf32, #tpu.memory_space<hbm>>
    tpu.enqueue_indirect_dma source(%dma_start3A_62 : memref<10240x64xf32, #tpu.memory_space<hbm>>) target(%arg15 : memref<128x64xf32, #tpu.memory_space<vmem>>) offsets(%dma_start3A_59 : memref<128xi32, #tpu.memory_space<vmem>>) semaphore(%arg23 : memref<!tpu.dma_semaphore, #tpu.memory_space<semaphore_mem>>)
    %dma_start3A_63 = arith.constant 6 : i32
    %dma_start3A_64 = arith.constant 0 : i32
    %dma_start3A_65 = tpu.memref_slice %arg7[%dma_start3A_63, %dma_start3A_64] : memref<80x128xi32, #tpu.memory_space<vmem>> -> memref<1x128xi32, #tpu.memory_space<vmem>>
    %dma_start3A_66 = tpu.memref_squeeze %dma_start3A_65 : memref<1x128xi32, #tpu.memory_space<vmem>> -> memref<128xi32, #tpu.memory_space<vmem>>
    %dma_start3A_67 = arith.constant 0 : i32
    %dma_start3A_68 = arith.constant 0 : i32
    %dma_start3A_69 = tpu.memref_slice %arg2[%dma_start3A_67, %dma_start3A_68] : memref<10240x64xf32, #tpu.memory_space<hbm>> -> memref<10240x64xf32, #tpu.memory_space<hbm>>
    tpu.enqueue_indirect_dma source(%dma_start3A_69 : memref<10240x64xf32, #tpu.memory_space<hbm>>) target(%arg16 : memref<128x64xf32, #tpu.memory_space<vmem>>) offsets(%dma_start3A_66 : memref<128xi32, #tpu.memory_space<vmem>>) semaphore(%arg24 : memref<!tpu.dma_semaphore, #tpu.memory_space<semaphore_mem>>)
    %dma_start3A_70 = arith.constant 7 : i32
    %dma_start3A_71 = arith.constant 0 : i32
    %dma_start3A_72 = tpu.memref_slice %arg7[%dma_start3A_70, %dma_start3A_71] : memref<80x128xi32, #tpu.memory_space<vmem>> -> memref<1x128xi32, #tpu.memory_space<vmem>>
    %dma_start3A_73 = tpu.memref_squeeze %dma_start3A_72 : memref<1x128xi32, #tpu.memory_space<vmem>> -> memref<128xi32, #tpu.memory_space<vmem>>
    %dma_start3A_74 = arith.constant 0 : i32
    %dma_start3A_75 = arith.constant 0 : i32
    %dma_start3A_76 = tpu.memref_slice %arg2[%dma_start3A_74, %dma_start3A_75] : memref<10240x64xf32, #tpu.memory_space<hbm>> -> memref<10240x64xf32, #tpu.memory_space<hbm>>
    tpu.enqueue_indirect_dma source(%dma_start3A_76 : memref<10240x64xf32, #tpu.memory_space<hbm>>) target(%arg17 : memref<128x64xf32, #tpu.memory_space<vmem>>) offsets(%dma_start3A_73 : memref<128xi32, #tpu.memory_space<vmem>>) semaphore(%arg25 : memref<!tpu.dma_semaphore, #tpu.memory_space<semaphore_mem>>)
    %scan3A = arith.constant 0 : i32
    %scan3A_77 = arith.constant 0 : i32
    %scan3A_78 = arith.constant 9 : i32
    %scan3A_79 = arith.addi %scan3A_77, %scan3A_78 : i32
    %scan3A_80 = arith.constant 1 : i32
    scf.for %scan3A_255 = %scan3A_77 to %scan3A_79 step %scan3A_80  : i32 {
      %mul3A_256 = arith.constant 8 : i32
      %mul3A_257 = arith.muli %scan3A_255, %mul3A_256 : i32
      %add3A_258 = arith.constant 0 : i32
      %add3A_259 = arith.addi %mul3A_257, %add3A_258 : i32
      %dma_wait3A_260 = arith.constant 0 : i32
      %dma_wait3A_261 = arith.constant 0 : i32
      %dma_wait3A_262 = tpu.memref_slice %arg7[%dma_wait3A_260, %dma_wait3A_261] : memref<80x128xi32, #tpu.memory_space<vmem>> -> memref<1x128xi32, #tpu.memory_space<vmem>>
      %dma_wait3A_263 = tpu.memref_squeeze %dma_wait3A_262 : memref<1x128xi32, #tpu.memory_space<vmem>> -> memref<128xi32, #tpu.memory_space<vmem>>
      %dma_wait3A_264 = arith.constant 0 : i32
      %dma_wait3A_265 = arith.constant 0 : i32
      %dma_wait3A_266 = tpu.memref_slice %arg2[%dma_wait3A_264, %dma_wait3A_265] : memref<10240x64xf32, #tpu.memory_space<hbm>> -> memref<10240x64xf32, #tpu.memory_space<hbm>>
      tpu.wait_indirect_dma semaphore(%arg18 : memref<!tpu.dma_semaphore, #tpu.memory_space<semaphore_mem>>) src(%dma_wait3A_266 : memref<10240x64xf32, #tpu.memory_space<hbm>>) dst(%arg10 : memref<128x64xf32, #tpu.memory_space<vmem>>)
      %dma_start3A_267 = arith.constant 0 : i32
      %dma_start3A_268 = tpu.memref_slice %arg8[%add3A_259, %dma_start3A_267] : memref<80x128xi32, #tpu.memory_space<vmem>> -> memref<1x128xi32, #tpu.memory_space<vmem>>
      %dma_start3A_269 = tpu.memref_squeeze %dma_start3A_268 : memref<1x128xi32, #tpu.memory_space<vmem>> -> memref<128xi32, #tpu.memory_space<vmem>>
      %dma_start3A_270 = arith.constant 0 : i32
      %dma_start3A_271 = arith.constant 0 : i32
      %dma_start3A_272 = tpu.memref_slice %arg9[%dma_start3A_270, %dma_start3A_271] : memref<10240x64xf32, #tpu.memory_space<vmem_shared>> -> memref<10240x64xf32, #tpu.memory_space<vmem_shared>>
      tpu.enqueue_indirect_dma source(%arg10 : memref<128x64xf32, #tpu.memory_space<vmem>>) target(%dma_start3A_272 : memref<10240x64xf32, #tpu.memory_space<vmem_shared>>) offsets(%dma_start3A_269 : memref<128xi32, #tpu.memory_space<vmem>>) semaphore(%arg26 : memref<!tpu.dma_semaphore, #tpu.memory_space<semaphore_mem>>) {add = true}
      %dma_wait3A_273 = arith.constant 0 : i32
      %dma_wait3A_274 = arith.constant 0 : i32
      %dma_wait3A_275 = tpu.memref_slice %arg8[%dma_wait3A_273, %dma_wait3A_274] : memref<80x128xi32, #tpu.memory_space<vmem>> -> memref<1x128xi32, #tpu.memory_space<vmem>>
      %dma_wait3A_276 = tpu.memref_squeeze %dma_wait3A_275 : memref<1x128xi32, #tpu.memory_space<vmem>> -> memref<128xi32, #tpu.memory_space<vmem>>
      %dma_wait3A_277 = arith.constant 0 : i32
      %dma_wait3A_278 = arith.constant 0 : i32
      %dma_wait3A_279 = tpu.memref_slice %arg9[%dma_wait3A_277, %dma_wait3A_278] : memref<10240x64xf32, #tpu.memory_space<vmem_shared>> -> memref<10240x64xf32, #tpu.memory_space<vmem_shared>>
      tpu.wait_indirect_dma semaphore(%arg26 : memref<!tpu.dma_semaphore, #tpu.memory_space<semaphore_mem>>) src(%arg10 : memref<128x64xf32, #tpu.memory_space<vmem>>) dst(%dma_wait3A_279 : memref<10240x64xf32, #tpu.memory_space<vmem_shared>>)
      %add3A_280 = arith.constant 8 : i32
      %add3A_281 = arith.addi %add3A_259, %add3A_280 : i32
      %dma_start3A_282 = arith.constant 0 : i32
      %dma_start3A_283 = tpu.memref_slice %arg7[%add3A_281, %dma_start3A_282] : memref<80x128xi32, #tpu.memory_space<vmem>> -> memref<1x128xi32, #tpu.memory_space<vmem>>
      %dma_start3A_284 = tpu.memref_squeeze %dma_start3A_283 : memref<1x128xi32, #tpu.memory_space<vmem>> -> memref<128xi32, #tpu.memory_space<vmem>>
      %dma_start3A_285 = arith.constant 0 : i32
      %dma_start3A_286 = arith.constant 0 : i32
      %dma_start3A_287 = tpu.memref_slice %arg2[%dma_start3A_285, %dma_start3A_286] : memref<10240x64xf32, #tpu.memory_space<hbm>> -> memref<10240x64xf32, #tpu.memory_space<hbm>>
      tpu.enqueue_indirect_dma source(%dma_start3A_287 : memref<10240x64xf32, #tpu.memory_space<hbm>>) target(%arg10 : memref<128x64xf32, #tpu.memory_space<vmem>>) offsets(%dma_start3A_284 : memref<128xi32, #tpu.memory_space<vmem>>) semaphore(%arg18 : memref<!tpu.dma_semaphore, #tpu.memory_space<semaphore_mem>>)
      %mul3A_288 = arith.constant 8 : i32
      %mul3A_289 = arith.muli %scan3A_255, %mul3A_288 : i32
      %add3A_290 = arith.constant 1 : i32
      %add3A_291 = arith.addi %mul3A_289, %add3A_290 : i32
      %dma_wait3A_292 = arith.constant 0 : i32
      %dma_wait3A_293 = arith.constant 0 : i32
      %dma_wait3A_294 = tpu.memref_slice %arg7[%dma_wait3A_292, %dma_wait3A_293] : memref<80x128xi32, #tpu.memory_space<vmem>> -> memref<1x128xi32, #tpu.memory_space<vmem>>
      %dma_wait3A_295 = tpu.memref_squeeze %dma_wait3A_294 : memref<1x128xi32, #tpu.memory_space<vmem>> -> memref<128xi32, #tpu.memory_space<vmem>>
      %dma_wait3A_296 = arith.constant 0 : i32
      %dma_wait3A_297 = arith.constant 0 : i32
      %dma_wait3A_298 = tpu.memref_slice %arg2[%dma_wait3A_296, %dma_wait3A_297] : memref<10240x64xf32, #tpu.memory_space<hbm>> -> memref<10240x64xf32, #tpu.memory_space<hbm>>
      tpu.wait_indirect_dma semaphore(%arg19 : memref<!tpu.dma_semaphore, #tpu.memory_space<semaphore_mem>>) src(%dma_wait3A_298 : memref<10240x64xf32, #tpu.memory_space<hbm>>) dst(%arg11 : memref<128x64xf32, #tpu.memory_space<vmem>>)
      %dma_start3A_299 = arith.constant 0 : i32
      %dma_start3A_300 = tpu.memref_slice %arg8[%add3A_291, %dma_start3A_299] : memref<80x128xi32, #tpu.memory_space<vmem>> -> memref<1x128xi32, #tpu.memory_space<vmem>>
      %dma_start3A_301 = tpu.memref_squeeze %dma_start3A_300 : memref<1x128xi32, #tpu.memory_space<vmem>> -> memref<128xi32, #tpu.memory_space<vmem>>
      %dma_start3A_302 = arith.constant 0 : i32
      %dma_start3A_303 = arith.constant 0 : i32
      %dma_start3A_304 = tpu.memref_slice %arg9[%dma_start3A_302, %dma_start3A_303] : memref<10240x64xf32, #tpu.memory_space<vmem_shared>> -> memref<10240x64xf32, #tpu.memory_space<vmem_shared>>
      tpu.enqueue_indirect_dma source(%arg11 : memref<128x64xf32, #tpu.memory_space<vmem>>) target(%dma_start3A_304 : memref<10240x64xf32, #tpu.memory_space<vmem_shared>>) offsets(%dma_start3A_301 : memref<128xi32, #tpu.memory_space<vmem>>) semaphore(%arg27 : memref<!tpu.dma_semaphore, #tpu.memory_space<semaphore_mem>>) {add = true}
      %dma_wait3A_305 = arith.constant 0 : i32
      %dma_wait3A_306 = arith.constant 0 : i32
      %dma_wait3A_307 = tpu.memref_slice %arg8[%dma_wait3A_305, %dma_wait3A_306] : memref<80x128xi32, #tpu.memory_space<vmem>> -> memref<1x128xi32, #tpu.memory_space<vmem>>
      %dma_wait3A_308 = tpu.memref_squeeze %dma_wait3A_307 : memref<1x128xi32, #tpu.memory_space<vmem>> -> memref<128xi32, #tpu.memory_space<vmem>>
      %dma_wait3A_309 = arith.constant 0 : i32
      %dma_wait3A_310 = arith.constant 0 : i32
      %dma_wait3A_311 = tpu.memref_slice %arg9[%dma_wait3A_309, %dma_wait3A_310] : memref<10240x64xf32, #tpu.memory_space<vmem_shared>> -> memref<10240x64xf32, #tpu.memory_space<vmem_shared>>
      tpu.wait_indirect_dma semaphore(%arg27 : memref<!tpu.dma_semaphore, #tpu.memory_space<semaphore_mem>>) src(%arg11 : memref<128x64xf32, #tpu.memory_space<vmem>>) dst(%dma_wait3A_311 : memref<10240x64xf32, #tpu.memory_space<vmem_shared>>)
      %add3A_312 = arith.constant 8 : i32
      %add3A_313 = arith.addi %add3A_291, %add3A_312 : i32
      %dma_start3A_314 = arith.constant 0 : i32
      %dma_start3A_315 = tpu.memref_slice %arg7[%add3A_313, %dma_start3A_314] : memref<80x128xi32, #tpu.memory_space<vmem>> -> memref<1x128xi32, #tpu.memory_space<vmem>>
      %dma_start3A_316 = tpu.memref_squeeze %dma_start3A_315 : memref<1x128xi32, #tpu.memory_space<vmem>> -> memref<128xi32, #tpu.memory_space<vmem>>
      %dma_start3A_317 = arith.constant 0 : i32
      %dma_start3A_318 = arith.constant 0 : i32
      %dma_start3A_319 = tpu.memref_slice %arg2[%dma_start3A_317, %dma_start3A_318] : memref<10240x64xf32, #tpu.memory_space<hbm>> -> memref<10240x64xf32, #tpu.memory_space<hbm>>
      tpu.enqueue_indirect_dma source(%dma_start3A_319 : memref<10240x64xf32, #tpu.memory_space<hbm>>) target(%arg11 : memref<128x64xf32, #tpu.memory_space<vmem>>) offsets(%dma_start3A_316 : memref<128xi32, #tpu.memory_space<vmem>>) semaphore(%arg19 : memref<!tpu.dma_semaphore, #tpu.memory_space<semaphore_mem>>)
      %mul3A_320 = arith.constant 8 : i32
      %mul3A_321 = arith.muli %scan3A_255, %mul3A_320 : i32
      %add3A_322 = arith.constant 2 : i32
      %add3A_323 = arith.addi %mul3A_321, %add3A_322 : i32
      %dma_wait3A_324 = arith.constant 0 : i32
      %dma_wait3A_325 = arith.constant 0 : i32
      %dma_wait3A_326 = tpu.memref_slice %arg7[%dma_wait3A_324, %dma_wait3A_325] : memref<80x128xi32, #tpu.memory_space<vmem>> -> memref<1x128xi32, #tpu.memory_space<vmem>>
      %dma_wait3A_327 = tpu.memref_squeeze %dma_wait3A_326 : memref<1x128xi32, #tpu.memory_space<vmem>> -> memref<128xi32, #tpu.memory_space<vmem>>
      %dma_wait3A_328 = arith.constant 0 : i32
      %dma_wait3A_329 = arith.constant 0 : i32
      %dma_wait3A_330 = tpu.memref_slice %arg2[%dma_wait3A_328, %dma_wait3A_329] : memref<10240x64xf32, #tpu.memory_space<hbm>> -> memref<10240x64xf32, #tpu.memory_space<hbm>>
      tpu.wait_indirect_dma semaphore(%arg20 : memref<!tpu.dma_semaphore, #tpu.memory_space<semaphore_mem>>) src(%dma_wait3A_330 : memref<10240x64xf32, #tpu.memory_space<hbm>>) dst(%arg12 : memref<128x64xf32, #tpu.memory_space<vmem>>)
      %dma_start3A_331 = arith.constant 0 : i32
      %dma_start3A_332 = tpu.memref_slice %arg8[%add3A_323, %dma_start3A_331] : memref<80x128xi32, #tpu.memory_space<vmem>> -> memref<1x128xi32, #tpu.memory_space<vmem>>
      %dma_start3A_333 = tpu.memref_squeeze %dma_start3A_332 : memref<1x128xi32, #tpu.memory_space<vmem>> -> memref<128xi32, #tpu.memory_space<vmem>>
      %dma_start3A_334 = arith.constant 0 : i32
      %dma_start3A_335 = arith.constant 0 : i32
      %dma_start3A_336 = tpu.memref_slice %arg9[%dma_start3A_334, %dma_start3A_335] : memref<10240x64xf32, #tpu.memory_space<vmem_shared>> -> memref<10240x64xf32, #tpu.memory_space<vmem_shared>>
      tpu.enqueue_indirect_dma source(%arg12 : memref<128x64xf32, #tpu.memory_space<vmem>>) target(%dma_start3A_336 : memref<10240x64xf32, #tpu.memory_space<vmem_shared>>) offsets(%dma_start3A_333 : memref<128xi32, #tpu.memory_space<vmem>>) semaphore(%arg28 : memref<!tpu.dma_semaphore, #tpu.memory_space<semaphore_mem>>) {add = true}
      %dma_wait3A_337 = arith.constant 0 : i32
      %dma_wait3A_338 = arith.constant 0 : i32
      %dma_wait3A_339 = tpu.memref_slice %arg8[%dma_wait3A_337, %dma_wait3A_338] : memref<80x128xi32, #tpu.memory_space<vmem>> -> memref<1x128xi32, #tpu.memory_space<vmem>>
      %dma_wait3A_340 = tpu.memref_squeeze %dma_wait3A_339 : memref<1x128xi32, #tpu.memory_space<vmem>> -> memref<128xi32, #tpu.memory_space<vmem>>
      %dma_wait3A_341 = arith.constant 0 : i32
      %dma_wait3A_342 = arith.constant 0 : i32
      %dma_wait3A_343 = tpu.memref_slice %arg9[%dma_wait3A_341, %dma_wait3A_342] : memref<10240x64xf32, #tpu.memory_space<vmem_shared>> -> memref<10240x64xf32, #tpu.memory_space<vmem_shared>>
      tpu.wait_indirect_dma semaphore(%arg28 : memref<!tpu.dma_semaphore, #tpu.memory_space<semaphore_mem>>) src(%arg12 : memref<128x64xf32, #tpu.memory_space<vmem>>) dst(%dma_wait3A_343 : memref<10240x64xf32, #tpu.memory_space<vmem_shared>>)
      %add3A_344 = arith.constant 8 : i32
      %add3A_345 = arith.addi %add3A_323, %add3A_344 : i32
      %dma_start3A_346 = arith.constant 0 : i32
      %dma_start3A_347 = tpu.memref_slice %arg7[%add3A_345, %dma_start3A_346] : memref<80x128xi32, #tpu.memory_space<vmem>> -> memref<1x128xi32, #tpu.memory_space<vmem>>
      %dma_start3A_348 = tpu.memref_squeeze %dma_start3A_347 : memref<1x128xi32, #tpu.memory_space<vmem>> -> memref<128xi32, #tpu.memory_space<vmem>>
      %dma_start3A_349 = arith.constant 0 : i32
      %dma_start3A_350 = arith.constant 0 : i32
      %dma_start3A_351 = tpu.memref_slice %arg2[%dma_start3A_349, %dma_start3A_350] : memref<10240x64xf32, #tpu.memory_space<hbm>> -> memref<10240x64xf32, #tpu.memory_space<hbm>>
      tpu.enqueue_indirect_dma source(%dma_start3A_351 : memref<10240x64xf32, #tpu.memory_space<hbm>>) target(%arg12 : memref<128x64xf32, #tpu.memory_space<vmem>>) offsets(%dma_start3A_348 : memref<128xi32, #tpu.memory_space<vmem>>) semaphore(%arg20 : memref<!tpu.dma_semaphore, #tpu.memory_space<semaphore_mem>>)
      %mul3A_352 = arith.constant 8 : i32
      %mul3A_353 = arith.muli %scan3A_255, %mul3A_352 : i32
      %add3A_354 = arith.constant 3 : i32
      %add3A_355 = arith.addi %mul3A_353, %add3A_354 : i32
      %dma_wait3A_356 = arith.constant 0 : i32
      %dma_wait3A_357 = arith.constant 0 : i32
      %dma_wait3A_358 = tpu.memref_slice %arg7[%dma_wait3A_356, %dma_wait3A_357] : memref<80x128xi32, #tpu.memory_space<vmem>> -> memref<1x128xi32, #tpu.memory_space<vmem>>
      %dma_wait3A_359 = tpu.memref_squeeze %dma_wait3A_358 : memref<1x128xi32, #tpu.memory_space<vmem>> -> memref<128xi32, #tpu.memory_space<vmem>>
      %dma_wait3A_360 = arith.constant 0 : i32
      %dma_wait3A_361 = arith.constant 0 : i32
      %dma_wait3A_362 = tpu.memref_slice %arg2[%dma_wait3A_360, %dma_wait3A_361] : memref<10240x64xf32, #tpu.memory_space<hbm>> -> memref<10240x64xf32, #tpu.memory_space<hbm>>
      tpu.wait_indirect_dma semaphore(%arg21 : memref<!tpu.dma_semaphore, #tpu.memory_space<semaphore_mem>>) src(%dma_wait3A_362 : memref<10240x64xf32, #tpu.memory_space<hbm>>) dst(%arg13 : memref<128x64xf32, #tpu.memory_space<vmem>>)
      %dma_start3A_363 = arith.constant 0 : i32
      %dma_start3A_364 = tpu.memref_slice %arg8[%add3A_355, %dma_start3A_363] : memref<80x128xi32, #tpu.memory_space<vmem>> -> memref<1x128xi32, #tpu.memory_space<vmem>>
      %dma_start3A_365 = tpu.memref_squeeze %dma_start3A_364 : memref<1x128xi32, #tpu.memory_space<vmem>> -> memref<128xi32, #tpu.memory_space<vmem>>
      %dma_start3A_366 = arith.constant 0 : i32
      %dma_start3A_367 = arith.constant 0 : i32
      %dma_start3A_368 = tpu.memref_slice %arg9[%dma_start3A_366, %dma_start3A_367] : memref<10240x64xf32, #tpu.memory_space<vmem_shared>> -> memref<10240x64xf32, #tpu.memory_space<vmem_shared>>
      tpu.enqueue_indirect_dma source(%arg13 : memref<128x64xf32, #tpu.memory_space<vmem>>) target(%dma_start3A_368 : memref<10240x64xf32, #tpu.memory_space<vmem_shared>>) offsets(%dma_start3A_365 : memref<128xi32, #tpu.memory_space<vmem>>) semaphore(%arg29 : memref<!tpu.dma_semaphore, #tpu.memory_space<semaphore_mem>>) {add = true}
      %dma_wait3A_369 = arith.constant 0 : i32
      %dma_wait3A_370 = arith.constant 0 : i32
      %dma_wait3A_371 = tpu.memref_slice %arg8[%dma_wait3A_369, %dma_wait3A_370] : memref<80x128xi32, #tpu.memory_space<vmem>> -> memref<1x128xi32, #tpu.memory_space<vmem>>
      %dma_wait3A_372 = tpu.memref_squeeze %dma_wait3A_371 : memref<1x128xi32, #tpu.memory_space<vmem>> -> memref<128xi32, #tpu.memory_space<vmem>>
      %dma_wait3A_373 = arith.constant 0 : i32
      %dma_wait3A_374 = arith.constant 0 : i32
      %dma_wait3A_375 = tpu.memref_slice %arg9[%dma_wait3A_373, %dma_wait3A_374] : memref<10240x64xf32, #tpu.memory_space<vmem_shared>> -> memref<10240x64xf32, #tpu.memory_space<vmem_shared>>
      tpu.wait_indirect_dma semaphore(%arg29 : memref<!tpu.dma_semaphore, #tpu.memory_space<semaphore_mem>>) src(%arg13 : memref<128x64xf32, #tpu.memory_space<vmem>>) dst(%dma_wait3A_375 : memref<10240x64xf32, #tpu.memory_space<vmem_shared>>)
      %add3A_376 = arith.constant 8 : i32
      %add3A_377 = arith.addi %add3A_355, %add3A_376 : i32
      %dma_start3A_378 = arith.constant 0 : i32
      %dma_start3A_379 = tpu.memref_slice %arg7[%add3A_377, %dma_start3A_378] : memref<80x128xi32, #tpu.memory_space<vmem>> -> memref<1x128xi32, #tpu.memory_space<vmem>>
      %dma_start3A_380 = tpu.memref_squeeze %dma_start3A_379 : memref<1x128xi32, #tpu.memory_space<vmem>> -> memref<128xi32, #tpu.memory_space<vmem>>
      %dma_start3A_381 = arith.constant 0 : i32
      %dma_start3A_382 = arith.constant 0 : i32
      %dma_start3A_383 = tpu.memref_slice %arg2[%dma_start3A_381, %dma_start3A_382] : memref<10240x64xf32, #tpu.memory_space<hbm>> -> memref<10240x64xf32, #tpu.memory_space<hbm>>
      tpu.enqueue_indirect_dma source(%dma_start3A_383 : memref<10240x64xf32, #tpu.memory_space<hbm>>) target(%arg13 : memref<128x64xf32, #tpu.memory_space<vmem>>) offsets(%dma_start3A_380 : memref<128xi32, #tpu.memory_space<vmem>>) semaphore(%arg21 : memref<!tpu.dma_semaphore, #tpu.memory_space<semaphore_mem>>)
      %mul3A_384 = arith.constant 8 : i32
      %mul3A_385 = arith.muli %scan3A_255, %mul3A_384 : i32
      %add3A_386 = arith.constant 4 : i32
      %add3A_387 = arith.addi %mul3A_385, %add3A_386 : i32
      %dma_wait3A_388 = arith.constant 0 : i32
      %dma_wait3A_389 = arith.constant 0 : i32
      %dma_wait3A_390 = tpu.memref_slice %arg7[%dma_wait3A_388, %dma_wait3A_389] : memref<80x128xi32, #tpu.memory_space<vmem>> -> memref<1x128xi32, #tpu.memory_space<vmem>>
      %dma_wait3A_391 = tpu.memref_squeeze %dma_wait3A_390 : memref<1x128xi32, #tpu.memory_space<vmem>> -> memref<128xi32, #tpu.memory_space<vmem>>
      %dma_wait3A_392 = arith.constant 0 : i32
      %dma_wait3A_393 = arith.constant 0 : i32
      %dma_wait3A_394 = tpu.memref_slice %arg2[%dma_wait3A_392, %dma_wait3A_393] : memref<10240x64xf32, #tpu.memory_space<hbm>> -> memref<10240x64xf32, #tpu.memory_space<hbm>>
      tpu.wait_indirect_dma semaphore(%arg22 : memref<!tpu.dma_semaphore, #tpu.memory_space<semaphore_mem>>) src(%dma_wait3A_394 : memref<10240x64xf32, #tpu.memory_space<hbm>>) dst(%arg14 : memref<128x64xf32, #tpu.memory_space<vmem>>)
      %dma_start3A_395 = arith.constant 0 : i32
      %dma_start3A_396 = tpu.memref_slice %arg8[%add3A_387, %dma_start3A_395] : memref<80x128xi32, #tpu.memory_space<vmem>> -> memref<1x128xi32, #tpu.memory_space<vmem>>
      %dma_start3A_397 = tpu.memref_squeeze %dma_start3A_396 : memref<1x128xi32, #tpu.memory_space<vmem>> -> memref<128xi32, #tpu.memory_space<vmem>>
      %dma_start3A_398 = arith.constant 0 : i32
      %dma_start3A_399 = arith.constant 0 : i32
      %dma_start3A_400 = tpu.memref_slice %arg9[%dma_start3A_398, %dma_start3A_399] : memref<10240x64xf32, #tpu.memory_space<vmem_shared>> -> memref<10240x64xf32, #tpu.memory_space<vmem_shared>>
      tpu.enqueue_indirect_dma source(%arg14 : memref<128x64xf32, #tpu.memory_space<vmem>>) target(%dma_start3A_400 : memref<10240x64xf32, #tpu.memory_space<vmem_shared>>) offsets(%dma_start3A_397 : memref<128xi32, #tpu.memory_space<vmem>>) semaphore(%arg30 : memref<!tpu.dma_semaphore, #tpu.memory_space<semaphore_mem>>) {add = true}
      %dma_wait3A_401 = arith.constant 0 : i32
      %dma_wait3A_402 = arith.constant 0 : i32
      %dma_wait3A_403 = tpu.memref_slice %arg8[%dma_wait3A_401, %dma_wait3A_402] : memref<80x128xi32, #tpu.memory_space<vmem>> -> memref<1x128xi32, #tpu.memory_space<vmem>>
      %dma_wait3A_404 = tpu.memref_squeeze %dma_wait3A_403 : memref<1x128xi32, #tpu.memory_space<vmem>> -> memref<128xi32, #tpu.memory_space<vmem>>
      %dma_wait3A_405 = arith.constant 0 : i32
      %dma_wait3A_406 = arith.constant 0 : i32
      %dma_wait3A_407 = tpu.memref_slice %arg9[%dma_wait3A_405, %dma_wait3A_406] : memref<10240x64xf32, #tpu.memory_space<vmem_shared>> -> memref<10240x64xf32, #tpu.memory_space<vmem_shared>>
      tpu.wait_indirect_dma semaphore(%arg30 : memref<!tpu.dma_semaphore, #tpu.memory_space<semaphore_mem>>) src(%arg14 : memref<128x64xf32, #tpu.memory_space<vmem>>) dst(%dma_wait3A_407 : memref<10240x64xf32, #tpu.memory_space<vmem_shared>>)
      %add3A_408 = arith.constant 8 : i32
      %add3A_409 = arith.addi %add3A_387, %add3A_408 : i32
      %dma_start3A_410 = arith.constant 0 : i32
      %dma_start3A_411 = tpu.memref_slice %arg7[%add3A_409, %dma_start3A_410] : memref<80x128xi32, #tpu.memory_space<vmem>> -> memref<1x128xi32, #tpu.memory_space<vmem>>
      %dma_start3A_412 = tpu.memref_squeeze %dma_start3A_411 : memref<1x128xi32, #tpu.memory_space<vmem>> -> memref<128xi32, #tpu.memory_space<vmem>>
      %dma_start3A_413 = arith.constant 0 : i32
      %dma_start3A_414 = arith.constant 0 : i32
      %dma_start3A_415 = tpu.memref_slice %arg2[%dma_start3A_413, %dma_start3A_414] : memref<10240x64xf32, #tpu.memory_space<hbm>> -> memref<10240x64xf32, #tpu.memory_space<hbm>>
      tpu.enqueue_indirect_dma source(%dma_start3A_415 : memref<10240x64xf32, #tpu.memory_space<hbm>>) target(%arg14 : memref<128x64xf32, #tpu.memory_space<vmem>>) offsets(%dma_start3A_412 : memref<128xi32, #tpu.memory_space<vmem>>) semaphore(%arg22 : memref<!tpu.dma_semaphore, #tpu.memory_space<semaphore_mem>>)
      %mul3A_416 = arith.constant 8 : i32
      %mul3A_417 = arith.muli %scan3A_255, %mul3A_416 : i32
      %add3A_418 = arith.constant 5 : i32
      %add3A_419 = arith.addi %mul3A_417, %add3A_418 : i32
      %dma_wait3A_420 = arith.constant 0 : i32
      %dma_wait3A_421 = arith.constant 0 : i32
      %dma_wait3A_422 = tpu.memref_slice %arg7[%dma_wait3A_420, %dma_wait3A_421] : memref<80x128xi32, #tpu.memory_space<vmem>> -> memref<1x128xi32, #tpu.memory_space<vmem>>
      %dma_wait3A_423 = tpu.memref_squeeze %dma_wait3A_422 : memref<1x128xi32, #tpu.memory_space<vmem>> -> memref<128xi32, #tpu.memory_space<vmem>>
      %dma_wait3A_424 = arith.constant 0 : i32
      %dma_wait3A_425 = arith.constant 0 : i32
      %dma_wait3A_426 = tpu.memref_slice %arg2[%dma_wait3A_424, %dma_wait3A_425] : memref<10240x64xf32, #tpu.memory_space<hbm>> -> memref<10240x64xf32, #tpu.memory_space<hbm>>
      tpu.wait_indirect_dma semaphore(%arg23 : memref<!tpu.dma_semaphore, #tpu.memory_space<semaphore_mem>>) src(%dma_wait3A_426 : memref<10240x64xf32, #tpu.memory_space<hbm>>) dst(%arg15 : memref<128x64xf32, #tpu.memory_space<vmem>>)
      %dma_start3A_427 = arith.constant 0 : i32
      %dma_start3A_428 = tpu.memref_slice %arg8[%add3A_419, %dma_start3A_427] : memref<80x128xi32, #tpu.memory_space<vmem>> -> memref<1x128xi32, #tpu.memory_space<vmem>>
      %dma_start3A_429 = tpu.memref_squeeze %dma_start3A_428 : memref<1x128xi32, #tpu.memory_space<vmem>> -> memref<128xi32, #tpu.memory_space<vmem>>
      %dma_start3A_430 = arith.constant 0 : i32
      %dma_start3A_431 = arith.constant 0 : i32
      %dma_start3A_432 = tpu.memref_slice %arg9[%dma_start3A_430, %dma_start3A_431] : memref<10240x64xf32, #tpu.memory_space<vmem_shared>> -> memref<10240x64xf32, #tpu.memory_space<vmem_shared>>
      tpu.enqueue_indirect_dma source(%arg15 : memref<128x64xf32, #tpu.memory_space<vmem>>) target(%dma_start3A_432 : memref<10240x64xf32, #tpu.memory_space<vmem_shared>>) offsets(%dma_start3A_429 : memref<128xi32, #tpu.memory_space<vmem>>) semaphore(%arg31 : memref<!tpu.dma_semaphore, #tpu.memory_space<semaphore_mem>>) {add = true}
      %dma_wait3A_433 = arith.constant 0 : i32
      %dma_wait3A_434 = arith.constant 0 : i32
      %dma_wait3A_435 = tpu.memref_slice %arg8[%dma_wait3A_433, %dma_wait3A_434] : memref<80x128xi32, #tpu.memory_space<vmem>> -> memref<1x128xi32, #tpu.memory_space<vmem>>
      %dma_wait3A_436 = tpu.memref_squeeze %dma_wait3A_435 : memref<1x128xi32, #tpu.memory_space<vmem>> -> memref<128xi32, #tpu.memory_space<vmem>>
      %dma_wait3A_437 = arith.constant 0 : i32
      %dma_wait3A_438 = arith.constant 0 : i32
      %dma_wait3A_439 = tpu.memref_slice %arg9[%dma_wait3A_437, %dma_wait3A_438] : memref<10240x64xf32, #tpu.memory_space<vmem_shared>> -> memref<10240x64xf32, #tpu.memory_space<vmem_shared>>
      tpu.wait_indirect_dma semaphore(%arg31 : memref<!tpu.dma_semaphore, #tpu.memory_space<semaphore_mem>>) src(%arg15 : memref<128x64xf32, #tpu.memory_space<vmem>>) dst(%dma_wait3A_439 : memref<10240x64xf32, #tpu.memory_space<vmem_shared>>)
      %add3A_440 = arith.constant 8 : i32
      %add3A_441 = arith.addi %add3A_419, %add3A_440 : i32
      %dma_start3A_442 = arith.constant 0 : i32
      %dma_start3A_443 = tpu.memref_slice %arg7[%add3A_441, %dma_start3A_442] : memref<80x128xi32, #tpu.memory_space<vmem>> -> memref<1x128xi32, #tpu.memory_space<vmem>>
      %dma_start3A_444 = tpu.memref_squeeze %dma_start3A_443 : memref<1x128xi32, #tpu.memory_space<vmem>> -> memref<128xi32, #tpu.memory_space<vmem>>
      %dma_start3A_445 = arith.constant 0 : i32
      %dma_start3A_446 = arith.constant 0 : i32
      %dma_start3A_447 = tpu.memref_slice %arg2[%dma_start3A_445, %dma_start3A_446] : memref<10240x64xf32, #tpu.memory_space<hbm>> -> memref<10240x64xf32, #tpu.memory_space<hbm>>
      tpu.enqueue_indirect_dma source(%dma_start3A_447 : memref<10240x64xf32, #tpu.memory_space<hbm>>) target(%arg15 : memref<128x64xf32, #tpu.memory_space<vmem>>) offsets(%dma_start3A_444 : memref<128xi32, #tpu.memory_space<vmem>>) semaphore(%arg23 : memref<!tpu.dma_semaphore, #tpu.memory_space<semaphore_mem>>)
      %mul3A_448 = arith.constant 8 : i32
      %mul3A_449 = arith.muli %scan3A_255, %mul3A_448 : i32
      %add3A_450 = arith.constant 6 : i32
      %add3A_451 = arith.addi %mul3A_449, %add3A_450 : i32
      %dma_wait3A_452 = arith.constant 0 : i32
      %dma_wait3A_453 = arith.constant 0 : i32
      %dma_wait3A_454 = tpu.memref_slice %arg7[%dma_wait3A_452, %dma_wait3A_453] : memref<80x128xi32, #tpu.memory_space<vmem>> -> memref<1x128xi32, #tpu.memory_space<vmem>>
      %dma_wait3A_455 = tpu.memref_squeeze %dma_wait3A_454 : memref<1x128xi32, #tpu.memory_space<vmem>> -> memref<128xi32, #tpu.memory_space<vmem>>
      %dma_wait3A_456 = arith.constant 0 : i32
      %dma_wait3A_457 = arith.constant 0 : i32
      %dma_wait3A_458 = tpu.memref_slice %arg2[%dma_wait3A_456, %dma_wait3A_457] : memref<10240x64xf32, #tpu.memory_space<hbm>> -> memref<10240x64xf32, #tpu.memory_space<hbm>>
      tpu.wait_indirect_dma semaphore(%arg24 : memref<!tpu.dma_semaphore, #tpu.memory_space<semaphore_mem>>) src(%dma_wait3A_458 : memref<10240x64xf32, #tpu.memory_space<hbm>>) dst(%arg16 : memref<128x64xf32, #tpu.memory_space<vmem>>)
      %dma_start3A_459 = arith.constant 0 : i32
      %dma_start3A_460 = tpu.memref_slice %arg8[%add3A_451, %dma_start3A_459] : memref<80x128xi32, #tpu.memory_space<vmem>> -> memref<1x128xi32, #tpu.memory_space<vmem>>
      %dma_start3A_461 = tpu.memref_squeeze %dma_start3A_460 : memref<1x128xi32, #tpu.memory_space<vmem>> -> memref<128xi32, #tpu.memory_space<vmem>>
      %dma_start3A_462 = arith.constant 0 : i32
      %dma_start3A_463 = arith.constant 0 : i32
      %dma_start3A_464 = tpu.memref_slice %arg9[%dma_start3A_462, %dma_start3A_463] : memref<10240x64xf32, #tpu.memory_space<vmem_shared>> -> memref<10240x64xf32, #tpu.memory_space<vmem_shared>>
      tpu.enqueue_indirect_dma source(%arg16 : memref<128x64xf32, #tpu.memory_space<vmem>>) target(%dma_start3A_464 : memref<10240x64xf32, #tpu.memory_space<vmem_shared>>) offsets(%dma_start3A_461 : memref<128xi32, #tpu.memory_space<vmem>>) semaphore(%arg32 : memref<!tpu.dma_semaphore, #tpu.memory_space<semaphore_mem>>) {add = true}
      %dma_wait3A_465 = arith.constant 0 : i32
      %dma_wait3A_466 = arith.constant 0 : i32
      %dma_wait3A_467 = tpu.memref_slice %arg8[%dma_wait3A_465, %dma_wait3A_466] : memref<80x128xi32, #tpu.memory_space<vmem>> -> memref<1x128xi32, #tpu.memory_space<vmem>>
      %dma_wait3A_468 = tpu.memref_squeeze %dma_wait3A_467 : memref<1x128xi32, #tpu.memory_space<vmem>> -> memref<128xi32, #tpu.memory_space<vmem>>
      %dma_wait3A_469 = arith.constant 0 : i32
      %dma_wait3A_470 = arith.constant 0 : i32
      %dma_wait3A_471 = tpu.memref_slice %arg9[%dma_wait3A_469, %dma_wait3A_470] : memref<10240x64xf32, #tpu.memory_space<vmem_shared>> -> memref<10240x64xf32, #tpu.memory_space<vmem_shared>>
      tpu.wait_indirect_dma semaphore(%arg32 : memref<!tpu.dma_semaphore, #tpu.memory_space<semaphore_mem>>) src(%arg16 : memref<128x64xf32, #tpu.memory_space<vmem>>) dst(%dma_wait3A_471 : memref<10240x64xf32, #tpu.memory_space<vmem_shared>>)
      %add3A_472 = arith.constant 8 : i32
      %add3A_473 = arith.addi %add3A_451, %add3A_472 : i32
      %dma_start3A_474 = arith.constant 0 : i32
      %dma_start3A_475 = tpu.memref_slice %arg7[%add3A_473, %dma_start3A_474] : memref<80x128xi32, #tpu.memory_space<vmem>> -> memref<1x128xi32, #tpu.memory_space<vmem>>
      %dma_start3A_476 = tpu.memref_squeeze %dma_start3A_475 : memref<1x128xi32, #tpu.memory_space<vmem>> -> memref<128xi32, #tpu.memory_space<vmem>>
      %dma_start3A_477 = arith.constant 0 : i32
      %dma_start3A_478 = arith.constant 0 : i32
      %dma_start3A_479 = tpu.memref_slice %arg2[%dma_start3A_477, %dma_start3A_478] : memref<10240x64xf32, #tpu.memory_space<hbm>> -> memref<10240x64xf32, #tpu.memory_space<hbm>>
      tpu.enqueue_indirect_dma source(%dma_start3A_479 : memref<10240x64xf32, #tpu.memory_space<hbm>>) target(%arg16 : memref<128x64xf32, #tpu.memory_space<vmem>>) offsets(%dma_start3A_476 : memref<128xi32, #tpu.memory_space<vmem>>) semaphore(%arg24 : memref<!tpu.dma_semaphore, #tpu.memory_space<semaphore_mem>>)
      %mul3A_480 = arith.constant 8 : i32
      %mul3A_481 = arith.muli %scan3A_255, %mul3A_480 : i32
      %add3A_482 = arith.constant 7 : i32
      %add3A_483 = arith.addi %mul3A_481, %add3A_482 : i32
      %dma_wait3A_484 = arith.constant 0 : i32
      %dma_wait3A_485 = arith.constant 0 : i32
      %dma_wait3A_486 = tpu.memref_slice %arg7[%dma_wait3A_484, %dma_wait3A_485] : memref<80x128xi32, #tpu.memory_space<vmem>> -> memref<1x128xi32, #tpu.memory_space<vmem>>
      %dma_wait3A_487 = tpu.memref_squeeze %dma_wait3A_486 : memref<1x128xi32, #tpu.memory_space<vmem>> -> memref<128xi32, #tpu.memory_space<vmem>>
      %dma_wait3A_488 = arith.constant 0 : i32
      %dma_wait3A_489 = arith.constant 0 : i32
      %dma_wait3A_490 = tpu.memref_slice %arg2[%dma_wait3A_488, %dma_wait3A_489] : memref<10240x64xf32, #tpu.memory_space<hbm>> -> memref<10240x64xf32, #tpu.memory_space<hbm>>
      tpu.wait_indirect_dma semaphore(%arg25 : memref<!tpu.dma_semaphore, #tpu.memory_space<semaphore_mem>>) src(%dma_wait3A_490 : memref<10240x64xf32, #tpu.memory_space<hbm>>) dst(%arg17 : memref<128x64xf32, #tpu.memory_space<vmem>>)
      %dma_start3A_491 = arith.constant 0 : i32
      %dma_start3A_492 = tpu.memref_slice %arg8[%add3A_483, %dma_start3A_491] : memref<80x128xi32, #tpu.memory_space<vmem>> -> memref<1x128xi32, #tpu.memory_space<vmem>>
      %dma_start3A_493 = tpu.memref_squeeze %dma_start3A_492 : memref<1x128xi32, #tpu.memory_space<vmem>> -> memref<128xi32, #tpu.memory_space<vmem>>
      %dma_start3A_494 = arith.constant 0 : i32
      %dma_start3A_495 = arith.constant 0 : i32
      %dma_start3A_496 = tpu.memref_slice %arg9[%dma_start3A_494, %dma_start3A_495] : memref<10240x64xf32, #tpu.memory_space<vmem_shared>> -> memref<10240x64xf32, #tpu.memory_space<vmem_shared>>
      tpu.enqueue_indirect_dma source(%arg17 : memref<128x64xf32, #tpu.memory_space<vmem>>) target(%dma_start3A_496 : memref<10240x64xf32, #tpu.memory_space<vmem_shared>>) offsets(%dma_start3A_493 : memref<128xi32, #tpu.memory_space<vmem>>) semaphore(%arg33 : memref<!tpu.dma_semaphore, #tpu.memory_space<semaphore_mem>>) {add = true}
      %dma_wait3A_497 = arith.constant 0 : i32
      %dma_wait3A_498 = arith.constant 0 : i32
      %dma_wait3A_499 = tpu.memref_slice %arg8[%dma_wait3A_497, %dma_wait3A_498] : memref<80x128xi32, #tpu.memory_space<vmem>> -> memref<1x128xi32, #tpu.memory_space<vmem>>
      %dma_wait3A_500 = tpu.memref_squeeze %dma_wait3A_499 : memref<1x128xi32, #tpu.memory_space<vmem>> -> memref<128xi32, #tpu.memory_space<vmem>>
      %dma_wait3A_501 = arith.constant 0 : i32
      %dma_wait3A_502 = arith.constant 0 : i32
      %dma_wait3A_503 = tpu.memref_slice %arg9[%dma_wait3A_501, %dma_wait3A_502] : memref<10240x64xf32, #tpu.memory_space<vmem_shared>> -> memref<10240x64xf32, #tpu.memory_space<vmem_shared>>
      tpu.wait_indirect_dma semaphore(%arg33 : memref<!tpu.dma_semaphore, #tpu.memory_space<semaphore_mem>>) src(%arg17 : memref<128x64xf32, #tpu.memory_space<vmem>>) dst(%dma_wait3A_503 : memref<10240x64xf32, #tpu.memory_space<vmem_shared>>)
      %add3A_504 = arith.constant 8 : i32
      %add3A_505 = arith.addi %add3A_483, %add3A_504 : i32
      %dma_start3A_506 = arith.constant 0 : i32
      %dma_start3A_507 = tpu.memref_slice %arg7[%add3A_505, %dma_start3A_506] : memref<80x128xi32, #tpu.memory_space<vmem>> -> memref<1x128xi32, #tpu.memory_space<vmem>>
      %dma_start3A_508 = tpu.memref_squeeze %dma_start3A_507 : memref<1x128xi32, #tpu.memory_space<vmem>> -> memref<128xi32, #tpu.memory_space<vmem>>
      %dma_start3A_509 = arith.constant 0 : i32
      %dma_start3A_510 = arith.constant 0 : i32
      %dma_start3A_511 = tpu.memref_slice %arg2[%dma_start3A_509, %dma_start3A_510] : memref<10240x64xf32, #tpu.memory_space<hbm>> -> memref<10240x64xf32, #tpu.memory_space<hbm>>
      tpu.enqueue_indirect_dma source(%dma_start3A_511 : memref<10240x64xf32, #tpu.memory_space<hbm>>) target(%arg17 : memref<128x64xf32, #tpu.memory_space<vmem>>) offsets(%dma_start3A_508 : memref<128xi32, #tpu.memory_space<vmem>>) semaphore(%arg25 : memref<!tpu.dma_semaphore, #tpu.memory_space<semaphore_mem>>)
    }
    %scan3A_81 = arith.constant 9 : i32
    %dma_wait3A_82 = arith.constant 0 : i32
    %dma_wait3A_83 = arith.constant 0 : i32
    %dma_wait3A_84 = tpu.memref_slice %arg7[%dma_wait3A_82, %dma_wait3A_83] : memref<80x128xi32, #tpu.memory_space<vmem>> -> memref<1x128xi32, #tpu.memory_space<vmem>>
    %dma_wait3A_85 = tpu.memref_squeeze %dma_wait3A_84 : memref<1x128xi32, #tpu.memory_space<vmem>> -> memref<128xi32, #tpu.memory_space<vmem>>
    %dma_wait3A_86 = arith.constant 0 : i32
    %dma_wait3A_87 = arith.constant 0 : i32
    %dma_wait3A_88 = tpu.memref_slice %arg2[%dma_wait3A_86, %dma_wait3A_87] : memref<10240x64xf32, #tpu.memory_space<hbm>> -> memref<10240x64xf32, #tpu.memory_space<hbm>>
    tpu.wait_indirect_dma semaphore(%arg18 : memref<!tpu.dma_semaphore, #tpu.memory_space<semaphore_mem>>) src(%dma_wait3A_88 : memref<10240x64xf32, #tpu.memory_space<hbm>>) dst(%arg10 : memref<128x64xf32, #tpu.memory_space<vmem>>)
    %dma_start3A_89 = arith.constant 72 : i32
    %dma_start3A_90 = arith.constant 0 : i32
    %dma_start3A_91 = tpu.memref_slice %arg8[%dma_start3A_89, %dma_start3A_90] : memref<80x128xi32, #tpu.memory_space<vmem>> -> memref<1x128xi32, #tpu.memory_space<vmem>>
    %dma_start3A_92 = tpu.memref_squeeze %dma_start3A_91 : memref<1x128xi32, #tpu.memory_space<vmem>> -> memref<128xi32, #tpu.memory_space<vmem>>
    %dma_start3A_93 = arith.constant 0 : i32
    %dma_start3A_94 = arith.constant 0 : i32
    %dma_start3A_95 = tpu.memref_slice %arg9[%dma_start3A_93, %dma_start3A_94] : memref<10240x64xf32, #tpu.memory_space<vmem_shared>> -> memref<10240x64xf32, #tpu.memory_space<vmem_shared>>
    tpu.enqueue_indirect_dma source(%arg10 : memref<128x64xf32, #tpu.memory_space<vmem>>) target(%dma_start3A_95 : memref<10240x64xf32, #tpu.memory_space<vmem_shared>>) offsets(%dma_start3A_92 : memref<128xi32, #tpu.memory_space<vmem>>) semaphore(%arg26 : memref<!tpu.dma_semaphore, #tpu.memory_space<semaphore_mem>>) {add = true}
    %dma_wait3A_96 = arith.constant 0 : i32
    %dma_wait3A_97 = arith.constant 0 : i32
    %dma_wait3A_98 = tpu.memref_slice %arg7[%dma_wait3A_96, %dma_wait3A_97] : memref<80x128xi32, #tpu.memory_space<vmem>> -> memref<1x128xi32, #tpu.memory_space<vmem>>
    %dma_wait3A_99 = tpu.memref_squeeze %dma_wait3A_98 : memref<1x128xi32, #tpu.memory_space<vmem>> -> memref<128xi32, #tpu.memory_space<vmem>>
    %dma_wait3A_100 = arith.constant 0 : i32
    %dma_wait3A_101 = arith.constant 0 : i32
    %dma_wait3A_102 = tpu.memref_slice %arg2[%dma_wait3A_100, %dma_wait3A_101] : memref<10240x64xf32, #tpu.memory_space<hbm>> -> memref<10240x64xf32, #tpu.memory_space<hbm>>
    tpu.wait_indirect_dma semaphore(%arg19 : memref<!tpu.dma_semaphore, #tpu.memory_space<semaphore_mem>>) src(%dma_wait3A_102 : memref<10240x64xf32, #tpu.memory_space<hbm>>) dst(%arg11 : memref<128x64xf32, #tpu.memory_space<vmem>>)
    %dma_start3A_103 = arith.constant 73 : i32
    %dma_start3A_104 = arith.constant 0 : i32
    %dma_start3A_105 = tpu.memref_slice %arg8[%dma_start3A_103, %dma_start3A_104] : memref<80x128xi32, #tpu.memory_space<vmem>> -> memref<1x128xi32, #tpu.memory_space<vmem>>
    %dma_start3A_106 = tpu.memref_squeeze %dma_start3A_105 : memref<1x128xi32, #tpu.memory_space<vmem>> -> memref<128xi32, #tpu.memory_space<vmem>>
    %dma_start3A_107 = arith.constant 0 : i32
    %dma_start3A_108 = arith.constant 0 : i32
    %dma_start3A_109 = tpu.memref_slice %arg9[%dma_start3A_107, %dma_start3A_108] : memref<10240x64xf32, #tpu.memory_space<vmem_shared>> -> memref<10240x64xf32, #tpu.memory_space<vmem_shared>>
    tpu.enqueue_indirect_dma source(%arg11 : memref<128x64xf32, #tpu.memory_space<vmem>>) target(%dma_start3A_109 : memref<10240x64xf32, #tpu.memory_space<vmem_shared>>) offsets(%dma_start3A_106 : memref<128xi32, #tpu.memory_space<vmem>>) semaphore(%arg27 : memref<!tpu.dma_semaphore, #tpu.memory_space<semaphore_mem>>) {add = true}
    %dma_wait3A_110 = arith.constant 0 : i32
    %dma_wait3A_111 = arith.constant 0 : i32
    %dma_wait3A_112 = tpu.memref_slice %arg7[%dma_wait3A_110, %dma_wait3A_111] : memref<80x128xi32, #tpu.memory_space<vmem>> -> memref<1x128xi32, #tpu.memory_space<vmem>>
    %dma_wait3A_113 = tpu.memref_squeeze %dma_wait3A_112 : memref<1x128xi32, #tpu.memory_space<vmem>> -> memref<128xi32, #tpu.memory_space<vmem>>
    %dma_wait3A_114 = arith.constant 0 : i32
    %dma_wait3A_115 = arith.constant 0 : i32
    %dma_wait3A_116 = tpu.memref_slice %arg2[%dma_wait3A_114, %dma_wait3A_115] : memref<10240x64xf32, #tpu.memory_space<hbm>> -> memref<10240x64xf32, #tpu.memory_space<hbm>>
    tpu.wait_indirect_dma semaphore(%arg20 : memref<!tpu.dma_semaphore, #tpu.memory_space<semaphore_mem>>) src(%dma_wait3A_116 : memref<10240x64xf32, #tpu.memory_space<hbm>>) dst(%arg12 : memref<128x64xf32, #tpu.memory_space<vmem>>)
    %dma_start3A_117 = arith.constant 74 : i32
    %dma_start3A_118 = arith.constant 0 : i32
    %dma_start3A_119 = tpu.memref_slice %arg8[%dma_start3A_117, %dma_start3A_118] : memref<80x128xi32, #tpu.memory_space<vmem>> -> memref<1x128xi32, #tpu.memory_space<vmem>>
    %dma_start3A_120 = tpu.memref_squeeze %dma_start3A_119 : memref<1x128xi32, #tpu.memory_space<vmem>> -> memref<128xi32, #tpu.memory_space<vmem>>
    %dma_start3A_121 = arith.constant 0 : i32
    %dma_start3A_122 = arith.constant 0 : i32
    %dma_start3A_123 = tpu.memref_slice %arg9[%dma_start3A_121, %dma_start3A_122] : memref<10240x64xf32, #tpu.memory_space<vmem_shared>> -> memref<10240x64xf32, #tpu.memory_space<vmem_shared>>
    tpu.enqueue_indirect_dma source(%arg12 : memref<128x64xf32, #tpu.memory_space<vmem>>) target(%dma_start3A_123 : memref<10240x64xf32, #tpu.memory_space<vmem_shared>>) offsets(%dma_start3A_120 : memref<128xi32, #tpu.memory_space<vmem>>) semaphore(%arg28 : memref<!tpu.dma_semaphore, #tpu.memory_space<semaphore_mem>>) {add = true}
    %dma_wait3A_124 = arith.constant 0 : i32
    %dma_wait3A_125 = arith.constant 0 : i32
    %dma_wait3A_126 = tpu.memref_slice %arg7[%dma_wait3A_124, %dma_wait3A_125] : memref<80x128xi32, #tpu.memory_space<vmem>> -> memref<1x128xi32, #tpu.memory_space<vmem>>
    %dma_wait3A_127 = tpu.memref_squeeze %dma_wait3A_126 : memref<1x128xi32, #tpu.memory_space<vmem>> -> memref<128xi32, #tpu.memory_space<vmem>>
    %dma_wait3A_128 = arith.constant 0 : i32
    %dma_wait3A_129 = arith.constant 0 : i32
    %dma_wait3A_130 = tpu.memref_slice %arg2[%dma_wait3A_128, %dma_wait3A_129] : memref<10240x64xf32, #tpu.memory_space<hbm>> -> memref<10240x64xf32, #tpu.memory_space<hbm>>
    tpu.wait_indirect_dma semaphore(%arg21 : memref<!tpu.dma_semaphore, #tpu.memory_space<semaphore_mem>>) src(%dma_wait3A_130 : memref<10240x64xf32, #tpu.memory_space<hbm>>) dst(%arg13 : memref<128x64xf32, #tpu.memory_space<vmem>>)
    %dma_start3A_131 = arith.constant 75 : i32
    %dma_start3A_132 = arith.constant 0 : i32
    %dma_start3A_133 = tpu.memref_slice %arg8[%dma_start3A_131, %dma_start3A_132] : memref<80x128xi32, #tpu.memory_space<vmem>> -> memref<1x128xi32, #tpu.memory_space<vmem>>
    %dma_start3A_134 = tpu.memref_squeeze %dma_start3A_133 : memref<1x128xi32, #tpu.memory_space<vmem>> -> memref<128xi32, #tpu.memory_space<vmem>>
    %dma_start3A_135 = arith.constant 0 : i32
    %dma_start3A_136 = arith.constant 0 : i32
    %dma_start3A_137 = tpu.memref_slice %arg9[%dma_start3A_135, %dma_start3A_136] : memref<10240x64xf32, #tpu.memory_space<vmem_shared>> -> memref<10240x64xf32, #tpu.memory_space<vmem_shared>>
    tpu.enqueue_indirect_dma source(%arg13 : memref<128x64xf32, #tpu.memory_space<vmem>>) target(%dma_start3A_137 : memref<10240x64xf32, #tpu.memory_space<vmem_shared>>) offsets(%dma_start3A_134 : memref<128xi32, #tpu.memory_space<vmem>>) semaphore(%arg29 : memref<!tpu.dma_semaphore, #tpu.memory_space<semaphore_mem>>) {add = true}
    %dma_wait3A_138 = arith.constant 0 : i32
    %dma_wait3A_139 = arith.constant 0 : i32
    %dma_wait3A_140 = tpu.memref_slice %arg7[%dma_wait3A_138, %dma_wait3A_139] : memref<80x128xi32, #tpu.memory_space<vmem>> -> memref<1x128xi32, #tpu.memory_space<vmem>>
    %dma_wait3A_141 = tpu.memref_squeeze %dma_wait3A_140 : memref<1x128xi32, #tpu.memory_space<vmem>> -> memref<128xi32, #tpu.memory_space<vmem>>
    %dma_wait3A_142 = arith.constant 0 : i32
    %dma_wait3A_143 = arith.constant 0 : i32
    %dma_wait3A_144 = tpu.memref_slice %arg2[%dma_wait3A_142, %dma_wait3A_143] : memref<10240x64xf32, #tpu.memory_space<hbm>> -> memref<10240x64xf32, #tpu.memory_space<hbm>>
    tpu.wait_indirect_dma semaphore(%arg22 : memref<!tpu.dma_semaphore, #tpu.memory_space<semaphore_mem>>) src(%dma_wait3A_144 : memref<10240x64xf32, #tpu.memory_space<hbm>>) dst(%arg14 : memref<128x64xf32, #tpu.memory_space<vmem>>)
    %dma_start3A_145 = arith.constant 76 : i32
    %dma_start3A_146 = arith.constant 0 : i32
    %dma_start3A_147 = tpu.memref_slice %arg8[%dma_start3A_145, %dma_start3A_146] : memref<80x128xi32, #tpu.memory_space<vmem>> -> memref<1x128xi32, #tpu.memory_space<vmem>>
    %dma_start3A_148 = tpu.memref_squeeze %dma_start3A_147 : memref<1x128xi32, #tpu.memory_space<vmem>> -> memref<128xi32, #tpu.memory_space<vmem>>
    %dma_start3A_149 = arith.constant 0 : i32
    %dma_start3A_150 = arith.constant 0 : i32
    %dma_start3A_151 = tpu.memref_slice %arg9[%dma_start3A_149, %dma_start3A_150] : memref<10240x64xf32, #tpu.memory_space<vmem_shared>> -> memref<10240x64xf32, #tpu.memory_space<vmem_shared>>
    tpu.enqueue_indirect_dma source(%arg14 : memref<128x64xf32, #tpu.memory_space<vmem>>) target(%dma_start3A_151 : memref<10240x64xf32, #tpu.memory_space<vmem_shared>>) offsets(%dma_start3A_148 : memref<128xi32, #tpu.memory_space<vmem>>) semaphore(%arg30 : memref<!tpu.dma_semaphore, #tpu.memory_space<semaphore_mem>>) {add = true}
    %dma_wait3A_152 = arith.constant 0 : i32
    %dma_wait3A_153 = arith.constant 0 : i32
    %dma_wait3A_154 = tpu.memref_slice %arg7[%dma_wait3A_152, %dma_wait3A_153] : memref<80x128xi32, #tpu.memory_space<vmem>> -> memref<1x128xi32, #tpu.memory_space<vmem>>
    %dma_wait3A_155 = tpu.memref_squeeze %dma_wait3A_154 : memref<1x128xi32, #tpu.memory_space<vmem>> -> memref<128xi32, #tpu.memory_space<vmem>>
    %dma_wait3A_156 = arith.constant 0 : i32
    %dma_wait3A_157 = arith.constant 0 : i32
    %dma_wait3A_158 = tpu.memref_slice %arg2[%dma_wait3A_156, %dma_wait3A_157] : memref<10240x64xf32, #tpu.memory_space<hbm>> -> memref<10240x64xf32, #tpu.memory_space<hbm>>
    tpu.wait_indirect_dma semaphore(%arg23 : memref<!tpu.dma_semaphore, #tpu.memory_space<semaphore_mem>>) src(%dma_wait3A_158 : memref<10240x64xf32, #tpu.memory_space<hbm>>) dst(%arg15 : memref<128x64xf32, #tpu.memory_space<vmem>>)
    %dma_start3A_159 = arith.constant 77 : i32
    %dma_start3A_160 = arith.constant 0 : i32
    %dma_start3A_161 = tpu.memref_slice %arg8[%dma_start3A_159, %dma_start3A_160] : memref<80x128xi32, #tpu.memory_space<vmem>> -> memref<1x128xi32, #tpu.memory_space<vmem>>
    %dma_start3A_162 = tpu.memref_squeeze %dma_start3A_161 : memref<1x128xi32, #tpu.memory_space<vmem>> -> memref<128xi32, #tpu.memory_space<vmem>>
    %dma_start3A_163 = arith.constant 0 : i32
    %dma_start3A_164 = arith.constant 0 : i32
    %dma_start3A_165 = tpu.memref_slice %arg9[%dma_start3A_163, %dma_start3A_164] : memref<10240x64xf32, #tpu.memory_space<vmem_shared>> -> memref<10240x64xf32, #tpu.memory_space<vmem_shared>>
    tpu.enqueue_indirect_dma source(%arg15 : memref<128x64xf32, #tpu.memory_space<vmem>>) target(%dma_start3A_165 : memref<10240x64xf32, #tpu.memory_space<vmem_shared>>) offsets(%dma_start3A_162 : memref<128xi32, #tpu.memory_space<vmem>>) semaphore(%arg31 : memref<!tpu.dma_semaphore, #tpu.memory_space<semaphore_mem>>) {add = true}
    %dma_wait3A_166 = arith.constant 0 : i32
    %dma_wait3A_167 = arith.constant 0 : i32
    %dma_wait3A_168 = tpu.memref_slice %arg7[%dma_wait3A_166, %dma_wait3A_167] : memref<80x128xi32, #tpu.memory_space<vmem>> -> memref<1x128xi32, #tpu.memory_space<vmem>>
    %dma_wait3A_169 = tpu.memref_squeeze %dma_wait3A_168 : memref<1x128xi32, #tpu.memory_space<vmem>> -> memref<128xi32, #tpu.memory_space<vmem>>
    %dma_wait3A_170 = arith.constant 0 : i32
    %dma_wait3A_171 = arith.constant 0 : i32
    %dma_wait3A_172 = tpu.memref_slice %arg2[%dma_wait3A_170, %dma_wait3A_171] : memref<10240x64xf32, #tpu.memory_space<hbm>> -> memref<10240x64xf32, #tpu.memory_space<hbm>>
    tpu.wait_indirect_dma semaphore(%arg24 : memref<!tpu.dma_semaphore, #tpu.memory_space<semaphore_mem>>) src(%dma_wait3A_172 : memref<10240x64xf32, #tpu.memory_space<hbm>>) dst(%arg16 : memref<128x64xf32, #tpu.memory_space<vmem>>)
    %dma_start3A_173 = arith.constant 78 : i32
    %dma_start3A_174 = arith.constant 0 : i32
    %dma_start3A_175 = tpu.memref_slice %arg8[%dma_start3A_173, %dma_start3A_174] : memref<80x128xi32, #tpu.memory_space<vmem>> -> memref<1x128xi32, #tpu.memory_space<vmem>>
    %dma_start3A_176 = tpu.memref_squeeze %dma_start3A_175 : memref<1x128xi32, #tpu.memory_space<vmem>> -> memref<128xi32, #tpu.memory_space<vmem>>
    %dma_start3A_177 = arith.constant 0 : i32
    %dma_start3A_178 = arith.constant 0 : i32
    %dma_start3A_179 = tpu.memref_slice %arg9[%dma_start3A_177, %dma_start3A_178] : memref<10240x64xf32, #tpu.memory_space<vmem_shared>> -> memref<10240x64xf32, #tpu.memory_space<vmem_shared>>
    tpu.enqueue_indirect_dma source(%arg16 : memref<128x64xf32, #tpu.memory_space<vmem>>) target(%dma_start3A_179 : memref<10240x64xf32, #tpu.memory_space<vmem_shared>>) offsets(%dma_start3A_176 : memref<128xi32, #tpu.memory_space<vmem>>) semaphore(%arg32 : memref<!tpu.dma_semaphore, #tpu.memory_space<semaphore_mem>>) {add = true}
    %dma_wait3A_180 = arith.constant 0 : i32
    %dma_wait3A_181 = arith.constant 0 : i32
    %dma_wait3A_182 = tpu.memref_slice %arg7[%dma_wait3A_180, %dma_wait3A_181] : memref<80x128xi32, #tpu.memory_space<vmem>> -> memref<1x128xi32, #tpu.memory_space<vmem>>
    %dma_wait3A_183 = tpu.memref_squeeze %dma_wait3A_182 : memref<1x128xi32, #tpu.memory_space<vmem>> -> memref<128xi32, #tpu.memory_space<vmem>>
    %dma_wait3A_184 = arith.constant 0 : i32
    %dma_wait3A_185 = arith.constant 0 : i32
    %dma_wait3A_186 = tpu.memref_slice %arg2[%dma_wait3A_184, %dma_wait3A_185] : memref<10240x64xf32, #tpu.memory_space<hbm>> -> memref<10240x64xf32, #tpu.memory_space<hbm>>
    tpu.wait_indirect_dma semaphore(%arg25 : memref<!tpu.dma_semaphore, #tpu.memory_space<semaphore_mem>>) src(%dma_wait3A_186 : memref<10240x64xf32, #tpu.memory_space<hbm>>) dst(%arg17 : memref<128x64xf32, #tpu.memory_space<vmem>>)
    %dma_start3A_187 = arith.constant 79 : i32
    %dma_start3A_188 = arith.constant 0 : i32
    %dma_start3A_189 = tpu.memref_slice %arg8[%dma_start3A_187, %dma_start3A_188] : memref<80x128xi32, #tpu.memory_space<vmem>> -> memref<1x128xi32, #tpu.memory_space<vmem>>
    %dma_start3A_190 = tpu.memref_squeeze %dma_start3A_189 : memref<1x128xi32, #tpu.memory_space<vmem>> -> memref<128xi32, #tpu.memory_space<vmem>>
    %dma_start3A_191 = arith.constant 0 : i32
    %dma_start3A_192 = arith.constant 0 : i32
    %dma_start3A_193 = tpu.memref_slice %arg9[%dma_start3A_191, %dma_start3A_192] : memref<10240x64xf32, #tpu.memory_space<vmem_shared>> -> memref<10240x64xf32, #tpu.memory_space<vmem_shared>>
    tpu.enqueue_indirect_dma source(%arg17 : memref<128x64xf32, #tpu.memory_space<vmem>>) target(%dma_start3A_193 : memref<10240x64xf32, #tpu.memory_space<vmem_shared>>) offsets(%dma_start3A_190 : memref<128xi32, #tpu.memory_space<vmem>>) semaphore(%arg33 : memref<!tpu.dma_semaphore, #tpu.memory_space<semaphore_mem>>) {add = true}
    %dma_wait3A_194 = arith.constant 0 : i32
    %dma_wait3A_195 = arith.constant 0 : i32
    %dma_wait3A_196 = tpu.memref_slice %arg8[%dma_wait3A_194, %dma_wait3A_195] : memref<80x128xi32, #tpu.memory_space<vmem>> -> memref<1x128xi32, #tpu.memory_space<vmem>>
    %dma_wait3A_197 = tpu.memref_squeeze %dma_wait3A_196 : memref<1x128xi32, #tpu.memory_space<vmem>> -> memref<128xi32, #tpu.memory_space<vmem>>
    %dma_wait3A_198 = arith.constant 0 : i32
    %dma_wait3A_199 = arith.constant 0 : i32
    %dma_wait3A_200 = tpu.memref_slice %arg9[%dma_wait3A_198, %dma_wait3A_199] : memref<10240x64xf32, #tpu.memory_space<vmem_shared>> -> memref<10240x64xf32, #tpu.memory_space<vmem_shared>>
    tpu.wait_indirect_dma semaphore(%arg26 : memref<!tpu.dma_semaphore, #tpu.memory_space<semaphore_mem>>) src(%arg10 : memref<128x64xf32, #tpu.memory_space<vmem>>) dst(%dma_wait3A_200 : memref<10240x64xf32, #tpu.memory_space<vmem_shared>>)
    %dma_wait3A_201 = arith.constant 0 : i32
    %dma_wait3A_202 = arith.constant 0 : i32
    %dma_wait3A_203 = tpu.memref_slice %arg8[%dma_wait3A_201, %dma_wait3A_202] : memref<80x128xi32, #tpu.memory_space<vmem>> -> memref<1x128xi32, #tpu.memory_space<vmem>>
    %dma_wait3A_204 = tpu.memref_squeeze %dma_wait3A_203 : memref<1x128xi32, #tpu.memory_space<vmem>> -> memref<128xi32, #tpu.memory_space<vmem>>
    %dma_wait3A_205 = arith.constant 0 : i32
    %dma_wait3A_206 = arith.constant 0 : i32
    %dma_wait3A_207 = tpu.memref_slice %arg9[%dma_wait3A_205, %dma_wait3A_206] : memref<10240x64xf32, #tpu.memory_space<vmem_shared>> -> memref<10240x64xf32, #tpu.memory_space<vmem_shared>>
    tpu.wait_indirect_dma semaphore(%arg27 : memref<!tpu.dma_semaphore, #tpu.memory_space<semaphore_mem>>) src(%arg11 : memref<128x64xf32, #tpu.memory_space<vmem>>) dst(%dma_wait3A_207 : memref<10240x64xf32, #tpu.memory_space<vmem_shared>>)
    %dma_wait3A_208 = arith.constant 0 : i32
    %dma_wait3A_209 = arith.constant 0 : i32
    %dma_wait3A_210 = tpu.memref_slice %arg8[%dma_wait3A_208, %dma_wait3A_209] : memref<80x128xi32, #tpu.memory_space<vmem>> -> memref<1x128xi32, #tpu.memory_space<vmem>>
    %dma_wait3A_211 = tpu.memref_squeeze %dma_wait3A_210 : memref<1x128xi32, #tpu.memory_space<vmem>> -> memref<128xi32, #tpu.memory_space<vmem>>
    %dma_wait3A_212 = arith.constant 0 : i32
    %dma_wait3A_213 = arith.constant 0 : i32
    %dma_wait3A_214 = tpu.memref_slice %arg9[%dma_wait3A_212, %dma_wait3A_213] : memref<10240x64xf32, #tpu.memory_space<vmem_shared>> -> memref<10240x64xf32, #tpu.memory_space<vmem_shared>>
    tpu.wait_indirect_dma semaphore(%arg28 : memref<!tpu.dma_semaphore, #tpu.memory_space<semaphore_mem>>) src(%arg12 : memref<128x64xf32, #tpu.memory_space<vmem>>) dst(%dma_wait3A_214 : memref<10240x64xf32, #tpu.memory_space<vmem_shared>>)
    %dma_wait3A_215 = arith.constant 0 : i32
    %dma_wait3A_216 = arith.constant 0 : i32
    %dma_wait3A_217 = tpu.memref_slice %arg8[%dma_wait3A_215, %dma_wait3A_216] : memref<80x128xi32, #tpu.memory_space<vmem>> -> memref<1x128xi32, #tpu.memory_space<vmem>>
    %dma_wait3A_218 = tpu.memref_squeeze %dma_wait3A_217 : memref<1x128xi32, #tpu.memory_space<vmem>> -> memref<128xi32, #tpu.memory_space<vmem>>
    %dma_wait3A_219 = arith.constant 0 : i32
    %dma_wait3A_220 = arith.constant 0 : i32
    %dma_wait3A_221 = tpu.memref_slice %arg9[%dma_wait3A_219, %dma_wait3A_220] : memref<10240x64xf32, #tpu.memory_space<vmem_shared>> -> memref<10240x64xf32, #tpu.memory_space<vmem_shared>>
    tpu.wait_indirect_dma semaphore(%arg29 : memref<!tpu.dma_semaphore, #tpu.memory_space<semaphore_mem>>) src(%arg13 : memref<128x64xf32, #tpu.memory_space<vmem>>) dst(%dma_wait3A_221 : memref<10240x64xf32, #tpu.memory_space<vmem_shared>>)
    %dma_wait3A_222 = arith.constant 0 : i32
    %dma_wait3A_223 = arith.constant 0 : i32
    %dma_wait3A_224 = tpu.memref_slice %arg8[%dma_wait3A_222, %dma_wait3A_223] : memref<80x128xi32, #tpu.memory_space<vmem>> -> memref<1x128xi32, #tpu.memory_space<vmem>>
    %dma_wait3A_225 = tpu.memref_squeeze %dma_wait3A_224 : memref<1x128xi32, #tpu.memory_space<vmem>> -> memref<128xi32, #tpu.memory_space<vmem>>
    %dma_wait3A_226 = arith.constant 0 : i32
    %dma_wait3A_227 = arith.constant 0 : i32
    %dma_wait3A_228 = tpu.memref_slice %arg9[%dma_wait3A_226, %dma_wait3A_227] : memref<10240x64xf32, #tpu.memory_space<vmem_shared>> -> memref<10240x64xf32, #tpu.memory_space<vmem_shared>>
    tpu.wait_indirect_dma semaphore(%arg30 : memref<!tpu.dma_semaphore, #tpu.memory_space<semaphore_mem>>) src(%arg14 : memref<128x64xf32, #tpu.memory_space<vmem>>) dst(%dma_wait3A_228 : memref<10240x64xf32, #tpu.memory_space<vmem_shared>>)
    %dma_wait3A_229 = arith.constant 0 : i32
    %dma_wait3A_230 = arith.constant 0 : i32
    %dma_wait3A_231 = tpu.memref_slice %arg8[%dma_wait3A_229, %dma_wait3A_230] : memref<80x128xi32, #tpu.memory_space<vmem>> -> memref<1x128xi32, #tpu.memory_space<vmem>>
    %dma_wait3A_232 = tpu.memref_squeeze %dma_wait3A_231 : memref<1x128xi32, #tpu.memory_space<vmem>> -> memref<128xi32, #tpu.memory_space<vmem>>
    %dma_wait3A_233 = arith.constant 0 : i32
    %dma_wait3A_234 = arith.constant 0 : i32
    %dma_wait3A_235 = tpu.memref_slice %arg9[%dma_wait3A_233, %dma_wait3A_234] : memref<10240x64xf32, #tpu.memory_space<vmem_shared>> -> memref<10240x64xf32, #tpu.memory_space<vmem_shared>>
    tpu.wait_indirect_dma semaphore(%arg31 : memref<!tpu.dma_semaphore, #tpu.memory_space<semaphore_mem>>) src(%arg15 : memref<128x64xf32, #tpu.memory_space<vmem>>) dst(%dma_wait3A_235 : memref<10240x64xf32, #tpu.memory_space<vmem_shared>>)
    %dma_wait3A_236 = arith.constant 0 : i32
    %dma_wait3A_237 = arith.constant 0 : i32
    %dma_wait3A_238 = tpu.memref_slice %arg8[%dma_wait3A_236, %dma_wait3A_237] : memref<80x128xi32, #tpu.memory_space<vmem>> -> memref<1x128xi32, #tpu.memory_space<vmem>>
    %dma_wait3A_239 = tpu.memref_squeeze %dma_wait3A_238 : memref<1x128xi32, #tpu.memory_space<vmem>> -> memref<128xi32, #tpu.memory_space<vmem>>
    %dma_wait3A_240 = arith.constant 0 : i32
    %dma_wait3A_241 = arith.constant 0 : i32
    %dma_wait3A_242 = tpu.memref_slice %arg9[%dma_wait3A_240, %dma_wait3A_241] : memref<10240x64xf32, #tpu.memory_space<vmem_shared>> -> memref<10240x64xf32, #tpu.memory_space<vmem_shared>>
    tpu.wait_indirect_dma semaphore(%arg32 : memref<!tpu.dma_semaphore, #tpu.memory_space<semaphore_mem>>) src(%arg16 : memref<128x64xf32, #tpu.memory_space<vmem>>) dst(%dma_wait3A_242 : memref<10240x64xf32, #tpu.memory_space<vmem_shared>>)
    %dma_wait3A_243 = arith.constant 0 : i32
    %dma_wait3A_244 = arith.constant 0 : i32
    %dma_wait3A_245 = tpu.memref_slice %arg8[%dma_wait3A_243, %dma_wait3A_244] : memref<80x128xi32, #tpu.memory_space<vmem>> -> memref<1x128xi32, #tpu.memory_space<vmem>>
    %dma_wait3A_246 = tpu.memref_squeeze %dma_wait3A_245 : memref<1x128xi32, #tpu.memory_space<vmem>> -> memref<128xi32, #tpu.memory_space<vmem>>
    %dma_wait3A_247 = arith.constant 0 : i32
    %dma_wait3A_248 = arith.constant 0 : i32
    %dma_wait3A_249 = tpu.memref_slice %arg9[%dma_wait3A_247, %dma_wait3A_248] : memref<10240x64xf32, #tpu.memory_space<vmem_shared>> -> memref<10240x64xf32, #tpu.memory_space<vmem_shared>>
    tpu.wait_indirect_dma semaphore(%arg33 : memref<!tpu.dma_semaphore, #tpu.memory_space<semaphore_mem>>) src(%arg17 : memref<128x64xf32, #tpu.memory_space<vmem>>) dst(%dma_wait3A_249 : memref<10240x64xf32, #tpu.memory_space<vmem_shared>>)
    %barrier3A_250 = arith.constant 0 : index
    tpu.barrier barrier_id(%barrier3A_250)
    %mul3A_251 = arith.constant 640 : i32
    %mul3A_252 = arith.muli %arg1, %mul3A_251 : i32
    %mul3A_253 = arith.constant 640 : i32
    %mul3A_254 = arith.muli %arg1, %mul3A_253 : i32
    "tpu.region"() ({
      %run_scoped3A = tpu.sem_alloc : memref<!tpu.dma_semaphore, #tpu.memory_space<semaphore_mem>>
      %dma_start3A_255 = arith.constant 0 : i32
      %dma_start3A_256 = tpu.memref_slice %arg6[%arg0, %mul3A_254, %dma_start3A_255] : memref<2x10240x64xf32, #tpu.memory_space<hbm>> -> memref<1x640x64xf32, #tpu.memory_space<hbm>>
      %dma_start3A_257 = tpu.memref_squeeze %dma_start3A_256 : memref<1x640x64xf32, #tpu.memory_space<hbm>> -> memref<640x64xf32, #tpu.memory_space<hbm>>
      %dma_start3A_258 = arith.constant 0 : i32
      %dma_start3A_259 = tpu.memref_slice %arg9[%mul3A_252, %dma_start3A_258] : memref<10240x64xf32, #tpu.memory_space<vmem_shared>> -> memref<640x64xf32, #tpu.memory_space<vmem_shared>>
      tpu.enqueue_dma source(%dma_start3A_259 : memref<640x64xf32, #tpu.memory_space<vmem_shared>>) target(%dma_start3A_257 : memref<640x64xf32, #tpu.memory_space<hbm>>) target_semaphore(%run_scoped3A : memref<!tpu.dma_semaphore, #tpu.memory_space<semaphore_mem>>)
      %dma_wait3A_260 = arith.constant 0 : i32
      %dma_wait3A_261 = tpu.memref_slice %arg6[%arg0, %mul3A_254, %dma_wait3A_260] : memref<2x10240x64xf32, #tpu.memory_space<hbm>> -> memref<1x640x64xf32, #tpu.memory_space<hbm>>
      %dma_wait3A_262 = tpu.memref_squeeze %dma_wait3A_261 : memref<1x640x64xf32, #tpu.memory_space<hbm>> -> memref<640x64xf32, #tpu.memory_space<hbm>>
      %dma_wait3A_263 = arith.constant 0 : i32
      %dma_wait3A_264 = tpu.memref_slice %arg9[%mul3A_252, %dma_wait3A_263] : memref<10240x64xf32, #tpu.memory_space<vmem_shared>> -> memref<640x64xf32, #tpu.memory_space<vmem_shared>>
      tpu.wait_dma2 semaphore(%run_scoped3A : memref<!tpu.dma_semaphore, #tpu.memory_space<semaphore_mem>>) src(%dma_wait3A_264 : memref<640x64xf32, #tpu.memory_space<vmem_shared>>) dst(%dma_wait3A_262 : memref<640x64xf32, #tpu.memory_space<hbm>>)
      tpu.yield
    }) : () -> ()
    return
  }
}

#map = affine_map<(d0, d1) -> (0, 0)>
#map1 = affine_map<(d0, d1) -> (0, 0, 0)>
module attributes {stable_mosaic.version = 14 : i64} {
  func.func @agg(%arg0: i32, %arg1: i32, %arg2: memref<128x16xf32, #tpu.memory_space<hbm>>, %arg3: memref<2560x128xi32, #tpu.memory_space<hbm>>, %arg4: memref<2560x128xi32, #tpu.memory_space<hbm>>, %arg5: memref<10240x16xf32, #tpu.memory_space<hbm>>, %arg6: memref<2x10240x16xf32, #tpu.memory_space<hbm>>, %arg7: memref<80x128xi32, #tpu.memory_space<vmem>>, %arg8: memref<80x128xi32, #tpu.memory_space<vmem>>, %arg9: memref<10240x16xf32, #tpu.memory_space<vmem_shared>>, %arg10: memref<128x16xf32, #tpu.memory_space<vmem>>, %arg11: memref<128x16xf32, #tpu.memory_space<vmem>>, %arg12: memref<128x16xf32, #tpu.memory_space<vmem>>, %arg13: memref<128x16xf32, #tpu.memory_space<vmem>>, %arg14: memref<128x16xf32, #tpu.memory_space<vmem>>, %arg15: memref<128x16xf32, #tpu.memory_space<vmem>>, %arg16: memref<128x16xf32, #tpu.memory_space<vmem>>, %arg17: memref<128x16xf32, #tpu.memory_space<vmem>>, %arg18: memref<!tpu.dma_semaphore, #tpu.memory_space<semaphore_mem>>, %arg19: memref<!tpu.dma_semaphore, #tpu.memory_space<semaphore_mem>>, %arg20: memref<!tpu.dma_semaphore, #tpu.memory_space<semaphore_mem>>, %arg21: memref<!tpu.dma_semaphore, #tpu.memory_space<semaphore_mem>>, %arg22: memref<!tpu.dma_semaphore, #tpu.memory_space<semaphore_mem>>, %arg23: memref<!tpu.dma_semaphore, #tpu.memory_space<semaphore_mem>>, %arg24: memref<!tpu.dma_semaphore, #tpu.memory_space<semaphore_mem>>, %arg25: memref<!tpu.dma_semaphore, #tpu.memory_space<semaphore_mem>>, %arg26: memref<!tpu.dma_semaphore, #tpu.memory_space<semaphore_mem>>, %arg27: memref<!tpu.dma_semaphore, #tpu.memory_space<semaphore_mem>>, %arg28: memref<!tpu.dma_semaphore, #tpu.memory_space<semaphore_mem>>, %arg29: memref<!tpu.dma_semaphore, #tpu.memory_space<semaphore_mem>>, %arg30: memref<!tpu.dma_semaphore, #tpu.memory_space<semaphore_mem>>, %arg31: memref<!tpu.dma_semaphore, #tpu.memory_space<semaphore_mem>>, %arg32: memref<!tpu.dma_semaphore, #tpu.memory_space<semaphore_mem>>, %arg33: memref<!tpu.dma_semaphore, #tpu.memory_space<semaphore_mem>>, %arg34: memref<!tpu.dma_semaphore, #tpu.memory_space<semaphore_mem>>) attributes {dimension_semantics = [#tpu.dimension_semantics<core_parallel>, #tpu.dimension_semantics<subcore_parallel>], iteration_bounds = array<i64: 2, 16>, scalar_prefetch = 0 : i64, scratch_operands = 28 : i64, tpu.core_type = #tpu.core_type<sc_vector_subcore>, window_params = [{transform_indices = #map}, {transform_indices = #map}, {transform_indices = #map}, {transform_indices = #map}, {transform_indices = #map1}]} {
    %mul3A = arith.constant 16 : i32
    %mul3A_0 = arith.muli %arg0, %mul3A : i32
    %add3A = arith.addi %mul3A_0, %arg1 : i32
    %mul3A_1 = arith.constant 80 : i32
    %mul3A_2 = arith.muli %add3A, %mul3A_1 : i32
    %dma_start3A = arith.constant 0 : i32
    %dma_start3A_3 = tpu.memref_slice %arg4[%mul3A_2, %dma_start3A] : memref<2560x128xi32, #tpu.memory_space<hbm>> -> memref<80x128xi32, #tpu.memory_space<hbm>>
    %dma_start3A_4 = arith.constant 0 : i32
    %dma_start3A_5 = tpu.memref_slice %arg4[%mul3A_2, %dma_start3A_4] : memref<2560x128xi32, #tpu.memory_space<hbm>> -> memref<80x128xi32, #tpu.memory_space<hbm>>
    tpu.enqueue_dma source(%dma_start3A_5 : memref<80x128xi32, #tpu.memory_space<hbm>>) target(%arg8 : memref<80x128xi32, #tpu.memory_space<vmem>>) target_semaphore(%arg34 : memref<!tpu.dma_semaphore, #tpu.memory_space<semaphore_mem>>)
    %mul3A_6 = arith.constant 640 : i32
    %mul3A_7 = arith.muli %arg1, %mul3A_6 : i32
    %mul3A_8 = arith.constant 640 : i32
    %mul3A_9 = arith.muli %arg1, %mul3A_8 : i32
    "tpu.region"() ({
      %run_scoped3A = tpu.sem_alloc : memref<!tpu.dma_semaphore, #tpu.memory_space<semaphore_mem>>
      %dma_start3A_23 = arith.constant 0 : i32
      %dma_start3A_24 = tpu.memref_slice %arg9[%mul3A_9, %dma_start3A_23] : memref<10240x16xf32, #tpu.memory_space<vmem_shared>> -> memref<640x16xf32, #tpu.memory_space<vmem_shared>>
      %dma_start3A_25 = arith.constant 0 : i32
      %dma_start3A_26 = tpu.memref_slice %arg5[%mul3A_7, %dma_start3A_25] : memref<10240x16xf32, #tpu.memory_space<hbm>> -> memref<640x16xf32, #tpu.memory_space<hbm>>
      tpu.enqueue_dma source(%dma_start3A_26 : memref<640x16xf32, #tpu.memory_space<hbm>>) target(%dma_start3A_24 : memref<640x16xf32, #tpu.memory_space<vmem_shared>>) target_semaphore(%run_scoped3A : memref<!tpu.dma_semaphore, #tpu.memory_space<semaphore_mem>>)
      %dma_wait3A_27 = arith.constant 0 : i32
      %dma_wait3A_28 = tpu.memref_slice %arg9[%mul3A_9, %dma_wait3A_27] : memref<10240x16xf32, #tpu.memory_space<vmem_shared>> -> memref<640x16xf32, #tpu.memory_space<vmem_shared>>
      %dma_wait3A_29 = arith.constant 0 : i32
      %dma_wait3A_30 = tpu.memref_slice %arg5[%mul3A_7, %dma_wait3A_29] : memref<10240x16xf32, #tpu.memory_space<hbm>> -> memref<640x16xf32, #tpu.memory_space<hbm>>
      tpu.wait_dma2 semaphore(%run_scoped3A : memref<!tpu.dma_semaphore, #tpu.memory_space<semaphore_mem>>) src(%dma_wait3A_30 : memref<640x16xf32, #tpu.memory_space<hbm>>) dst(%dma_wait3A_28 : memref<640x16xf32, #tpu.memory_space<vmem_shared>>)
      tpu.yield
    }) : () -> ()
    %dma_wait3A = arith.constant 0 : i32
    %dma_wait3A_10 = tpu.memref_slice %arg4[%mul3A_2, %dma_wait3A] : memref<2560x128xi32, #tpu.memory_space<hbm>> -> memref<80x128xi32, #tpu.memory_space<hbm>>
    %dma_wait3A_11 = arith.constant 0 : i32
    %dma_wait3A_12 = tpu.memref_slice %arg4[%mul3A_2, %dma_wait3A_11] : memref<2560x128xi32, #tpu.memory_space<hbm>> -> memref<80x128xi32, #tpu.memory_space<hbm>>
    tpu.wait_dma2 semaphore(%arg34 : memref<!tpu.dma_semaphore, #tpu.memory_space<semaphore_mem>>) src(%dma_wait3A_12 : memref<80x128xi32, #tpu.memory_space<hbm>>) dst(%arg8 : memref<80x128xi32, #tpu.memory_space<vmem>>)
    "tpu.region"() ({
      %run_scoped3A = tpu.sem_alloc : memref<!tpu.dma_semaphore, #tpu.memory_space<semaphore_mem>>
      tpu.enqueue_dma source(%arg2 : memref<128x16xf32, #tpu.memory_space<hbm>>) target(%arg10 : memref<128x16xf32, #tpu.memory_space<vmem>>) target_semaphore(%run_scoped3A : memref<!tpu.dma_semaphore, #tpu.memory_space<semaphore_mem>>)
      tpu.wait_dma2 semaphore(%run_scoped3A : memref<!tpu.dma_semaphore, #tpu.memory_space<semaphore_mem>>) src(%arg2 : memref<128x16xf32, #tpu.memory_space<hbm>>) dst(%arg10 : memref<128x16xf32, #tpu.memory_space<vmem>>)
      tpu.yield
    }) : () -> ()
    %barrier3A = arith.constant 0 : index
    tpu.barrier barrier_id(%barrier3A)
    %scan3A = arith.constant 0 : i32
    %scan3A_13 = arith.constant 0 : i32
    %scan3A_14 = arith.constant 10 : i32
    %scan3A_15 = arith.addi %scan3A_13, %scan3A_14 : i32
    %scan3A_16 = arith.constant 1 : i32
    scf.for %scan3A_23 = %scan3A_13 to %scan3A_15 step %scan3A_16  : i32 {
      %mul3A_24 = arith.constant 8 : i32
      %mul3A_25 = arith.muli %scan3A_23, %mul3A_24 : i32
      %add3A_26 = arith.constant 0 : i32
      %add3A_27 = arith.addi %mul3A_25, %add3A_26 : i32
      %dma_start3A_28 = arith.constant 0 : i32
      %dma_start3A_29 = tpu.memref_slice %arg8[%add3A_27, %dma_start3A_28] : memref<80x128xi32, #tpu.memory_space<vmem>> -> memref<1x128xi32, #tpu.memory_space<vmem>>
      %dma_start3A_30 = tpu.memref_squeeze %dma_start3A_29 : memref<1x128xi32, #tpu.memory_space<vmem>> -> memref<128xi32, #tpu.memory_space<vmem>>
      %dma_start3A_31 = arith.constant 0 : i32
      %dma_start3A_32 = arith.constant 0 : i32
      %dma_start3A_33 = tpu.memref_slice %arg9[%dma_start3A_31, %dma_start3A_32] : memref<10240x16xf32, #tpu.memory_space<vmem_shared>> -> memref<10240x16xf32, #tpu.memory_space<vmem_shared>>
      tpu.enqueue_indirect_dma source(%arg10 : memref<128x16xf32, #tpu.memory_space<vmem>>) target(%dma_start3A_33 : memref<10240x16xf32, #tpu.memory_space<vmem_shared>>) offsets(%dma_start3A_30 : memref<128xi32, #tpu.memory_space<vmem>>) semaphore(%arg26 : memref<!tpu.dma_semaphore, #tpu.memory_space<semaphore_mem>>) {add = true}
      %mul3A_34 = arith.constant 8 : i32
      %mul3A_35 = arith.muli %scan3A_23, %mul3A_34 : i32
      %add3A_36 = arith.constant 1 : i32
      %add3A_37 = arith.addi %mul3A_35, %add3A_36 : i32
      %dma_start3A_38 = arith.constant 0 : i32
      %dma_start3A_39 = tpu.memref_slice %arg8[%add3A_37, %dma_start3A_38] : memref<80x128xi32, #tpu.memory_space<vmem>> -> memref<1x128xi32, #tpu.memory_space<vmem>>
      %dma_start3A_40 = tpu.memref_squeeze %dma_start3A_39 : memref<1x128xi32, #tpu.memory_space<vmem>> -> memref<128xi32, #tpu.memory_space<vmem>>
      %dma_start3A_41 = arith.constant 0 : i32
      %dma_start3A_42 = arith.constant 0 : i32
      %dma_start3A_43 = tpu.memref_slice %arg9[%dma_start3A_41, %dma_start3A_42] : memref<10240x16xf32, #tpu.memory_space<vmem_shared>> -> memref<10240x16xf32, #tpu.memory_space<vmem_shared>>
      tpu.enqueue_indirect_dma source(%arg10 : memref<128x16xf32, #tpu.memory_space<vmem>>) target(%dma_start3A_43 : memref<10240x16xf32, #tpu.memory_space<vmem_shared>>) offsets(%dma_start3A_40 : memref<128xi32, #tpu.memory_space<vmem>>) semaphore(%arg26 : memref<!tpu.dma_semaphore, #tpu.memory_space<semaphore_mem>>) {add = true}
      %mul3A_44 = arith.constant 8 : i32
      %mul3A_45 = arith.muli %scan3A_23, %mul3A_44 : i32
      %add3A_46 = arith.constant 2 : i32
      %add3A_47 = arith.addi %mul3A_45, %add3A_46 : i32
      %dma_start3A_48 = arith.constant 0 : i32
      %dma_start3A_49 = tpu.memref_slice %arg8[%add3A_47, %dma_start3A_48] : memref<80x128xi32, #tpu.memory_space<vmem>> -> memref<1x128xi32, #tpu.memory_space<vmem>>
      %dma_start3A_50 = tpu.memref_squeeze %dma_start3A_49 : memref<1x128xi32, #tpu.memory_space<vmem>> -> memref<128xi32, #tpu.memory_space<vmem>>
      %dma_start3A_51 = arith.constant 0 : i32
      %dma_start3A_52 = arith.constant 0 : i32
      %dma_start3A_53 = tpu.memref_slice %arg9[%dma_start3A_51, %dma_start3A_52] : memref<10240x16xf32, #tpu.memory_space<vmem_shared>> -> memref<10240x16xf32, #tpu.memory_space<vmem_shared>>
      tpu.enqueue_indirect_dma source(%arg10 : memref<128x16xf32, #tpu.memory_space<vmem>>) target(%dma_start3A_53 : memref<10240x16xf32, #tpu.memory_space<vmem_shared>>) offsets(%dma_start3A_50 : memref<128xi32, #tpu.memory_space<vmem>>) semaphore(%arg26 : memref<!tpu.dma_semaphore, #tpu.memory_space<semaphore_mem>>) {add = true}
      %mul3A_54 = arith.constant 8 : i32
      %mul3A_55 = arith.muli %scan3A_23, %mul3A_54 : i32
      %add3A_56 = arith.constant 3 : i32
      %add3A_57 = arith.addi %mul3A_55, %add3A_56 : i32
      %dma_start3A_58 = arith.constant 0 : i32
      %dma_start3A_59 = tpu.memref_slice %arg8[%add3A_57, %dma_start3A_58] : memref<80x128xi32, #tpu.memory_space<vmem>> -> memref<1x128xi32, #tpu.memory_space<vmem>>
      %dma_start3A_60 = tpu.memref_squeeze %dma_start3A_59 : memref<1x128xi32, #tpu.memory_space<vmem>> -> memref<128xi32, #tpu.memory_space<vmem>>
      %dma_start3A_61 = arith.constant 0 : i32
      %dma_start3A_62 = arith.constant 0 : i32
      %dma_start3A_63 = tpu.memref_slice %arg9[%dma_start3A_61, %dma_start3A_62] : memref<10240x16xf32, #tpu.memory_space<vmem_shared>> -> memref<10240x16xf32, #tpu.memory_space<vmem_shared>>
      tpu.enqueue_indirect_dma source(%arg10 : memref<128x16xf32, #tpu.memory_space<vmem>>) target(%dma_start3A_63 : memref<10240x16xf32, #tpu.memory_space<vmem_shared>>) offsets(%dma_start3A_60 : memref<128xi32, #tpu.memory_space<vmem>>) semaphore(%arg26 : memref<!tpu.dma_semaphore, #tpu.memory_space<semaphore_mem>>) {add = true}
      %mul3A_64 = arith.constant 8 : i32
      %mul3A_65 = arith.muli %scan3A_23, %mul3A_64 : i32
      %add3A_66 = arith.constant 4 : i32
      %add3A_67 = arith.addi %mul3A_65, %add3A_66 : i32
      %dma_start3A_68 = arith.constant 0 : i32
      %dma_start3A_69 = tpu.memref_slice %arg8[%add3A_67, %dma_start3A_68] : memref<80x128xi32, #tpu.memory_space<vmem>> -> memref<1x128xi32, #tpu.memory_space<vmem>>
      %dma_start3A_70 = tpu.memref_squeeze %dma_start3A_69 : memref<1x128xi32, #tpu.memory_space<vmem>> -> memref<128xi32, #tpu.memory_space<vmem>>
      %dma_start3A_71 = arith.constant 0 : i32
      %dma_start3A_72 = arith.constant 0 : i32
      %dma_start3A_73 = tpu.memref_slice %arg9[%dma_start3A_71, %dma_start3A_72] : memref<10240x16xf32, #tpu.memory_space<vmem_shared>> -> memref<10240x16xf32, #tpu.memory_space<vmem_shared>>
      tpu.enqueue_indirect_dma source(%arg10 : memref<128x16xf32, #tpu.memory_space<vmem>>) target(%dma_start3A_73 : memref<10240x16xf32, #tpu.memory_space<vmem_shared>>) offsets(%dma_start3A_70 : memref<128xi32, #tpu.memory_space<vmem>>) semaphore(%arg26 : memref<!tpu.dma_semaphore, #tpu.memory_space<semaphore_mem>>) {add = true}
      %mul3A_74 = arith.constant 8 : i32
      %mul3A_75 = arith.muli %scan3A_23, %mul3A_74 : i32
      %add3A_76 = arith.constant 5 : i32
      %add3A_77 = arith.addi %mul3A_75, %add3A_76 : i32
      %dma_start3A_78 = arith.constant 0 : i32
      %dma_start3A_79 = tpu.memref_slice %arg8[%add3A_77, %dma_start3A_78] : memref<80x128xi32, #tpu.memory_space<vmem>> -> memref<1x128xi32, #tpu.memory_space<vmem>>
      %dma_start3A_80 = tpu.memref_squeeze %dma_start3A_79 : memref<1x128xi32, #tpu.memory_space<vmem>> -> memref<128xi32, #tpu.memory_space<vmem>>
      %dma_start3A_81 = arith.constant 0 : i32
      %dma_start3A_82 = arith.constant 0 : i32
      %dma_start3A_83 = tpu.memref_slice %arg9[%dma_start3A_81, %dma_start3A_82] : memref<10240x16xf32, #tpu.memory_space<vmem_shared>> -> memref<10240x16xf32, #tpu.memory_space<vmem_shared>>
      tpu.enqueue_indirect_dma source(%arg10 : memref<128x16xf32, #tpu.memory_space<vmem>>) target(%dma_start3A_83 : memref<10240x16xf32, #tpu.memory_space<vmem_shared>>) offsets(%dma_start3A_80 : memref<128xi32, #tpu.memory_space<vmem>>) semaphore(%arg26 : memref<!tpu.dma_semaphore, #tpu.memory_space<semaphore_mem>>) {add = true}
      %mul3A_84 = arith.constant 8 : i32
      %mul3A_85 = arith.muli %scan3A_23, %mul3A_84 : i32
      %add3A_86 = arith.constant 6 : i32
      %add3A_87 = arith.addi %mul3A_85, %add3A_86 : i32
      %dma_start3A_88 = arith.constant 0 : i32
      %dma_start3A_89 = tpu.memref_slice %arg8[%add3A_87, %dma_start3A_88] : memref<80x128xi32, #tpu.memory_space<vmem>> -> memref<1x128xi32, #tpu.memory_space<vmem>>
      %dma_start3A_90 = tpu.memref_squeeze %dma_start3A_89 : memref<1x128xi32, #tpu.memory_space<vmem>> -> memref<128xi32, #tpu.memory_space<vmem>>
      %dma_start3A_91 = arith.constant 0 : i32
      %dma_start3A_92 = arith.constant 0 : i32
      %dma_start3A_93 = tpu.memref_slice %arg9[%dma_start3A_91, %dma_start3A_92] : memref<10240x16xf32, #tpu.memory_space<vmem_shared>> -> memref<10240x16xf32, #tpu.memory_space<vmem_shared>>
      tpu.enqueue_indirect_dma source(%arg10 : memref<128x16xf32, #tpu.memory_space<vmem>>) target(%dma_start3A_93 : memref<10240x16xf32, #tpu.memory_space<vmem_shared>>) offsets(%dma_start3A_90 : memref<128xi32, #tpu.memory_space<vmem>>) semaphore(%arg26 : memref<!tpu.dma_semaphore, #tpu.memory_space<semaphore_mem>>) {add = true}
      %mul3A_94 = arith.constant 8 : i32
      %mul3A_95 = arith.muli %scan3A_23, %mul3A_94 : i32
      %add3A_96 = arith.constant 7 : i32
      %add3A_97 = arith.addi %mul3A_95, %add3A_96 : i32
      %dma_start3A_98 = arith.constant 0 : i32
      %dma_start3A_99 = tpu.memref_slice %arg8[%add3A_97, %dma_start3A_98] : memref<80x128xi32, #tpu.memory_space<vmem>> -> memref<1x128xi32, #tpu.memory_space<vmem>>
      %dma_start3A_100 = tpu.memref_squeeze %dma_start3A_99 : memref<1x128xi32, #tpu.memory_space<vmem>> -> memref<128xi32, #tpu.memory_space<vmem>>
      %dma_start3A_101 = arith.constant 0 : i32
      %dma_start3A_102 = arith.constant 0 : i32
      %dma_start3A_103 = tpu.memref_slice %arg9[%dma_start3A_101, %dma_start3A_102] : memref<10240x16xf32, #tpu.memory_space<vmem_shared>> -> memref<10240x16xf32, #tpu.memory_space<vmem_shared>>
      tpu.enqueue_indirect_dma source(%arg10 : memref<128x16xf32, #tpu.memory_space<vmem>>) target(%dma_start3A_103 : memref<10240x16xf32, #tpu.memory_space<vmem_shared>>) offsets(%dma_start3A_100 : memref<128xi32, #tpu.memory_space<vmem>>) semaphore(%arg26 : memref<!tpu.dma_semaphore, #tpu.memory_space<semaphore_mem>>) {add = true}
      %dma_wait3A_104 = arith.constant 0 : i32
      %dma_wait3A_105 = arith.constant 0 : i32
      %dma_wait3A_106 = tpu.memref_slice %arg8[%dma_wait3A_104, %dma_wait3A_105] : memref<80x128xi32, #tpu.memory_space<vmem>> -> memref<1x128xi32, #tpu.memory_space<vmem>>
      %dma_wait3A_107 = tpu.memref_squeeze %dma_wait3A_106 : memref<1x128xi32, #tpu.memory_space<vmem>> -> memref<128xi32, #tpu.memory_space<vmem>>
      %dma_wait3A_108 = arith.constant 0 : i32
      %dma_wait3A_109 = arith.constant 0 : i32
      %dma_wait3A_110 = tpu.memref_slice %arg9[%dma_wait3A_108, %dma_wait3A_109] : memref<10240x16xf32, #tpu.memory_space<vmem_shared>> -> memref<10240x16xf32, #tpu.memory_space<vmem_shared>>
      tpu.wait_indirect_dma semaphore(%arg26 : memref<!tpu.dma_semaphore, #tpu.memory_space<semaphore_mem>>) src(%arg10 : memref<128x16xf32, #tpu.memory_space<vmem>>) dst(%dma_wait3A_110 : memref<10240x16xf32, #tpu.memory_space<vmem_shared>>)
      %dma_wait3A_111 = arith.constant 0 : i32
      %dma_wait3A_112 = arith.constant 0 : i32
      %dma_wait3A_113 = tpu.memref_slice %arg8[%dma_wait3A_111, %dma_wait3A_112] : memref<80x128xi32, #tpu.memory_space<vmem>> -> memref<1x128xi32, #tpu.memory_space<vmem>>
      %dma_wait3A_114 = tpu.memref_squeeze %dma_wait3A_113 : memref<1x128xi32, #tpu.memory_space<vmem>> -> memref<128xi32, #tpu.memory_space<vmem>>
      %dma_wait3A_115 = arith.constant 0 : i32
      %dma_wait3A_116 = arith.constant 0 : i32
      %dma_wait3A_117 = tpu.memref_slice %arg9[%dma_wait3A_115, %dma_wait3A_116] : memref<10240x16xf32, #tpu.memory_space<vmem_shared>> -> memref<10240x16xf32, #tpu.memory_space<vmem_shared>>
      tpu.wait_indirect_dma semaphore(%arg26 : memref<!tpu.dma_semaphore, #tpu.memory_space<semaphore_mem>>) src(%arg10 : memref<128x16xf32, #tpu.memory_space<vmem>>) dst(%dma_wait3A_117 : memref<10240x16xf32, #tpu.memory_space<vmem_shared>>)
      %dma_wait3A_118 = arith.constant 0 : i32
      %dma_wait3A_119 = arith.constant 0 : i32
      %dma_wait3A_120 = tpu.memref_slice %arg8[%dma_wait3A_118, %dma_wait3A_119] : memref<80x128xi32, #tpu.memory_space<vmem>> -> memref<1x128xi32, #tpu.memory_space<vmem>>
      %dma_wait3A_121 = tpu.memref_squeeze %dma_wait3A_120 : memref<1x128xi32, #tpu.memory_space<vmem>> -> memref<128xi32, #tpu.memory_space<vmem>>
      %dma_wait3A_122 = arith.constant 0 : i32
      %dma_wait3A_123 = arith.constant 0 : i32
      %dma_wait3A_124 = tpu.memref_slice %arg9[%dma_wait3A_122, %dma_wait3A_123] : memref<10240x16xf32, #tpu.memory_space<vmem_shared>> -> memref<10240x16xf32, #tpu.memory_space<vmem_shared>>
      tpu.wait_indirect_dma semaphore(%arg26 : memref<!tpu.dma_semaphore, #tpu.memory_space<semaphore_mem>>) src(%arg10 : memref<128x16xf32, #tpu.memory_space<vmem>>) dst(%dma_wait3A_124 : memref<10240x16xf32, #tpu.memory_space<vmem_shared>>)
      %dma_wait3A_125 = arith.constant 0 : i32
      %dma_wait3A_126 = arith.constant 0 : i32
      %dma_wait3A_127 = tpu.memref_slice %arg8[%dma_wait3A_125, %dma_wait3A_126] : memref<80x128xi32, #tpu.memory_space<vmem>> -> memref<1x128xi32, #tpu.memory_space<vmem>>
      %dma_wait3A_128 = tpu.memref_squeeze %dma_wait3A_127 : memref<1x128xi32, #tpu.memory_space<vmem>> -> memref<128xi32, #tpu.memory_space<vmem>>
      %dma_wait3A_129 = arith.constant 0 : i32
      %dma_wait3A_130 = arith.constant 0 : i32
      %dma_wait3A_131 = tpu.memref_slice %arg9[%dma_wait3A_129, %dma_wait3A_130] : memref<10240x16xf32, #tpu.memory_space<vmem_shared>> -> memref<10240x16xf32, #tpu.memory_space<vmem_shared>>
      tpu.wait_indirect_dma semaphore(%arg26 : memref<!tpu.dma_semaphore, #tpu.memory_space<semaphore_mem>>) src(%arg10 : memref<128x16xf32, #tpu.memory_space<vmem>>) dst(%dma_wait3A_131 : memref<10240x16xf32, #tpu.memory_space<vmem_shared>>)
      %dma_wait3A_132 = arith.constant 0 : i32
      %dma_wait3A_133 = arith.constant 0 : i32
      %dma_wait3A_134 = tpu.memref_slice %arg8[%dma_wait3A_132, %dma_wait3A_133] : memref<80x128xi32, #tpu.memory_space<vmem>> -> memref<1x128xi32, #tpu.memory_space<vmem>>
      %dma_wait3A_135 = tpu.memref_squeeze %dma_wait3A_134 : memref<1x128xi32, #tpu.memory_space<vmem>> -> memref<128xi32, #tpu.memory_space<vmem>>
      %dma_wait3A_136 = arith.constant 0 : i32
      %dma_wait3A_137 = arith.constant 0 : i32
      %dma_wait3A_138 = tpu.memref_slice %arg9[%dma_wait3A_136, %dma_wait3A_137] : memref<10240x16xf32, #tpu.memory_space<vmem_shared>> -> memref<10240x16xf32, #tpu.memory_space<vmem_shared>>
      tpu.wait_indirect_dma semaphore(%arg26 : memref<!tpu.dma_semaphore, #tpu.memory_space<semaphore_mem>>) src(%arg10 : memref<128x16xf32, #tpu.memory_space<vmem>>) dst(%dma_wait3A_138 : memref<10240x16xf32, #tpu.memory_space<vmem_shared>>)
      %dma_wait3A_139 = arith.constant 0 : i32
      %dma_wait3A_140 = arith.constant 0 : i32
      %dma_wait3A_141 = tpu.memref_slice %arg8[%dma_wait3A_139, %dma_wait3A_140] : memref<80x128xi32, #tpu.memory_space<vmem>> -> memref<1x128xi32, #tpu.memory_space<vmem>>
      %dma_wait3A_142 = tpu.memref_squeeze %dma_wait3A_141 : memref<1x128xi32, #tpu.memory_space<vmem>> -> memref<128xi32, #tpu.memory_space<vmem>>
      %dma_wait3A_143 = arith.constant 0 : i32
      %dma_wait3A_144 = arith.constant 0 : i32
      %dma_wait3A_145 = tpu.memref_slice %arg9[%dma_wait3A_143, %dma_wait3A_144] : memref<10240x16xf32, #tpu.memory_space<vmem_shared>> -> memref<10240x16xf32, #tpu.memory_space<vmem_shared>>
      tpu.wait_indirect_dma semaphore(%arg26 : memref<!tpu.dma_semaphore, #tpu.memory_space<semaphore_mem>>) src(%arg10 : memref<128x16xf32, #tpu.memory_space<vmem>>) dst(%dma_wait3A_145 : memref<10240x16xf32, #tpu.memory_space<vmem_shared>>)
      %dma_wait3A_146 = arith.constant 0 : i32
      %dma_wait3A_147 = arith.constant 0 : i32
      %dma_wait3A_148 = tpu.memref_slice %arg8[%dma_wait3A_146, %dma_wait3A_147] : memref<80x128xi32, #tpu.memory_space<vmem>> -> memref<1x128xi32, #tpu.memory_space<vmem>>
      %dma_wait3A_149 = tpu.memref_squeeze %dma_wait3A_148 : memref<1x128xi32, #tpu.memory_space<vmem>> -> memref<128xi32, #tpu.memory_space<vmem>>
      %dma_wait3A_150 = arith.constant 0 : i32
      %dma_wait3A_151 = arith.constant 0 : i32
      %dma_wait3A_152 = tpu.memref_slice %arg9[%dma_wait3A_150, %dma_wait3A_151] : memref<10240x16xf32, #tpu.memory_space<vmem_shared>> -> memref<10240x16xf32, #tpu.memory_space<vmem_shared>>
      tpu.wait_indirect_dma semaphore(%arg26 : memref<!tpu.dma_semaphore, #tpu.memory_space<semaphore_mem>>) src(%arg10 : memref<128x16xf32, #tpu.memory_space<vmem>>) dst(%dma_wait3A_152 : memref<10240x16xf32, #tpu.memory_space<vmem_shared>>)
      %dma_wait3A_153 = arith.constant 0 : i32
      %dma_wait3A_154 = arith.constant 0 : i32
      %dma_wait3A_155 = tpu.memref_slice %arg8[%dma_wait3A_153, %dma_wait3A_154] : memref<80x128xi32, #tpu.memory_space<vmem>> -> memref<1x128xi32, #tpu.memory_space<vmem>>
      %dma_wait3A_156 = tpu.memref_squeeze %dma_wait3A_155 : memref<1x128xi32, #tpu.memory_space<vmem>> -> memref<128xi32, #tpu.memory_space<vmem>>
      %dma_wait3A_157 = arith.constant 0 : i32
      %dma_wait3A_158 = arith.constant 0 : i32
      %dma_wait3A_159 = tpu.memref_slice %arg9[%dma_wait3A_157, %dma_wait3A_158] : memref<10240x16xf32, #tpu.memory_space<vmem_shared>> -> memref<10240x16xf32, #tpu.memory_space<vmem_shared>>
      tpu.wait_indirect_dma semaphore(%arg26 : memref<!tpu.dma_semaphore, #tpu.memory_space<semaphore_mem>>) src(%arg10 : memref<128x16xf32, #tpu.memory_space<vmem>>) dst(%dma_wait3A_159 : memref<10240x16xf32, #tpu.memory_space<vmem_shared>>)
    }
    %scan3A_17 = arith.constant 10 : i32
    %barrier3A_18 = arith.constant 0 : index
    tpu.barrier barrier_id(%barrier3A_18)
    %mul3A_19 = arith.constant 640 : i32
    %mul3A_20 = arith.muli %arg1, %mul3A_19 : i32
    %mul3A_21 = arith.constant 640 : i32
    %mul3A_22 = arith.muli %arg1, %mul3A_21 : i32
    "tpu.region"() ({
      %run_scoped3A = tpu.sem_alloc : memref<!tpu.dma_semaphore, #tpu.memory_space<semaphore_mem>>
      %dma_start3A_23 = arith.constant 0 : i32
      %dma_start3A_24 = tpu.memref_slice %arg6[%arg0, %mul3A_22, %dma_start3A_23] : memref<2x10240x16xf32, #tpu.memory_space<hbm>> -> memref<1x640x16xf32, #tpu.memory_space<hbm>>
      %dma_start3A_25 = tpu.memref_squeeze %dma_start3A_24 : memref<1x640x16xf32, #tpu.memory_space<hbm>> -> memref<640x16xf32, #tpu.memory_space<hbm>>
      %dma_start3A_26 = arith.constant 0 : i32
      %dma_start3A_27 = tpu.memref_slice %arg9[%mul3A_20, %dma_start3A_26] : memref<10240x16xf32, #tpu.memory_space<vmem_shared>> -> memref<640x16xf32, #tpu.memory_space<vmem_shared>>
      tpu.enqueue_dma source(%dma_start3A_27 : memref<640x16xf32, #tpu.memory_space<vmem_shared>>) target(%dma_start3A_25 : memref<640x16xf32, #tpu.memory_space<hbm>>) target_semaphore(%run_scoped3A : memref<!tpu.dma_semaphore, #tpu.memory_space<semaphore_mem>>)
      %dma_wait3A_28 = arith.constant 0 : i32
      %dma_wait3A_29 = tpu.memref_slice %arg6[%arg0, %mul3A_22, %dma_wait3A_28] : memref<2x10240x16xf32, #tpu.memory_space<hbm>> -> memref<1x640x16xf32, #tpu.memory_space<hbm>>
      %dma_wait3A_30 = tpu.memref_squeeze %dma_wait3A_29 : memref<1x640x16xf32, #tpu.memory_space<hbm>> -> memref<640x16xf32, #tpu.memory_space<hbm>>
      %dma_wait3A_31 = arith.constant 0 : i32
      %dma_wait3A_32 = tpu.memref_slice %arg9[%mul3A_20, %dma_wait3A_31] : memref<10240x16xf32, #tpu.memory_space<vmem_shared>> -> memref<640x16xf32, #tpu.memory_space<vmem_shared>>
      tpu.wait_dma2 semaphore(%run_scoped3A : memref<!tpu.dma_semaphore, #tpu.memory_space<semaphore_mem>>) src(%dma_wait3A_32 : memref<640x16xf32, #tpu.memory_space<vmem_shared>>) dst(%dma_wait3A_30 : memref<640x16xf32, #tpu.memory_space<hbm>>)
      tpu.yield
    }) : () -> ()
    return
  }
}

#map = affine_map<(d0, d1) -> (0, 0)>
#map1 = affine_map<(d0, d1) -> (0, 0, 0)>
module attributes {stable_mosaic.version = 14 : i64} {
  func.func @agg(%arg0: i32, %arg1: i32, %arg2: memref<10240x32xf32, #tpu.memory_space<hbm>>, %arg3: memref<2560x128xi32, #tpu.memory_space<hbm>>, %arg4: memref<2560x128xi32, #tpu.memory_space<hbm>>, %arg5: memref<10240x32xf32, #tpu.memory_space<hbm>>, %arg6: memref<2x10240x32xf32, #tpu.memory_space<hbm>>, %arg7: memref<80x128xi32, #tpu.memory_space<vmem>>, %arg8: memref<80x128xi32, #tpu.memory_space<vmem>>, %arg9: memref<10240x32xf32, #tpu.memory_space<vmem_shared>>, %arg10: memref<128x32xf32, #tpu.memory_space<vmem>>, %arg11: memref<128x32xf32, #tpu.memory_space<vmem>>, %arg12: memref<128x32xf32, #tpu.memory_space<vmem>>, %arg13: memref<128x32xf32, #tpu.memory_space<vmem>>, %arg14: memref<128x32xf32, #tpu.memory_space<vmem>>, %arg15: memref<128x32xf32, #tpu.memory_space<vmem>>, %arg16: memref<128x32xf32, #tpu.memory_space<vmem>>, %arg17: memref<128x32xf32, #tpu.memory_space<vmem>>, %arg18: memref<!tpu.dma_semaphore, #tpu.memory_space<semaphore_mem>>, %arg19: memref<!tpu.dma_semaphore, #tpu.memory_space<semaphore_mem>>, %arg20: memref<!tpu.dma_semaphore, #tpu.memory_space<semaphore_mem>>, %arg21: memref<!tpu.dma_semaphore, #tpu.memory_space<semaphore_mem>>, %arg22: memref<!tpu.dma_semaphore, #tpu.memory_space<semaphore_mem>>, %arg23: memref<!tpu.dma_semaphore, #tpu.memory_space<semaphore_mem>>, %arg24: memref<!tpu.dma_semaphore, #tpu.memory_space<semaphore_mem>>, %arg25: memref<!tpu.dma_semaphore, #tpu.memory_space<semaphore_mem>>, %arg26: memref<!tpu.dma_semaphore, #tpu.memory_space<semaphore_mem>>, %arg27: memref<!tpu.dma_semaphore, #tpu.memory_space<semaphore_mem>>, %arg28: memref<!tpu.dma_semaphore, #tpu.memory_space<semaphore_mem>>, %arg29: memref<!tpu.dma_semaphore, #tpu.memory_space<semaphore_mem>>, %arg30: memref<!tpu.dma_semaphore, #tpu.memory_space<semaphore_mem>>, %arg31: memref<!tpu.dma_semaphore, #tpu.memory_space<semaphore_mem>>, %arg32: memref<!tpu.dma_semaphore, #tpu.memory_space<semaphore_mem>>, %arg33: memref<!tpu.dma_semaphore, #tpu.memory_space<semaphore_mem>>, %arg34: memref<!tpu.dma_semaphore, #tpu.memory_space<semaphore_mem>>) attributes {dimension_semantics = [#tpu.dimension_semantics<core_parallel>, #tpu.dimension_semantics<subcore_parallel>], iteration_bounds = array<i64: 2, 16>, scalar_prefetch = 0 : i64, scratch_operands = 28 : i64, tpu.core_type = #tpu.core_type<sc_vector_subcore>, window_params = [{transform_indices = #map}, {transform_indices = #map}, {transform_indices = #map}, {transform_indices = #map}, {transform_indices = #map1}]} {
    %mul3A = arith.constant 16 : i32
    %mul3A_0 = arith.muli %arg0, %mul3A : i32
    %add3A = arith.addi %mul3A_0, %arg1 : i32
    %mul3A_1 = arith.constant 80 : i32
    %mul3A_2 = arith.muli %add3A, %mul3A_1 : i32
    %dma_start3A = arith.constant 0 : i32
    %dma_start3A_3 = tpu.memref_slice %arg4[%mul3A_2, %dma_start3A] : memref<2560x128xi32, #tpu.memory_space<hbm>> -> memref<80x128xi32, #tpu.memory_space<hbm>>
    %dma_start3A_4 = arith.constant 0 : i32
    %dma_start3A_5 = tpu.memref_slice %arg4[%mul3A_2, %dma_start3A_4] : memref<2560x128xi32, #tpu.memory_space<hbm>> -> memref<80x128xi32, #tpu.memory_space<hbm>>
    tpu.enqueue_dma source(%dma_start3A_5 : memref<80x128xi32, #tpu.memory_space<hbm>>) target(%arg8 : memref<80x128xi32, #tpu.memory_space<vmem>>) target_semaphore(%arg34 : memref<!tpu.dma_semaphore, #tpu.memory_space<semaphore_mem>>)
    %dma_start3A_6 = arith.constant 0 : i32
    %dma_start3A_7 = tpu.memref_slice %arg3[%mul3A_2, %dma_start3A_6] : memref<2560x128xi32, #tpu.memory_space<hbm>> -> memref<80x128xi32, #tpu.memory_space<hbm>>
    %dma_start3A_8 = arith.constant 0 : i32
    %dma_start3A_9 = tpu.memref_slice %arg3[%mul3A_2, %dma_start3A_8] : memref<2560x128xi32, #tpu.memory_space<hbm>> -> memref<80x128xi32, #tpu.memory_space<hbm>>
    tpu.enqueue_dma source(%dma_start3A_9 : memref<80x128xi32, #tpu.memory_space<hbm>>) target(%arg7 : memref<80x128xi32, #tpu.memory_space<vmem>>) target_semaphore(%arg34 : memref<!tpu.dma_semaphore, #tpu.memory_space<semaphore_mem>>)
    %mul3A_10 = arith.constant 640 : i32
    %mul3A_11 = arith.muli %arg1, %mul3A_10 : i32
    %mul3A_12 = arith.constant 640 : i32
    %mul3A_13 = arith.muli %arg1, %mul3A_12 : i32
    "tpu.region"() ({
      %run_scoped3A = tpu.sem_alloc : memref<!tpu.dma_semaphore, #tpu.memory_space<semaphore_mem>>
      %dma_start3A_255 = arith.constant 0 : i32
      %dma_start3A_256 = tpu.memref_slice %arg9[%mul3A_13, %dma_start3A_255] : memref<10240x32xf32, #tpu.memory_space<vmem_shared>> -> memref<640x32xf32, #tpu.memory_space<vmem_shared>>
      %dma_start3A_257 = arith.constant 0 : i32
      %dma_start3A_258 = tpu.memref_slice %arg5[%mul3A_11, %dma_start3A_257] : memref<10240x32xf32, #tpu.memory_space<hbm>> -> memref<640x32xf32, #tpu.memory_space<hbm>>
      tpu.enqueue_dma source(%dma_start3A_258 : memref<640x32xf32, #tpu.memory_space<hbm>>) target(%dma_start3A_256 : memref<640x32xf32, #tpu.memory_space<vmem_shared>>) target_semaphore(%run_scoped3A : memref<!tpu.dma_semaphore, #tpu.memory_space<semaphore_mem>>)
      %dma_wait3A_259 = arith.constant 0 : i32
      %dma_wait3A_260 = tpu.memref_slice %arg9[%mul3A_13, %dma_wait3A_259] : memref<10240x32xf32, #tpu.memory_space<vmem_shared>> -> memref<640x32xf32, #tpu.memory_space<vmem_shared>>
      %dma_wait3A_261 = arith.constant 0 : i32
      %dma_wait3A_262 = tpu.memref_slice %arg5[%mul3A_11, %dma_wait3A_261] : memref<10240x32xf32, #tpu.memory_space<hbm>> -> memref<640x32xf32, #tpu.memory_space<hbm>>
      tpu.wait_dma2 semaphore(%run_scoped3A : memref<!tpu.dma_semaphore, #tpu.memory_space<semaphore_mem>>) src(%dma_wait3A_262 : memref<640x32xf32, #tpu.memory_space<hbm>>) dst(%dma_wait3A_260 : memref<640x32xf32, #tpu.memory_space<vmem_shared>>)
      tpu.yield
    }) : () -> ()
    %dma_wait3A = arith.constant 0 : i32
    %dma_wait3A_14 = tpu.memref_slice %arg4[%mul3A_2, %dma_wait3A] : memref<2560x128xi32, #tpu.memory_space<hbm>> -> memref<80x128xi32, #tpu.memory_space<hbm>>
    %dma_wait3A_15 = arith.constant 0 : i32
    %dma_wait3A_16 = tpu.memref_slice %arg4[%mul3A_2, %dma_wait3A_15] : memref<2560x128xi32, #tpu.memory_space<hbm>> -> memref<80x128xi32, #tpu.memory_space<hbm>>
    tpu.wait_dma2 semaphore(%arg34 : memref<!tpu.dma_semaphore, #tpu.memory_space<semaphore_mem>>) src(%dma_wait3A_16 : memref<80x128xi32, #tpu.memory_space<hbm>>) dst(%arg8 : memref<80x128xi32, #tpu.memory_space<vmem>>)
    %dma_wait3A_17 = arith.constant 0 : i32
    %dma_wait3A_18 = tpu.memref_slice %arg3[%mul3A_2, %dma_wait3A_17] : memref<2560x128xi32, #tpu.memory_space<hbm>> -> memref<80x128xi32, #tpu.memory_space<hbm>>
    %dma_wait3A_19 = arith.constant 0 : i32
    %dma_wait3A_20 = tpu.memref_slice %arg3[%mul3A_2, %dma_wait3A_19] : memref<2560x128xi32, #tpu.memory_space<hbm>> -> memref<80x128xi32, #tpu.memory_space<hbm>>
    tpu.wait_dma2 semaphore(%arg34 : memref<!tpu.dma_semaphore, #tpu.memory_space<semaphore_mem>>) src(%dma_wait3A_20 : memref<80x128xi32, #tpu.memory_space<hbm>>) dst(%arg7 : memref<80x128xi32, #tpu.memory_space<vmem>>)
    %barrier3A = arith.constant 0 : index
    tpu.barrier barrier_id(%barrier3A)
    %dma_start3A_21 = arith.constant 0 : i32
    %dma_start3A_22 = arith.constant 0 : i32
    %dma_start3A_23 = tpu.memref_slice %arg7[%dma_start3A_21, %dma_start3A_22] : memref<80x128xi32, #tpu.memory_space<vmem>> -> memref<1x128xi32, #tpu.memory_space<vmem>>
    %dma_start3A_24 = tpu.memref_squeeze %dma_start3A_23 : memref<1x128xi32, #tpu.memory_space<vmem>> -> memref<128xi32, #tpu.memory_space<vmem>>
    %dma_start3A_25 = arith.constant 0 : i32
    %dma_start3A_26 = arith.constant 0 : i32
    %dma_start3A_27 = tpu.memref_slice %arg2[%dma_start3A_25, %dma_start3A_26] : memref<10240x32xf32, #tpu.memory_space<hbm>> -> memref<10240x32xf32, #tpu.memory_space<hbm>>
    tpu.enqueue_indirect_dma source(%dma_start3A_27 : memref<10240x32xf32, #tpu.memory_space<hbm>>) target(%arg10 : memref<128x32xf32, #tpu.memory_space<vmem>>) offsets(%dma_start3A_24 : memref<128xi32, #tpu.memory_space<vmem>>) semaphore(%arg18 : memref<!tpu.dma_semaphore, #tpu.memory_space<semaphore_mem>>)
    %dma_start3A_28 = arith.constant 1 : i32
    %dma_start3A_29 = arith.constant 0 : i32
    %dma_start3A_30 = tpu.memref_slice %arg7[%dma_start3A_28, %dma_start3A_29] : memref<80x128xi32, #tpu.memory_space<vmem>> -> memref<1x128xi32, #tpu.memory_space<vmem>>
    %dma_start3A_31 = tpu.memref_squeeze %dma_start3A_30 : memref<1x128xi32, #tpu.memory_space<vmem>> -> memref<128xi32, #tpu.memory_space<vmem>>
    %dma_start3A_32 = arith.constant 0 : i32
    %dma_start3A_33 = arith.constant 0 : i32
    %dma_start3A_34 = tpu.memref_slice %arg2[%dma_start3A_32, %dma_start3A_33] : memref<10240x32xf32, #tpu.memory_space<hbm>> -> memref<10240x32xf32, #tpu.memory_space<hbm>>
    tpu.enqueue_indirect_dma source(%dma_start3A_34 : memref<10240x32xf32, #tpu.memory_space<hbm>>) target(%arg11 : memref<128x32xf32, #tpu.memory_space<vmem>>) offsets(%dma_start3A_31 : memref<128xi32, #tpu.memory_space<vmem>>) semaphore(%arg19 : memref<!tpu.dma_semaphore, #tpu.memory_space<semaphore_mem>>)
    %dma_start3A_35 = arith.constant 2 : i32
    %dma_start3A_36 = arith.constant 0 : i32
    %dma_start3A_37 = tpu.memref_slice %arg7[%dma_start3A_35, %dma_start3A_36] : memref<80x128xi32, #tpu.memory_space<vmem>> -> memref<1x128xi32, #tpu.memory_space<vmem>>
    %dma_start3A_38 = tpu.memref_squeeze %dma_start3A_37 : memref<1x128xi32, #tpu.memory_space<vmem>> -> memref<128xi32, #tpu.memory_space<vmem>>
    %dma_start3A_39 = arith.constant 0 : i32
    %dma_start3A_40 = arith.constant 0 : i32
    %dma_start3A_41 = tpu.memref_slice %arg2[%dma_start3A_39, %dma_start3A_40] : memref<10240x32xf32, #tpu.memory_space<hbm>> -> memref<10240x32xf32, #tpu.memory_space<hbm>>
    tpu.enqueue_indirect_dma source(%dma_start3A_41 : memref<10240x32xf32, #tpu.memory_space<hbm>>) target(%arg12 : memref<128x32xf32, #tpu.memory_space<vmem>>) offsets(%dma_start3A_38 : memref<128xi32, #tpu.memory_space<vmem>>) semaphore(%arg20 : memref<!tpu.dma_semaphore, #tpu.memory_space<semaphore_mem>>)
    %dma_start3A_42 = arith.constant 3 : i32
    %dma_start3A_43 = arith.constant 0 : i32
    %dma_start3A_44 = tpu.memref_slice %arg7[%dma_start3A_42, %dma_start3A_43] : memref<80x128xi32, #tpu.memory_space<vmem>> -> memref<1x128xi32, #tpu.memory_space<vmem>>
    %dma_start3A_45 = tpu.memref_squeeze %dma_start3A_44 : memref<1x128xi32, #tpu.memory_space<vmem>> -> memref<128xi32, #tpu.memory_space<vmem>>
    %dma_start3A_46 = arith.constant 0 : i32
    %dma_start3A_47 = arith.constant 0 : i32
    %dma_start3A_48 = tpu.memref_slice %arg2[%dma_start3A_46, %dma_start3A_47] : memref<10240x32xf32, #tpu.memory_space<hbm>> -> memref<10240x32xf32, #tpu.memory_space<hbm>>
    tpu.enqueue_indirect_dma source(%dma_start3A_48 : memref<10240x32xf32, #tpu.memory_space<hbm>>) target(%arg13 : memref<128x32xf32, #tpu.memory_space<vmem>>) offsets(%dma_start3A_45 : memref<128xi32, #tpu.memory_space<vmem>>) semaphore(%arg21 : memref<!tpu.dma_semaphore, #tpu.memory_space<semaphore_mem>>)
    %dma_start3A_49 = arith.constant 4 : i32
    %dma_start3A_50 = arith.constant 0 : i32
    %dma_start3A_51 = tpu.memref_slice %arg7[%dma_start3A_49, %dma_start3A_50] : memref<80x128xi32, #tpu.memory_space<vmem>> -> memref<1x128xi32, #tpu.memory_space<vmem>>
    %dma_start3A_52 = tpu.memref_squeeze %dma_start3A_51 : memref<1x128xi32, #tpu.memory_space<vmem>> -> memref<128xi32, #tpu.memory_space<vmem>>
    %dma_start3A_53 = arith.constant 0 : i32
    %dma_start3A_54 = arith.constant 0 : i32
    %dma_start3A_55 = tpu.memref_slice %arg2[%dma_start3A_53, %dma_start3A_54] : memref<10240x32xf32, #tpu.memory_space<hbm>> -> memref<10240x32xf32, #tpu.memory_space<hbm>>
    tpu.enqueue_indirect_dma source(%dma_start3A_55 : memref<10240x32xf32, #tpu.memory_space<hbm>>) target(%arg14 : memref<128x32xf32, #tpu.memory_space<vmem>>) offsets(%dma_start3A_52 : memref<128xi32, #tpu.memory_space<vmem>>) semaphore(%arg22 : memref<!tpu.dma_semaphore, #tpu.memory_space<semaphore_mem>>)
    %dma_start3A_56 = arith.constant 5 : i32
    %dma_start3A_57 = arith.constant 0 : i32
    %dma_start3A_58 = tpu.memref_slice %arg7[%dma_start3A_56, %dma_start3A_57] : memref<80x128xi32, #tpu.memory_space<vmem>> -> memref<1x128xi32, #tpu.memory_space<vmem>>
    %dma_start3A_59 = tpu.memref_squeeze %dma_start3A_58 : memref<1x128xi32, #tpu.memory_space<vmem>> -> memref<128xi32, #tpu.memory_space<vmem>>
    %dma_start3A_60 = arith.constant 0 : i32
    %dma_start3A_61 = arith.constant 0 : i32
    %dma_start3A_62 = tpu.memref_slice %arg2[%dma_start3A_60, %dma_start3A_61] : memref<10240x32xf32, #tpu.memory_space<hbm>> -> memref<10240x32xf32, #tpu.memory_space<hbm>>
    tpu.enqueue_indirect_dma source(%dma_start3A_62 : memref<10240x32xf32, #tpu.memory_space<hbm>>) target(%arg15 : memref<128x32xf32, #tpu.memory_space<vmem>>) offsets(%dma_start3A_59 : memref<128xi32, #tpu.memory_space<vmem>>) semaphore(%arg23 : memref<!tpu.dma_semaphore, #tpu.memory_space<semaphore_mem>>)
    %dma_start3A_63 = arith.constant 6 : i32
    %dma_start3A_64 = arith.constant 0 : i32
    %dma_start3A_65 = tpu.memref_slice %arg7[%dma_start3A_63, %dma_start3A_64] : memref<80x128xi32, #tpu.memory_space<vmem>> -> memref<1x128xi32, #tpu.memory_space<vmem>>
    %dma_start3A_66 = tpu.memref_squeeze %dma_start3A_65 : memref<1x128xi32, #tpu.memory_space<vmem>> -> memref<128xi32, #tpu.memory_space<vmem>>
    %dma_start3A_67 = arith.constant 0 : i32
    %dma_start3A_68 = arith.constant 0 : i32
    %dma_start3A_69 = tpu.memref_slice %arg2[%dma_start3A_67, %dma_start3A_68] : memref<10240x32xf32, #tpu.memory_space<hbm>> -> memref<10240x32xf32, #tpu.memory_space<hbm>>
    tpu.enqueue_indirect_dma source(%dma_start3A_69 : memref<10240x32xf32, #tpu.memory_space<hbm>>) target(%arg16 : memref<128x32xf32, #tpu.memory_space<vmem>>) offsets(%dma_start3A_66 : memref<128xi32, #tpu.memory_space<vmem>>) semaphore(%arg24 : memref<!tpu.dma_semaphore, #tpu.memory_space<semaphore_mem>>)
    %dma_start3A_70 = arith.constant 7 : i32
    %dma_start3A_71 = arith.constant 0 : i32
    %dma_start3A_72 = tpu.memref_slice %arg7[%dma_start3A_70, %dma_start3A_71] : memref<80x128xi32, #tpu.memory_space<vmem>> -> memref<1x128xi32, #tpu.memory_space<vmem>>
    %dma_start3A_73 = tpu.memref_squeeze %dma_start3A_72 : memref<1x128xi32, #tpu.memory_space<vmem>> -> memref<128xi32, #tpu.memory_space<vmem>>
    %dma_start3A_74 = arith.constant 0 : i32
    %dma_start3A_75 = arith.constant 0 : i32
    %dma_start3A_76 = tpu.memref_slice %arg2[%dma_start3A_74, %dma_start3A_75] : memref<10240x32xf32, #tpu.memory_space<hbm>> -> memref<10240x32xf32, #tpu.memory_space<hbm>>
    tpu.enqueue_indirect_dma source(%dma_start3A_76 : memref<10240x32xf32, #tpu.memory_space<hbm>>) target(%arg17 : memref<128x32xf32, #tpu.memory_space<vmem>>) offsets(%dma_start3A_73 : memref<128xi32, #tpu.memory_space<vmem>>) semaphore(%arg25 : memref<!tpu.dma_semaphore, #tpu.memory_space<semaphore_mem>>)
    %scan3A = arith.constant 0 : i32
    %scan3A_77 = arith.constant 0 : i32
    %scan3A_78 = arith.constant 9 : i32
    %scan3A_79 = arith.addi %scan3A_77, %scan3A_78 : i32
    %scan3A_80 = arith.constant 1 : i32
    scf.for %scan3A_255 = %scan3A_77 to %scan3A_79 step %scan3A_80  : i32 {
      %mul3A_256 = arith.constant 8 : i32
      %mul3A_257 = arith.muli %scan3A_255, %mul3A_256 : i32
      %add3A_258 = arith.constant 0 : i32
      %add3A_259 = arith.addi %mul3A_257, %add3A_258 : i32
      %dma_wait3A_260 = arith.constant 0 : i32
      %dma_wait3A_261 = arith.constant 0 : i32
      %dma_wait3A_262 = tpu.memref_slice %arg7[%dma_wait3A_260, %dma_wait3A_261] : memref<80x128xi32, #tpu.memory_space<vmem>> -> memref<1x128xi32, #tpu.memory_space<vmem>>
      %dma_wait3A_263 = tpu.memref_squeeze %dma_wait3A_262 : memref<1x128xi32, #tpu.memory_space<vmem>> -> memref<128xi32, #tpu.memory_space<vmem>>
      %dma_wait3A_264 = arith.constant 0 : i32
      %dma_wait3A_265 = arith.constant 0 : i32
      %dma_wait3A_266 = tpu.memref_slice %arg2[%dma_wait3A_264, %dma_wait3A_265] : memref<10240x32xf32, #tpu.memory_space<hbm>> -> memref<10240x32xf32, #tpu.memory_space<hbm>>
      tpu.wait_indirect_dma semaphore(%arg18 : memref<!tpu.dma_semaphore, #tpu.memory_space<semaphore_mem>>) src(%dma_wait3A_266 : memref<10240x32xf32, #tpu.memory_space<hbm>>) dst(%arg10 : memref<128x32xf32, #tpu.memory_space<vmem>>)
      %dma_start3A_267 = arith.constant 0 : i32
      %dma_start3A_268 = tpu.memref_slice %arg8[%add3A_259, %dma_start3A_267] : memref<80x128xi32, #tpu.memory_space<vmem>> -> memref<1x128xi32, #tpu.memory_space<vmem>>
      %dma_start3A_269 = tpu.memref_squeeze %dma_start3A_268 : memref<1x128xi32, #tpu.memory_space<vmem>> -> memref<128xi32, #tpu.memory_space<vmem>>
      %dma_start3A_270 = arith.constant 0 : i32
      %dma_start3A_271 = arith.constant 0 : i32
      %dma_start3A_272 = tpu.memref_slice %arg9[%dma_start3A_270, %dma_start3A_271] : memref<10240x32xf32, #tpu.memory_space<vmem_shared>> -> memref<10240x32xf32, #tpu.memory_space<vmem_shared>>
      tpu.enqueue_indirect_dma source(%arg10 : memref<128x32xf32, #tpu.memory_space<vmem>>) target(%dma_start3A_272 : memref<10240x32xf32, #tpu.memory_space<vmem_shared>>) offsets(%dma_start3A_269 : memref<128xi32, #tpu.memory_space<vmem>>) semaphore(%arg26 : memref<!tpu.dma_semaphore, #tpu.memory_space<semaphore_mem>>) {add = true}
      %dma_wait3A_273 = arith.constant 0 : i32
      %dma_wait3A_274 = arith.constant 0 : i32
      %dma_wait3A_275 = tpu.memref_slice %arg8[%dma_wait3A_273, %dma_wait3A_274] : memref<80x128xi32, #tpu.memory_space<vmem>> -> memref<1x128xi32, #tpu.memory_space<vmem>>
      %dma_wait3A_276 = tpu.memref_squeeze %dma_wait3A_275 : memref<1x128xi32, #tpu.memory_space<vmem>> -> memref<128xi32, #tpu.memory_space<vmem>>
      %dma_wait3A_277 = arith.constant 0 : i32
      %dma_wait3A_278 = arith.constant 0 : i32
      %dma_wait3A_279 = tpu.memref_slice %arg9[%dma_wait3A_277, %dma_wait3A_278] : memref<10240x32xf32, #tpu.memory_space<vmem_shared>> -> memref<10240x32xf32, #tpu.memory_space<vmem_shared>>
      tpu.wait_indirect_dma semaphore(%arg26 : memref<!tpu.dma_semaphore, #tpu.memory_space<semaphore_mem>>) src(%arg10 : memref<128x32xf32, #tpu.memory_space<vmem>>) dst(%dma_wait3A_279 : memref<10240x32xf32, #tpu.memory_space<vmem_shared>>)
      %add3A_280 = arith.constant 8 : i32
      %add3A_281 = arith.addi %add3A_259, %add3A_280 : i32
      %dma_start3A_282 = arith.constant 0 : i32
      %dma_start3A_283 = tpu.memref_slice %arg7[%add3A_281, %dma_start3A_282] : memref<80x128xi32, #tpu.memory_space<vmem>> -> memref<1x128xi32, #tpu.memory_space<vmem>>
      %dma_start3A_284 = tpu.memref_squeeze %dma_start3A_283 : memref<1x128xi32, #tpu.memory_space<vmem>> -> memref<128xi32, #tpu.memory_space<vmem>>
      %dma_start3A_285 = arith.constant 0 : i32
      %dma_start3A_286 = arith.constant 0 : i32
      %dma_start3A_287 = tpu.memref_slice %arg2[%dma_start3A_285, %dma_start3A_286] : memref<10240x32xf32, #tpu.memory_space<hbm>> -> memref<10240x32xf32, #tpu.memory_space<hbm>>
      tpu.enqueue_indirect_dma source(%dma_start3A_287 : memref<10240x32xf32, #tpu.memory_space<hbm>>) target(%arg10 : memref<128x32xf32, #tpu.memory_space<vmem>>) offsets(%dma_start3A_284 : memref<128xi32, #tpu.memory_space<vmem>>) semaphore(%arg18 : memref<!tpu.dma_semaphore, #tpu.memory_space<semaphore_mem>>)
      %mul3A_288 = arith.constant 8 : i32
      %mul3A_289 = arith.muli %scan3A_255, %mul3A_288 : i32
      %add3A_290 = arith.constant 1 : i32
      %add3A_291 = arith.addi %mul3A_289, %add3A_290 : i32
      %dma_wait3A_292 = arith.constant 0 : i32
      %dma_wait3A_293 = arith.constant 0 : i32
      %dma_wait3A_294 = tpu.memref_slice %arg7[%dma_wait3A_292, %dma_wait3A_293] : memref<80x128xi32, #tpu.memory_space<vmem>> -> memref<1x128xi32, #tpu.memory_space<vmem>>
      %dma_wait3A_295 = tpu.memref_squeeze %dma_wait3A_294 : memref<1x128xi32, #tpu.memory_space<vmem>> -> memref<128xi32, #tpu.memory_space<vmem>>
      %dma_wait3A_296 = arith.constant 0 : i32
      %dma_wait3A_297 = arith.constant 0 : i32
      %dma_wait3A_298 = tpu.memref_slice %arg2[%dma_wait3A_296, %dma_wait3A_297] : memref<10240x32xf32, #tpu.memory_space<hbm>> -> memref<10240x32xf32, #tpu.memory_space<hbm>>
      tpu.wait_indirect_dma semaphore(%arg19 : memref<!tpu.dma_semaphore, #tpu.memory_space<semaphore_mem>>) src(%dma_wait3A_298 : memref<10240x32xf32, #tpu.memory_space<hbm>>) dst(%arg11 : memref<128x32xf32, #tpu.memory_space<vmem>>)
      %dma_start3A_299 = arith.constant 0 : i32
      %dma_start3A_300 = tpu.memref_slice %arg8[%add3A_291, %dma_start3A_299] : memref<80x128xi32, #tpu.memory_space<vmem>> -> memref<1x128xi32, #tpu.memory_space<vmem>>
      %dma_start3A_301 = tpu.memref_squeeze %dma_start3A_300 : memref<1x128xi32, #tpu.memory_space<vmem>> -> memref<128xi32, #tpu.memory_space<vmem>>
      %dma_start3A_302 = arith.constant 0 : i32
      %dma_start3A_303 = arith.constant 0 : i32
      %dma_start3A_304 = tpu.memref_slice %arg9[%dma_start3A_302, %dma_start3A_303] : memref<10240x32xf32, #tpu.memory_space<vmem_shared>> -> memref<10240x32xf32, #tpu.memory_space<vmem_shared>>
      tpu.enqueue_indirect_dma source(%arg11 : memref<128x32xf32, #tpu.memory_space<vmem>>) target(%dma_start3A_304 : memref<10240x32xf32, #tpu.memory_space<vmem_shared>>) offsets(%dma_start3A_301 : memref<128xi32, #tpu.memory_space<vmem>>) semaphore(%arg27 : memref<!tpu.dma_semaphore, #tpu.memory_space<semaphore_mem>>) {add = true}
      %dma_wait3A_305 = arith.constant 0 : i32
      %dma_wait3A_306 = arith.constant 0 : i32
      %dma_wait3A_307 = tpu.memref_slice %arg8[%dma_wait3A_305, %dma_wait3A_306] : memref<80x128xi32, #tpu.memory_space<vmem>> -> memref<1x128xi32, #tpu.memory_space<vmem>>
      %dma_wait3A_308 = tpu.memref_squeeze %dma_wait3A_307 : memref<1x128xi32, #tpu.memory_space<vmem>> -> memref<128xi32, #tpu.memory_space<vmem>>
      %dma_wait3A_309 = arith.constant 0 : i32
      %dma_wait3A_310 = arith.constant 0 : i32
      %dma_wait3A_311 = tpu.memref_slice %arg9[%dma_wait3A_309, %dma_wait3A_310] : memref<10240x32xf32, #tpu.memory_space<vmem_shared>> -> memref<10240x32xf32, #tpu.memory_space<vmem_shared>>
      tpu.wait_indirect_dma semaphore(%arg27 : memref<!tpu.dma_semaphore, #tpu.memory_space<semaphore_mem>>) src(%arg11 : memref<128x32xf32, #tpu.memory_space<vmem>>) dst(%dma_wait3A_311 : memref<10240x32xf32, #tpu.memory_space<vmem_shared>>)
      %add3A_312 = arith.constant 8 : i32
      %add3A_313 = arith.addi %add3A_291, %add3A_312 : i32
      %dma_start3A_314 = arith.constant 0 : i32
      %dma_start3A_315 = tpu.memref_slice %arg7[%add3A_313, %dma_start3A_314] : memref<80x128xi32, #tpu.memory_space<vmem>> -> memref<1x128xi32, #tpu.memory_space<vmem>>
      %dma_start3A_316 = tpu.memref_squeeze %dma_start3A_315 : memref<1x128xi32, #tpu.memory_space<vmem>> -> memref<128xi32, #tpu.memory_space<vmem>>
      %dma_start3A_317 = arith.constant 0 : i32
      %dma_start3A_318 = arith.constant 0 : i32
      %dma_start3A_319 = tpu.memref_slice %arg2[%dma_start3A_317, %dma_start3A_318] : memref<10240x32xf32, #tpu.memory_space<hbm>> -> memref<10240x32xf32, #tpu.memory_space<hbm>>
      tpu.enqueue_indirect_dma source(%dma_start3A_319 : memref<10240x32xf32, #tpu.memory_space<hbm>>) target(%arg11 : memref<128x32xf32, #tpu.memory_space<vmem>>) offsets(%dma_start3A_316 : memref<128xi32, #tpu.memory_space<vmem>>) semaphore(%arg19 : memref<!tpu.dma_semaphore, #tpu.memory_space<semaphore_mem>>)
      %mul3A_320 = arith.constant 8 : i32
      %mul3A_321 = arith.muli %scan3A_255, %mul3A_320 : i32
      %add3A_322 = arith.constant 2 : i32
      %add3A_323 = arith.addi %mul3A_321, %add3A_322 : i32
      %dma_wait3A_324 = arith.constant 0 : i32
      %dma_wait3A_325 = arith.constant 0 : i32
      %dma_wait3A_326 = tpu.memref_slice %arg7[%dma_wait3A_324, %dma_wait3A_325] : memref<80x128xi32, #tpu.memory_space<vmem>> -> memref<1x128xi32, #tpu.memory_space<vmem>>
      %dma_wait3A_327 = tpu.memref_squeeze %dma_wait3A_326 : memref<1x128xi32, #tpu.memory_space<vmem>> -> memref<128xi32, #tpu.memory_space<vmem>>
      %dma_wait3A_328 = arith.constant 0 : i32
      %dma_wait3A_329 = arith.constant 0 : i32
      %dma_wait3A_330 = tpu.memref_slice %arg2[%dma_wait3A_328, %dma_wait3A_329] : memref<10240x32xf32, #tpu.memory_space<hbm>> -> memref<10240x32xf32, #tpu.memory_space<hbm>>
      tpu.wait_indirect_dma semaphore(%arg20 : memref<!tpu.dma_semaphore, #tpu.memory_space<semaphore_mem>>) src(%dma_wait3A_330 : memref<10240x32xf32, #tpu.memory_space<hbm>>) dst(%arg12 : memref<128x32xf32, #tpu.memory_space<vmem>>)
      %dma_start3A_331 = arith.constant 0 : i32
      %dma_start3A_332 = tpu.memref_slice %arg8[%add3A_323, %dma_start3A_331] : memref<80x128xi32, #tpu.memory_space<vmem>> -> memref<1x128xi32, #tpu.memory_space<vmem>>
      %dma_start3A_333 = tpu.memref_squeeze %dma_start3A_332 : memref<1x128xi32, #tpu.memory_space<vmem>> -> memref<128xi32, #tpu.memory_space<vmem>>
      %dma_start3A_334 = arith.constant 0 : i32
      %dma_start3A_335 = arith.constant 0 : i32
      %dma_start3A_336 = tpu.memref_slice %arg9[%dma_start3A_334, %dma_start3A_335] : memref<10240x32xf32, #tpu.memory_space<vmem_shared>> -> memref<10240x32xf32, #tpu.memory_space<vmem_shared>>
      tpu.enqueue_indirect_dma source(%arg12 : memref<128x32xf32, #tpu.memory_space<vmem>>) target(%dma_start3A_336 : memref<10240x32xf32, #tpu.memory_space<vmem_shared>>) offsets(%dma_start3A_333 : memref<128xi32, #tpu.memory_space<vmem>>) semaphore(%arg28 : memref<!tpu.dma_semaphore, #tpu.memory_space<semaphore_mem>>) {add = true}
      %dma_wait3A_337 = arith.constant 0 : i32
      %dma_wait3A_338 = arith.constant 0 : i32
      %dma_wait3A_339 = tpu.memref_slice %arg8[%dma_wait3A_337, %dma_wait3A_338] : memref<80x128xi32, #tpu.memory_space<vmem>> -> memref<1x128xi32, #tpu.memory_space<vmem>>
      %dma_wait3A_340 = tpu.memref_squeeze %dma_wait3A_339 : memref<1x128xi32, #tpu.memory_space<vmem>> -> memref<128xi32, #tpu.memory_space<vmem>>
      %dma_wait3A_341 = arith.constant 0 : i32
      %dma_wait3A_342 = arith.constant 0 : i32
      %dma_wait3A_343 = tpu.memref_slice %arg9[%dma_wait3A_341, %dma_wait3A_342] : memref<10240x32xf32, #tpu.memory_space<vmem_shared>> -> memref<10240x32xf32, #tpu.memory_space<vmem_shared>>
      tpu.wait_indirect_dma semaphore(%arg28 : memref<!tpu.dma_semaphore, #tpu.memory_space<semaphore_mem>>) src(%arg12 : memref<128x32xf32, #tpu.memory_space<vmem>>) dst(%dma_wait3A_343 : memref<10240x32xf32, #tpu.memory_space<vmem_shared>>)
      %add3A_344 = arith.constant 8 : i32
      %add3A_345 = arith.addi %add3A_323, %add3A_344 : i32
      %dma_start3A_346 = arith.constant 0 : i32
      %dma_start3A_347 = tpu.memref_slice %arg7[%add3A_345, %dma_start3A_346] : memref<80x128xi32, #tpu.memory_space<vmem>> -> memref<1x128xi32, #tpu.memory_space<vmem>>
      %dma_start3A_348 = tpu.memref_squeeze %dma_start3A_347 : memref<1x128xi32, #tpu.memory_space<vmem>> -> memref<128xi32, #tpu.memory_space<vmem>>
      %dma_start3A_349 = arith.constant 0 : i32
      %dma_start3A_350 = arith.constant 0 : i32
      %dma_start3A_351 = tpu.memref_slice %arg2[%dma_start3A_349, %dma_start3A_350] : memref<10240x32xf32, #tpu.memory_space<hbm>> -> memref<10240x32xf32, #tpu.memory_space<hbm>>
      tpu.enqueue_indirect_dma source(%dma_start3A_351 : memref<10240x32xf32, #tpu.memory_space<hbm>>) target(%arg12 : memref<128x32xf32, #tpu.memory_space<vmem>>) offsets(%dma_start3A_348 : memref<128xi32, #tpu.memory_space<vmem>>) semaphore(%arg20 : memref<!tpu.dma_semaphore, #tpu.memory_space<semaphore_mem>>)
      %mul3A_352 = arith.constant 8 : i32
      %mul3A_353 = arith.muli %scan3A_255, %mul3A_352 : i32
      %add3A_354 = arith.constant 3 : i32
      %add3A_355 = arith.addi %mul3A_353, %add3A_354 : i32
      %dma_wait3A_356 = arith.constant 0 : i32
      %dma_wait3A_357 = arith.constant 0 : i32
      %dma_wait3A_358 = tpu.memref_slice %arg7[%dma_wait3A_356, %dma_wait3A_357] : memref<80x128xi32, #tpu.memory_space<vmem>> -> memref<1x128xi32, #tpu.memory_space<vmem>>
      %dma_wait3A_359 = tpu.memref_squeeze %dma_wait3A_358 : memref<1x128xi32, #tpu.memory_space<vmem>> -> memref<128xi32, #tpu.memory_space<vmem>>
      %dma_wait3A_360 = arith.constant 0 : i32
      %dma_wait3A_361 = arith.constant 0 : i32
      %dma_wait3A_362 = tpu.memref_slice %arg2[%dma_wait3A_360, %dma_wait3A_361] : memref<10240x32xf32, #tpu.memory_space<hbm>> -> memref<10240x32xf32, #tpu.memory_space<hbm>>
      tpu.wait_indirect_dma semaphore(%arg21 : memref<!tpu.dma_semaphore, #tpu.memory_space<semaphore_mem>>) src(%dma_wait3A_362 : memref<10240x32xf32, #tpu.memory_space<hbm>>) dst(%arg13 : memref<128x32xf32, #tpu.memory_space<vmem>>)
      %dma_start3A_363 = arith.constant 0 : i32
      %dma_start3A_364 = tpu.memref_slice %arg8[%add3A_355, %dma_start3A_363] : memref<80x128xi32, #tpu.memory_space<vmem>> -> memref<1x128xi32, #tpu.memory_space<vmem>>
      %dma_start3A_365 = tpu.memref_squeeze %dma_start3A_364 : memref<1x128xi32, #tpu.memory_space<vmem>> -> memref<128xi32, #tpu.memory_space<vmem>>
      %dma_start3A_366 = arith.constant 0 : i32
      %dma_start3A_367 = arith.constant 0 : i32
      %dma_start3A_368 = tpu.memref_slice %arg9[%dma_start3A_366, %dma_start3A_367] : memref<10240x32xf32, #tpu.memory_space<vmem_shared>> -> memref<10240x32xf32, #tpu.memory_space<vmem_shared>>
      tpu.enqueue_indirect_dma source(%arg13 : memref<128x32xf32, #tpu.memory_space<vmem>>) target(%dma_start3A_368 : memref<10240x32xf32, #tpu.memory_space<vmem_shared>>) offsets(%dma_start3A_365 : memref<128xi32, #tpu.memory_space<vmem>>) semaphore(%arg29 : memref<!tpu.dma_semaphore, #tpu.memory_space<semaphore_mem>>) {add = true}
      %dma_wait3A_369 = arith.constant 0 : i32
      %dma_wait3A_370 = arith.constant 0 : i32
      %dma_wait3A_371 = tpu.memref_slice %arg8[%dma_wait3A_369, %dma_wait3A_370] : memref<80x128xi32, #tpu.memory_space<vmem>> -> memref<1x128xi32, #tpu.memory_space<vmem>>
      %dma_wait3A_372 = tpu.memref_squeeze %dma_wait3A_371 : memref<1x128xi32, #tpu.memory_space<vmem>> -> memref<128xi32, #tpu.memory_space<vmem>>
      %dma_wait3A_373 = arith.constant 0 : i32
      %dma_wait3A_374 = arith.constant 0 : i32
      %dma_wait3A_375 = tpu.memref_slice %arg9[%dma_wait3A_373, %dma_wait3A_374] : memref<10240x32xf32, #tpu.memory_space<vmem_shared>> -> memref<10240x32xf32, #tpu.memory_space<vmem_shared>>
      tpu.wait_indirect_dma semaphore(%arg29 : memref<!tpu.dma_semaphore, #tpu.memory_space<semaphore_mem>>) src(%arg13 : memref<128x32xf32, #tpu.memory_space<vmem>>) dst(%dma_wait3A_375 : memref<10240x32xf32, #tpu.memory_space<vmem_shared>>)
      %add3A_376 = arith.constant 8 : i32
      %add3A_377 = arith.addi %add3A_355, %add3A_376 : i32
      %dma_start3A_378 = arith.constant 0 : i32
      %dma_start3A_379 = tpu.memref_slice %arg7[%add3A_377, %dma_start3A_378] : memref<80x128xi32, #tpu.memory_space<vmem>> -> memref<1x128xi32, #tpu.memory_space<vmem>>
      %dma_start3A_380 = tpu.memref_squeeze %dma_start3A_379 : memref<1x128xi32, #tpu.memory_space<vmem>> -> memref<128xi32, #tpu.memory_space<vmem>>
      %dma_start3A_381 = arith.constant 0 : i32
      %dma_start3A_382 = arith.constant 0 : i32
      %dma_start3A_383 = tpu.memref_slice %arg2[%dma_start3A_381, %dma_start3A_382] : memref<10240x32xf32, #tpu.memory_space<hbm>> -> memref<10240x32xf32, #tpu.memory_space<hbm>>
      tpu.enqueue_indirect_dma source(%dma_start3A_383 : memref<10240x32xf32, #tpu.memory_space<hbm>>) target(%arg13 : memref<128x32xf32, #tpu.memory_space<vmem>>) offsets(%dma_start3A_380 : memref<128xi32, #tpu.memory_space<vmem>>) semaphore(%arg21 : memref<!tpu.dma_semaphore, #tpu.memory_space<semaphore_mem>>)
      %mul3A_384 = arith.constant 8 : i32
      %mul3A_385 = arith.muli %scan3A_255, %mul3A_384 : i32
      %add3A_386 = arith.constant 4 : i32
      %add3A_387 = arith.addi %mul3A_385, %add3A_386 : i32
      %dma_wait3A_388 = arith.constant 0 : i32
      %dma_wait3A_389 = arith.constant 0 : i32
      %dma_wait3A_390 = tpu.memref_slice %arg7[%dma_wait3A_388, %dma_wait3A_389] : memref<80x128xi32, #tpu.memory_space<vmem>> -> memref<1x128xi32, #tpu.memory_space<vmem>>
      %dma_wait3A_391 = tpu.memref_squeeze %dma_wait3A_390 : memref<1x128xi32, #tpu.memory_space<vmem>> -> memref<128xi32, #tpu.memory_space<vmem>>
      %dma_wait3A_392 = arith.constant 0 : i32
      %dma_wait3A_393 = arith.constant 0 : i32
      %dma_wait3A_394 = tpu.memref_slice %arg2[%dma_wait3A_392, %dma_wait3A_393] : memref<10240x32xf32, #tpu.memory_space<hbm>> -> memref<10240x32xf32, #tpu.memory_space<hbm>>
      tpu.wait_indirect_dma semaphore(%arg22 : memref<!tpu.dma_semaphore, #tpu.memory_space<semaphore_mem>>) src(%dma_wait3A_394 : memref<10240x32xf32, #tpu.memory_space<hbm>>) dst(%arg14 : memref<128x32xf32, #tpu.memory_space<vmem>>)
      %dma_start3A_395 = arith.constant 0 : i32
      %dma_start3A_396 = tpu.memref_slice %arg8[%add3A_387, %dma_start3A_395] : memref<80x128xi32, #tpu.memory_space<vmem>> -> memref<1x128xi32, #tpu.memory_space<vmem>>
      %dma_start3A_397 = tpu.memref_squeeze %dma_start3A_396 : memref<1x128xi32, #tpu.memory_space<vmem>> -> memref<128xi32, #tpu.memory_space<vmem>>
      %dma_start3A_398 = arith.constant 0 : i32
      %dma_start3A_399 = arith.constant 0 : i32
      %dma_start3A_400 = tpu.memref_slice %arg9[%dma_start3A_398, %dma_start3A_399] : memref<10240x32xf32, #tpu.memory_space<vmem_shared>> -> memref<10240x32xf32, #tpu.memory_space<vmem_shared>>
      tpu.enqueue_indirect_dma source(%arg14 : memref<128x32xf32, #tpu.memory_space<vmem>>) target(%dma_start3A_400 : memref<10240x32xf32, #tpu.memory_space<vmem_shared>>) offsets(%dma_start3A_397 : memref<128xi32, #tpu.memory_space<vmem>>) semaphore(%arg30 : memref<!tpu.dma_semaphore, #tpu.memory_space<semaphore_mem>>) {add = true}
      %dma_wait3A_401 = arith.constant 0 : i32
      %dma_wait3A_402 = arith.constant 0 : i32
      %dma_wait3A_403 = tpu.memref_slice %arg8[%dma_wait3A_401, %dma_wait3A_402] : memref<80x128xi32, #tpu.memory_space<vmem>> -> memref<1x128xi32, #tpu.memory_space<vmem>>
      %dma_wait3A_404 = tpu.memref_squeeze %dma_wait3A_403 : memref<1x128xi32, #tpu.memory_space<vmem>> -> memref<128xi32, #tpu.memory_space<vmem>>
      %dma_wait3A_405 = arith.constant 0 : i32
      %dma_wait3A_406 = arith.constant 0 : i32
      %dma_wait3A_407 = tpu.memref_slice %arg9[%dma_wait3A_405, %dma_wait3A_406] : memref<10240x32xf32, #tpu.memory_space<vmem_shared>> -> memref<10240x32xf32, #tpu.memory_space<vmem_shared>>
      tpu.wait_indirect_dma semaphore(%arg30 : memref<!tpu.dma_semaphore, #tpu.memory_space<semaphore_mem>>) src(%arg14 : memref<128x32xf32, #tpu.memory_space<vmem>>) dst(%dma_wait3A_407 : memref<10240x32xf32, #tpu.memory_space<vmem_shared>>)
      %add3A_408 = arith.constant 8 : i32
      %add3A_409 = arith.addi %add3A_387, %add3A_408 : i32
      %dma_start3A_410 = arith.constant 0 : i32
      %dma_start3A_411 = tpu.memref_slice %arg7[%add3A_409, %dma_start3A_410] : memref<80x128xi32, #tpu.memory_space<vmem>> -> memref<1x128xi32, #tpu.memory_space<vmem>>
      %dma_start3A_412 = tpu.memref_squeeze %dma_start3A_411 : memref<1x128xi32, #tpu.memory_space<vmem>> -> memref<128xi32, #tpu.memory_space<vmem>>
      %dma_start3A_413 = arith.constant 0 : i32
      %dma_start3A_414 = arith.constant 0 : i32
      %dma_start3A_415 = tpu.memref_slice %arg2[%dma_start3A_413, %dma_start3A_414] : memref<10240x32xf32, #tpu.memory_space<hbm>> -> memref<10240x32xf32, #tpu.memory_space<hbm>>
      tpu.enqueue_indirect_dma source(%dma_start3A_415 : memref<10240x32xf32, #tpu.memory_space<hbm>>) target(%arg14 : memref<128x32xf32, #tpu.memory_space<vmem>>) offsets(%dma_start3A_412 : memref<128xi32, #tpu.memory_space<vmem>>) semaphore(%arg22 : memref<!tpu.dma_semaphore, #tpu.memory_space<semaphore_mem>>)
      %mul3A_416 = arith.constant 8 : i32
      %mul3A_417 = arith.muli %scan3A_255, %mul3A_416 : i32
      %add3A_418 = arith.constant 5 : i32
      %add3A_419 = arith.addi %mul3A_417, %add3A_418 : i32
      %dma_wait3A_420 = arith.constant 0 : i32
      %dma_wait3A_421 = arith.constant 0 : i32
      %dma_wait3A_422 = tpu.memref_slice %arg7[%dma_wait3A_420, %dma_wait3A_421] : memref<80x128xi32, #tpu.memory_space<vmem>> -> memref<1x128xi32, #tpu.memory_space<vmem>>
      %dma_wait3A_423 = tpu.memref_squeeze %dma_wait3A_422 : memref<1x128xi32, #tpu.memory_space<vmem>> -> memref<128xi32, #tpu.memory_space<vmem>>
      %dma_wait3A_424 = arith.constant 0 : i32
      %dma_wait3A_425 = arith.constant 0 : i32
      %dma_wait3A_426 = tpu.memref_slice %arg2[%dma_wait3A_424, %dma_wait3A_425] : memref<10240x32xf32, #tpu.memory_space<hbm>> -> memref<10240x32xf32, #tpu.memory_space<hbm>>
      tpu.wait_indirect_dma semaphore(%arg23 : memref<!tpu.dma_semaphore, #tpu.memory_space<semaphore_mem>>) src(%dma_wait3A_426 : memref<10240x32xf32, #tpu.memory_space<hbm>>) dst(%arg15 : memref<128x32xf32, #tpu.memory_space<vmem>>)
      %dma_start3A_427 = arith.constant 0 : i32
      %dma_start3A_428 = tpu.memref_slice %arg8[%add3A_419, %dma_start3A_427] : memref<80x128xi32, #tpu.memory_space<vmem>> -> memref<1x128xi32, #tpu.memory_space<vmem>>
      %dma_start3A_429 = tpu.memref_squeeze %dma_start3A_428 : memref<1x128xi32, #tpu.memory_space<vmem>> -> memref<128xi32, #tpu.memory_space<vmem>>
      %dma_start3A_430 = arith.constant 0 : i32
      %dma_start3A_431 = arith.constant 0 : i32
      %dma_start3A_432 = tpu.memref_slice %arg9[%dma_start3A_430, %dma_start3A_431] : memref<10240x32xf32, #tpu.memory_space<vmem_shared>> -> memref<10240x32xf32, #tpu.memory_space<vmem_shared>>
      tpu.enqueue_indirect_dma source(%arg15 : memref<128x32xf32, #tpu.memory_space<vmem>>) target(%dma_start3A_432 : memref<10240x32xf32, #tpu.memory_space<vmem_shared>>) offsets(%dma_start3A_429 : memref<128xi32, #tpu.memory_space<vmem>>) semaphore(%arg31 : memref<!tpu.dma_semaphore, #tpu.memory_space<semaphore_mem>>) {add = true}
      %dma_wait3A_433 = arith.constant 0 : i32
      %dma_wait3A_434 = arith.constant 0 : i32
      %dma_wait3A_435 = tpu.memref_slice %arg8[%dma_wait3A_433, %dma_wait3A_434] : memref<80x128xi32, #tpu.memory_space<vmem>> -> memref<1x128xi32, #tpu.memory_space<vmem>>
      %dma_wait3A_436 = tpu.memref_squeeze %dma_wait3A_435 : memref<1x128xi32, #tpu.memory_space<vmem>> -> memref<128xi32, #tpu.memory_space<vmem>>
      %dma_wait3A_437 = arith.constant 0 : i32
      %dma_wait3A_438 = arith.constant 0 : i32
      %dma_wait3A_439 = tpu.memref_slice %arg9[%dma_wait3A_437, %dma_wait3A_438] : memref<10240x32xf32, #tpu.memory_space<vmem_shared>> -> memref<10240x32xf32, #tpu.memory_space<vmem_shared>>
      tpu.wait_indirect_dma semaphore(%arg31 : memref<!tpu.dma_semaphore, #tpu.memory_space<semaphore_mem>>) src(%arg15 : memref<128x32xf32, #tpu.memory_space<vmem>>) dst(%dma_wait3A_439 : memref<10240x32xf32, #tpu.memory_space<vmem_shared>>)
      %add3A_440 = arith.constant 8 : i32
      %add3A_441 = arith.addi %add3A_419, %add3A_440 : i32
      %dma_start3A_442 = arith.constant 0 : i32
      %dma_start3A_443 = tpu.memref_slice %arg7[%add3A_441, %dma_start3A_442] : memref<80x128xi32, #tpu.memory_space<vmem>> -> memref<1x128xi32, #tpu.memory_space<vmem>>
      %dma_start3A_444 = tpu.memref_squeeze %dma_start3A_443 : memref<1x128xi32, #tpu.memory_space<vmem>> -> memref<128xi32, #tpu.memory_space<vmem>>
      %dma_start3A_445 = arith.constant 0 : i32
      %dma_start3A_446 = arith.constant 0 : i32
      %dma_start3A_447 = tpu.memref_slice %arg2[%dma_start3A_445, %dma_start3A_446] : memref<10240x32xf32, #tpu.memory_space<hbm>> -> memref<10240x32xf32, #tpu.memory_space<hbm>>
      tpu.enqueue_indirect_dma source(%dma_start3A_447 : memref<10240x32xf32, #tpu.memory_space<hbm>>) target(%arg15 : memref<128x32xf32, #tpu.memory_space<vmem>>) offsets(%dma_start3A_444 : memref<128xi32, #tpu.memory_space<vmem>>) semaphore(%arg23 : memref<!tpu.dma_semaphore, #tpu.memory_space<semaphore_mem>>)
      %mul3A_448 = arith.constant 8 : i32
      %mul3A_449 = arith.muli %scan3A_255, %mul3A_448 : i32
      %add3A_450 = arith.constant 6 : i32
      %add3A_451 = arith.addi %mul3A_449, %add3A_450 : i32
      %dma_wait3A_452 = arith.constant 0 : i32
      %dma_wait3A_453 = arith.constant 0 : i32
      %dma_wait3A_454 = tpu.memref_slice %arg7[%dma_wait3A_452, %dma_wait3A_453] : memref<80x128xi32, #tpu.memory_space<vmem>> -> memref<1x128xi32, #tpu.memory_space<vmem>>
      %dma_wait3A_455 = tpu.memref_squeeze %dma_wait3A_454 : memref<1x128xi32, #tpu.memory_space<vmem>> -> memref<128xi32, #tpu.memory_space<vmem>>
      %dma_wait3A_456 = arith.constant 0 : i32
      %dma_wait3A_457 = arith.constant 0 : i32
      %dma_wait3A_458 = tpu.memref_slice %arg2[%dma_wait3A_456, %dma_wait3A_457] : memref<10240x32xf32, #tpu.memory_space<hbm>> -> memref<10240x32xf32, #tpu.memory_space<hbm>>
      tpu.wait_indirect_dma semaphore(%arg24 : memref<!tpu.dma_semaphore, #tpu.memory_space<semaphore_mem>>) src(%dma_wait3A_458 : memref<10240x32xf32, #tpu.memory_space<hbm>>) dst(%arg16 : memref<128x32xf32, #tpu.memory_space<vmem>>)
      %dma_start3A_459 = arith.constant 0 : i32
      %dma_start3A_460 = tpu.memref_slice %arg8[%add3A_451, %dma_start3A_459] : memref<80x128xi32, #tpu.memory_space<vmem>> -> memref<1x128xi32, #tpu.memory_space<vmem>>
      %dma_start3A_461 = tpu.memref_squeeze %dma_start3A_460 : memref<1x128xi32, #tpu.memory_space<vmem>> -> memref<128xi32, #tpu.memory_space<vmem>>
      %dma_start3A_462 = arith.constant 0 : i32
      %dma_start3A_463 = arith.constant 0 : i32
      %dma_start3A_464 = tpu.memref_slice %arg9[%dma_start3A_462, %dma_start3A_463] : memref<10240x32xf32, #tpu.memory_space<vmem_shared>> -> memref<10240x32xf32, #tpu.memory_space<vmem_shared>>
      tpu.enqueue_indirect_dma source(%arg16 : memref<128x32xf32, #tpu.memory_space<vmem>>) target(%dma_start3A_464 : memref<10240x32xf32, #tpu.memory_space<vmem_shared>>) offsets(%dma_start3A_461 : memref<128xi32, #tpu.memory_space<vmem>>) semaphore(%arg32 : memref<!tpu.dma_semaphore, #tpu.memory_space<semaphore_mem>>) {add = true}
      %dma_wait3A_465 = arith.constant 0 : i32
      %dma_wait3A_466 = arith.constant 0 : i32
      %dma_wait3A_467 = tpu.memref_slice %arg8[%dma_wait3A_465, %dma_wait3A_466] : memref<80x128xi32, #tpu.memory_space<vmem>> -> memref<1x128xi32, #tpu.memory_space<vmem>>
      %dma_wait3A_468 = tpu.memref_squeeze %dma_wait3A_467 : memref<1x128xi32, #tpu.memory_space<vmem>> -> memref<128xi32, #tpu.memory_space<vmem>>
      %dma_wait3A_469 = arith.constant 0 : i32
      %dma_wait3A_470 = arith.constant 0 : i32
      %dma_wait3A_471 = tpu.memref_slice %arg9[%dma_wait3A_469, %dma_wait3A_470] : memref<10240x32xf32, #tpu.memory_space<vmem_shared>> -> memref<10240x32xf32, #tpu.memory_space<vmem_shared>>
      tpu.wait_indirect_dma semaphore(%arg32 : memref<!tpu.dma_semaphore, #tpu.memory_space<semaphore_mem>>) src(%arg16 : memref<128x32xf32, #tpu.memory_space<vmem>>) dst(%dma_wait3A_471 : memref<10240x32xf32, #tpu.memory_space<vmem_shared>>)
      %add3A_472 = arith.constant 8 : i32
      %add3A_473 = arith.addi %add3A_451, %add3A_472 : i32
      %dma_start3A_474 = arith.constant 0 : i32
      %dma_start3A_475 = tpu.memref_slice %arg7[%add3A_473, %dma_start3A_474] : memref<80x128xi32, #tpu.memory_space<vmem>> -> memref<1x128xi32, #tpu.memory_space<vmem>>
      %dma_start3A_476 = tpu.memref_squeeze %dma_start3A_475 : memref<1x128xi32, #tpu.memory_space<vmem>> -> memref<128xi32, #tpu.memory_space<vmem>>
      %dma_start3A_477 = arith.constant 0 : i32
      %dma_start3A_478 = arith.constant 0 : i32
      %dma_start3A_479 = tpu.memref_slice %arg2[%dma_start3A_477, %dma_start3A_478] : memref<10240x32xf32, #tpu.memory_space<hbm>> -> memref<10240x32xf32, #tpu.memory_space<hbm>>
      tpu.enqueue_indirect_dma source(%dma_start3A_479 : memref<10240x32xf32, #tpu.memory_space<hbm>>) target(%arg16 : memref<128x32xf32, #tpu.memory_space<vmem>>) offsets(%dma_start3A_476 : memref<128xi32, #tpu.memory_space<vmem>>) semaphore(%arg24 : memref<!tpu.dma_semaphore, #tpu.memory_space<semaphore_mem>>)
      %mul3A_480 = arith.constant 8 : i32
      %mul3A_481 = arith.muli %scan3A_255, %mul3A_480 : i32
      %add3A_482 = arith.constant 7 : i32
      %add3A_483 = arith.addi %mul3A_481, %add3A_482 : i32
      %dma_wait3A_484 = arith.constant 0 : i32
      %dma_wait3A_485 = arith.constant 0 : i32
      %dma_wait3A_486 = tpu.memref_slice %arg7[%dma_wait3A_484, %dma_wait3A_485] : memref<80x128xi32, #tpu.memory_space<vmem>> -> memref<1x128xi32, #tpu.memory_space<vmem>>
      %dma_wait3A_487 = tpu.memref_squeeze %dma_wait3A_486 : memref<1x128xi32, #tpu.memory_space<vmem>> -> memref<128xi32, #tpu.memory_space<vmem>>
      %dma_wait3A_488 = arith.constant 0 : i32
      %dma_wait3A_489 = arith.constant 0 : i32
      %dma_wait3A_490 = tpu.memref_slice %arg2[%dma_wait3A_488, %dma_wait3A_489] : memref<10240x32xf32, #tpu.memory_space<hbm>> -> memref<10240x32xf32, #tpu.memory_space<hbm>>
      tpu.wait_indirect_dma semaphore(%arg25 : memref<!tpu.dma_semaphore, #tpu.memory_space<semaphore_mem>>) src(%dma_wait3A_490 : memref<10240x32xf32, #tpu.memory_space<hbm>>) dst(%arg17 : memref<128x32xf32, #tpu.memory_space<vmem>>)
      %dma_start3A_491 = arith.constant 0 : i32
      %dma_start3A_492 = tpu.memref_slice %arg8[%add3A_483, %dma_start3A_491] : memref<80x128xi32, #tpu.memory_space<vmem>> -> memref<1x128xi32, #tpu.memory_space<vmem>>
      %dma_start3A_493 = tpu.memref_squeeze %dma_start3A_492 : memref<1x128xi32, #tpu.memory_space<vmem>> -> memref<128xi32, #tpu.memory_space<vmem>>
      %dma_start3A_494 = arith.constant 0 : i32
      %dma_start3A_495 = arith.constant 0 : i32
      %dma_start3A_496 = tpu.memref_slice %arg9[%dma_start3A_494, %dma_start3A_495] : memref<10240x32xf32, #tpu.memory_space<vmem_shared>> -> memref<10240x32xf32, #tpu.memory_space<vmem_shared>>
      tpu.enqueue_indirect_dma source(%arg17 : memref<128x32xf32, #tpu.memory_space<vmem>>) target(%dma_start3A_496 : memref<10240x32xf32, #tpu.memory_space<vmem_shared>>) offsets(%dma_start3A_493 : memref<128xi32, #tpu.memory_space<vmem>>) semaphore(%arg33 : memref<!tpu.dma_semaphore, #tpu.memory_space<semaphore_mem>>) {add = true}
      %dma_wait3A_497 = arith.constant 0 : i32
      %dma_wait3A_498 = arith.constant 0 : i32
      %dma_wait3A_499 = tpu.memref_slice %arg8[%dma_wait3A_497, %dma_wait3A_498] : memref<80x128xi32, #tpu.memory_space<vmem>> -> memref<1x128xi32, #tpu.memory_space<vmem>>
      %dma_wait3A_500 = tpu.memref_squeeze %dma_wait3A_499 : memref<1x128xi32, #tpu.memory_space<vmem>> -> memref<128xi32, #tpu.memory_space<vmem>>
      %dma_wait3A_501 = arith.constant 0 : i32
      %dma_wait3A_502 = arith.constant 0 : i32
      %dma_wait3A_503 = tpu.memref_slice %arg9[%dma_wait3A_501, %dma_wait3A_502] : memref<10240x32xf32, #tpu.memory_space<vmem_shared>> -> memref<10240x32xf32, #tpu.memory_space<vmem_shared>>
      tpu.wait_indirect_dma semaphore(%arg33 : memref<!tpu.dma_semaphore, #tpu.memory_space<semaphore_mem>>) src(%arg17 : memref<128x32xf32, #tpu.memory_space<vmem>>) dst(%dma_wait3A_503 : memref<10240x32xf32, #tpu.memory_space<vmem_shared>>)
      %add3A_504 = arith.constant 8 : i32
      %add3A_505 = arith.addi %add3A_483, %add3A_504 : i32
      %dma_start3A_506 = arith.constant 0 : i32
      %dma_start3A_507 = tpu.memref_slice %arg7[%add3A_505, %dma_start3A_506] : memref<80x128xi32, #tpu.memory_space<vmem>> -> memref<1x128xi32, #tpu.memory_space<vmem>>
      %dma_start3A_508 = tpu.memref_squeeze %dma_start3A_507 : memref<1x128xi32, #tpu.memory_space<vmem>> -> memref<128xi32, #tpu.memory_space<vmem>>
      %dma_start3A_509 = arith.constant 0 : i32
      %dma_start3A_510 = arith.constant 0 : i32
      %dma_start3A_511 = tpu.memref_slice %arg2[%dma_start3A_509, %dma_start3A_510] : memref<10240x32xf32, #tpu.memory_space<hbm>> -> memref<10240x32xf32, #tpu.memory_space<hbm>>
      tpu.enqueue_indirect_dma source(%dma_start3A_511 : memref<10240x32xf32, #tpu.memory_space<hbm>>) target(%arg17 : memref<128x32xf32, #tpu.memory_space<vmem>>) offsets(%dma_start3A_508 : memref<128xi32, #tpu.memory_space<vmem>>) semaphore(%arg25 : memref<!tpu.dma_semaphore, #tpu.memory_space<semaphore_mem>>)
    }
    %scan3A_81 = arith.constant 9 : i32
    %dma_wait3A_82 = arith.constant 0 : i32
    %dma_wait3A_83 = arith.constant 0 : i32
    %dma_wait3A_84 = tpu.memref_slice %arg7[%dma_wait3A_82, %dma_wait3A_83] : memref<80x128xi32, #tpu.memory_space<vmem>> -> memref<1x128xi32, #tpu.memory_space<vmem>>
    %dma_wait3A_85 = tpu.memref_squeeze %dma_wait3A_84 : memref<1x128xi32, #tpu.memory_space<vmem>> -> memref<128xi32, #tpu.memory_space<vmem>>
    %dma_wait3A_86 = arith.constant 0 : i32
    %dma_wait3A_87 = arith.constant 0 : i32
    %dma_wait3A_88 = tpu.memref_slice %arg2[%dma_wait3A_86, %dma_wait3A_87] : memref<10240x32xf32, #tpu.memory_space<hbm>> -> memref<10240x32xf32, #tpu.memory_space<hbm>>
    tpu.wait_indirect_dma semaphore(%arg18 : memref<!tpu.dma_semaphore, #tpu.memory_space<semaphore_mem>>) src(%dma_wait3A_88 : memref<10240x32xf32, #tpu.memory_space<hbm>>) dst(%arg10 : memref<128x32xf32, #tpu.memory_space<vmem>>)
    %dma_start3A_89 = arith.constant 72 : i32
    %dma_start3A_90 = arith.constant 0 : i32
    %dma_start3A_91 = tpu.memref_slice %arg8[%dma_start3A_89, %dma_start3A_90] : memref<80x128xi32, #tpu.memory_space<vmem>> -> memref<1x128xi32, #tpu.memory_space<vmem>>
    %dma_start3A_92 = tpu.memref_squeeze %dma_start3A_91 : memref<1x128xi32, #tpu.memory_space<vmem>> -> memref<128xi32, #tpu.memory_space<vmem>>
    %dma_start3A_93 = arith.constant 0 : i32
    %dma_start3A_94 = arith.constant 0 : i32
    %dma_start3A_95 = tpu.memref_slice %arg9[%dma_start3A_93, %dma_start3A_94] : memref<10240x32xf32, #tpu.memory_space<vmem_shared>> -> memref<10240x32xf32, #tpu.memory_space<vmem_shared>>
    tpu.enqueue_indirect_dma source(%arg10 : memref<128x32xf32, #tpu.memory_space<vmem>>) target(%dma_start3A_95 : memref<10240x32xf32, #tpu.memory_space<vmem_shared>>) offsets(%dma_start3A_92 : memref<128xi32, #tpu.memory_space<vmem>>) semaphore(%arg26 : memref<!tpu.dma_semaphore, #tpu.memory_space<semaphore_mem>>) {add = true}
    %dma_wait3A_96 = arith.constant 0 : i32
    %dma_wait3A_97 = arith.constant 0 : i32
    %dma_wait3A_98 = tpu.memref_slice %arg7[%dma_wait3A_96, %dma_wait3A_97] : memref<80x128xi32, #tpu.memory_space<vmem>> -> memref<1x128xi32, #tpu.memory_space<vmem>>
    %dma_wait3A_99 = tpu.memref_squeeze %dma_wait3A_98 : memref<1x128xi32, #tpu.memory_space<vmem>> -> memref<128xi32, #tpu.memory_space<vmem>>
    %dma_wait3A_100 = arith.constant 0 : i32
    %dma_wait3A_101 = arith.constant 0 : i32
    %dma_wait3A_102 = tpu.memref_slice %arg2[%dma_wait3A_100, %dma_wait3A_101] : memref<10240x32xf32, #tpu.memory_space<hbm>> -> memref<10240x32xf32, #tpu.memory_space<hbm>>
    tpu.wait_indirect_dma semaphore(%arg19 : memref<!tpu.dma_semaphore, #tpu.memory_space<semaphore_mem>>) src(%dma_wait3A_102 : memref<10240x32xf32, #tpu.memory_space<hbm>>) dst(%arg11 : memref<128x32xf32, #tpu.memory_space<vmem>>)
    %dma_start3A_103 = arith.constant 73 : i32
    %dma_start3A_104 = arith.constant 0 : i32
    %dma_start3A_105 = tpu.memref_slice %arg8[%dma_start3A_103, %dma_start3A_104] : memref<80x128xi32, #tpu.memory_space<vmem>> -> memref<1x128xi32, #tpu.memory_space<vmem>>
    %dma_start3A_106 = tpu.memref_squeeze %dma_start3A_105 : memref<1x128xi32, #tpu.memory_space<vmem>> -> memref<128xi32, #tpu.memory_space<vmem>>
    %dma_start3A_107 = arith.constant 0 : i32
    %dma_start3A_108 = arith.constant 0 : i32
    %dma_start3A_109 = tpu.memref_slice %arg9[%dma_start3A_107, %dma_start3A_108] : memref<10240x32xf32, #tpu.memory_space<vmem_shared>> -> memref<10240x32xf32, #tpu.memory_space<vmem_shared>>
    tpu.enqueue_indirect_dma source(%arg11 : memref<128x32xf32, #tpu.memory_space<vmem>>) target(%dma_start3A_109 : memref<10240x32xf32, #tpu.memory_space<vmem_shared>>) offsets(%dma_start3A_106 : memref<128xi32, #tpu.memory_space<vmem>>) semaphore(%arg27 : memref<!tpu.dma_semaphore, #tpu.memory_space<semaphore_mem>>) {add = true}
    %dma_wait3A_110 = arith.constant 0 : i32
    %dma_wait3A_111 = arith.constant 0 : i32
    %dma_wait3A_112 = tpu.memref_slice %arg7[%dma_wait3A_110, %dma_wait3A_111] : memref<80x128xi32, #tpu.memory_space<vmem>> -> memref<1x128xi32, #tpu.memory_space<vmem>>
    %dma_wait3A_113 = tpu.memref_squeeze %dma_wait3A_112 : memref<1x128xi32, #tpu.memory_space<vmem>> -> memref<128xi32, #tpu.memory_space<vmem>>
    %dma_wait3A_114 = arith.constant 0 : i32
    %dma_wait3A_115 = arith.constant 0 : i32
    %dma_wait3A_116 = tpu.memref_slice %arg2[%dma_wait3A_114, %dma_wait3A_115] : memref<10240x32xf32, #tpu.memory_space<hbm>> -> memref<10240x32xf32, #tpu.memory_space<hbm>>
    tpu.wait_indirect_dma semaphore(%arg20 : memref<!tpu.dma_semaphore, #tpu.memory_space<semaphore_mem>>) src(%dma_wait3A_116 : memref<10240x32xf32, #tpu.memory_space<hbm>>) dst(%arg12 : memref<128x32xf32, #tpu.memory_space<vmem>>)
    %dma_start3A_117 = arith.constant 74 : i32
    %dma_start3A_118 = arith.constant 0 : i32
    %dma_start3A_119 = tpu.memref_slice %arg8[%dma_start3A_117, %dma_start3A_118] : memref<80x128xi32, #tpu.memory_space<vmem>> -> memref<1x128xi32, #tpu.memory_space<vmem>>
    %dma_start3A_120 = tpu.memref_squeeze %dma_start3A_119 : memref<1x128xi32, #tpu.memory_space<vmem>> -> memref<128xi32, #tpu.memory_space<vmem>>
    %dma_start3A_121 = arith.constant 0 : i32
    %dma_start3A_122 = arith.constant 0 : i32
    %dma_start3A_123 = tpu.memref_slice %arg9[%dma_start3A_121, %dma_start3A_122] : memref<10240x32xf32, #tpu.memory_space<vmem_shared>> -> memref<10240x32xf32, #tpu.memory_space<vmem_shared>>
    tpu.enqueue_indirect_dma source(%arg12 : memref<128x32xf32, #tpu.memory_space<vmem>>) target(%dma_start3A_123 : memref<10240x32xf32, #tpu.memory_space<vmem_shared>>) offsets(%dma_start3A_120 : memref<128xi32, #tpu.memory_space<vmem>>) semaphore(%arg28 : memref<!tpu.dma_semaphore, #tpu.memory_space<semaphore_mem>>) {add = true}
    %dma_wait3A_124 = arith.constant 0 : i32
    %dma_wait3A_125 = arith.constant 0 : i32
    %dma_wait3A_126 = tpu.memref_slice %arg7[%dma_wait3A_124, %dma_wait3A_125] : memref<80x128xi32, #tpu.memory_space<vmem>> -> memref<1x128xi32, #tpu.memory_space<vmem>>
    %dma_wait3A_127 = tpu.memref_squeeze %dma_wait3A_126 : memref<1x128xi32, #tpu.memory_space<vmem>> -> memref<128xi32, #tpu.memory_space<vmem>>
    %dma_wait3A_128 = arith.constant 0 : i32
    %dma_wait3A_129 = arith.constant 0 : i32
    %dma_wait3A_130 = tpu.memref_slice %arg2[%dma_wait3A_128, %dma_wait3A_129] : memref<10240x32xf32, #tpu.memory_space<hbm>> -> memref<10240x32xf32, #tpu.memory_space<hbm>>
    tpu.wait_indirect_dma semaphore(%arg21 : memref<!tpu.dma_semaphore, #tpu.memory_space<semaphore_mem>>) src(%dma_wait3A_130 : memref<10240x32xf32, #tpu.memory_space<hbm>>) dst(%arg13 : memref<128x32xf32, #tpu.memory_space<vmem>>)
    %dma_start3A_131 = arith.constant 75 : i32
    %dma_start3A_132 = arith.constant 0 : i32
    %dma_start3A_133 = tpu.memref_slice %arg8[%dma_start3A_131, %dma_start3A_132] : memref<80x128xi32, #tpu.memory_space<vmem>> -> memref<1x128xi32, #tpu.memory_space<vmem>>
    %dma_start3A_134 = tpu.memref_squeeze %dma_start3A_133 : memref<1x128xi32, #tpu.memory_space<vmem>> -> memref<128xi32, #tpu.memory_space<vmem>>
    %dma_start3A_135 = arith.constant 0 : i32
    %dma_start3A_136 = arith.constant 0 : i32
    %dma_start3A_137 = tpu.memref_slice %arg9[%dma_start3A_135, %dma_start3A_136] : memref<10240x32xf32, #tpu.memory_space<vmem_shared>> -> memref<10240x32xf32, #tpu.memory_space<vmem_shared>>
    tpu.enqueue_indirect_dma source(%arg13 : memref<128x32xf32, #tpu.memory_space<vmem>>) target(%dma_start3A_137 : memref<10240x32xf32, #tpu.memory_space<vmem_shared>>) offsets(%dma_start3A_134 : memref<128xi32, #tpu.memory_space<vmem>>) semaphore(%arg29 : memref<!tpu.dma_semaphore, #tpu.memory_space<semaphore_mem>>) {add = true}
    %dma_wait3A_138 = arith.constant 0 : i32
    %dma_wait3A_139 = arith.constant 0 : i32
    %dma_wait3A_140 = tpu.memref_slice %arg7[%dma_wait3A_138, %dma_wait3A_139] : memref<80x128xi32, #tpu.memory_space<vmem>> -> memref<1x128xi32, #tpu.memory_space<vmem>>
    %dma_wait3A_141 = tpu.memref_squeeze %dma_wait3A_140 : memref<1x128xi32, #tpu.memory_space<vmem>> -> memref<128xi32, #tpu.memory_space<vmem>>
    %dma_wait3A_142 = arith.constant 0 : i32
    %dma_wait3A_143 = arith.constant 0 : i32
    %dma_wait3A_144 = tpu.memref_slice %arg2[%dma_wait3A_142, %dma_wait3A_143] : memref<10240x32xf32, #tpu.memory_space<hbm>> -> memref<10240x32xf32, #tpu.memory_space<hbm>>
    tpu.wait_indirect_dma semaphore(%arg22 : memref<!tpu.dma_semaphore, #tpu.memory_space<semaphore_mem>>) src(%dma_wait3A_144 : memref<10240x32xf32, #tpu.memory_space<hbm>>) dst(%arg14 : memref<128x32xf32, #tpu.memory_space<vmem>>)
    %dma_start3A_145 = arith.constant 76 : i32
    %dma_start3A_146 = arith.constant 0 : i32
    %dma_start3A_147 = tpu.memref_slice %arg8[%dma_start3A_145, %dma_start3A_146] : memref<80x128xi32, #tpu.memory_space<vmem>> -> memref<1x128xi32, #tpu.memory_space<vmem>>
    %dma_start3A_148 = tpu.memref_squeeze %dma_start3A_147 : memref<1x128xi32, #tpu.memory_space<vmem>> -> memref<128xi32, #tpu.memory_space<vmem>>
    %dma_start3A_149 = arith.constant 0 : i32
    %dma_start3A_150 = arith.constant 0 : i32
    %dma_start3A_151 = tpu.memref_slice %arg9[%dma_start3A_149, %dma_start3A_150] : memref<10240x32xf32, #tpu.memory_space<vmem_shared>> -> memref<10240x32xf32, #tpu.memory_space<vmem_shared>>
    tpu.enqueue_indirect_dma source(%arg14 : memref<128x32xf32, #tpu.memory_space<vmem>>) target(%dma_start3A_151 : memref<10240x32xf32, #tpu.memory_space<vmem_shared>>) offsets(%dma_start3A_148 : memref<128xi32, #tpu.memory_space<vmem>>) semaphore(%arg30 : memref<!tpu.dma_semaphore, #tpu.memory_space<semaphore_mem>>) {add = true}
    %dma_wait3A_152 = arith.constant 0 : i32
    %dma_wait3A_153 = arith.constant 0 : i32
    %dma_wait3A_154 = tpu.memref_slice %arg7[%dma_wait3A_152, %dma_wait3A_153] : memref<80x128xi32, #tpu.memory_space<vmem>> -> memref<1x128xi32, #tpu.memory_space<vmem>>
    %dma_wait3A_155 = tpu.memref_squeeze %dma_wait3A_154 : memref<1x128xi32, #tpu.memory_space<vmem>> -> memref<128xi32, #tpu.memory_space<vmem>>
    %dma_wait3A_156 = arith.constant 0 : i32
    %dma_wait3A_157 = arith.constant 0 : i32
    %dma_wait3A_158 = tpu.memref_slice %arg2[%dma_wait3A_156, %dma_wait3A_157] : memref<10240x32xf32, #tpu.memory_space<hbm>> -> memref<10240x32xf32, #tpu.memory_space<hbm>>
    tpu.wait_indirect_dma semaphore(%arg23 : memref<!tpu.dma_semaphore, #tpu.memory_space<semaphore_mem>>) src(%dma_wait3A_158 : memref<10240x32xf32, #tpu.memory_space<hbm>>) dst(%arg15 : memref<128x32xf32, #tpu.memory_space<vmem>>)
    %dma_start3A_159 = arith.constant 77 : i32
    %dma_start3A_160 = arith.constant 0 : i32
    %dma_start3A_161 = tpu.memref_slice %arg8[%dma_start3A_159, %dma_start3A_160] : memref<80x128xi32, #tpu.memory_space<vmem>> -> memref<1x128xi32, #tpu.memory_space<vmem>>
    %dma_start3A_162 = tpu.memref_squeeze %dma_start3A_161 : memref<1x128xi32, #tpu.memory_space<vmem>> -> memref<128xi32, #tpu.memory_space<vmem>>
    %dma_start3A_163 = arith.constant 0 : i32
    %dma_start3A_164 = arith.constant 0 : i32
    %dma_start3A_165 = tpu.memref_slice %arg9[%dma_start3A_163, %dma_start3A_164] : memref<10240x32xf32, #tpu.memory_space<vmem_shared>> -> memref<10240x32xf32, #tpu.memory_space<vmem_shared>>
    tpu.enqueue_indirect_dma source(%arg15 : memref<128x32xf32, #tpu.memory_space<vmem>>) target(%dma_start3A_165 : memref<10240x32xf32, #tpu.memory_space<vmem_shared>>) offsets(%dma_start3A_162 : memref<128xi32, #tpu.memory_space<vmem>>) semaphore(%arg31 : memref<!tpu.dma_semaphore, #tpu.memory_space<semaphore_mem>>) {add = true}
    %dma_wait3A_166 = arith.constant 0 : i32
    %dma_wait3A_167 = arith.constant 0 : i32
    %dma_wait3A_168 = tpu.memref_slice %arg7[%dma_wait3A_166, %dma_wait3A_167] : memref<80x128xi32, #tpu.memory_space<vmem>> -> memref<1x128xi32, #tpu.memory_space<vmem>>
    %dma_wait3A_169 = tpu.memref_squeeze %dma_wait3A_168 : memref<1x128xi32, #tpu.memory_space<vmem>> -> memref<128xi32, #tpu.memory_space<vmem>>
    %dma_wait3A_170 = arith.constant 0 : i32
    %dma_wait3A_171 = arith.constant 0 : i32
    %dma_wait3A_172 = tpu.memref_slice %arg2[%dma_wait3A_170, %dma_wait3A_171] : memref<10240x32xf32, #tpu.memory_space<hbm>> -> memref<10240x32xf32, #tpu.memory_space<hbm>>
    tpu.wait_indirect_dma semaphore(%arg24 : memref<!tpu.dma_semaphore, #tpu.memory_space<semaphore_mem>>) src(%dma_wait3A_172 : memref<10240x32xf32, #tpu.memory_space<hbm>>) dst(%arg16 : memref<128x32xf32, #tpu.memory_space<vmem>>)
    %dma_start3A_173 = arith.constant 78 : i32
    %dma_start3A_174 = arith.constant 0 : i32
    %dma_start3A_175 = tpu.memref_slice %arg8[%dma_start3A_173, %dma_start3A_174] : memref<80x128xi32, #tpu.memory_space<vmem>> -> memref<1x128xi32, #tpu.memory_space<vmem>>
    %dma_start3A_176 = tpu.memref_squeeze %dma_start3A_175 : memref<1x128xi32, #tpu.memory_space<vmem>> -> memref<128xi32, #tpu.memory_space<vmem>>
    %dma_start3A_177 = arith.constant 0 : i32
    %dma_start3A_178 = arith.constant 0 : i32
    %dma_start3A_179 = tpu.memref_slice %arg9[%dma_start3A_177, %dma_start3A_178] : memref<10240x32xf32, #tpu.memory_space<vmem_shared>> -> memref<10240x32xf32, #tpu.memory_space<vmem_shared>>
    tpu.enqueue_indirect_dma source(%arg16 : memref<128x32xf32, #tpu.memory_space<vmem>>) target(%dma_start3A_179 : memref<10240x32xf32, #tpu.memory_space<vmem_shared>>) offsets(%dma_start3A_176 : memref<128xi32, #tpu.memory_space<vmem>>) semaphore(%arg32 : memref<!tpu.dma_semaphore, #tpu.memory_space<semaphore_mem>>) {add = true}
    %dma_wait3A_180 = arith.constant 0 : i32
    %dma_wait3A_181 = arith.constant 0 : i32
    %dma_wait3A_182 = tpu.memref_slice %arg7[%dma_wait3A_180, %dma_wait3A_181] : memref<80x128xi32, #tpu.memory_space<vmem>> -> memref<1x128xi32, #tpu.memory_space<vmem>>
    %dma_wait3A_183 = tpu.memref_squeeze %dma_wait3A_182 : memref<1x128xi32, #tpu.memory_space<vmem>> -> memref<128xi32, #tpu.memory_space<vmem>>
    %dma_wait3A_184 = arith.constant 0 : i32
    %dma_wait3A_185 = arith.constant 0 : i32
    %dma_wait3A_186 = tpu.memref_slice %arg2[%dma_wait3A_184, %dma_wait3A_185] : memref<10240x32xf32, #tpu.memory_space<hbm>> -> memref<10240x32xf32, #tpu.memory_space<hbm>>
    tpu.wait_indirect_dma semaphore(%arg25 : memref<!tpu.dma_semaphore, #tpu.memory_space<semaphore_mem>>) src(%dma_wait3A_186 : memref<10240x32xf32, #tpu.memory_space<hbm>>) dst(%arg17 : memref<128x32xf32, #tpu.memory_space<vmem>>)
    %dma_start3A_187 = arith.constant 79 : i32
    %dma_start3A_188 = arith.constant 0 : i32
    %dma_start3A_189 = tpu.memref_slice %arg8[%dma_start3A_187, %dma_start3A_188] : memref<80x128xi32, #tpu.memory_space<vmem>> -> memref<1x128xi32, #tpu.memory_space<vmem>>
    %dma_start3A_190 = tpu.memref_squeeze %dma_start3A_189 : memref<1x128xi32, #tpu.memory_space<vmem>> -> memref<128xi32, #tpu.memory_space<vmem>>
    %dma_start3A_191 = arith.constant 0 : i32
    %dma_start3A_192 = arith.constant 0 : i32
    %dma_start3A_193 = tpu.memref_slice %arg9[%dma_start3A_191, %dma_start3A_192] : memref<10240x32xf32, #tpu.memory_space<vmem_shared>> -> memref<10240x32xf32, #tpu.memory_space<vmem_shared>>
    tpu.enqueue_indirect_dma source(%arg17 : memref<128x32xf32, #tpu.memory_space<vmem>>) target(%dma_start3A_193 : memref<10240x32xf32, #tpu.memory_space<vmem_shared>>) offsets(%dma_start3A_190 : memref<128xi32, #tpu.memory_space<vmem>>) semaphore(%arg33 : memref<!tpu.dma_semaphore, #tpu.memory_space<semaphore_mem>>) {add = true}
    %dma_wait3A_194 = arith.constant 0 : i32
    %dma_wait3A_195 = arith.constant 0 : i32
    %dma_wait3A_196 = tpu.memref_slice %arg8[%dma_wait3A_194, %dma_wait3A_195] : memref<80x128xi32, #tpu.memory_space<vmem>> -> memref<1x128xi32, #tpu.memory_space<vmem>>
    %dma_wait3A_197 = tpu.memref_squeeze %dma_wait3A_196 : memref<1x128xi32, #tpu.memory_space<vmem>> -> memref<128xi32, #tpu.memory_space<vmem>>
    %dma_wait3A_198 = arith.constant 0 : i32
    %dma_wait3A_199 = arith.constant 0 : i32
    %dma_wait3A_200 = tpu.memref_slice %arg9[%dma_wait3A_198, %dma_wait3A_199] : memref<10240x32xf32, #tpu.memory_space<vmem_shared>> -> memref<10240x32xf32, #tpu.memory_space<vmem_shared>>
    tpu.wait_indirect_dma semaphore(%arg26 : memref<!tpu.dma_semaphore, #tpu.memory_space<semaphore_mem>>) src(%arg10 : memref<128x32xf32, #tpu.memory_space<vmem>>) dst(%dma_wait3A_200 : memref<10240x32xf32, #tpu.memory_space<vmem_shared>>)
    %dma_wait3A_201 = arith.constant 0 : i32
    %dma_wait3A_202 = arith.constant 0 : i32
    %dma_wait3A_203 = tpu.memref_slice %arg8[%dma_wait3A_201, %dma_wait3A_202] : memref<80x128xi32, #tpu.memory_space<vmem>> -> memref<1x128xi32, #tpu.memory_space<vmem>>
    %dma_wait3A_204 = tpu.memref_squeeze %dma_wait3A_203 : memref<1x128xi32, #tpu.memory_space<vmem>> -> memref<128xi32, #tpu.memory_space<vmem>>
    %dma_wait3A_205 = arith.constant 0 : i32
    %dma_wait3A_206 = arith.constant 0 : i32
    %dma_wait3A_207 = tpu.memref_slice %arg9[%dma_wait3A_205, %dma_wait3A_206] : memref<10240x32xf32, #tpu.memory_space<vmem_shared>> -> memref<10240x32xf32, #tpu.memory_space<vmem_shared>>
    tpu.wait_indirect_dma semaphore(%arg27 : memref<!tpu.dma_semaphore, #tpu.memory_space<semaphore_mem>>) src(%arg11 : memref<128x32xf32, #tpu.memory_space<vmem>>) dst(%dma_wait3A_207 : memref<10240x32xf32, #tpu.memory_space<vmem_shared>>)
    %dma_wait3A_208 = arith.constant 0 : i32
    %dma_wait3A_209 = arith.constant 0 : i32
    %dma_wait3A_210 = tpu.memref_slice %arg8[%dma_wait3A_208, %dma_wait3A_209] : memref<80x128xi32, #tpu.memory_space<vmem>> -> memref<1x128xi32, #tpu.memory_space<vmem>>
    %dma_wait3A_211 = tpu.memref_squeeze %dma_wait3A_210 : memref<1x128xi32, #tpu.memory_space<vmem>> -> memref<128xi32, #tpu.memory_space<vmem>>
    %dma_wait3A_212 = arith.constant 0 : i32
    %dma_wait3A_213 = arith.constant 0 : i32
    %dma_wait3A_214 = tpu.memref_slice %arg9[%dma_wait3A_212, %dma_wait3A_213] : memref<10240x32xf32, #tpu.memory_space<vmem_shared>> -> memref<10240x32xf32, #tpu.memory_space<vmem_shared>>
    tpu.wait_indirect_dma semaphore(%arg28 : memref<!tpu.dma_semaphore, #tpu.memory_space<semaphore_mem>>) src(%arg12 : memref<128x32xf32, #tpu.memory_space<vmem>>) dst(%dma_wait3A_214 : memref<10240x32xf32, #tpu.memory_space<vmem_shared>>)
    %dma_wait3A_215 = arith.constant 0 : i32
    %dma_wait3A_216 = arith.constant 0 : i32
    %dma_wait3A_217 = tpu.memref_slice %arg8[%dma_wait3A_215, %dma_wait3A_216] : memref<80x128xi32, #tpu.memory_space<vmem>> -> memref<1x128xi32, #tpu.memory_space<vmem>>
    %dma_wait3A_218 = tpu.memref_squeeze %dma_wait3A_217 : memref<1x128xi32, #tpu.memory_space<vmem>> -> memref<128xi32, #tpu.memory_space<vmem>>
    %dma_wait3A_219 = arith.constant 0 : i32
    %dma_wait3A_220 = arith.constant 0 : i32
    %dma_wait3A_221 = tpu.memref_slice %arg9[%dma_wait3A_219, %dma_wait3A_220] : memref<10240x32xf32, #tpu.memory_space<vmem_shared>> -> memref<10240x32xf32, #tpu.memory_space<vmem_shared>>
    tpu.wait_indirect_dma semaphore(%arg29 : memref<!tpu.dma_semaphore, #tpu.memory_space<semaphore_mem>>) src(%arg13 : memref<128x32xf32, #tpu.memory_space<vmem>>) dst(%dma_wait3A_221 : memref<10240x32xf32, #tpu.memory_space<vmem_shared>>)
    %dma_wait3A_222 = arith.constant 0 : i32
    %dma_wait3A_223 = arith.constant 0 : i32
    %dma_wait3A_224 = tpu.memref_slice %arg8[%dma_wait3A_222, %dma_wait3A_223] : memref<80x128xi32, #tpu.memory_space<vmem>> -> memref<1x128xi32, #tpu.memory_space<vmem>>
    %dma_wait3A_225 = tpu.memref_squeeze %dma_wait3A_224 : memref<1x128xi32, #tpu.memory_space<vmem>> -> memref<128xi32, #tpu.memory_space<vmem>>
    %dma_wait3A_226 = arith.constant 0 : i32
    %dma_wait3A_227 = arith.constant 0 : i32
    %dma_wait3A_228 = tpu.memref_slice %arg9[%dma_wait3A_226, %dma_wait3A_227] : memref<10240x32xf32, #tpu.memory_space<vmem_shared>> -> memref<10240x32xf32, #tpu.memory_space<vmem_shared>>
    tpu.wait_indirect_dma semaphore(%arg30 : memref<!tpu.dma_semaphore, #tpu.memory_space<semaphore_mem>>) src(%arg14 : memref<128x32xf32, #tpu.memory_space<vmem>>) dst(%dma_wait3A_228 : memref<10240x32xf32, #tpu.memory_space<vmem_shared>>)
    %dma_wait3A_229 = arith.constant 0 : i32
    %dma_wait3A_230 = arith.constant 0 : i32
    %dma_wait3A_231 = tpu.memref_slice %arg8[%dma_wait3A_229, %dma_wait3A_230] : memref<80x128xi32, #tpu.memory_space<vmem>> -> memref<1x128xi32, #tpu.memory_space<vmem>>
    %dma_wait3A_232 = tpu.memref_squeeze %dma_wait3A_231 : memref<1x128xi32, #tpu.memory_space<vmem>> -> memref<128xi32, #tpu.memory_space<vmem>>
    %dma_wait3A_233 = arith.constant 0 : i32
    %dma_wait3A_234 = arith.constant 0 : i32
    %dma_wait3A_235 = tpu.memref_slice %arg9[%dma_wait3A_233, %dma_wait3A_234] : memref<10240x32xf32, #tpu.memory_space<vmem_shared>> -> memref<10240x32xf32, #tpu.memory_space<vmem_shared>>
    tpu.wait_indirect_dma semaphore(%arg31 : memref<!tpu.dma_semaphore, #tpu.memory_space<semaphore_mem>>) src(%arg15 : memref<128x32xf32, #tpu.memory_space<vmem>>) dst(%dma_wait3A_235 : memref<10240x32xf32, #tpu.memory_space<vmem_shared>>)
    %dma_wait3A_236 = arith.constant 0 : i32
    %dma_wait3A_237 = arith.constant 0 : i32
    %dma_wait3A_238 = tpu.memref_slice %arg8[%dma_wait3A_236, %dma_wait3A_237] : memref<80x128xi32, #tpu.memory_space<vmem>> -> memref<1x128xi32, #tpu.memory_space<vmem>>
    %dma_wait3A_239 = tpu.memref_squeeze %dma_wait3A_238 : memref<1x128xi32, #tpu.memory_space<vmem>> -> memref<128xi32, #tpu.memory_space<vmem>>
    %dma_wait3A_240 = arith.constant 0 : i32
    %dma_wait3A_241 = arith.constant 0 : i32
    %dma_wait3A_242 = tpu.memref_slice %arg9[%dma_wait3A_240, %dma_wait3A_241] : memref<10240x32xf32, #tpu.memory_space<vmem_shared>> -> memref<10240x32xf32, #tpu.memory_space<vmem_shared>>
    tpu.wait_indirect_dma semaphore(%arg32 : memref<!tpu.dma_semaphore, #tpu.memory_space<semaphore_mem>>) src(%arg16 : memref<128x32xf32, #tpu.memory_space<vmem>>) dst(%dma_wait3A_242 : memref<10240x32xf32, #tpu.memory_space<vmem_shared>>)
    %dma_wait3A_243 = arith.constant 0 : i32
    %dma_wait3A_244 = arith.constant 0 : i32
    %dma_wait3A_245 = tpu.memref_slice %arg8[%dma_wait3A_243, %dma_wait3A_244] : memref<80x128xi32, #tpu.memory_space<vmem>> -> memref<1x128xi32, #tpu.memory_space<vmem>>
    %dma_wait3A_246 = tpu.memref_squeeze %dma_wait3A_245 : memref<1x128xi32, #tpu.memory_space<vmem>> -> memref<128xi32, #tpu.memory_space<vmem>>
    %dma_wait3A_247 = arith.constant 0 : i32
    %dma_wait3A_248 = arith.constant 0 : i32
    %dma_wait3A_249 = tpu.memref_slice %arg9[%dma_wait3A_247, %dma_wait3A_248] : memref<10240x32xf32, #tpu.memory_space<vmem_shared>> -> memref<10240x32xf32, #tpu.memory_space<vmem_shared>>
    tpu.wait_indirect_dma semaphore(%arg33 : memref<!tpu.dma_semaphore, #tpu.memory_space<semaphore_mem>>) src(%arg17 : memref<128x32xf32, #tpu.memory_space<vmem>>) dst(%dma_wait3A_249 : memref<10240x32xf32, #tpu.memory_space<vmem_shared>>)
    %barrier3A_250 = arith.constant 0 : index
    tpu.barrier barrier_id(%barrier3A_250)
    %mul3A_251 = arith.constant 640 : i32
    %mul3A_252 = arith.muli %arg1, %mul3A_251 : i32
    %mul3A_253 = arith.constant 640 : i32
    %mul3A_254 = arith.muli %arg1, %mul3A_253 : i32
    "tpu.region"() ({
      %run_scoped3A = tpu.sem_alloc : memref<!tpu.dma_semaphore, #tpu.memory_space<semaphore_mem>>
      %dma_start3A_255 = arith.constant 0 : i32
      %dma_start3A_256 = tpu.memref_slice %arg6[%arg0, %mul3A_254, %dma_start3A_255] : memref<2x10240x32xf32, #tpu.memory_space<hbm>> -> memref<1x640x32xf32, #tpu.memory_space<hbm>>
      %dma_start3A_257 = tpu.memref_squeeze %dma_start3A_256 : memref<1x640x32xf32, #tpu.memory_space<hbm>> -> memref<640x32xf32, #tpu.memory_space<hbm>>
      %dma_start3A_258 = arith.constant 0 : i32
      %dma_start3A_259 = tpu.memref_slice %arg9[%mul3A_252, %dma_start3A_258] : memref<10240x32xf32, #tpu.memory_space<vmem_shared>> -> memref<640x32xf32, #tpu.memory_space<vmem_shared>>
      tpu.enqueue_dma source(%dma_start3A_259 : memref<640x32xf32, #tpu.memory_space<vmem_shared>>) target(%dma_start3A_257 : memref<640x32xf32, #tpu.memory_space<hbm>>) target_semaphore(%run_scoped3A : memref<!tpu.dma_semaphore, #tpu.memory_space<semaphore_mem>>)
      %dma_wait3A_260 = arith.constant 0 : i32
      %dma_wait3A_261 = tpu.memref_slice %arg6[%arg0, %mul3A_254, %dma_wait3A_260] : memref<2x10240x32xf32, #tpu.memory_space<hbm>> -> memref<1x640x32xf32, #tpu.memory_space<hbm>>
      %dma_wait3A_262 = tpu.memref_squeeze %dma_wait3A_261 : memref<1x640x32xf32, #tpu.memory_space<hbm>> -> memref<640x32xf32, #tpu.memory_space<hbm>>
      %dma_wait3A_263 = arith.constant 0 : i32
      %dma_wait3A_264 = tpu.memref_slice %arg9[%mul3A_252, %dma_wait3A_263] : memref<10240x32xf32, #tpu.memory_space<vmem_shared>> -> memref<640x32xf32, #tpu.memory_space<vmem_shared>>
      tpu.wait_dma2 semaphore(%run_scoped3A : memref<!tpu.dma_semaphore, #tpu.memory_space<semaphore_mem>>) src(%dma_wait3A_264 : memref<640x32xf32, #tpu.memory_space<vmem_shared>>) dst(%dma_wait3A_262 : memref<640x32xf32, #tpu.memory_space<hbm>>)
      tpu.yield
    }) : () -> ()
    return
  }
}

#map = affine_map<(d0, d1) -> (0, 0)>
#map1 = affine_map<(d0, d1) -> (0, 0, 0)>
module attributes {stable_mosaic.version = 14 : i64} {
  func.func @agg(%arg0: i32, %arg1: i32, %arg2: memref<10240x64xf32, #tpu.memory_space<hbm>>, %arg3: memref<2560x128xi32, #tpu.memory_space<hbm>>, %arg4: memref<2560x128xi32, #tpu.memory_space<hbm>>, %arg5: memref<10240x64xf32, #tpu.memory_space<hbm>>, %arg6: memref<2x10240x64xf32, #tpu.memory_space<hbm>>, %arg7: memref<80x128xi32, #tpu.memory_space<vmem>>, %arg8: memref<80x128xi32, #tpu.memory_space<vmem>>, %arg9: memref<10240x64xf32, #tpu.memory_space<vmem_shared>>, %arg10: memref<128x64xf32, #tpu.memory_space<vmem>>, %arg11: memref<128x64xf32, #tpu.memory_space<vmem>>, %arg12: memref<128x64xf32, #tpu.memory_space<vmem>>, %arg13: memref<128x64xf32, #tpu.memory_space<vmem>>, %arg14: memref<128x64xf32, #tpu.memory_space<vmem>>, %arg15: memref<128x64xf32, #tpu.memory_space<vmem>>, %arg16: memref<128x64xf32, #tpu.memory_space<vmem>>, %arg17: memref<128x64xf32, #tpu.memory_space<vmem>>, %arg18: memref<!tpu.dma_semaphore, #tpu.memory_space<semaphore_mem>>, %arg19: memref<!tpu.dma_semaphore, #tpu.memory_space<semaphore_mem>>, %arg20: memref<!tpu.dma_semaphore, #tpu.memory_space<semaphore_mem>>, %arg21: memref<!tpu.dma_semaphore, #tpu.memory_space<semaphore_mem>>, %arg22: memref<!tpu.dma_semaphore, #tpu.memory_space<semaphore_mem>>, %arg23: memref<!tpu.dma_semaphore, #tpu.memory_space<semaphore_mem>>, %arg24: memref<!tpu.dma_semaphore, #tpu.memory_space<semaphore_mem>>, %arg25: memref<!tpu.dma_semaphore, #tpu.memory_space<semaphore_mem>>, %arg26: memref<!tpu.dma_semaphore, #tpu.memory_space<semaphore_mem>>, %arg27: memref<!tpu.dma_semaphore, #tpu.memory_space<semaphore_mem>>, %arg28: memref<!tpu.dma_semaphore, #tpu.memory_space<semaphore_mem>>, %arg29: memref<!tpu.dma_semaphore, #tpu.memory_space<semaphore_mem>>, %arg30: memref<!tpu.dma_semaphore, #tpu.memory_space<semaphore_mem>>, %arg31: memref<!tpu.dma_semaphore, #tpu.memory_space<semaphore_mem>>, %arg32: memref<!tpu.dma_semaphore, #tpu.memory_space<semaphore_mem>>, %arg33: memref<!tpu.dma_semaphore, #tpu.memory_space<semaphore_mem>>, %arg34: memref<!tpu.dma_semaphore, #tpu.memory_space<semaphore_mem>>) attributes {dimension_semantics = [#tpu.dimension_semantics<core_parallel>, #tpu.dimension_semantics<subcore_parallel>], iteration_bounds = array<i64: 2, 16>, scalar_prefetch = 0 : i64, scratch_operands = 28 : i64, tpu.core_type = #tpu.core_type<sc_vector_subcore>, window_params = [{transform_indices = #map}, {transform_indices = #map}, {transform_indices = #map}, {transform_indices = #map}, {transform_indices = #map1}]} {
    %mul3A = arith.constant 16 : i32
    %mul3A_0 = arith.muli %arg0, %mul3A : i32
    %add3A = arith.addi %mul3A_0, %arg1 : i32
    %mul3A_1 = arith.constant 80 : i32
    %mul3A_2 = arith.muli %add3A, %mul3A_1 : i32
    %dma_start3A = arith.constant 0 : i32
    %dma_start3A_3 = tpu.memref_slice %arg4[%mul3A_2, %dma_start3A] : memref<2560x128xi32, #tpu.memory_space<hbm>> -> memref<80x128xi32, #tpu.memory_space<hbm>>
    %dma_start3A_4 = arith.constant 0 : i32
    %dma_start3A_5 = tpu.memref_slice %arg4[%mul3A_2, %dma_start3A_4] : memref<2560x128xi32, #tpu.memory_space<hbm>> -> memref<80x128xi32, #tpu.memory_space<hbm>>
    tpu.enqueue_dma source(%dma_start3A_5 : memref<80x128xi32, #tpu.memory_space<hbm>>) target(%arg8 : memref<80x128xi32, #tpu.memory_space<vmem>>) target_semaphore(%arg34 : memref<!tpu.dma_semaphore, #tpu.memory_space<semaphore_mem>>)
    %dma_start3A_6 = arith.constant 0 : i32
    %dma_start3A_7 = tpu.memref_slice %arg3[%mul3A_2, %dma_start3A_6] : memref<2560x128xi32, #tpu.memory_space<hbm>> -> memref<80x128xi32, #tpu.memory_space<hbm>>
    %dma_start3A_8 = arith.constant 0 : i32
    %dma_start3A_9 = tpu.memref_slice %arg3[%mul3A_2, %dma_start3A_8] : memref<2560x128xi32, #tpu.memory_space<hbm>> -> memref<80x128xi32, #tpu.memory_space<hbm>>
    tpu.enqueue_dma source(%dma_start3A_9 : memref<80x128xi32, #tpu.memory_space<hbm>>) target(%arg7 : memref<80x128xi32, #tpu.memory_space<vmem>>) target_semaphore(%arg34 : memref<!tpu.dma_semaphore, #tpu.memory_space<semaphore_mem>>)
    %mul3A_10 = arith.constant 640 : i32
    %mul3A_11 = arith.muli %arg1, %mul3A_10 : i32
    %mul3A_12 = arith.constant 640 : i32
    %mul3A_13 = arith.muli %arg1, %mul3A_12 : i32
    "tpu.region"() ({
      %run_scoped3A = tpu.sem_alloc : memref<!tpu.dma_semaphore, #tpu.memory_space<semaphore_mem>>
      %dma_start3A_255 = arith.constant 0 : i32
      %dma_start3A_256 = tpu.memref_slice %arg9[%mul3A_13, %dma_start3A_255] : memref<10240x64xf32, #tpu.memory_space<vmem_shared>> -> memref<640x64xf32, #tpu.memory_space<vmem_shared>>
      %dma_start3A_257 = arith.constant 0 : i32
      %dma_start3A_258 = tpu.memref_slice %arg5[%mul3A_11, %dma_start3A_257] : memref<10240x64xf32, #tpu.memory_space<hbm>> -> memref<640x64xf32, #tpu.memory_space<hbm>>
      tpu.enqueue_dma source(%dma_start3A_258 : memref<640x64xf32, #tpu.memory_space<hbm>>) target(%dma_start3A_256 : memref<640x64xf32, #tpu.memory_space<vmem_shared>>) target_semaphore(%run_scoped3A : memref<!tpu.dma_semaphore, #tpu.memory_space<semaphore_mem>>)
      %dma_wait3A_259 = arith.constant 0 : i32
      %dma_wait3A_260 = tpu.memref_slice %arg9[%mul3A_13, %dma_wait3A_259] : memref<10240x64xf32, #tpu.memory_space<vmem_shared>> -> memref<640x64xf32, #tpu.memory_space<vmem_shared>>
      %dma_wait3A_261 = arith.constant 0 : i32
      %dma_wait3A_262 = tpu.memref_slice %arg5[%mul3A_11, %dma_wait3A_261] : memref<10240x64xf32, #tpu.memory_space<hbm>> -> memref<640x64xf32, #tpu.memory_space<hbm>>
      tpu.wait_dma2 semaphore(%run_scoped3A : memref<!tpu.dma_semaphore, #tpu.memory_space<semaphore_mem>>) src(%dma_wait3A_262 : memref<640x64xf32, #tpu.memory_space<hbm>>) dst(%dma_wait3A_260 : memref<640x64xf32, #tpu.memory_space<vmem_shared>>)
      tpu.yield
    }) : () -> ()
    %dma_wait3A = arith.constant 0 : i32
    %dma_wait3A_14 = tpu.memref_slice %arg4[%mul3A_2, %dma_wait3A] : memref<2560x128xi32, #tpu.memory_space<hbm>> -> memref<80x128xi32, #tpu.memory_space<hbm>>
    %dma_wait3A_15 = arith.constant 0 : i32
    %dma_wait3A_16 = tpu.memref_slice %arg4[%mul3A_2, %dma_wait3A_15] : memref<2560x128xi32, #tpu.memory_space<hbm>> -> memref<80x128xi32, #tpu.memory_space<hbm>>
    tpu.wait_dma2 semaphore(%arg34 : memref<!tpu.dma_semaphore, #tpu.memory_space<semaphore_mem>>) src(%dma_wait3A_16 : memref<80x128xi32, #tpu.memory_space<hbm>>) dst(%arg8 : memref<80x128xi32, #tpu.memory_space<vmem>>)
    %dma_wait3A_17 = arith.constant 0 : i32
    %dma_wait3A_18 = tpu.memref_slice %arg3[%mul3A_2, %dma_wait3A_17] : memref<2560x128xi32, #tpu.memory_space<hbm>> -> memref<80x128xi32, #tpu.memory_space<hbm>>
    %dma_wait3A_19 = arith.constant 0 : i32
    %dma_wait3A_20 = tpu.memref_slice %arg3[%mul3A_2, %dma_wait3A_19] : memref<2560x128xi32, #tpu.memory_space<hbm>> -> memref<80x128xi32, #tpu.memory_space<hbm>>
    tpu.wait_dma2 semaphore(%arg34 : memref<!tpu.dma_semaphore, #tpu.memory_space<semaphore_mem>>) src(%dma_wait3A_20 : memref<80x128xi32, #tpu.memory_space<hbm>>) dst(%arg7 : memref<80x128xi32, #tpu.memory_space<vmem>>)
    %barrier3A = arith.constant 0 : index
    tpu.barrier barrier_id(%barrier3A)
    %dma_start3A_21 = arith.constant 0 : i32
    %dma_start3A_22 = arith.constant 0 : i32
    %dma_start3A_23 = tpu.memref_slice %arg7[%dma_start3A_21, %dma_start3A_22] : memref<80x128xi32, #tpu.memory_space<vmem>> -> memref<1x128xi32, #tpu.memory_space<vmem>>
    %dma_start3A_24 = tpu.memref_squeeze %dma_start3A_23 : memref<1x128xi32, #tpu.memory_space<vmem>> -> memref<128xi32, #tpu.memory_space<vmem>>
    %dma_start3A_25 = arith.constant 0 : i32
    %dma_start3A_26 = arith.constant 0 : i32
    %dma_start3A_27 = tpu.memref_slice %arg2[%dma_start3A_25, %dma_start3A_26] : memref<10240x64xf32, #tpu.memory_space<hbm>> -> memref<10240x64xf32, #tpu.memory_space<hbm>>
    tpu.enqueue_indirect_dma source(%dma_start3A_27 : memref<10240x64xf32, #tpu.memory_space<hbm>>) target(%arg10 : memref<128x64xf32, #tpu.memory_space<vmem>>) offsets(%dma_start3A_24 : memref<128xi32, #tpu.memory_space<vmem>>) semaphore(%arg18 : memref<!tpu.dma_semaphore, #tpu.memory_space<semaphore_mem>>)
    %dma_start3A_28 = arith.constant 1 : i32
    %dma_start3A_29 = arith.constant 0 : i32
    %dma_start3A_30 = tpu.memref_slice %arg7[%dma_start3A_28, %dma_start3A_29] : memref<80x128xi32, #tpu.memory_space<vmem>> -> memref<1x128xi32, #tpu.memory_space<vmem>>
    %dma_start3A_31 = tpu.memref_squeeze %dma_start3A_30 : memref<1x128xi32, #tpu.memory_space<vmem>> -> memref<128xi32, #tpu.memory_space<vmem>>
    %dma_start3A_32 = arith.constant 0 : i32
    %dma_start3A_33 = arith.constant 0 : i32
    %dma_start3A_34 = tpu.memref_slice %arg2[%dma_start3A_32, %dma_start3A_33] : memref<10240x64xf32, #tpu.memory_space<hbm>> -> memref<10240x64xf32, #tpu.memory_space<hbm>>
    tpu.enqueue_indirect_dma source(%dma_start3A_34 : memref<10240x64xf32, #tpu.memory_space<hbm>>) target(%arg11 : memref<128x64xf32, #tpu.memory_space<vmem>>) offsets(%dma_start3A_31 : memref<128xi32, #tpu.memory_space<vmem>>) semaphore(%arg19 : memref<!tpu.dma_semaphore, #tpu.memory_space<semaphore_mem>>)
    %dma_start3A_35 = arith.constant 2 : i32
    %dma_start3A_36 = arith.constant 0 : i32
    %dma_start3A_37 = tpu.memref_slice %arg7[%dma_start3A_35, %dma_start3A_36] : memref<80x128xi32, #tpu.memory_space<vmem>> -> memref<1x128xi32, #tpu.memory_space<vmem>>
    %dma_start3A_38 = tpu.memref_squeeze %dma_start3A_37 : memref<1x128xi32, #tpu.memory_space<vmem>> -> memref<128xi32, #tpu.memory_space<vmem>>
    %dma_start3A_39 = arith.constant 0 : i32
    %dma_start3A_40 = arith.constant 0 : i32
    %dma_start3A_41 = tpu.memref_slice %arg2[%dma_start3A_39, %dma_start3A_40] : memref<10240x64xf32, #tpu.memory_space<hbm>> -> memref<10240x64xf32, #tpu.memory_space<hbm>>
    tpu.enqueue_indirect_dma source(%dma_start3A_41 : memref<10240x64xf32, #tpu.memory_space<hbm>>) target(%arg12 : memref<128x64xf32, #tpu.memory_space<vmem>>) offsets(%dma_start3A_38 : memref<128xi32, #tpu.memory_space<vmem>>) semaphore(%arg20 : memref<!tpu.dma_semaphore, #tpu.memory_space<semaphore_mem>>)
    %dma_start3A_42 = arith.constant 3 : i32
    %dma_start3A_43 = arith.constant 0 : i32
    %dma_start3A_44 = tpu.memref_slice %arg7[%dma_start3A_42, %dma_start3A_43] : memref<80x128xi32, #tpu.memory_space<vmem>> -> memref<1x128xi32, #tpu.memory_space<vmem>>
    %dma_start3A_45 = tpu.memref_squeeze %dma_start3A_44 : memref<1x128xi32, #tpu.memory_space<vmem>> -> memref<128xi32, #tpu.memory_space<vmem>>
    %dma_start3A_46 = arith.constant 0 : i32
    %dma_start3A_47 = arith.constant 0 : i32
    %dma_start3A_48 = tpu.memref_slice %arg2[%dma_start3A_46, %dma_start3A_47] : memref<10240x64xf32, #tpu.memory_space<hbm>> -> memref<10240x64xf32, #tpu.memory_space<hbm>>
    tpu.enqueue_indirect_dma source(%dma_start3A_48 : memref<10240x64xf32, #tpu.memory_space<hbm>>) target(%arg13 : memref<128x64xf32, #tpu.memory_space<vmem>>) offsets(%dma_start3A_45 : memref<128xi32, #tpu.memory_space<vmem>>) semaphore(%arg21 : memref<!tpu.dma_semaphore, #tpu.memory_space<semaphore_mem>>)
    %dma_start3A_49 = arith.constant 4 : i32
    %dma_start3A_50 = arith.constant 0 : i32
    %dma_start3A_51 = tpu.memref_slice %arg7[%dma_start3A_49, %dma_start3A_50] : memref<80x128xi32, #tpu.memory_space<vmem>> -> memref<1x128xi32, #tpu.memory_space<vmem>>
    %dma_start3A_52 = tpu.memref_squeeze %dma_start3A_51 : memref<1x128xi32, #tpu.memory_space<vmem>> -> memref<128xi32, #tpu.memory_space<vmem>>
    %dma_start3A_53 = arith.constant 0 : i32
    %dma_start3A_54 = arith.constant 0 : i32
    %dma_start3A_55 = tpu.memref_slice %arg2[%dma_start3A_53, %dma_start3A_54] : memref<10240x64xf32, #tpu.memory_space<hbm>> -> memref<10240x64xf32, #tpu.memory_space<hbm>>
    tpu.enqueue_indirect_dma source(%dma_start3A_55 : memref<10240x64xf32, #tpu.memory_space<hbm>>) target(%arg14 : memref<128x64xf32, #tpu.memory_space<vmem>>) offsets(%dma_start3A_52 : memref<128xi32, #tpu.memory_space<vmem>>) semaphore(%arg22 : memref<!tpu.dma_semaphore, #tpu.memory_space<semaphore_mem>>)
    %dma_start3A_56 = arith.constant 5 : i32
    %dma_start3A_57 = arith.constant 0 : i32
    %dma_start3A_58 = tpu.memref_slice %arg7[%dma_start3A_56, %dma_start3A_57] : memref<80x128xi32, #tpu.memory_space<vmem>> -> memref<1x128xi32, #tpu.memory_space<vmem>>
    %dma_start3A_59 = tpu.memref_squeeze %dma_start3A_58 : memref<1x128xi32, #tpu.memory_space<vmem>> -> memref<128xi32, #tpu.memory_space<vmem>>
    %dma_start3A_60 = arith.constant 0 : i32
    %dma_start3A_61 = arith.constant 0 : i32
    %dma_start3A_62 = tpu.memref_slice %arg2[%dma_start3A_60, %dma_start3A_61] : memref<10240x64xf32, #tpu.memory_space<hbm>> -> memref<10240x64xf32, #tpu.memory_space<hbm>>
    tpu.enqueue_indirect_dma source(%dma_start3A_62 : memref<10240x64xf32, #tpu.memory_space<hbm>>) target(%arg15 : memref<128x64xf32, #tpu.memory_space<vmem>>) offsets(%dma_start3A_59 : memref<128xi32, #tpu.memory_space<vmem>>) semaphore(%arg23 : memref<!tpu.dma_semaphore, #tpu.memory_space<semaphore_mem>>)
    %dma_start3A_63 = arith.constant 6 : i32
    %dma_start3A_64 = arith.constant 0 : i32
    %dma_start3A_65 = tpu.memref_slice %arg7[%dma_start3A_63, %dma_start3A_64] : memref<80x128xi32, #tpu.memory_space<vmem>> -> memref<1x128xi32, #tpu.memory_space<vmem>>
    %dma_start3A_66 = tpu.memref_squeeze %dma_start3A_65 : memref<1x128xi32, #tpu.memory_space<vmem>> -> memref<128xi32, #tpu.memory_space<vmem>>
    %dma_start3A_67 = arith.constant 0 : i32
    %dma_start3A_68 = arith.constant 0 : i32
    %dma_start3A_69 = tpu.memref_slice %arg2[%dma_start3A_67, %dma_start3A_68] : memref<10240x64xf32, #tpu.memory_space<hbm>> -> memref<10240x64xf32, #tpu.memory_space<hbm>>
    tpu.enqueue_indirect_dma source(%dma_start3A_69 : memref<10240x64xf32, #tpu.memory_space<hbm>>) target(%arg16 : memref<128x64xf32, #tpu.memory_space<vmem>>) offsets(%dma_start3A_66 : memref<128xi32, #tpu.memory_space<vmem>>) semaphore(%arg24 : memref<!tpu.dma_semaphore, #tpu.memory_space<semaphore_mem>>)
    %dma_start3A_70 = arith.constant 7 : i32
    %dma_start3A_71 = arith.constant 0 : i32
    %dma_start3A_72 = tpu.memref_slice %arg7[%dma_start3A_70, %dma_start3A_71] : memref<80x128xi32, #tpu.memory_space<vmem>> -> memref<1x128xi32, #tpu.memory_space<vmem>>
    %dma_start3A_73 = tpu.memref_squeeze %dma_start3A_72 : memref<1x128xi32, #tpu.memory_space<vmem>> -> memref<128xi32, #tpu.memory_space<vmem>>
    %dma_start3A_74 = arith.constant 0 : i32
    %dma_start3A_75 = arith.constant 0 : i32
    %dma_start3A_76 = tpu.memref_slice %arg2[%dma_start3A_74, %dma_start3A_75] : memref<10240x64xf32, #tpu.memory_space<hbm>> -> memref<10240x64xf32, #tpu.memory_space<hbm>>
    tpu.enqueue_indirect_dma source(%dma_start3A_76 : memref<10240x64xf32, #tpu.memory_space<hbm>>) target(%arg17 : memref<128x64xf32, #tpu.memory_space<vmem>>) offsets(%dma_start3A_73 : memref<128xi32, #tpu.memory_space<vmem>>) semaphore(%arg25 : memref<!tpu.dma_semaphore, #tpu.memory_space<semaphore_mem>>)
    %scan3A = arith.constant 0 : i32
    %scan3A_77 = arith.constant 0 : i32
    %scan3A_78 = arith.constant 9 : i32
    %scan3A_79 = arith.addi %scan3A_77, %scan3A_78 : i32
    %scan3A_80 = arith.constant 1 : i32
    scf.for %scan3A_255 = %scan3A_77 to %scan3A_79 step %scan3A_80  : i32 {
      %mul3A_256 = arith.constant 8 : i32
      %mul3A_257 = arith.muli %scan3A_255, %mul3A_256 : i32
      %add3A_258 = arith.constant 0 : i32
      %add3A_259 = arith.addi %mul3A_257, %add3A_258 : i32
      %dma_wait3A_260 = arith.constant 0 : i32
      %dma_wait3A_261 = arith.constant 0 : i32
      %dma_wait3A_262 = tpu.memref_slice %arg7[%dma_wait3A_260, %dma_wait3A_261] : memref<80x128xi32, #tpu.memory_space<vmem>> -> memref<1x128xi32, #tpu.memory_space<vmem>>
      %dma_wait3A_263 = tpu.memref_squeeze %dma_wait3A_262 : memref<1x128xi32, #tpu.memory_space<vmem>> -> memref<128xi32, #tpu.memory_space<vmem>>
      %dma_wait3A_264 = arith.constant 0 : i32
      %dma_wait3A_265 = arith.constant 0 : i32
      %dma_wait3A_266 = tpu.memref_slice %arg2[%dma_wait3A_264, %dma_wait3A_265] : memref<10240x64xf32, #tpu.memory_space<hbm>> -> memref<10240x64xf32, #tpu.memory_space<hbm>>
      tpu.wait_indirect_dma semaphore(%arg18 : memref<!tpu.dma_semaphore, #tpu.memory_space<semaphore_mem>>) src(%dma_wait3A_266 : memref<10240x64xf32, #tpu.memory_space<hbm>>) dst(%arg10 : memref<128x64xf32, #tpu.memory_space<vmem>>)
      %dma_start3A_267 = arith.constant 0 : i32
      %dma_start3A_268 = tpu.memref_slice %arg8[%add3A_259, %dma_start3A_267] : memref<80x128xi32, #tpu.memory_space<vmem>> -> memref<1x128xi32, #tpu.memory_space<vmem>>
      %dma_start3A_269 = tpu.memref_squeeze %dma_start3A_268 : memref<1x128xi32, #tpu.memory_space<vmem>> -> memref<128xi32, #tpu.memory_space<vmem>>
      %dma_start3A_270 = arith.constant 0 : i32
      %dma_start3A_271 = arith.constant 0 : i32
      %dma_start3A_272 = tpu.memref_slice %arg9[%dma_start3A_270, %dma_start3A_271] : memref<10240x64xf32, #tpu.memory_space<vmem_shared>> -> memref<10240x64xf32, #tpu.memory_space<vmem_shared>>
      tpu.enqueue_indirect_dma source(%arg10 : memref<128x64xf32, #tpu.memory_space<vmem>>) target(%dma_start3A_272 : memref<10240x64xf32, #tpu.memory_space<vmem_shared>>) offsets(%dma_start3A_269 : memref<128xi32, #tpu.memory_space<vmem>>) semaphore(%arg26 : memref<!tpu.dma_semaphore, #tpu.memory_space<semaphore_mem>>) {add = true}
      %dma_wait3A_273 = arith.constant 0 : i32
      %dma_wait3A_274 = arith.constant 0 : i32
      %dma_wait3A_275 = tpu.memref_slice %arg8[%dma_wait3A_273, %dma_wait3A_274] : memref<80x128xi32, #tpu.memory_space<vmem>> -> memref<1x128xi32, #tpu.memory_space<vmem>>
      %dma_wait3A_276 = tpu.memref_squeeze %dma_wait3A_275 : memref<1x128xi32, #tpu.memory_space<vmem>> -> memref<128xi32, #tpu.memory_space<vmem>>
      %dma_wait3A_277 = arith.constant 0 : i32
      %dma_wait3A_278 = arith.constant 0 : i32
      %dma_wait3A_279 = tpu.memref_slice %arg9[%dma_wait3A_277, %dma_wait3A_278] : memref<10240x64xf32, #tpu.memory_space<vmem_shared>> -> memref<10240x64xf32, #tpu.memory_space<vmem_shared>>
      tpu.wait_indirect_dma semaphore(%arg26 : memref<!tpu.dma_semaphore, #tpu.memory_space<semaphore_mem>>) src(%arg10 : memref<128x64xf32, #tpu.memory_space<vmem>>) dst(%dma_wait3A_279 : memref<10240x64xf32, #tpu.memory_space<vmem_shared>>)
      %add3A_280 = arith.constant 8 : i32
      %add3A_281 = arith.addi %add3A_259, %add3A_280 : i32
      %dma_start3A_282 = arith.constant 0 : i32
      %dma_start3A_283 = tpu.memref_slice %arg7[%add3A_281, %dma_start3A_282] : memref<80x128xi32, #tpu.memory_space<vmem>> -> memref<1x128xi32, #tpu.memory_space<vmem>>
      %dma_start3A_284 = tpu.memref_squeeze %dma_start3A_283 : memref<1x128xi32, #tpu.memory_space<vmem>> -> memref<128xi32, #tpu.memory_space<vmem>>
      %dma_start3A_285 = arith.constant 0 : i32
      %dma_start3A_286 = arith.constant 0 : i32
      %dma_start3A_287 = tpu.memref_slice %arg2[%dma_start3A_285, %dma_start3A_286] : memref<10240x64xf32, #tpu.memory_space<hbm>> -> memref<10240x64xf32, #tpu.memory_space<hbm>>
      tpu.enqueue_indirect_dma source(%dma_start3A_287 : memref<10240x64xf32, #tpu.memory_space<hbm>>) target(%arg10 : memref<128x64xf32, #tpu.memory_space<vmem>>) offsets(%dma_start3A_284 : memref<128xi32, #tpu.memory_space<vmem>>) semaphore(%arg18 : memref<!tpu.dma_semaphore, #tpu.memory_space<semaphore_mem>>)
      %mul3A_288 = arith.constant 8 : i32
      %mul3A_289 = arith.muli %scan3A_255, %mul3A_288 : i32
      %add3A_290 = arith.constant 1 : i32
      %add3A_291 = arith.addi %mul3A_289, %add3A_290 : i32
      %dma_wait3A_292 = arith.constant 0 : i32
      %dma_wait3A_293 = arith.constant 0 : i32
      %dma_wait3A_294 = tpu.memref_slice %arg7[%dma_wait3A_292, %dma_wait3A_293] : memref<80x128xi32, #tpu.memory_space<vmem>> -> memref<1x128xi32, #tpu.memory_space<vmem>>
      %dma_wait3A_295 = tpu.memref_squeeze %dma_wait3A_294 : memref<1x128xi32, #tpu.memory_space<vmem>> -> memref<128xi32, #tpu.memory_space<vmem>>
      %dma_wait3A_296 = arith.constant 0 : i32
      %dma_wait3A_297 = arith.constant 0 : i32
      %dma_wait3A_298 = tpu.memref_slice %arg2[%dma_wait3A_296, %dma_wait3A_297] : memref<10240x64xf32, #tpu.memory_space<hbm>> -> memref<10240x64xf32, #tpu.memory_space<hbm>>
      tpu.wait_indirect_dma semaphore(%arg19 : memref<!tpu.dma_semaphore, #tpu.memory_space<semaphore_mem>>) src(%dma_wait3A_298 : memref<10240x64xf32, #tpu.memory_space<hbm>>) dst(%arg11 : memref<128x64xf32, #tpu.memory_space<vmem>>)
      %dma_start3A_299 = arith.constant 0 : i32
      %dma_start3A_300 = tpu.memref_slice %arg8[%add3A_291, %dma_start3A_299] : memref<80x128xi32, #tpu.memory_space<vmem>> -> memref<1x128xi32, #tpu.memory_space<vmem>>
      %dma_start3A_301 = tpu.memref_squeeze %dma_start3A_300 : memref<1x128xi32, #tpu.memory_space<vmem>> -> memref<128xi32, #tpu.memory_space<vmem>>
      %dma_start3A_302 = arith.constant 0 : i32
      %dma_start3A_303 = arith.constant 0 : i32
      %dma_start3A_304 = tpu.memref_slice %arg9[%dma_start3A_302, %dma_start3A_303] : memref<10240x64xf32, #tpu.memory_space<vmem_shared>> -> memref<10240x64xf32, #tpu.memory_space<vmem_shared>>
      tpu.enqueue_indirect_dma source(%arg11 : memref<128x64xf32, #tpu.memory_space<vmem>>) target(%dma_start3A_304 : memref<10240x64xf32, #tpu.memory_space<vmem_shared>>) offsets(%dma_start3A_301 : memref<128xi32, #tpu.memory_space<vmem>>) semaphore(%arg27 : memref<!tpu.dma_semaphore, #tpu.memory_space<semaphore_mem>>) {add = true}
      %dma_wait3A_305 = arith.constant 0 : i32
      %dma_wait3A_306 = arith.constant 0 : i32
      %dma_wait3A_307 = tpu.memref_slice %arg8[%dma_wait3A_305, %dma_wait3A_306] : memref<80x128xi32, #tpu.memory_space<vmem>> -> memref<1x128xi32, #tpu.memory_space<vmem>>
      %dma_wait3A_308 = tpu.memref_squeeze %dma_wait3A_307 : memref<1x128xi32, #tpu.memory_space<vmem>> -> memref<128xi32, #tpu.memory_space<vmem>>
      %dma_wait3A_309 = arith.constant 0 : i32
      %dma_wait3A_310 = arith.constant 0 : i32
      %dma_wait3A_311 = tpu.memref_slice %arg9[%dma_wait3A_309, %dma_wait3A_310] : memref<10240x64xf32, #tpu.memory_space<vmem_shared>> -> memref<10240x64xf32, #tpu.memory_space<vmem_shared>>
      tpu.wait_indirect_dma semaphore(%arg27 : memref<!tpu.dma_semaphore, #tpu.memory_space<semaphore_mem>>) src(%arg11 : memref<128x64xf32, #tpu.memory_space<vmem>>) dst(%dma_wait3A_311 : memref<10240x64xf32, #tpu.memory_space<vmem_shared>>)
      %add3A_312 = arith.constant 8 : i32
      %add3A_313 = arith.addi %add3A_291, %add3A_312 : i32
      %dma_start3A_314 = arith.constant 0 : i32
      %dma_start3A_315 = tpu.memref_slice %arg7[%add3A_313, %dma_start3A_314] : memref<80x128xi32, #tpu.memory_space<vmem>> -> memref<1x128xi32, #tpu.memory_space<vmem>>
      %dma_start3A_316 = tpu.memref_squeeze %dma_start3A_315 : memref<1x128xi32, #tpu.memory_space<vmem>> -> memref<128xi32, #tpu.memory_space<vmem>>
      %dma_start3A_317 = arith.constant 0 : i32
      %dma_start3A_318 = arith.constant 0 : i32
      %dma_start3A_319 = tpu.memref_slice %arg2[%dma_start3A_317, %dma_start3A_318] : memref<10240x64xf32, #tpu.memory_space<hbm>> -> memref<10240x64xf32, #tpu.memory_space<hbm>>
      tpu.enqueue_indirect_dma source(%dma_start3A_319 : memref<10240x64xf32, #tpu.memory_space<hbm>>) target(%arg11 : memref<128x64xf32, #tpu.memory_space<vmem>>) offsets(%dma_start3A_316 : memref<128xi32, #tpu.memory_space<vmem>>) semaphore(%arg19 : memref<!tpu.dma_semaphore, #tpu.memory_space<semaphore_mem>>)
      %mul3A_320 = arith.constant 8 : i32
      %mul3A_321 = arith.muli %scan3A_255, %mul3A_320 : i32
      %add3A_322 = arith.constant 2 : i32
      %add3A_323 = arith.addi %mul3A_321, %add3A_322 : i32
      %dma_wait3A_324 = arith.constant 0 : i32
      %dma_wait3A_325 = arith.constant 0 : i32
      %dma_wait3A_326 = tpu.memref_slice %arg7[%dma_wait3A_324, %dma_wait3A_325] : memref<80x128xi32, #tpu.memory_space<vmem>> -> memref<1x128xi32, #tpu.memory_space<vmem>>
      %dma_wait3A_327 = tpu.memref_squeeze %dma_wait3A_326 : memref<1x128xi32, #tpu.memory_space<vmem>> -> memref<128xi32, #tpu.memory_space<vmem>>
      %dma_wait3A_328 = arith.constant 0 : i32
      %dma_wait3A_329 = arith.constant 0 : i32
      %dma_wait3A_330 = tpu.memref_slice %arg2[%dma_wait3A_328, %dma_wait3A_329] : memref<10240x64xf32, #tpu.memory_space<hbm>> -> memref<10240x64xf32, #tpu.memory_space<hbm>>
      tpu.wait_indirect_dma semaphore(%arg20 : memref<!tpu.dma_semaphore, #tpu.memory_space<semaphore_mem>>) src(%dma_wait3A_330 : memref<10240x64xf32, #tpu.memory_space<hbm>>) dst(%arg12 : memref<128x64xf32, #tpu.memory_space<vmem>>)
      %dma_start3A_331 = arith.constant 0 : i32
      %dma_start3A_332 = tpu.memref_slice %arg8[%add3A_323, %dma_start3A_331] : memref<80x128xi32, #tpu.memory_space<vmem>> -> memref<1x128xi32, #tpu.memory_space<vmem>>
      %dma_start3A_333 = tpu.memref_squeeze %dma_start3A_332 : memref<1x128xi32, #tpu.memory_space<vmem>> -> memref<128xi32, #tpu.memory_space<vmem>>
      %dma_start3A_334 = arith.constant 0 : i32
      %dma_start3A_335 = arith.constant 0 : i32
      %dma_start3A_336 = tpu.memref_slice %arg9[%dma_start3A_334, %dma_start3A_335] : memref<10240x64xf32, #tpu.memory_space<vmem_shared>> -> memref<10240x64xf32, #tpu.memory_space<vmem_shared>>
      tpu.enqueue_indirect_dma source(%arg12 : memref<128x64xf32, #tpu.memory_space<vmem>>) target(%dma_start3A_336 : memref<10240x64xf32, #tpu.memory_space<vmem_shared>>) offsets(%dma_start3A_333 : memref<128xi32, #tpu.memory_space<vmem>>) semaphore(%arg28 : memref<!tpu.dma_semaphore, #tpu.memory_space<semaphore_mem>>) {add = true}
      %dma_wait3A_337 = arith.constant 0 : i32
      %dma_wait3A_338 = arith.constant 0 : i32
      %dma_wait3A_339 = tpu.memref_slice %arg8[%dma_wait3A_337, %dma_wait3A_338] : memref<80x128xi32, #tpu.memory_space<vmem>> -> memref<1x128xi32, #tpu.memory_space<vmem>>
      %dma_wait3A_340 = tpu.memref_squeeze %dma_wait3A_339 : memref<1x128xi32, #tpu.memory_space<vmem>> -> memref<128xi32, #tpu.memory_space<vmem>>
      %dma_wait3A_341 = arith.constant 0 : i32
      %dma_wait3A_342 = arith.constant 0 : i32
      %dma_wait3A_343 = tpu.memref_slice %arg9[%dma_wait3A_341, %dma_wait3A_342] : memref<10240x64xf32, #tpu.memory_space<vmem_shared>> -> memref<10240x64xf32, #tpu.memory_space<vmem_shared>>
      tpu.wait_indirect_dma semaphore(%arg28 : memref<!tpu.dma_semaphore, #tpu.memory_space<semaphore_mem>>) src(%arg12 : memref<128x64xf32, #tpu.memory_space<vmem>>) dst(%dma_wait3A_343 : memref<10240x64xf32, #tpu.memory_space<vmem_shared>>)
      %add3A_344 = arith.constant 8 : i32
      %add3A_345 = arith.addi %add3A_323, %add3A_344 : i32
      %dma_start3A_346 = arith.constant 0 : i32
      %dma_start3A_347 = tpu.memref_slice %arg7[%add3A_345, %dma_start3A_346] : memref<80x128xi32, #tpu.memory_space<vmem>> -> memref<1x128xi32, #tpu.memory_space<vmem>>
      %dma_start3A_348 = tpu.memref_squeeze %dma_start3A_347 : memref<1x128xi32, #tpu.memory_space<vmem>> -> memref<128xi32, #tpu.memory_space<vmem>>
      %dma_start3A_349 = arith.constant 0 : i32
      %dma_start3A_350 = arith.constant 0 : i32
      %dma_start3A_351 = tpu.memref_slice %arg2[%dma_start3A_349, %dma_start3A_350] : memref<10240x64xf32, #tpu.memory_space<hbm>> -> memref<10240x64xf32, #tpu.memory_space<hbm>>
      tpu.enqueue_indirect_dma source(%dma_start3A_351 : memref<10240x64xf32, #tpu.memory_space<hbm>>) target(%arg12 : memref<128x64xf32, #tpu.memory_space<vmem>>) offsets(%dma_start3A_348 : memref<128xi32, #tpu.memory_space<vmem>>) semaphore(%arg20 : memref<!tpu.dma_semaphore, #tpu.memory_space<semaphore_mem>>)
      %mul3A_352 = arith.constant 8 : i32
      %mul3A_353 = arith.muli %scan3A_255, %mul3A_352 : i32
      %add3A_354 = arith.constant 3 : i32
      %add3A_355 = arith.addi %mul3A_353, %add3A_354 : i32
      %dma_wait3A_356 = arith.constant 0 : i32
      %dma_wait3A_357 = arith.constant 0 : i32
      %dma_wait3A_358 = tpu.memref_slice %arg7[%dma_wait3A_356, %dma_wait3A_357] : memref<80x128xi32, #tpu.memory_space<vmem>> -> memref<1x128xi32, #tpu.memory_space<vmem>>
      %dma_wait3A_359 = tpu.memref_squeeze %dma_wait3A_358 : memref<1x128xi32, #tpu.memory_space<vmem>> -> memref<128xi32, #tpu.memory_space<vmem>>
      %dma_wait3A_360 = arith.constant 0 : i32
      %dma_wait3A_361 = arith.constant 0 : i32
      %dma_wait3A_362 = tpu.memref_slice %arg2[%dma_wait3A_360, %dma_wait3A_361] : memref<10240x64xf32, #tpu.memory_space<hbm>> -> memref<10240x64xf32, #tpu.memory_space<hbm>>
      tpu.wait_indirect_dma semaphore(%arg21 : memref<!tpu.dma_semaphore, #tpu.memory_space<semaphore_mem>>) src(%dma_wait3A_362 : memref<10240x64xf32, #tpu.memory_space<hbm>>) dst(%arg13 : memref<128x64xf32, #tpu.memory_space<vmem>>)
      %dma_start3A_363 = arith.constant 0 : i32
      %dma_start3A_364 = tpu.memref_slice %arg8[%add3A_355, %dma_start3A_363] : memref<80x128xi32, #tpu.memory_space<vmem>> -> memref<1x128xi32, #tpu.memory_space<vmem>>
      %dma_start3A_365 = tpu.memref_squeeze %dma_start3A_364 : memref<1x128xi32, #tpu.memory_space<vmem>> -> memref<128xi32, #tpu.memory_space<vmem>>
      %dma_start3A_366 = arith.constant 0 : i32
      %dma_start3A_367 = arith.constant 0 : i32
      %dma_start3A_368 = tpu.memref_slice %arg9[%dma_start3A_366, %dma_start3A_367] : memref<10240x64xf32, #tpu.memory_space<vmem_shared>> -> memref<10240x64xf32, #tpu.memory_space<vmem_shared>>
      tpu.enqueue_indirect_dma source(%arg13 : memref<128x64xf32, #tpu.memory_space<vmem>>) target(%dma_start3A_368 : memref<10240x64xf32, #tpu.memory_space<vmem_shared>>) offsets(%dma_start3A_365 : memref<128xi32, #tpu.memory_space<vmem>>) semaphore(%arg29 : memref<!tpu.dma_semaphore, #tpu.memory_space<semaphore_mem>>) {add = true}
      %dma_wait3A_369 = arith.constant 0 : i32
      %dma_wait3A_370 = arith.constant 0 : i32
      %dma_wait3A_371 = tpu.memref_slice %arg8[%dma_wait3A_369, %dma_wait3A_370] : memref<80x128xi32, #tpu.memory_space<vmem>> -> memref<1x128xi32, #tpu.memory_space<vmem>>
      %dma_wait3A_372 = tpu.memref_squeeze %dma_wait3A_371 : memref<1x128xi32, #tpu.memory_space<vmem>> -> memref<128xi32, #tpu.memory_space<vmem>>
      %dma_wait3A_373 = arith.constant 0 : i32
      %dma_wait3A_374 = arith.constant 0 : i32
      %dma_wait3A_375 = tpu.memref_slice %arg9[%dma_wait3A_373, %dma_wait3A_374] : memref<10240x64xf32, #tpu.memory_space<vmem_shared>> -> memref<10240x64xf32, #tpu.memory_space<vmem_shared>>
      tpu.wait_indirect_dma semaphore(%arg29 : memref<!tpu.dma_semaphore, #tpu.memory_space<semaphore_mem>>) src(%arg13 : memref<128x64xf32, #tpu.memory_space<vmem>>) dst(%dma_wait3A_375 : memref<10240x64xf32, #tpu.memory_space<vmem_shared>>)
      %add3A_376 = arith.constant 8 : i32
      %add3A_377 = arith.addi %add3A_355, %add3A_376 : i32
      %dma_start3A_378 = arith.constant 0 : i32
      %dma_start3A_379 = tpu.memref_slice %arg7[%add3A_377, %dma_start3A_378] : memref<80x128xi32, #tpu.memory_space<vmem>> -> memref<1x128xi32, #tpu.memory_space<vmem>>
      %dma_start3A_380 = tpu.memref_squeeze %dma_start3A_379 : memref<1x128xi32, #tpu.memory_space<vmem>> -> memref<128xi32, #tpu.memory_space<vmem>>
      %dma_start3A_381 = arith.constant 0 : i32
      %dma_start3A_382 = arith.constant 0 : i32
      %dma_start3A_383 = tpu.memref_slice %arg2[%dma_start3A_381, %dma_start3A_382] : memref<10240x64xf32, #tpu.memory_space<hbm>> -> memref<10240x64xf32, #tpu.memory_space<hbm>>
      tpu.enqueue_indirect_dma source(%dma_start3A_383 : memref<10240x64xf32, #tpu.memory_space<hbm>>) target(%arg13 : memref<128x64xf32, #tpu.memory_space<vmem>>) offsets(%dma_start3A_380 : memref<128xi32, #tpu.memory_space<vmem>>) semaphore(%arg21 : memref<!tpu.dma_semaphore, #tpu.memory_space<semaphore_mem>>)
      %mul3A_384 = arith.constant 8 : i32
      %mul3A_385 = arith.muli %scan3A_255, %mul3A_384 : i32
      %add3A_386 = arith.constant 4 : i32
      %add3A_387 = arith.addi %mul3A_385, %add3A_386 : i32
      %dma_wait3A_388 = arith.constant 0 : i32
      %dma_wait3A_389 = arith.constant 0 : i32
      %dma_wait3A_390 = tpu.memref_slice %arg7[%dma_wait3A_388, %dma_wait3A_389] : memref<80x128xi32, #tpu.memory_space<vmem>> -> memref<1x128xi32, #tpu.memory_space<vmem>>
      %dma_wait3A_391 = tpu.memref_squeeze %dma_wait3A_390 : memref<1x128xi32, #tpu.memory_space<vmem>> -> memref<128xi32, #tpu.memory_space<vmem>>
      %dma_wait3A_392 = arith.constant 0 : i32
      %dma_wait3A_393 = arith.constant 0 : i32
      %dma_wait3A_394 = tpu.memref_slice %arg2[%dma_wait3A_392, %dma_wait3A_393] : memref<10240x64xf32, #tpu.memory_space<hbm>> -> memref<10240x64xf32, #tpu.memory_space<hbm>>
      tpu.wait_indirect_dma semaphore(%arg22 : memref<!tpu.dma_semaphore, #tpu.memory_space<semaphore_mem>>) src(%dma_wait3A_394 : memref<10240x64xf32, #tpu.memory_space<hbm>>) dst(%arg14 : memref<128x64xf32, #tpu.memory_space<vmem>>)
      %dma_start3A_395 = arith.constant 0 : i32
      %dma_start3A_396 = tpu.memref_slice %arg8[%add3A_387, %dma_start3A_395] : memref<80x128xi32, #tpu.memory_space<vmem>> -> memref<1x128xi32, #tpu.memory_space<vmem>>
      %dma_start3A_397 = tpu.memref_squeeze %dma_start3A_396 : memref<1x128xi32, #tpu.memory_space<vmem>> -> memref<128xi32, #tpu.memory_space<vmem>>
      %dma_start3A_398 = arith.constant 0 : i32
      %dma_start3A_399 = arith.constant 0 : i32
      %dma_start3A_400 = tpu.memref_slice %arg9[%dma_start3A_398, %dma_start3A_399] : memref<10240x64xf32, #tpu.memory_space<vmem_shared>> -> memref<10240x64xf32, #tpu.memory_space<vmem_shared>>
      tpu.enqueue_indirect_dma source(%arg14 : memref<128x64xf32, #tpu.memory_space<vmem>>) target(%dma_start3A_400 : memref<10240x64xf32, #tpu.memory_space<vmem_shared>>) offsets(%dma_start3A_397 : memref<128xi32, #tpu.memory_space<vmem>>) semaphore(%arg30 : memref<!tpu.dma_semaphore, #tpu.memory_space<semaphore_mem>>) {add = true}
      %dma_wait3A_401 = arith.constant 0 : i32
      %dma_wait3A_402 = arith.constant 0 : i32
      %dma_wait3A_403 = tpu.memref_slice %arg8[%dma_wait3A_401, %dma_wait3A_402] : memref<80x128xi32, #tpu.memory_space<vmem>> -> memref<1x128xi32, #tpu.memory_space<vmem>>
      %dma_wait3A_404 = tpu.memref_squeeze %dma_wait3A_403 : memref<1x128xi32, #tpu.memory_space<vmem>> -> memref<128xi32, #tpu.memory_space<vmem>>
      %dma_wait3A_405 = arith.constant 0 : i32
      %dma_wait3A_406 = arith.constant 0 : i32
      %dma_wait3A_407 = tpu.memref_slice %arg9[%dma_wait3A_405, %dma_wait3A_406] : memref<10240x64xf32, #tpu.memory_space<vmem_shared>> -> memref<10240x64xf32, #tpu.memory_space<vmem_shared>>
      tpu.wait_indirect_dma semaphore(%arg30 : memref<!tpu.dma_semaphore, #tpu.memory_space<semaphore_mem>>) src(%arg14 : memref<128x64xf32, #tpu.memory_space<vmem>>) dst(%dma_wait3A_407 : memref<10240x64xf32, #tpu.memory_space<vmem_shared>>)
      %add3A_408 = arith.constant 8 : i32
      %add3A_409 = arith.addi %add3A_387, %add3A_408 : i32
      %dma_start3A_410 = arith.constant 0 : i32
      %dma_start3A_411 = tpu.memref_slice %arg7[%add3A_409, %dma_start3A_410] : memref<80x128xi32, #tpu.memory_space<vmem>> -> memref<1x128xi32, #tpu.memory_space<vmem>>
      %dma_start3A_412 = tpu.memref_squeeze %dma_start3A_411 : memref<1x128xi32, #tpu.memory_space<vmem>> -> memref<128xi32, #tpu.memory_space<vmem>>
      %dma_start3A_413 = arith.constant 0 : i32
      %dma_start3A_414 = arith.constant 0 : i32
      %dma_start3A_415 = tpu.memref_slice %arg2[%dma_start3A_413, %dma_start3A_414] : memref<10240x64xf32, #tpu.memory_space<hbm>> -> memref<10240x64xf32, #tpu.memory_space<hbm>>
      tpu.enqueue_indirect_dma source(%dma_start3A_415 : memref<10240x64xf32, #tpu.memory_space<hbm>>) target(%arg14 : memref<128x64xf32, #tpu.memory_space<vmem>>) offsets(%dma_start3A_412 : memref<128xi32, #tpu.memory_space<vmem>>) semaphore(%arg22 : memref<!tpu.dma_semaphore, #tpu.memory_space<semaphore_mem>>)
      %mul3A_416 = arith.constant 8 : i32
      %mul3A_417 = arith.muli %scan3A_255, %mul3A_416 : i32
      %add3A_418 = arith.constant 5 : i32
      %add3A_419 = arith.addi %mul3A_417, %add3A_418 : i32
      %dma_wait3A_420 = arith.constant 0 : i32
      %dma_wait3A_421 = arith.constant 0 : i32
      %dma_wait3A_422 = tpu.memref_slice %arg7[%dma_wait3A_420, %dma_wait3A_421] : memref<80x128xi32, #tpu.memory_space<vmem>> -> memref<1x128xi32, #tpu.memory_space<vmem>>
      %dma_wait3A_423 = tpu.memref_squeeze %dma_wait3A_422 : memref<1x128xi32, #tpu.memory_space<vmem>> -> memref<128xi32, #tpu.memory_space<vmem>>
      %dma_wait3A_424 = arith.constant 0 : i32
      %dma_wait3A_425 = arith.constant 0 : i32
      %dma_wait3A_426 = tpu.memref_slice %arg2[%dma_wait3A_424, %dma_wait3A_425] : memref<10240x64xf32, #tpu.memory_space<hbm>> -> memref<10240x64xf32, #tpu.memory_space<hbm>>
      tpu.wait_indirect_dma semaphore(%arg23 : memref<!tpu.dma_semaphore, #tpu.memory_space<semaphore_mem>>) src(%dma_wait3A_426 : memref<10240x64xf32, #tpu.memory_space<hbm>>) dst(%arg15 : memref<128x64xf32, #tpu.memory_space<vmem>>)
      %dma_start3A_427 = arith.constant 0 : i32
      %dma_start3A_428 = tpu.memref_slice %arg8[%add3A_419, %dma_start3A_427] : memref<80x128xi32, #tpu.memory_space<vmem>> -> memref<1x128xi32, #tpu.memory_space<vmem>>
      %dma_start3A_429 = tpu.memref_squeeze %dma_start3A_428 : memref<1x128xi32, #tpu.memory_space<vmem>> -> memref<128xi32, #tpu.memory_space<vmem>>
      %dma_start3A_430 = arith.constant 0 : i32
      %dma_start3A_431 = arith.constant 0 : i32
      %dma_start3A_432 = tpu.memref_slice %arg9[%dma_start3A_430, %dma_start3A_431] : memref<10240x64xf32, #tpu.memory_space<vmem_shared>> -> memref<10240x64xf32, #tpu.memory_space<vmem_shared>>
      tpu.enqueue_indirect_dma source(%arg15 : memref<128x64xf32, #tpu.memory_space<vmem>>) target(%dma_start3A_432 : memref<10240x64xf32, #tpu.memory_space<vmem_shared>>) offsets(%dma_start3A_429 : memref<128xi32, #tpu.memory_space<vmem>>) semaphore(%arg31 : memref<!tpu.dma_semaphore, #tpu.memory_space<semaphore_mem>>) {add = true}
      %dma_wait3A_433 = arith.constant 0 : i32
      %dma_wait3A_434 = arith.constant 0 : i32
      %dma_wait3A_435 = tpu.memref_slice %arg8[%dma_wait3A_433, %dma_wait3A_434] : memref<80x128xi32, #tpu.memory_space<vmem>> -> memref<1x128xi32, #tpu.memory_space<vmem>>
      %dma_wait3A_436 = tpu.memref_squeeze %dma_wait3A_435 : memref<1x128xi32, #tpu.memory_space<vmem>> -> memref<128xi32, #tpu.memory_space<vmem>>
      %dma_wait3A_437 = arith.constant 0 : i32
      %dma_wait3A_438 = arith.constant 0 : i32
      %dma_wait3A_439 = tpu.memref_slice %arg9[%dma_wait3A_437, %dma_wait3A_438] : memref<10240x64xf32, #tpu.memory_space<vmem_shared>> -> memref<10240x64xf32, #tpu.memory_space<vmem_shared>>
      tpu.wait_indirect_dma semaphore(%arg31 : memref<!tpu.dma_semaphore, #tpu.memory_space<semaphore_mem>>) src(%arg15 : memref<128x64xf32, #tpu.memory_space<vmem>>) dst(%dma_wait3A_439 : memref<10240x64xf32, #tpu.memory_space<vmem_shared>>)
      %add3A_440 = arith.constant 8 : i32
      %add3A_441 = arith.addi %add3A_419, %add3A_440 : i32
      %dma_start3A_442 = arith.constant 0 : i32
      %dma_start3A_443 = tpu.memref_slice %arg7[%add3A_441, %dma_start3A_442] : memref<80x128xi32, #tpu.memory_space<vmem>> -> memref<1x128xi32, #tpu.memory_space<vmem>>
      %dma_start3A_444 = tpu.memref_squeeze %dma_start3A_443 : memref<1x128xi32, #tpu.memory_space<vmem>> -> memref<128xi32, #tpu.memory_space<vmem>>
      %dma_start3A_445 = arith.constant 0 : i32
      %dma_start3A_446 = arith.constant 0 : i32
      %dma_start3A_447 = tpu.memref_slice %arg2[%dma_start3A_445, %dma_start3A_446] : memref<10240x64xf32, #tpu.memory_space<hbm>> -> memref<10240x64xf32, #tpu.memory_space<hbm>>
      tpu.enqueue_indirect_dma source(%dma_start3A_447 : memref<10240x64xf32, #tpu.memory_space<hbm>>) target(%arg15 : memref<128x64xf32, #tpu.memory_space<vmem>>) offsets(%dma_start3A_444 : memref<128xi32, #tpu.memory_space<vmem>>) semaphore(%arg23 : memref<!tpu.dma_semaphore, #tpu.memory_space<semaphore_mem>>)
      %mul3A_448 = arith.constant 8 : i32
      %mul3A_449 = arith.muli %scan3A_255, %mul3A_448 : i32
      %add3A_450 = arith.constant 6 : i32
      %add3A_451 = arith.addi %mul3A_449, %add3A_450 : i32
      %dma_wait3A_452 = arith.constant 0 : i32
      %dma_wait3A_453 = arith.constant 0 : i32
      %dma_wait3A_454 = tpu.memref_slice %arg7[%dma_wait3A_452, %dma_wait3A_453] : memref<80x128xi32, #tpu.memory_space<vmem>> -> memref<1x128xi32, #tpu.memory_space<vmem>>
      %dma_wait3A_455 = tpu.memref_squeeze %dma_wait3A_454 : memref<1x128xi32, #tpu.memory_space<vmem>> -> memref<128xi32, #tpu.memory_space<vmem>>
      %dma_wait3A_456 = arith.constant 0 : i32
      %dma_wait3A_457 = arith.constant 0 : i32
      %dma_wait3A_458 = tpu.memref_slice %arg2[%dma_wait3A_456, %dma_wait3A_457] : memref<10240x64xf32, #tpu.memory_space<hbm>> -> memref<10240x64xf32, #tpu.memory_space<hbm>>
      tpu.wait_indirect_dma semaphore(%arg24 : memref<!tpu.dma_semaphore, #tpu.memory_space<semaphore_mem>>) src(%dma_wait3A_458 : memref<10240x64xf32, #tpu.memory_space<hbm>>) dst(%arg16 : memref<128x64xf32, #tpu.memory_space<vmem>>)
      %dma_start3A_459 = arith.constant 0 : i32
      %dma_start3A_460 = tpu.memref_slice %arg8[%add3A_451, %dma_start3A_459] : memref<80x128xi32, #tpu.memory_space<vmem>> -> memref<1x128xi32, #tpu.memory_space<vmem>>
      %dma_start3A_461 = tpu.memref_squeeze %dma_start3A_460 : memref<1x128xi32, #tpu.memory_space<vmem>> -> memref<128xi32, #tpu.memory_space<vmem>>
      %dma_start3A_462 = arith.constant 0 : i32
      %dma_start3A_463 = arith.constant 0 : i32
      %dma_start3A_464 = tpu.memref_slice %arg9[%dma_start3A_462, %dma_start3A_463] : memref<10240x64xf32, #tpu.memory_space<vmem_shared>> -> memref<10240x64xf32, #tpu.memory_space<vmem_shared>>
      tpu.enqueue_indirect_dma source(%arg16 : memref<128x64xf32, #tpu.memory_space<vmem>>) target(%dma_start3A_464 : memref<10240x64xf32, #tpu.memory_space<vmem_shared>>) offsets(%dma_start3A_461 : memref<128xi32, #tpu.memory_space<vmem>>) semaphore(%arg32 : memref<!tpu.dma_semaphore, #tpu.memory_space<semaphore_mem>>) {add = true}
      %dma_wait3A_465 = arith.constant 0 : i32
      %dma_wait3A_466 = arith.constant 0 : i32
      %dma_wait3A_467 = tpu.memref_slice %arg8[%dma_wait3A_465, %dma_wait3A_466] : memref<80x128xi32, #tpu.memory_space<vmem>> -> memref<1x128xi32, #tpu.memory_space<vmem>>
      %dma_wait3A_468 = tpu.memref_squeeze %dma_wait3A_467 : memref<1x128xi32, #tpu.memory_space<vmem>> -> memref<128xi32, #tpu.memory_space<vmem>>
      %dma_wait3A_469 = arith.constant 0 : i32
      %dma_wait3A_470 = arith.constant 0 : i32
      %dma_wait3A_471 = tpu.memref_slice %arg9[%dma_wait3A_469, %dma_wait3A_470] : memref<10240x64xf32, #tpu.memory_space<vmem_shared>> -> memref<10240x64xf32, #tpu.memory_space<vmem_shared>>
      tpu.wait_indirect_dma semaphore(%arg32 : memref<!tpu.dma_semaphore, #tpu.memory_space<semaphore_mem>>) src(%arg16 : memref<128x64xf32, #tpu.memory_space<vmem>>) dst(%dma_wait3A_471 : memref<10240x64xf32, #tpu.memory_space<vmem_shared>>)
      %add3A_472 = arith.constant 8 : i32
      %add3A_473 = arith.addi %add3A_451, %add3A_472 : i32
      %dma_start3A_474 = arith.constant 0 : i32
      %dma_start3A_475 = tpu.memref_slice %arg7[%add3A_473, %dma_start3A_474] : memref<80x128xi32, #tpu.memory_space<vmem>> -> memref<1x128xi32, #tpu.memory_space<vmem>>
      %dma_start3A_476 = tpu.memref_squeeze %dma_start3A_475 : memref<1x128xi32, #tpu.memory_space<vmem>> -> memref<128xi32, #tpu.memory_space<vmem>>
      %dma_start3A_477 = arith.constant 0 : i32
      %dma_start3A_478 = arith.constant 0 : i32
      %dma_start3A_479 = tpu.memref_slice %arg2[%dma_start3A_477, %dma_start3A_478] : memref<10240x64xf32, #tpu.memory_space<hbm>> -> memref<10240x64xf32, #tpu.memory_space<hbm>>
      tpu.enqueue_indirect_dma source(%dma_start3A_479 : memref<10240x64xf32, #tpu.memory_space<hbm>>) target(%arg16 : memref<128x64xf32, #tpu.memory_space<vmem>>) offsets(%dma_start3A_476 : memref<128xi32, #tpu.memory_space<vmem>>) semaphore(%arg24 : memref<!tpu.dma_semaphore, #tpu.memory_space<semaphore_mem>>)
      %mul3A_480 = arith.constant 8 : i32
      %mul3A_481 = arith.muli %scan3A_255, %mul3A_480 : i32
      %add3A_482 = arith.constant 7 : i32
      %add3A_483 = arith.addi %mul3A_481, %add3A_482 : i32
      %dma_wait3A_484 = arith.constant 0 : i32
      %dma_wait3A_485 = arith.constant 0 : i32
      %dma_wait3A_486 = tpu.memref_slice %arg7[%dma_wait3A_484, %dma_wait3A_485] : memref<80x128xi32, #tpu.memory_space<vmem>> -> memref<1x128xi32, #tpu.memory_space<vmem>>
      %dma_wait3A_487 = tpu.memref_squeeze %dma_wait3A_486 : memref<1x128xi32, #tpu.memory_space<vmem>> -> memref<128xi32, #tpu.memory_space<vmem>>
      %dma_wait3A_488 = arith.constant 0 : i32
      %dma_wait3A_489 = arith.constant 0 : i32
      %dma_wait3A_490 = tpu.memref_slice %arg2[%dma_wait3A_488, %dma_wait3A_489] : memref<10240x64xf32, #tpu.memory_space<hbm>> -> memref<10240x64xf32, #tpu.memory_space<hbm>>
      tpu.wait_indirect_dma semaphore(%arg25 : memref<!tpu.dma_semaphore, #tpu.memory_space<semaphore_mem>>) src(%dma_wait3A_490 : memref<10240x64xf32, #tpu.memory_space<hbm>>) dst(%arg17 : memref<128x64xf32, #tpu.memory_space<vmem>>)
      %dma_start3A_491 = arith.constant 0 : i32
      %dma_start3A_492 = tpu.memref_slice %arg8[%add3A_483, %dma_start3A_491] : memref<80x128xi32, #tpu.memory_space<vmem>> -> memref<1x128xi32, #tpu.memory_space<vmem>>
      %dma_start3A_493 = tpu.memref_squeeze %dma_start3A_492 : memref<1x128xi32, #tpu.memory_space<vmem>> -> memref<128xi32, #tpu.memory_space<vmem>>
      %dma_start3A_494 = arith.constant 0 : i32
      %dma_start3A_495 = arith.constant 0 : i32
      %dma_start3A_496 = tpu.memref_slice %arg9[%dma_start3A_494, %dma_start3A_495] : memref<10240x64xf32, #tpu.memory_space<vmem_shared>> -> memref<10240x64xf32, #tpu.memory_space<vmem_shared>>
      tpu.enqueue_indirect_dma source(%arg17 : memref<128x64xf32, #tpu.memory_space<vmem>>) target(%dma_start3A_496 : memref<10240x64xf32, #tpu.memory_space<vmem_shared>>) offsets(%dma_start3A_493 : memref<128xi32, #tpu.memory_space<vmem>>) semaphore(%arg33 : memref<!tpu.dma_semaphore, #tpu.memory_space<semaphore_mem>>) {add = true}
      %dma_wait3A_497 = arith.constant 0 : i32
      %dma_wait3A_498 = arith.constant 0 : i32
      %dma_wait3A_499 = tpu.memref_slice %arg8[%dma_wait3A_497, %dma_wait3A_498] : memref<80x128xi32, #tpu.memory_space<vmem>> -> memref<1x128xi32, #tpu.memory_space<vmem>>
      %dma_wait3A_500 = tpu.memref_squeeze %dma_wait3A_499 : memref<1x128xi32, #tpu.memory_space<vmem>> -> memref<128xi32, #tpu.memory_space<vmem>>
      %dma_wait3A_501 = arith.constant 0 : i32
      %dma_wait3A_502 = arith.constant 0 : i32
      %dma_wait3A_503 = tpu.memref_slice %arg9[%dma_wait3A_501, %dma_wait3A_502] : memref<10240x64xf32, #tpu.memory_space<vmem_shared>> -> memref<10240x64xf32, #tpu.memory_space<vmem_shared>>
      tpu.wait_indirect_dma semaphore(%arg33 : memref<!tpu.dma_semaphore, #tpu.memory_space<semaphore_mem>>) src(%arg17 : memref<128x64xf32, #tpu.memory_space<vmem>>) dst(%dma_wait3A_503 : memref<10240x64xf32, #tpu.memory_space<vmem_shared>>)
      %add3A_504 = arith.constant 8 : i32
      %add3A_505 = arith.addi %add3A_483, %add3A_504 : i32
      %dma_start3A_506 = arith.constant 0 : i32
      %dma_start3A_507 = tpu.memref_slice %arg7[%add3A_505, %dma_start3A_506] : memref<80x128xi32, #tpu.memory_space<vmem>> -> memref<1x128xi32, #tpu.memory_space<vmem>>
      %dma_start3A_508 = tpu.memref_squeeze %dma_start3A_507 : memref<1x128xi32, #tpu.memory_space<vmem>> -> memref<128xi32, #tpu.memory_space<vmem>>
      %dma_start3A_509 = arith.constant 0 : i32
      %dma_start3A_510 = arith.constant 0 : i32
      %dma_start3A_511 = tpu.memref_slice %arg2[%dma_start3A_509, %dma_start3A_510] : memref<10240x64xf32, #tpu.memory_space<hbm>> -> memref<10240x64xf32, #tpu.memory_space<hbm>>
      tpu.enqueue_indirect_dma source(%dma_start3A_511 : memref<10240x64xf32, #tpu.memory_space<hbm>>) target(%arg17 : memref<128x64xf32, #tpu.memory_space<vmem>>) offsets(%dma_start3A_508 : memref<128xi32, #tpu.memory_space<vmem>>) semaphore(%arg25 : memref<!tpu.dma_semaphore, #tpu.memory_space<semaphore_mem>>)
    }
    %scan3A_81 = arith.constant 9 : i32
    %dma_wait3A_82 = arith.constant 0 : i32
    %dma_wait3A_83 = arith.constant 0 : i32
    %dma_wait3A_84 = tpu.memref_slice %arg7[%dma_wait3A_82, %dma_wait3A_83] : memref<80x128xi32, #tpu.memory_space<vmem>> -> memref<1x128xi32, #tpu.memory_space<vmem>>
    %dma_wait3A_85 = tpu.memref_squeeze %dma_wait3A_84 : memref<1x128xi32, #tpu.memory_space<vmem>> -> memref<128xi32, #tpu.memory_space<vmem>>
    %dma_wait3A_86 = arith.constant 0 : i32
    %dma_wait3A_87 = arith.constant 0 : i32
    %dma_wait3A_88 = tpu.memref_slice %arg2[%dma_wait3A_86, %dma_wait3A_87] : memref<10240x64xf32, #tpu.memory_space<hbm>> -> memref<10240x64xf32, #tpu.memory_space<hbm>>
    tpu.wait_indirect_dma semaphore(%arg18 : memref<!tpu.dma_semaphore, #tpu.memory_space<semaphore_mem>>) src(%dma_wait3A_88 : memref<10240x64xf32, #tpu.memory_space<hbm>>) dst(%arg10 : memref<128x64xf32, #tpu.memory_space<vmem>>)
    %dma_start3A_89 = arith.constant 72 : i32
    %dma_start3A_90 = arith.constant 0 : i32
    %dma_start3A_91 = tpu.memref_slice %arg8[%dma_start3A_89, %dma_start3A_90] : memref<80x128xi32, #tpu.memory_space<vmem>> -> memref<1x128xi32, #tpu.memory_space<vmem>>
    %dma_start3A_92 = tpu.memref_squeeze %dma_start3A_91 : memref<1x128xi32, #tpu.memory_space<vmem>> -> memref<128xi32, #tpu.memory_space<vmem>>
    %dma_start3A_93 = arith.constant 0 : i32
    %dma_start3A_94 = arith.constant 0 : i32
    %dma_start3A_95 = tpu.memref_slice %arg9[%dma_start3A_93, %dma_start3A_94] : memref<10240x64xf32, #tpu.memory_space<vmem_shared>> -> memref<10240x64xf32, #tpu.memory_space<vmem_shared>>
    tpu.enqueue_indirect_dma source(%arg10 : memref<128x64xf32, #tpu.memory_space<vmem>>) target(%dma_start3A_95 : memref<10240x64xf32, #tpu.memory_space<vmem_shared>>) offsets(%dma_start3A_92 : memref<128xi32, #tpu.memory_space<vmem>>) semaphore(%arg26 : memref<!tpu.dma_semaphore, #tpu.memory_space<semaphore_mem>>) {add = true}
    %dma_wait3A_96 = arith.constant 0 : i32
    %dma_wait3A_97 = arith.constant 0 : i32
    %dma_wait3A_98 = tpu.memref_slice %arg7[%dma_wait3A_96, %dma_wait3A_97] : memref<80x128xi32, #tpu.memory_space<vmem>> -> memref<1x128xi32, #tpu.memory_space<vmem>>
    %dma_wait3A_99 = tpu.memref_squeeze %dma_wait3A_98 : memref<1x128xi32, #tpu.memory_space<vmem>> -> memref<128xi32, #tpu.memory_space<vmem>>
    %dma_wait3A_100 = arith.constant 0 : i32
    %dma_wait3A_101 = arith.constant 0 : i32
    %dma_wait3A_102 = tpu.memref_slice %arg2[%dma_wait3A_100, %dma_wait3A_101] : memref<10240x64xf32, #tpu.memory_space<hbm>> -> memref<10240x64xf32, #tpu.memory_space<hbm>>
    tpu.wait_indirect_dma semaphore(%arg19 : memref<!tpu.dma_semaphore, #tpu.memory_space<semaphore_mem>>) src(%dma_wait3A_102 : memref<10240x64xf32, #tpu.memory_space<hbm>>) dst(%arg11 : memref<128x64xf32, #tpu.memory_space<vmem>>)
    %dma_start3A_103 = arith.constant 73 : i32
    %dma_start3A_104 = arith.constant 0 : i32
    %dma_start3A_105 = tpu.memref_slice %arg8[%dma_start3A_103, %dma_start3A_104] : memref<80x128xi32, #tpu.memory_space<vmem>> -> memref<1x128xi32, #tpu.memory_space<vmem>>
    %dma_start3A_106 = tpu.memref_squeeze %dma_start3A_105 : memref<1x128xi32, #tpu.memory_space<vmem>> -> memref<128xi32, #tpu.memory_space<vmem>>
    %dma_start3A_107 = arith.constant 0 : i32
    %dma_start3A_108 = arith.constant 0 : i32
    %dma_start3A_109 = tpu.memref_slice %arg9[%dma_start3A_107, %dma_start3A_108] : memref<10240x64xf32, #tpu.memory_space<vmem_shared>> -> memref<10240x64xf32, #tpu.memory_space<vmem_shared>>
    tpu.enqueue_indirect_dma source(%arg11 : memref<128x64xf32, #tpu.memory_space<vmem>>) target(%dma_start3A_109 : memref<10240x64xf32, #tpu.memory_space<vmem_shared>>) offsets(%dma_start3A_106 : memref<128xi32, #tpu.memory_space<vmem>>) semaphore(%arg27 : memref<!tpu.dma_semaphore, #tpu.memory_space<semaphore_mem>>) {add = true}
    %dma_wait3A_110 = arith.constant 0 : i32
    %dma_wait3A_111 = arith.constant 0 : i32
    %dma_wait3A_112 = tpu.memref_slice %arg7[%dma_wait3A_110, %dma_wait3A_111] : memref<80x128xi32, #tpu.memory_space<vmem>> -> memref<1x128xi32, #tpu.memory_space<vmem>>
    %dma_wait3A_113 = tpu.memref_squeeze %dma_wait3A_112 : memref<1x128xi32, #tpu.memory_space<vmem>> -> memref<128xi32, #tpu.memory_space<vmem>>
    %dma_wait3A_114 = arith.constant 0 : i32
    %dma_wait3A_115 = arith.constant 0 : i32
    %dma_wait3A_116 = tpu.memref_slice %arg2[%dma_wait3A_114, %dma_wait3A_115] : memref<10240x64xf32, #tpu.memory_space<hbm>> -> memref<10240x64xf32, #tpu.memory_space<hbm>>
    tpu.wait_indirect_dma semaphore(%arg20 : memref<!tpu.dma_semaphore, #tpu.memory_space<semaphore_mem>>) src(%dma_wait3A_116 : memref<10240x64xf32, #tpu.memory_space<hbm>>) dst(%arg12 : memref<128x64xf32, #tpu.memory_space<vmem>>)
    %dma_start3A_117 = arith.constant 74 : i32
    %dma_start3A_118 = arith.constant 0 : i32
    %dma_start3A_119 = tpu.memref_slice %arg8[%dma_start3A_117, %dma_start3A_118] : memref<80x128xi32, #tpu.memory_space<vmem>> -> memref<1x128xi32, #tpu.memory_space<vmem>>
    %dma_start3A_120 = tpu.memref_squeeze %dma_start3A_119 : memref<1x128xi32, #tpu.memory_space<vmem>> -> memref<128xi32, #tpu.memory_space<vmem>>
    %dma_start3A_121 = arith.constant 0 : i32
    %dma_start3A_122 = arith.constant 0 : i32
    %dma_start3A_123 = tpu.memref_slice %arg9[%dma_start3A_121, %dma_start3A_122] : memref<10240x64xf32, #tpu.memory_space<vmem_shared>> -> memref<10240x64xf32, #tpu.memory_space<vmem_shared>>
    tpu.enqueue_indirect_dma source(%arg12 : memref<128x64xf32, #tpu.memory_space<vmem>>) target(%dma_start3A_123 : memref<10240x64xf32, #tpu.memory_space<vmem_shared>>) offsets(%dma_start3A_120 : memref<128xi32, #tpu.memory_space<vmem>>) semaphore(%arg28 : memref<!tpu.dma_semaphore, #tpu.memory_space<semaphore_mem>>) {add = true}
    %dma_wait3A_124 = arith.constant 0 : i32
    %dma_wait3A_125 = arith.constant 0 : i32
    %dma_wait3A_126 = tpu.memref_slice %arg7[%dma_wait3A_124, %dma_wait3A_125] : memref<80x128xi32, #tpu.memory_space<vmem>> -> memref<1x128xi32, #tpu.memory_space<vmem>>
    %dma_wait3A_127 = tpu.memref_squeeze %dma_wait3A_126 : memref<1x128xi32, #tpu.memory_space<vmem>> -> memref<128xi32, #tpu.memory_space<vmem>>
    %dma_wait3A_128 = arith.constant 0 : i32
    %dma_wait3A_129 = arith.constant 0 : i32
    %dma_wait3A_130 = tpu.memref_slice %arg2[%dma_wait3A_128, %dma_wait3A_129] : memref<10240x64xf32, #tpu.memory_space<hbm>> -> memref<10240x64xf32, #tpu.memory_space<hbm>>
    tpu.wait_indirect_dma semaphore(%arg21 : memref<!tpu.dma_semaphore, #tpu.memory_space<semaphore_mem>>) src(%dma_wait3A_130 : memref<10240x64xf32, #tpu.memory_space<hbm>>) dst(%arg13 : memref<128x64xf32, #tpu.memory_space<vmem>>)
    %dma_start3A_131 = arith.constant 75 : i32
    %dma_start3A_132 = arith.constant 0 : i32
    %dma_start3A_133 = tpu.memref_slice %arg8[%dma_start3A_131, %dma_start3A_132] : memref<80x128xi32, #tpu.memory_space<vmem>> -> memref<1x128xi32, #tpu.memory_space<vmem>>
    %dma_start3A_134 = tpu.memref_squeeze %dma_start3A_133 : memref<1x128xi32, #tpu.memory_space<vmem>> -> memref<128xi32, #tpu.memory_space<vmem>>
    %dma_start3A_135 = arith.constant 0 : i32
    %dma_start3A_136 = arith.constant 0 : i32
    %dma_start3A_137 = tpu.memref_slice %arg9[%dma_start3A_135, %dma_start3A_136] : memref<10240x64xf32, #tpu.memory_space<vmem_shared>> -> memref<10240x64xf32, #tpu.memory_space<vmem_shared>>
    tpu.enqueue_indirect_dma source(%arg13 : memref<128x64xf32, #tpu.memory_space<vmem>>) target(%dma_start3A_137 : memref<10240x64xf32, #tpu.memory_space<vmem_shared>>) offsets(%dma_start3A_134 : memref<128xi32, #tpu.memory_space<vmem>>) semaphore(%arg29 : memref<!tpu.dma_semaphore, #tpu.memory_space<semaphore_mem>>) {add = true}
    %dma_wait3A_138 = arith.constant 0 : i32
    %dma_wait3A_139 = arith.constant 0 : i32
    %dma_wait3A_140 = tpu.memref_slice %arg7[%dma_wait3A_138, %dma_wait3A_139] : memref<80x128xi32, #tpu.memory_space<vmem>> -> memref<1x128xi32, #tpu.memory_space<vmem>>
    %dma_wait3A_141 = tpu.memref_squeeze %dma_wait3A_140 : memref<1x128xi32, #tpu.memory_space<vmem>> -> memref<128xi32, #tpu.memory_space<vmem>>
    %dma_wait3A_142 = arith.constant 0 : i32
    %dma_wait3A_143 = arith.constant 0 : i32
    %dma_wait3A_144 = tpu.memref_slice %arg2[%dma_wait3A_142, %dma_wait3A_143] : memref<10240x64xf32, #tpu.memory_space<hbm>> -> memref<10240x64xf32, #tpu.memory_space<hbm>>
    tpu.wait_indirect_dma semaphore(%arg22 : memref<!tpu.dma_semaphore, #tpu.memory_space<semaphore_mem>>) src(%dma_wait3A_144 : memref<10240x64xf32, #tpu.memory_space<hbm>>) dst(%arg14 : memref<128x64xf32, #tpu.memory_space<vmem>>)
    %dma_start3A_145 = arith.constant 76 : i32
    %dma_start3A_146 = arith.constant 0 : i32
    %dma_start3A_147 = tpu.memref_slice %arg8[%dma_start3A_145, %dma_start3A_146] : memref<80x128xi32, #tpu.memory_space<vmem>> -> memref<1x128xi32, #tpu.memory_space<vmem>>
    %dma_start3A_148 = tpu.memref_squeeze %dma_start3A_147 : memref<1x128xi32, #tpu.memory_space<vmem>> -> memref<128xi32, #tpu.memory_space<vmem>>
    %dma_start3A_149 = arith.constant 0 : i32
    %dma_start3A_150 = arith.constant 0 : i32
    %dma_start3A_151 = tpu.memref_slice %arg9[%dma_start3A_149, %dma_start3A_150] : memref<10240x64xf32, #tpu.memory_space<vmem_shared>> -> memref<10240x64xf32, #tpu.memory_space<vmem_shared>>
    tpu.enqueue_indirect_dma source(%arg14 : memref<128x64xf32, #tpu.memory_space<vmem>>) target(%dma_start3A_151 : memref<10240x64xf32, #tpu.memory_space<vmem_shared>>) offsets(%dma_start3A_148 : memref<128xi32, #tpu.memory_space<vmem>>) semaphore(%arg30 : memref<!tpu.dma_semaphore, #tpu.memory_space<semaphore_mem>>) {add = true}
    %dma_wait3A_152 = arith.constant 0 : i32
    %dma_wait3A_153 = arith.constant 0 : i32
    %dma_wait3A_154 = tpu.memref_slice %arg7[%dma_wait3A_152, %dma_wait3A_153] : memref<80x128xi32, #tpu.memory_space<vmem>> -> memref<1x128xi32, #tpu.memory_space<vmem>>
    %dma_wait3A_155 = tpu.memref_squeeze %dma_wait3A_154 : memref<1x128xi32, #tpu.memory_space<vmem>> -> memref<128xi32, #tpu.memory_space<vmem>>
    %dma_wait3A_156 = arith.constant 0 : i32
    %dma_wait3A_157 = arith.constant 0 : i32
    %dma_wait3A_158 = tpu.memref_slice %arg2[%dma_wait3A_156, %dma_wait3A_157] : memref<10240x64xf32, #tpu.memory_space<hbm>> -> memref<10240x64xf32, #tpu.memory_space<hbm>>
    tpu.wait_indirect_dma semaphore(%arg23 : memref<!tpu.dma_semaphore, #tpu.memory_space<semaphore_mem>>) src(%dma_wait3A_158 : memref<10240x64xf32, #tpu.memory_space<hbm>>) dst(%arg15 : memref<128x64xf32, #tpu.memory_space<vmem>>)
    %dma_start3A_159 = arith.constant 77 : i32
    %dma_start3A_160 = arith.constant 0 : i32
    %dma_start3A_161 = tpu.memref_slice %arg8[%dma_start3A_159, %dma_start3A_160] : memref<80x128xi32, #tpu.memory_space<vmem>> -> memref<1x128xi32, #tpu.memory_space<vmem>>
    %dma_start3A_162 = tpu.memref_squeeze %dma_start3A_161 : memref<1x128xi32, #tpu.memory_space<vmem>> -> memref<128xi32, #tpu.memory_space<vmem>>
    %dma_start3A_163 = arith.constant 0 : i32
    %dma_start3A_164 = arith.constant 0 : i32
    %dma_start3A_165 = tpu.memref_slice %arg9[%dma_start3A_163, %dma_start3A_164] : memref<10240x64xf32, #tpu.memory_space<vmem_shared>> -> memref<10240x64xf32, #tpu.memory_space<vmem_shared>>
    tpu.enqueue_indirect_dma source(%arg15 : memref<128x64xf32, #tpu.memory_space<vmem>>) target(%dma_start3A_165 : memref<10240x64xf32, #tpu.memory_space<vmem_shared>>) offsets(%dma_start3A_162 : memref<128xi32, #tpu.memory_space<vmem>>) semaphore(%arg31 : memref<!tpu.dma_semaphore, #tpu.memory_space<semaphore_mem>>) {add = true}
    %dma_wait3A_166 = arith.constant 0 : i32
    %dma_wait3A_167 = arith.constant 0 : i32
    %dma_wait3A_168 = tpu.memref_slice %arg7[%dma_wait3A_166, %dma_wait3A_167] : memref<80x128xi32, #tpu.memory_space<vmem>> -> memref<1x128xi32, #tpu.memory_space<vmem>>
    %dma_wait3A_169 = tpu.memref_squeeze %dma_wait3A_168 : memref<1x128xi32, #tpu.memory_space<vmem>> -> memref<128xi32, #tpu.memory_space<vmem>>
    %dma_wait3A_170 = arith.constant 0 : i32
    %dma_wait3A_171 = arith.constant 0 : i32
    %dma_wait3A_172 = tpu.memref_slice %arg2[%dma_wait3A_170, %dma_wait3A_171] : memref<10240x64xf32, #tpu.memory_space<hbm>> -> memref<10240x64xf32, #tpu.memory_space<hbm>>
    tpu.wait_indirect_dma semaphore(%arg24 : memref<!tpu.dma_semaphore, #tpu.memory_space<semaphore_mem>>) src(%dma_wait3A_172 : memref<10240x64xf32, #tpu.memory_space<hbm>>) dst(%arg16 : memref<128x64xf32, #tpu.memory_space<vmem>>)
    %dma_start3A_173 = arith.constant 78 : i32
    %dma_start3A_174 = arith.constant 0 : i32
    %dma_start3A_175 = tpu.memref_slice %arg8[%dma_start3A_173, %dma_start3A_174] : memref<80x128xi32, #tpu.memory_space<vmem>> -> memref<1x128xi32, #tpu.memory_space<vmem>>
    %dma_start3A_176 = tpu.memref_squeeze %dma_start3A_175 : memref<1x128xi32, #tpu.memory_space<vmem>> -> memref<128xi32, #tpu.memory_space<vmem>>
    %dma_start3A_177 = arith.constant 0 : i32
    %dma_start3A_178 = arith.constant 0 : i32
    %dma_start3A_179 = tpu.memref_slice %arg9[%dma_start3A_177, %dma_start3A_178] : memref<10240x64xf32, #tpu.memory_space<vmem_shared>> -> memref<10240x64xf32, #tpu.memory_space<vmem_shared>>
    tpu.enqueue_indirect_dma source(%arg16 : memref<128x64xf32, #tpu.memory_space<vmem>>) target(%dma_start3A_179 : memref<10240x64xf32, #tpu.memory_space<vmem_shared>>) offsets(%dma_start3A_176 : memref<128xi32, #tpu.memory_space<vmem>>) semaphore(%arg32 : memref<!tpu.dma_semaphore, #tpu.memory_space<semaphore_mem>>) {add = true}
    %dma_wait3A_180 = arith.constant 0 : i32
    %dma_wait3A_181 = arith.constant 0 : i32
    %dma_wait3A_182 = tpu.memref_slice %arg7[%dma_wait3A_180, %dma_wait3A_181] : memref<80x128xi32, #tpu.memory_space<vmem>> -> memref<1x128xi32, #tpu.memory_space<vmem>>
    %dma_wait3A_183 = tpu.memref_squeeze %dma_wait3A_182 : memref<1x128xi32, #tpu.memory_space<vmem>> -> memref<128xi32, #tpu.memory_space<vmem>>
    %dma_wait3A_184 = arith.constant 0 : i32
    %dma_wait3A_185 = arith.constant 0 : i32
    %dma_wait3A_186 = tpu.memref_slice %arg2[%dma_wait3A_184, %dma_wait3A_185] : memref<10240x64xf32, #tpu.memory_space<hbm>> -> memref<10240x64xf32, #tpu.memory_space<hbm>>
    tpu.wait_indirect_dma semaphore(%arg25 : memref<!tpu.dma_semaphore, #tpu.memory_space<semaphore_mem>>) src(%dma_wait3A_186 : memref<10240x64xf32, #tpu.memory_space<hbm>>) dst(%arg17 : memref<128x64xf32, #tpu.memory_space<vmem>>)
    %dma_start3A_187 = arith.constant 79 : i32
    %dma_start3A_188 = arith.constant 0 : i32
    %dma_start3A_189 = tpu.memref_slice %arg8[%dma_start3A_187, %dma_start3A_188] : memref<80x128xi32, #tpu.memory_space<vmem>> -> memref<1x128xi32, #tpu.memory_space<vmem>>
    %dma_start3A_190 = tpu.memref_squeeze %dma_start3A_189 : memref<1x128xi32, #tpu.memory_space<vmem>> -> memref<128xi32, #tpu.memory_space<vmem>>
    %dma_start3A_191 = arith.constant 0 : i32
    %dma_start3A_192 = arith.constant 0 : i32
    %dma_start3A_193 = tpu.memref_slice %arg9[%dma_start3A_191, %dma_start3A_192] : memref<10240x64xf32, #tpu.memory_space<vmem_shared>> -> memref<10240x64xf32, #tpu.memory_space<vmem_shared>>
    tpu.enqueue_indirect_dma source(%arg17 : memref<128x64xf32, #tpu.memory_space<vmem>>) target(%dma_start3A_193 : memref<10240x64xf32, #tpu.memory_space<vmem_shared>>) offsets(%dma_start3A_190 : memref<128xi32, #tpu.memory_space<vmem>>) semaphore(%arg33 : memref<!tpu.dma_semaphore, #tpu.memory_space<semaphore_mem>>) {add = true}
    %dma_wait3A_194 = arith.constant 0 : i32
    %dma_wait3A_195 = arith.constant 0 : i32
    %dma_wait3A_196 = tpu.memref_slice %arg8[%dma_wait3A_194, %dma_wait3A_195] : memref<80x128xi32, #tpu.memory_space<vmem>> -> memref<1x128xi32, #tpu.memory_space<vmem>>
    %dma_wait3A_197 = tpu.memref_squeeze %dma_wait3A_196 : memref<1x128xi32, #tpu.memory_space<vmem>> -> memref<128xi32, #tpu.memory_space<vmem>>
    %dma_wait3A_198 = arith.constant 0 : i32
    %dma_wait3A_199 = arith.constant 0 : i32
    %dma_wait3A_200 = tpu.memref_slice %arg9[%dma_wait3A_198, %dma_wait3A_199] : memref<10240x64xf32, #tpu.memory_space<vmem_shared>> -> memref<10240x64xf32, #tpu.memory_space<vmem_shared>>
    tpu.wait_indirect_dma semaphore(%arg26 : memref<!tpu.dma_semaphore, #tpu.memory_space<semaphore_mem>>) src(%arg10 : memref<128x64xf32, #tpu.memory_space<vmem>>) dst(%dma_wait3A_200 : memref<10240x64xf32, #tpu.memory_space<vmem_shared>>)
    %dma_wait3A_201 = arith.constant 0 : i32
    %dma_wait3A_202 = arith.constant 0 : i32
    %dma_wait3A_203 = tpu.memref_slice %arg8[%dma_wait3A_201, %dma_wait3A_202] : memref<80x128xi32, #tpu.memory_space<vmem>> -> memref<1x128xi32, #tpu.memory_space<vmem>>
    %dma_wait3A_204 = tpu.memref_squeeze %dma_wait3A_203 : memref<1x128xi32, #tpu.memory_space<vmem>> -> memref<128xi32, #tpu.memory_space<vmem>>
    %dma_wait3A_205 = arith.constant 0 : i32
    %dma_wait3A_206 = arith.constant 0 : i32
    %dma_wait3A_207 = tpu.memref_slice %arg9[%dma_wait3A_205, %dma_wait3A_206] : memref<10240x64xf32, #tpu.memory_space<vmem_shared>> -> memref<10240x64xf32, #tpu.memory_space<vmem_shared>>
    tpu.wait_indirect_dma semaphore(%arg27 : memref<!tpu.dma_semaphore, #tpu.memory_space<semaphore_mem>>) src(%arg11 : memref<128x64xf32, #tpu.memory_space<vmem>>) dst(%dma_wait3A_207 : memref<10240x64xf32, #tpu.memory_space<vmem_shared>>)
    %dma_wait3A_208 = arith.constant 0 : i32
    %dma_wait3A_209 = arith.constant 0 : i32
    %dma_wait3A_210 = tpu.memref_slice %arg8[%dma_wait3A_208, %dma_wait3A_209] : memref<80x128xi32, #tpu.memory_space<vmem>> -> memref<1x128xi32, #tpu.memory_space<vmem>>
    %dma_wait3A_211 = tpu.memref_squeeze %dma_wait3A_210 : memref<1x128xi32, #tpu.memory_space<vmem>> -> memref<128xi32, #tpu.memory_space<vmem>>
    %dma_wait3A_212 = arith.constant 0 : i32
    %dma_wait3A_213 = arith.constant 0 : i32
    %dma_wait3A_214 = tpu.memref_slice %arg9[%dma_wait3A_212, %dma_wait3A_213] : memref<10240x64xf32, #tpu.memory_space<vmem_shared>> -> memref<10240x64xf32, #tpu.memory_space<vmem_shared>>
    tpu.wait_indirect_dma semaphore(%arg28 : memref<!tpu.dma_semaphore, #tpu.memory_space<semaphore_mem>>) src(%arg12 : memref<128x64xf32, #tpu.memory_space<vmem>>) dst(%dma_wait3A_214 : memref<10240x64xf32, #tpu.memory_space<vmem_shared>>)
    %dma_wait3A_215 = arith.constant 0 : i32
    %dma_wait3A_216 = arith.constant 0 : i32
    %dma_wait3A_217 = tpu.memref_slice %arg8[%dma_wait3A_215, %dma_wait3A_216] : memref<80x128xi32, #tpu.memory_space<vmem>> -> memref<1x128xi32, #tpu.memory_space<vmem>>
    %dma_wait3A_218 = tpu.memref_squeeze %dma_wait3A_217 : memref<1x128xi32, #tpu.memory_space<vmem>> -> memref<128xi32, #tpu.memory_space<vmem>>
    %dma_wait3A_219 = arith.constant 0 : i32
    %dma_wait3A_220 = arith.constant 0 : i32
    %dma_wait3A_221 = tpu.memref_slice %arg9[%dma_wait3A_219, %dma_wait3A_220] : memref<10240x64xf32, #tpu.memory_space<vmem_shared>> -> memref<10240x64xf32, #tpu.memory_space<vmem_shared>>
    tpu.wait_indirect_dma semaphore(%arg29 : memref<!tpu.dma_semaphore, #tpu.memory_space<semaphore_mem>>) src(%arg13 : memref<128x64xf32, #tpu.memory_space<vmem>>) dst(%dma_wait3A_221 : memref<10240x64xf32, #tpu.memory_space<vmem_shared>>)
    %dma_wait3A_222 = arith.constant 0 : i32
    %dma_wait3A_223 = arith.constant 0 : i32
    %dma_wait3A_224 = tpu.memref_slice %arg8[%dma_wait3A_222, %dma_wait3A_223] : memref<80x128xi32, #tpu.memory_space<vmem>> -> memref<1x128xi32, #tpu.memory_space<vmem>>
    %dma_wait3A_225 = tpu.memref_squeeze %dma_wait3A_224 : memref<1x128xi32, #tpu.memory_space<vmem>> -> memref<128xi32, #tpu.memory_space<vmem>>
    %dma_wait3A_226 = arith.constant 0 : i32
    %dma_wait3A_227 = arith.constant 0 : i32
    %dma_wait3A_228 = tpu.memref_slice %arg9[%dma_wait3A_226, %dma_wait3A_227] : memref<10240x64xf32, #tpu.memory_space<vmem_shared>> -> memref<10240x64xf32, #tpu.memory_space<vmem_shared>>
    tpu.wait_indirect_dma semaphore(%arg30 : memref<!tpu.dma_semaphore, #tpu.memory_space<semaphore_mem>>) src(%arg14 : memref<128x64xf32, #tpu.memory_space<vmem>>) dst(%dma_wait3A_228 : memref<10240x64xf32, #tpu.memory_space<vmem_shared>>)
    %dma_wait3A_229 = arith.constant 0 : i32
    %dma_wait3A_230 = arith.constant 0 : i32
    %dma_wait3A_231 = tpu.memref_slice %arg8[%dma_wait3A_229, %dma_wait3A_230] : memref<80x128xi32, #tpu.memory_space<vmem>> -> memref<1x128xi32, #tpu.memory_space<vmem>>
    %dma_wait3A_232 = tpu.memref_squeeze %dma_wait3A_231 : memref<1x128xi32, #tpu.memory_space<vmem>> -> memref<128xi32, #tpu.memory_space<vmem>>
    %dma_wait3A_233 = arith.constant 0 : i32
    %dma_wait3A_234 = arith.constant 0 : i32
    %dma_wait3A_235 = tpu.memref_slice %arg9[%dma_wait3A_233, %dma_wait3A_234] : memref<10240x64xf32, #tpu.memory_space<vmem_shared>> -> memref<10240x64xf32, #tpu.memory_space<vmem_shared>>
    tpu.wait_indirect_dma semaphore(%arg31 : memref<!tpu.dma_semaphore, #tpu.memory_space<semaphore_mem>>) src(%arg15 : memref<128x64xf32, #tpu.memory_space<vmem>>) dst(%dma_wait3A_235 : memref<10240x64xf32, #tpu.memory_space<vmem_shared>>)
    %dma_wait3A_236 = arith.constant 0 : i32
    %dma_wait3A_237 = arith.constant 0 : i32
    %dma_wait3A_238 = tpu.memref_slice %arg8[%dma_wait3A_236, %dma_wait3A_237] : memref<80x128xi32, #tpu.memory_space<vmem>> -> memref<1x128xi32, #tpu.memory_space<vmem>>
    %dma_wait3A_239 = tpu.memref_squeeze %dma_wait3A_238 : memref<1x128xi32, #tpu.memory_space<vmem>> -> memref<128xi32, #tpu.memory_space<vmem>>
    %dma_wait3A_240 = arith.constant 0 : i32
    %dma_wait3A_241 = arith.constant 0 : i32
    %dma_wait3A_242 = tpu.memref_slice %arg9[%dma_wait3A_240, %dma_wait3A_241] : memref<10240x64xf32, #tpu.memory_space<vmem_shared>> -> memref<10240x64xf32, #tpu.memory_space<vmem_shared>>
    tpu.wait_indirect_dma semaphore(%arg32 : memref<!tpu.dma_semaphore, #tpu.memory_space<semaphore_mem>>) src(%arg16 : memref<128x64xf32, #tpu.memory_space<vmem>>) dst(%dma_wait3A_242 : memref<10240x64xf32, #tpu.memory_space<vmem_shared>>)
    %dma_wait3A_243 = arith.constant 0 : i32
    %dma_wait3A_244 = arith.constant 0 : i32
    %dma_wait3A_245 = tpu.memref_slice %arg8[%dma_wait3A_243, %dma_wait3A_244] : memref<80x128xi32, #tpu.memory_space<vmem>> -> memref<1x128xi32, #tpu.memory_space<vmem>>
    %dma_wait3A_246 = tpu.memref_squeeze %dma_wait3A_245 : memref<1x128xi32, #tpu.memory_space<vmem>> -> memref<128xi32, #tpu.memory_space<vmem>>
    %dma_wait3A_247 = arith.constant 0 : i32
    %dma_wait3A_248 = arith.constant 0 : i32
    %dma_wait3A_249 = tpu.memref_slice %arg9[%dma_wait3A_247, %dma_wait3A_248] : memref<10240x64xf32, #tpu.memory_space<vmem_shared>> -> memref<10240x64xf32, #tpu.memory_space<vmem_shared>>
    tpu.wait_indirect_dma semaphore(%arg33 : memref<!tpu.dma_semaphore, #tpu.memory_space<semaphore_mem>>) src(%arg17 : memref<128x64xf32, #tpu.memory_space<vmem>>) dst(%dma_wait3A_249 : memref<10240x64xf32, #tpu.memory_space<vmem_shared>>)
    %barrier3A_250 = arith.constant 0 : index
    tpu.barrier barrier_id(%barrier3A_250)
    %mul3A_251 = arith.constant 640 : i32
    %mul3A_252 = arith.muli %arg1, %mul3A_251 : i32
    %mul3A_253 = arith.constant 640 : i32
    %mul3A_254 = arith.muli %arg1, %mul3A_253 : i32
    "tpu.region"() ({
      %run_scoped3A = tpu.sem_alloc : memref<!tpu.dma_semaphore, #tpu.memory_space<semaphore_mem>>
      %dma_start3A_255 = arith.constant 0 : i32
      %dma_start3A_256 = tpu.memref_slice %arg6[%arg0, %mul3A_254, %dma_start3A_255] : memref<2x10240x64xf32, #tpu.memory_space<hbm>> -> memref<1x640x64xf32, #tpu.memory_space<hbm>>
      %dma_start3A_257 = tpu.memref_squeeze %dma_start3A_256 : memref<1x640x64xf32, #tpu.memory_space<hbm>> -> memref<640x64xf32, #tpu.memory_space<hbm>>
      %dma_start3A_258 = arith.constant 0 : i32
      %dma_start3A_259 = tpu.memref_slice %arg9[%mul3A_252, %dma_start3A_258] : memref<10240x64xf32, #tpu.memory_space<vmem_shared>> -> memref<640x64xf32, #tpu.memory_space<vmem_shared>>
      tpu.enqueue_dma source(%dma_start3A_259 : memref<640x64xf32, #tpu.memory_space<vmem_shared>>) target(%dma_start3A_257 : memref<640x64xf32, #tpu.memory_space<hbm>>) target_semaphore(%run_scoped3A : memref<!tpu.dma_semaphore, #tpu.memory_space<semaphore_mem>>)
      %dma_wait3A_260 = arith.constant 0 : i32
      %dma_wait3A_261 = tpu.memref_slice %arg6[%arg0, %mul3A_254, %dma_wait3A_260] : memref<2x10240x64xf32, #tpu.memory_space<hbm>> -> memref<1x640x64xf32, #tpu.memory_space<hbm>>
      %dma_wait3A_262 = tpu.memref_squeeze %dma_wait3A_261 : memref<1x640x64xf32, #tpu.memory_space<hbm>> -> memref<640x64xf32, #tpu.memory_space<hbm>>
      %dma_wait3A_263 = arith.constant 0 : i32
      %dma_wait3A_264 = tpu.memref_slice %arg9[%mul3A_252, %dma_wait3A_263] : memref<10240x64xf32, #tpu.memory_space<vmem_shared>> -> memref<640x64xf32, #tpu.memory_space<vmem_shared>>
      tpu.wait_dma2 semaphore(%run_scoped3A : memref<!tpu.dma_semaphore, #tpu.memory_space<semaphore_mem>>) src(%dma_wait3A_264 : memref<640x64xf32, #tpu.memory_space<vmem_shared>>) dst(%dma_wait3A_262 : memref<640x64xf32, #tpu.memory_space<hbm>>)
      tpu.yield
    }) : () -> ()
    return
  }
}

module attributes {stable_mosaic.version = 14 : i64} {
  func.func @_b1_body(%arg0: i32, %arg1: memref<2048x128xf32, #tpu.memory_space<vmem>>, %arg2: memref<2x2048x16xf32, #tpu.memory_space<vmem>>, %arg3: memref<128x64xf32, #tpu.memory_space<vmem>>, %arg4: memref<2048x64xf32, #tpu.memory_space<vmem>>) attributes {dimension_semantics = [#tpu.dimension_semantics<arbitrary>], iteration_bounds = array<i64: 5>, scalar_prefetch = 0 : i64, scratch_operands = 0 : i64, tpu.core_type = #tpu.core_type<tc>, window_params = [{transform_indices = @transform_0, window_bounds = array<i64: 2048, 128>}, {transform_indices = @transform_1, window_bounds = array<i64: 2, 2048, 16>}, {pipeline_mode = #tpu.pipeline_mode<synchronous>, transform_indices = @transform_2, window_bounds = array<i64: 128, 64>}, {transform_indices = @transform_3, window_bounds = array<i64: 2048, 64>}]} {
    %get3A = arith.constant 0 : index
    %get3A_0 = arith.constant 0 : index
    %get3A_1 = arith.constant 0 : index
    %get3A_2 = vector.load %arg2[%get3A, %get3A_0, %get3A_1] : memref<2x2048x16xf32, #tpu.memory_space<vmem>>, vector<1x2048x1xf32>
    %get3A_3 = vector.shape_cast %get3A_2 : vector<1x2048x1xf32> to vector<2048x1xf32>
    %add3A = arith.constant 1.000000e+00 : f32
    %add3A_4 = vector.broadcast %add3A : f32 to vector<2048x1xf32>
    %add3A_5 = arith.addf %add3A_4, %get3A_3 : vector<2048x1xf32>
    %get3A_6 = arith.constant 1 : index
    %get3A_7 = arith.constant 0 : index
    %get3A_8 = arith.constant 0 : index
    %get3A_9 = vector.load %arg2[%get3A_6, %get3A_7, %get3A_8] : memref<2x2048x16xf32, #tpu.memory_space<vmem>>, vector<1x2048x1xf32>
    %get3A_10 = vector.shape_cast %get3A_9 : vector<1x2048x1xf32> to vector<2048x1xf32>
    %add3A_11 = arith.addf %add3A_5, %get3A_10 : vector<2048x1xf32>
    %rsqrt3A = math.rsqrt %add3A_11 : vector<2048x1xf32>
    %get3A_12 = arith.constant 0 : index
    %get3A_13 = arith.constant 0 : index
    %get3A_14 = vector.load %arg1[%get3A_12, %get3A_13] : memref<2048x128xf32, #tpu.memory_space<vmem>>, vector<2048x128xf32>
    %get3A_15 = arith.constant 0 : index
    %get3A_16 = arith.constant 0 : index
    %get3A_17 = vector.load %arg3[%get3A_15, %get3A_16] : memref<128x64xf32, #tpu.memory_space<vmem>>, vector<128x64xf32>
    %dot_general3A = arith.constant dense<0.000000e+00> : vector<2048x64xf32>
    %dot_general3A_18 = tpu.matmul %get3A_14, %get3A_17, %dot_general3A {dimension_numbers = #tpu.dot_dimension_numbers<[1], [0], [0], [1], [0, 0, 1, 1], [], []>, transpose_lhs_hint = false} : vector<2048x128xf32>, vector<128x64xf32>, vector<2048x64xf32> -> vector<2048x64xf32>
    %mul3A = vector.broadcast %rsqrt3A : vector<2048x1xf32> to vector<2048x64xf32>
    %mul3A_19 = arith.mulf %dot_general3A_18, %mul3A : vector<2048x64xf32>
    %swap3A = arith.constant 0 : index
    %swap3A_20 = arith.constant 0 : index
    %swap3A_21 = vector.load %arg4[%swap3A, %swap3A_20] : memref<2048x64xf32, #tpu.memory_space<vmem>>, vector<2048x64xf32>
    tpu.vector_store %arg4[%swap3A, %swap3A_20], %mul3A_19 {strides = array<i32>} : memref<2048x64xf32, #tpu.memory_space<vmem>>, vector<2048x64xf32>,
    return
  }
  func.func @transform_0(%arg0: i32) -> (i32, i32) {
    %c0_i32 = arith.constant 0 : i32
    %c0_i32_0 = arith.constant 0 : i32
    return %arg0, %c0_i32 : i32, i32
  }
  func.func @transform_1(%arg0: i32) -> (i32, i32, i32) {
    %c0_i32 = arith.constant 0 : i32
    %c0_i32_0 = arith.constant 0 : i32
    %c0_i32_1 = arith.constant 0 : i32
    return %c0_i32, %arg0, %c0_i32_0 : i32, i32, i32
  }
  func.func @transform_2(%arg0: i32) -> (i32, i32) {
    %c0_i32 = arith.constant 0 : i32
    %c0_i32_0 = arith.constant 0 : i32
    %c0_i32_1 = arith.constant 0 : i32
    return %c0_i32, %c0_i32_0 : i32, i32
  }
  func.func @transform_3(%arg0: i32) -> (i32, i32) {
    %c0_i32 = arith.constant 0 : i32
    %c0_i32_0 = arith.constant 0 : i32
    return %arg0, %c0_i32 : i32, i32
  }
}

module attributes {stable_mosaic.version = 14 : i64} {
  func.func @_mid_body(%arg0: i32, %arg1: memref<2x2048x64xf32, #tpu.memory_space<vmem>>, %arg2: memref<2048x64xf32, #tpu.memory_space<vmem>>, %arg3: memref<2x2048x16xf32, #tpu.memory_space<vmem>>, %arg4: memref<64x64xf32, #tpu.memory_space<vmem>>, %arg5: memref<1x64xf32, #tpu.memory_space<vmem>>, %arg6: memref<2048x64xf32, #tpu.memory_space<vmem>>) attributes {dimension_semantics = [#tpu.dimension_semantics<arbitrary>], iteration_bounds = array<i64: 5>, scalar_prefetch = 0 : i64, scratch_operands = 0 : i64, tpu.core_type = #tpu.core_type<tc>, window_params = [{transform_indices = @transform_0, window_bounds = array<i64: 2, 2048, 64>}, {transform_indices = @transform_1, window_bounds = array<i64: 2048, 64>}, {transform_indices = @transform_2, window_bounds = array<i64: 2, 2048, 16>}, {pipeline_mode = #tpu.pipeline_mode<synchronous>, transform_indices = @transform_3, window_bounds = array<i64: 64, 64>}, {pipeline_mode = #tpu.pipeline_mode<synchronous>, transform_indices = @transform_4, window_bounds = array<i64: 1, 64>}, {transform_indices = @transform_5, window_bounds = array<i64: 2048, 64>}]} {
    %get3A = arith.constant 0 : index
    %get3A_0 = arith.constant 0 : index
    %get3A_1 = arith.constant 0 : index
    %get3A_2 = vector.load %arg3[%get3A, %get3A_0, %get3A_1] : memref<2x2048x16xf32, #tpu.memory_space<vmem>>, vector<1x2048x1xf32>
    %get3A_3 = vector.shape_cast %get3A_2 : vector<1x2048x1xf32> to vector<2048x1xf32>
    %add3A = arith.constant 1.000000e+00 : f32
    %add3A_4 = vector.broadcast %add3A : f32 to vector<2048x1xf32>
    %add3A_5 = arith.addf %add3A_4, %get3A_3 : vector<2048x1xf32>
    %get3A_6 = arith.constant 1 : index
    %get3A_7 = arith.constant 0 : index
    %get3A_8 = arith.constant 0 : index
    %get3A_9 = vector.load %arg3[%get3A_6, %get3A_7, %get3A_8] : memref<2x2048x16xf32, #tpu.memory_space<vmem>>, vector<1x2048x1xf32>
    %get3A_10 = vector.shape_cast %get3A_9 : vector<1x2048x1xf32> to vector<2048x1xf32>
    %add3A_11 = arith.addf %add3A_5, %get3A_10 : vector<2048x1xf32>
    %rsqrt3A = math.rsqrt %add3A_11 : vector<2048x1xf32>
    %get3A_12 = arith.constant 0 : index
    %get3A_13 = arith.constant 0 : index
    %get3A_14 = arith.constant 0 : index
    %get3A_15 = vector.load %arg1[%get3A_12, %get3A_13, %get3A_14] : memref<2x2048x64xf32, #tpu.memory_space<vmem>>, vector<1x2048x64xf32>
    %get3A_16 = vector.shape_cast %get3A_15 : vector<1x2048x64xf32> to vector<2048x64xf32>
    %get3A_17 = arith.constant 1 : index
    %get3A_18 = arith.constant 0 : index
    %get3A_19 = arith.constant 0 : index
    %get3A_20 = vector.load %arg1[%get3A_17, %get3A_18, %get3A_19] : memref<2x2048x64xf32, #tpu.memory_space<vmem>>, vector<1x2048x64xf32>
    %get3A_21 = vector.shape_cast %get3A_20 : vector<1x2048x64xf32> to vector<2048x64xf32>
    %add3A_22 = arith.addf %get3A_16, %get3A_21 : vector<2048x64xf32>
    %get3A_23 = arith.constant 0 : index
    %get3A_24 = arith.constant 0 : index
    %get3A_25 = vector.load %arg2[%get3A_23, %get3A_24] : memref<2048x64xf32, #tpu.memory_space<vmem>>, vector<2048x64xf32>
    %add3A_26 = arith.addf %add3A_22, %get3A_25 : vector<2048x64xf32>
    %mul3A = vector.broadcast %rsqrt3A : vector<2048x1xf32> to vector<2048x64xf32>
    %mul3A_27 = arith.mulf %add3A_26, %mul3A : vector<2048x64xf32>
    %get3A_28 = arith.constant 0 : index
    %get3A_29 = arith.constant 0 : index
    %get3A_30 = vector.load %arg5[%get3A_28, %get3A_29] : memref<1x64xf32, #tpu.memory_space<vmem>>, vector<1x64xf32>
    %add3A_31 = vector.broadcast %get3A_30 : vector<1x64xf32> to vector<2048x64xf32>
    %add3A_32 = arith.addf %mul3A_27, %add3A_31 : vector<2048x64xf32>
    %max3A = arith.constant 0.000000e+00 : f32
    %max3A_33 = vector.broadcast %max3A : f32 to vector<2048x64xf32>
    %max3A_34 = arith.maximumf %add3A_32, %max3A_33 : vector<2048x64xf32>
    %get3A_35 = arith.constant 0 : index
    %get3A_36 = arith.constant 0 : index
    %get3A_37 = vector.load %arg4[%get3A_35, %get3A_36] : memref<64x64xf32, #tpu.memory_space<vmem>>, vector<64x64xf32>
    %dot_general3A = arith.constant dense<0.000000e+00> : vector<2048x64xf32>
    %dot_general3A_38 = tpu.matmul %max3A_34, %get3A_37, %dot_general3A {dimension_numbers = #tpu.dot_dimension_numbers<[1], [0], [0], [1], [0, 0, 1, 1], [], []>, transpose_lhs_hint = false} : vector<2048x64xf32>, vector<64x64xf32>, vector<2048x64xf32> -> vector<2048x64xf32>
    %mul3A_39 = vector.broadcast %rsqrt3A : vector<2048x1xf32> to vector<2048x64xf32>
    %mul3A_40 = arith.mulf %dot_general3A_38, %mul3A_39 : vector<2048x64xf32>
    %swap3A = arith.constant 0 : index
    %swap3A_41 = arith.constant 0 : index
    %swap3A_42 = vector.load %arg6[%swap3A, %swap3A_41] : memref<2048x64xf32, #tpu.memory_space<vmem>>, vector<2048x64xf32>
    tpu.vector_store %arg6[%swap3A, %swap3A_41], %mul3A_40 {strides = array<i32>} : memref<2048x64xf32, #tpu.memory_space<vmem>>, vector<2048x64xf32>,
    return
  }
  func.func @transform_0(%arg0: i32) -> (i32, i32, i32) {
    %c0_i32 = arith.constant 0 : i32
    %c0_i32_0 = arith.constant 0 : i32
    %c0_i32_1 = arith.constant 0 : i32
    return %c0_i32, %arg0, %c0_i32_0 : i32, i32, i32
  }
  func.func @transform_1(%arg0: i32) -> (i32, i32) {
    %c0_i32 = arith.constant 0 : i32
    %c0_i32_0 = arith.constant 0 : i32
    return %arg0, %c0_i32 : i32, i32
  }
  func.func @transform_2(%arg0: i32) -> (i32, i32, i32) {
    %c0_i32 = arith.constant 0 : i32
    %c0_i32_0 = arith.constant 0 : i32
    %c0_i32_1 = arith.constant 0 : i32
    return %c0_i32, %arg0, %c0_i32_0 : i32, i32, i32
  }
  func.func @transform_3(%arg0: i32) -> (i32, i32) {
    %c0_i32 = arith.constant 0 : i32
    %c0_i32_0 = arith.constant 0 : i32
    %c0_i32_1 = arith.constant 0 : i32
    return %c0_i32, %c0_i32_0 : i32, i32
  }
  func.func @transform_4(%arg0: i32) -> (i32, i32) {
    %c0_i32 = arith.constant 0 : i32
    %c0_i32_0 = arith.constant 0 : i32
    %c0_i32_1 = arith.constant 0 : i32
    return %c0_i32, %c0_i32_0 : i32, i32
  }
  func.func @transform_5(%arg0: i32) -> (i32, i32) {
    %c0_i32 = arith.constant 0 : i32
    %c0_i32_0 = arith.constant 0 : i32
    return %arg0, %c0_i32 : i32, i32
  }
}

module attributes {stable_mosaic.version = 14 : i64} {
  func.func @_mid_body(%arg0: i32, %arg1: memref<2x2048x64xf32, #tpu.memory_space<vmem>>, %arg2: memref<2048x64xf32, #tpu.memory_space<vmem>>, %arg3: memref<2x2048x16xf32, #tpu.memory_space<vmem>>, %arg4: memref<64x32xf32, #tpu.memory_space<vmem>>, %arg5: memref<1x64xf32, #tpu.memory_space<vmem>>, %arg6: memref<2048x32xf32, #tpu.memory_space<vmem>>) attributes {dimension_semantics = [#tpu.dimension_semantics<arbitrary>], iteration_bounds = array<i64: 5>, scalar_prefetch = 0 : i64, scratch_operands = 0 : i64, tpu.core_type = #tpu.core_type<tc>, window_params = [{transform_indices = @transform_0, window_bounds = array<i64: 2, 2048, 64>}, {transform_indices = @transform_1, window_bounds = array<i64: 2048, 64>}, {transform_indices = @transform_2, window_bounds = array<i64: 2, 2048, 16>}, {pipeline_mode = #tpu.pipeline_mode<synchronous>, transform_indices = @transform_3, window_bounds = array<i64: 64, 32>}, {pipeline_mode = #tpu.pipeline_mode<synchronous>, transform_indices = @transform_4, window_bounds = array<i64: 1, 64>}, {transform_indices = @transform_5, window_bounds = array<i64: 2048, 32>}]} {
    %get3A = arith.constant 0 : index
    %get3A_0 = arith.constant 0 : index
    %get3A_1 = arith.constant 0 : index
    %get3A_2 = vector.load %arg3[%get3A, %get3A_0, %get3A_1] : memref<2x2048x16xf32, #tpu.memory_space<vmem>>, vector<1x2048x1xf32>
    %get3A_3 = vector.shape_cast %get3A_2 : vector<1x2048x1xf32> to vector<2048x1xf32>
    %add3A = arith.constant 1.000000e+00 : f32
    %add3A_4 = vector.broadcast %add3A : f32 to vector<2048x1xf32>
    %add3A_5 = arith.addf %add3A_4, %get3A_3 : vector<2048x1xf32>
    %get3A_6 = arith.constant 1 : index
    %get3A_7 = arith.constant 0 : index
    %get3A_8 = arith.constant 0 : index
    %get3A_9 = vector.load %arg3[%get3A_6, %get3A_7, %get3A_8] : memref<2x2048x16xf32, #tpu.memory_space<vmem>>, vector<1x2048x1xf32>
    %get3A_10 = vector.shape_cast %get3A_9 : vector<1x2048x1xf32> to vector<2048x1xf32>
    %add3A_11 = arith.addf %add3A_5, %get3A_10 : vector<2048x1xf32>
    %rsqrt3A = math.rsqrt %add3A_11 : vector<2048x1xf32>
    %get3A_12 = arith.constant 0 : index
    %get3A_13 = arith.constant 0 : index
    %get3A_14 = arith.constant 0 : index
    %get3A_15 = vector.load %arg1[%get3A_12, %get3A_13, %get3A_14] : memref<2x2048x64xf32, #tpu.memory_space<vmem>>, vector<1x2048x64xf32>
    %get3A_16 = vector.shape_cast %get3A_15 : vector<1x2048x64xf32> to vector<2048x64xf32>
    %get3A_17 = arith.constant 1 : index
    %get3A_18 = arith.constant 0 : index
    %get3A_19 = arith.constant 0 : index
    %get3A_20 = vector.load %arg1[%get3A_17, %get3A_18, %get3A_19] : memref<2x2048x64xf32, #tpu.memory_space<vmem>>, vector<1x2048x64xf32>
    %get3A_21 = vector.shape_cast %get3A_20 : vector<1x2048x64xf32> to vector<2048x64xf32>
    %add3A_22 = arith.addf %get3A_16, %get3A_21 : vector<2048x64xf32>
    %get3A_23 = arith.constant 0 : index
    %get3A_24 = arith.constant 0 : index
    %get3A_25 = vector.load %arg2[%get3A_23, %get3A_24] : memref<2048x64xf32, #tpu.memory_space<vmem>>, vector<2048x64xf32>
    %add3A_26 = arith.addf %add3A_22, %get3A_25 : vector<2048x64xf32>
    %mul3A = vector.broadcast %rsqrt3A : vector<2048x1xf32> to vector<2048x64xf32>
    %mul3A_27 = arith.mulf %add3A_26, %mul3A : vector<2048x64xf32>
    %get3A_28 = arith.constant 0 : index
    %get3A_29 = arith.constant 0 : index
    %get3A_30 = vector.load %arg5[%get3A_28, %get3A_29] : memref<1x64xf32, #tpu.memory_space<vmem>>, vector<1x64xf32>
    %add3A_31 = vector.broadcast %get3A_30 : vector<1x64xf32> to vector<2048x64xf32>
    %add3A_32 = arith.addf %mul3A_27, %add3A_31 : vector<2048x64xf32>
    %max3A = arith.constant 0.000000e+00 : f32
    %max3A_33 = vector.broadcast %max3A : f32 to vector<2048x64xf32>
    %max3A_34 = arith.maximumf %add3A_32, %max3A_33 : vector<2048x64xf32>
    %get3A_35 = arith.constant 0 : index
    %get3A_36 = arith.constant 0 : index
    %get3A_37 = vector.load %arg4[%get3A_35, %get3A_36] : memref<64x32xf32, #tpu.memory_space<vmem>>, vector<64x32xf32>
    %dot_general3A = arith.constant dense<0.000000e+00> : vector<2048x32xf32>
    %dot_general3A_38 = tpu.matmul %max3A_34, %get3A_37, %dot_general3A {dimension_numbers = #tpu.dot_dimension_numbers<[1], [0], [0], [1], [0, 0, 1, 1], [], []>, transpose_lhs_hint = false} : vector<2048x64xf32>, vector<64x32xf32>, vector<2048x32xf32> -> vector<2048x32xf32>
    %mul3A_39 = vector.broadcast %rsqrt3A : vector<2048x1xf32> to vector<2048x32xf32>
    %mul3A_40 = arith.mulf %dot_general3A_38, %mul3A_39 : vector<2048x32xf32>
    %swap3A = arith.constant 0 : index
    %swap3A_41 = arith.constant 0 : index
    %swap3A_42 = vector.load %arg6[%swap3A, %swap3A_41] : memref<2048x32xf32, #tpu.memory_space<vmem>>, vector<2048x32xf32>
    tpu.vector_store %arg6[%swap3A, %swap3A_41], %mul3A_40 {strides = array<i32>} : memref<2048x32xf32, #tpu.memory_space<vmem>>, vector<2048x32xf32>,
    return
  }
  func.func @transform_0(%arg0: i32) -> (i32, i32, i32) {
    %c0_i32 = arith.constant 0 : i32
    %c0_i32_0 = arith.constant 0 : i32
    %c0_i32_1 = arith.constant 0 : i32
    return %c0_i32, %arg0, %c0_i32_0 : i32, i32, i32
  }
  func.func @transform_1(%arg0: i32) -> (i32, i32) {
    %c0_i32 = arith.constant 0 : i32
    %c0_i32_0 = arith.constant 0 : i32
    return %arg0, %c0_i32 : i32, i32
  }
  func.func @transform_2(%arg0: i32) -> (i32, i32, i32) {
    %c0_i32 = arith.constant 0 : i32
    %c0_i32_0 = arith.constant 0 : i32
    %c0_i32_1 = arith.constant 0 : i32
    return %c0_i32, %arg0, %c0_i32_0 : i32, i32, i32
  }
  func.func @transform_3(%arg0: i32) -> (i32, i32) {
    %c0_i32 = arith.constant 0 : i32
    %c0_i32_0 = arith.constant 0 : i32
    %c0_i32_1 = arith.constant 0 : i32
    return %c0_i32, %c0_i32_0 : i32, i32
  }
  func.func @transform_4(%arg0: i32) -> (i32, i32) {
    %c0_i32 = arith.constant 0 : i32
    %c0_i32_0 = arith.constant 0 : i32
    %c0_i32_1 = arith.constant 0 : i32
    return %c0_i32, %c0_i32_0 : i32, i32
  }
  func.func @transform_5(%arg0: i32) -> (i32, i32) {
    %c0_i32 = arith.constant 0 : i32
    %c0_i32_0 = arith.constant 0 : i32
    return %arg0, %c0_i32 : i32, i32
  }
}

module attributes {stable_mosaic.version = 14 : i64} {
  func.func @_head_body(%arg0: i32, %arg1: memref<2x2048x32xf32, #tpu.memory_space<vmem>>, %arg2: memref<2048x32xf32, #tpu.memory_space<vmem>>, %arg3: memref<2x2048x16xf32, #tpu.memory_space<vmem>>, %arg4: memref<1x32xf32, #tpu.memory_space<vmem>>, %arg5: memref<32x16xf32, #tpu.memory_space<vmem>>, %arg6: memref<1x16xf32, #tpu.memory_space<vmem>>, %arg7: memref<16x2xf32, #tpu.memory_space<vmem>>, %arg8: memref<1x2xf32, #tpu.memory_space<vmem>>, %arg9: memref<32x16xf32, #tpu.memory_space<vmem>>, %arg10: memref<1x16xf32, #tpu.memory_space<vmem>>, %arg11: memref<16x1xf32, #tpu.memory_space<vmem>>, %arg12: memref<1x1xf32, #tpu.memory_space<vmem>>, %arg13: memref<2048x2xf32, #tpu.memory_space<vmem>>, %arg14: memref<2048x1xf32, #tpu.memory_space<vmem>>) attributes {dimension_semantics = [#tpu.dimension_semantics<arbitrary>], iteration_bounds = array<i64: 5>, scalar_prefetch = 0 : i64, scratch_operands = 0 : i64, tpu.core_type = #tpu.core_type<tc>, window_params = [{transform_indices = @transform_0, window_bounds = array<i64: 2, 2048, 32>}, {transform_indices = @transform_1, window_bounds = array<i64: 2048, 32>}, {transform_indices = @transform_2, window_bounds = array<i64: 2, 2048, 16>}, {pipeline_mode = #tpu.pipeline_mode<synchronous>, transform_indices = @transform_3, window_bounds = array<i64: 1, 32>}, {pipeline_mode = #tpu.pipeline_mode<synchronous>, transform_indices = @transform_4, window_bounds = array<i64: 32, 16>}, {pipeline_mode = #tpu.pipeline_mode<synchronous>, transform_indices = @transform_5, window_bounds = array<i64: 1, 16>}, {pipeline_mode = #tpu.pipeline_mode<synchronous>, transform_indices = @transform_6, window_bounds = array<i64: 16, 2>}, {pipeline_mode = #tpu.pipeline_mode<synchronous>, transform_indices = @transform_7, window_bounds = array<i64: 1, 2>}, {pipeline_mode = #tpu.pipeline_mode<synchronous>, transform_indices = @transform_8, window_bounds = array<i64: 32, 16>}, {pipeline_mode = #tpu.pipeline_mode<synchronous>, transform_indices = @transform_9, window_bounds = array<i64: 1, 16>}, {pipeline_mode = #tpu.pipeline_mode<synchronous>, transform_indices = @transform_10, window_bounds = array<i64: 16, 1>}, {pipeline_mode = #tpu.pipeline_mode<synchronous>, transform_indices = @transform_11, window_bounds = array<i64: 1, 1>}, {transform_indices = @transform_12, window_bounds = array<i64: 2048, 2>}, {transform_indices = @transform_13, window_bounds = array<i64: 2048, 1>}]} {
    %get3A = arith.constant 0 : index
    %get3A_0 = arith.constant 0 : index
    %get3A_1 = arith.constant 0 : index
    %get3A_2 = vector.load %arg3[%get3A, %get3A_0, %get3A_1] : memref<2x2048x16xf32, #tpu.memory_space<vmem>>, vector<1x2048x1xf32>
    %get3A_3 = vector.shape_cast %get3A_2 : vector<1x2048x1xf32> to vector<2048x1xf32>
    %add3A = arith.constant 1.000000e+00 : f32
    %add3A_4 = vector.broadcast %add3A : f32 to vector<2048x1xf32>
    %add3A_5 = arith.addf %add3A_4, %get3A_3 : vector<2048x1xf32>
    %get3A_6 = arith.constant 1 : index
    %get3A_7 = arith.constant 0 : index
    %get3A_8 = arith.constant 0 : index
    %get3A_9 = vector.load %arg3[%get3A_6, %get3A_7, %get3A_8] : memref<2x2048x16xf32, #tpu.memory_space<vmem>>, vector<1x2048x1xf32>
    %get3A_10 = vector.shape_cast %get3A_9 : vector<1x2048x1xf32> to vector<2048x1xf32>
    %add3A_11 = arith.addf %add3A_5, %get3A_10 : vector<2048x1xf32>
    %rsqrt3A = math.rsqrt %add3A_11 : vector<2048x1xf32>
    %get3A_12 = arith.constant 0 : index
    %get3A_13 = arith.constant 0 : index
    %get3A_14 = arith.constant 0 : index
    %get3A_15 = vector.load %arg1[%get3A_12, %get3A_13, %get3A_14] : memref<2x2048x32xf32, #tpu.memory_space<vmem>>, vector<1x2048x32xf32>
    %get3A_16 = vector.shape_cast %get3A_15 : vector<1x2048x32xf32> to vector<2048x32xf32>
    %get3A_17 = arith.constant 1 : index
    %get3A_18 = arith.constant 0 : index
    %get3A_19 = arith.constant 0 : index
    %get3A_20 = vector.load %arg1[%get3A_17, %get3A_18, %get3A_19] : memref<2x2048x32xf32, #tpu.memory_space<vmem>>, vector<1x2048x32xf32>
    %get3A_21 = vector.shape_cast %get3A_20 : vector<1x2048x32xf32> to vector<2048x32xf32>
    %add3A_22 = arith.addf %get3A_16, %get3A_21 : vector<2048x32xf32>
    %get3A_23 = arith.constant 0 : index
    %get3A_24 = arith.constant 0 : index
    %get3A_25 = vector.load %arg2[%get3A_23, %get3A_24] : memref<2048x32xf32, #tpu.memory_space<vmem>>, vector<2048x32xf32>
    %add3A_26 = arith.addf %add3A_22, %get3A_25 : vector<2048x32xf32>
    %mul3A = vector.broadcast %rsqrt3A : vector<2048x1xf32> to vector<2048x32xf32>
    %mul3A_27 = arith.mulf %add3A_26, %mul3A : vector<2048x32xf32>
    %get3A_28 = arith.constant 0 : index
    %get3A_29 = arith.constant 0 : index
    %get3A_30 = vector.load %arg4[%get3A_28, %get3A_29] : memref<1x32xf32, #tpu.memory_space<vmem>>, vector<1x32xf32>
    %add3A_31 = vector.broadcast %get3A_30 : vector<1x32xf32> to vector<2048x32xf32>
    %add3A_32 = arith.addf %mul3A_27, %add3A_31 : vector<2048x32xf32>
    %max3A = arith.constant 0.000000e+00 : f32
    %max3A_33 = vector.broadcast %max3A : f32 to vector<2048x32xf32>
    %max3A_34 = arith.maximumf %add3A_32, %max3A_33 : vector<2048x32xf32>
    %get3A_35 = arith.constant 0 : index
    %get3A_36 = arith.constant 0 : index
    %get3A_37 = vector.load %arg5[%get3A_35, %get3A_36] : memref<32x16xf32, #tpu.memory_space<vmem>>, vector<32x16xf32>
    %dot_general3A = arith.constant dense<0.000000e+00> : vector<2048x16xf32>
    %dot_general3A_38 = tpu.matmul %max3A_34, %get3A_37, %dot_general3A {dimension_numbers = #tpu.dot_dimension_numbers<[1], [0], [0], [1], [0, 0, 1, 1], [], []>, transpose_lhs_hint = false} : vector<2048x32xf32>, vector<32x16xf32>, vector<2048x16xf32> -> vector<2048x16xf32>
    %get3A_39 = arith.constant 0 : index
    %get3A_40 = arith.constant 0 : index
    %get3A_41 = vector.load %arg6[%get3A_39, %get3A_40] : memref<1x16xf32, #tpu.memory_space<vmem>>, vector<1x16xf32>
    %add3A_42 = vector.broadcast %get3A_41 : vector<1x16xf32> to vector<2048x16xf32>
    %add3A_43 = arith.addf %dot_general3A_38, %add3A_42 : vector<2048x16xf32>
    %max3A_44 = arith.constant 0.000000e+00 : f32
    %max3A_45 = vector.broadcast %max3A_44 : f32 to vector<2048x16xf32>
    %max3A_46 = arith.maximumf %add3A_43, %max3A_45 : vector<2048x16xf32>
    %get3A_47 = arith.constant 0 : index
    %get3A_48 = arith.constant 0 : index
    %get3A_49 = vector.load %arg7[%get3A_47, %get3A_48] : memref<16x2xf32, #tpu.memory_space<vmem>>, vector<16x2xf32>
    %dot_general3A_50 = arith.constant dense<0.000000e+00> : vector<2048x2xf32>
    %dot_general3A_51 = tpu.matmul %max3A_46, %get3A_49, %dot_general3A_50 {dimension_numbers = #tpu.dot_dimension_numbers<[1], [0], [0], [1], [0, 0, 1, 1], [], []>, transpose_lhs_hint = false} : vector<2048x16xf32>, vector<16x2xf32>, vector<2048x2xf32> -> vector<2048x2xf32>
    %get3A_52 = arith.constant 0 : index
    %get3A_53 = arith.constant 0 : index
    %get3A_54 = vector.load %arg8[%get3A_52, %get3A_53] : memref<1x2xf32, #tpu.memory_space<vmem>>, vector<1x2xf32>
    %add3A_55 = vector.broadcast %get3A_54 : vector<1x2xf32> to vector<2048x2xf32>
    %add3A_56 = arith.addf %dot_general3A_51, %add3A_55 : vector<2048x2xf32>
    %swap3A = arith.constant 0 : index
    %swap3A_57 = arith.constant 0 : index
    %swap3A_58 = vector.load %arg13[%swap3A, %swap3A_57] : memref<2048x2xf32, #tpu.memory_space<vmem>>, vector<2048x2xf32>
    tpu.vector_store %arg13[%swap3A, %swap3A_57], %add3A_56 {strides = array<i32>} : memref<2048x2xf32, #tpu.memory_space<vmem>>, vector<2048x2xf32>,
    %get3A_59 = arith.constant 0 : index
    %get3A_60 = arith.constant 0 : index
    %get3A_61 = vector.load %arg9[%get3A_59, %get3A_60] : memref<32x16xf32, #tpu.memory_space<vmem>>, vector<32x16xf32>
    %dot_general3A_62 = arith.constant dense<0.000000e+00> : vector<2048x16xf32>
    %dot_general3A_63 = tpu.matmul %max3A_34, %get3A_61, %dot_general3A_62 {dimension_numbers = #tpu.dot_dimension_numbers<[1], [0], [0], [1], [0, 0, 1, 1], [], []>, transpose_lhs_hint = false} : vector<2048x32xf32>, vector<32x16xf32>, vector<2048x16xf32> -> vector<2048x16xf32>
    %get3A_64 = arith.constant 0 : index
    %get3A_65 = arith.constant 0 : index
    %get3A_66 = vector.load %arg10[%get3A_64, %get3A_65] : memref<1x16xf32, #tpu.memory_space<vmem>>, vector<1x16xf32>
    %add3A_67 = vector.broadcast %get3A_66 : vector<1x16xf32> to vector<2048x16xf32>
    %add3A_68 = arith.addf %dot_general3A_63, %add3A_67 : vector<2048x16xf32>
    %max3A_69 = arith.constant 0.000000e+00 : f32
    %max3A_70 = vector.broadcast %max3A_69 : f32 to vector<2048x16xf32>
    %max3A_71 = arith.maximumf %add3A_68, %max3A_70 : vector<2048x16xf32>
    %get3A_72 = arith.constant 0 : index
    %get3A_73 = arith.constant 0 : index
    %get3A_74 = vector.load %arg11[%get3A_72, %get3A_73] : memref<16x1xf32, #tpu.memory_space<vmem>>, vector<16x1xf32>
    %dot_general3A_75 = arith.constant dense<0.000000e+00> : vector<2048x1xf32>
    %dot_general3A_76 = tpu.matmul %max3A_71, %get3A_74, %dot_general3A_75 {dimension_numbers = #tpu.dot_dimension_numbers<[1], [0], [0], [1], [0, 0, 1, 1], [], []>, transpose_lhs_hint = false} : vector<2048x16xf32>, vector<16x1xf32>, vector<2048x1xf32> -> vector<2048x1xf32>
    %get3A_77 = arith.constant 0 : index
    %get3A_78 = arith.constant 0 : index
    %get3A_79 = vector.load %arg12[%get3A_77, %get3A_78] : memref<1x1xf32, #tpu.memory_space<vmem>>, vector<1x1xf32>
    %add3A_80 = vector.broadcast %get3A_79 : vector<1x1xf32> to vector<2048x1xf32>
    %add3A_81 = arith.addf %dot_general3A_76, %add3A_80 : vector<2048x1xf32>
    %logistic3A = arith.negf %add3A_81 : vector<2048x1xf32>
    %logistic3A_82 = math.exp %logistic3A : vector<2048x1xf32>
    %logistic3A_83 = arith.constant 1.000000e+00 : f32
    %logistic3A_84 = vector.broadcast %logistic3A_83 : f32 to vector<2048x1xf32>
    %logistic3A_85 = arith.addf %logistic3A_84, %logistic3A_82 : vector<2048x1xf32>
    %logistic3A_86 = arith.divf %logistic3A_84, %logistic3A_85 : vector<2048x1xf32>
    %swap3A_87 = arith.constant 0 : index
    %swap3A_88 = arith.constant 0 : index
    %swap3A_89 = vector.load %arg14[%swap3A_87, %swap3A_88] : memref<2048x1xf32, #tpu.memory_space<vmem>>, vector<2048x1xf32>
    tpu.vector_store %arg14[%swap3A_87, %swap3A_88], %logistic3A_86 {strides = array<i32>} : memref<2048x1xf32, #tpu.memory_space<vmem>>, vector<2048x1xf32>,
    return
  }
  func.func @transform_0(%arg0: i32) -> (i32, i32, i32) {
    %c0_i32 = arith.constant 0 : i32
    %c0_i32_0 = arith.constant 0 : i32
    %c0_i32_1 = arith.constant 0 : i32
    return %c0_i32, %arg0, %c0_i32_0 : i32, i32, i32
  }
  func.func @transform_1(%arg0: i32) -> (i32, i32) {
    %c0_i32 = arith.constant 0 : i32
    %c0_i32_0 = arith.constant 0 : i32
    return %arg0, %c0_i32 : i32, i32
  }
  func.func @transform_2(%arg0: i32) -> (i32, i32, i32) {
    %c0_i32 = arith.constant 0 : i32
    %c0_i32_0 = arith.constant 0 : i32
    %c0_i32_1 = arith.constant 0 : i32
    return %c0_i32, %arg0, %c0_i32_0 : i32, i32, i32
  }
  func.func @transform_3(%arg0: i32) -> (i32, i32) {
    %c0_i32 = arith.constant 0 : i32
    %c0_i32_0 = arith.constant 0 : i32
    %c0_i32_1 = arith.constant 0 : i32
    return %c0_i32, %c0_i32_0 : i32, i32
  }
  func.func @transform_4(%arg0: i32) -> (i32, i32) {
    %c0_i32 = arith.constant 0 : i32
    %c0_i32_0 = arith.constant 0 : i32
    %c0_i32_1 = arith.constant 0 : i32
    return %c0_i32, %c0_i32_0 : i32, i32
  }
  func.func @transform_5(%arg0: i32) -> (i32, i32) {
    %c0_i32 = arith.constant 0 : i32
    %c0_i32_0 = arith.constant 0 : i32
    %c0_i32_1 = arith.constant 0 : i32
    return %c0_i32, %c0_i32_0 : i32, i32
  }
  func.func @transform_6(%arg0: i32) -> (i32, i32) {
    %c0_i32 = arith.constant 0 : i32
    %c0_i32_0 = arith.constant 0 : i32
    %c0_i32_1 = arith.constant 0 : i32
    return %c0_i32, %c0_i32_0 : i32, i32
  }
  func.func @transform_7(%arg0: i32) -> (i32, i32) {
    %c0_i32 = arith.constant 0 : i32
    %c0_i32_0 = arith.constant 0 : i32
    %c0_i32_1 = arith.constant 0 : i32
    return %c0_i32, %c0_i32_0 : i32, i32
  }
  func.func @transform_8(%arg0: i32) -> (i32, i32) {
    %c0_i32 = arith.constant 0 : i32
    %c0_i32_0 = arith.constant 0 : i32
    %c0_i32_1 = arith.constant 0 : i32
    return %c0_i32, %c0_i32_0 : i32, i32
  }
  func.func @transform_9(%arg0: i32) -> (i32, i32) {
    %c0_i32 = arith.constant 0 : i32
    %c0_i32_0 = arith.constant 0 : i32
    %c0_i32_1 = arith.constant 0 : i32
    return %c0_i32, %c0_i32_0 : i32, i32
  }
  func.func @transform_10(%arg0: i32) -> (i32, i32) {
    %c0_i32 = arith.constant 0 : i32
    %c0_i32_0 = arith.constant 0 : i32
    %c0_i32_1 = arith.constant 0 : i32
    return %c0_i32, %c0_i32_0 : i32, i32
  }
  func.func @transform_11(%arg0: i32) -> (i32, i32) {
    %c0_i32 = arith.constant 0 : i32
    %c0_i32_0 = arith.constant 0 : i32
    %c0_i32_1 = arith.constant 0 : i32
    return %c0_i32, %c0_i32_0 : i32, i32
  }
  func.func @transform_12(%arg0: i32) -> (i32, i32) {
    %c0_i32 = arith.constant 0 : i32
    %c0_i32_0 = arith.constant 0 : i32
    return %arg0, %c0_i32 : i32, i32
  }
  func.func @transform_13(%arg0: i32) -> (i32, i32) {
    %c0_i32 = arith.constant 0 : i32
    %c0_i32_0 = arith.constant 0 : i32
    return %arg0, %c0_i32 : i32, i32
  }
}

</mosaic_0001>

<sc_bundles>
// kernel: kernel.10.cloned.1.call-start
scs
__scs_entry_jumppad:
0x0: {  	(pc) =	sbr.rel $0x88, $3  }
0x1: {  	(tag) =	ssettag $0x0;
	lr =	simm.s32 $0x1  }
0x2: {  	[smem:$0x3F91] =	sst lr;
	_ =	strace $0xD0000000  }
0x3: {  	_ = 	snop  }
0x4: {  	_ = 	snop  }
0x5: {  	_ = 	snop  }
0x6: {  	_ = 	snop  }
0x7: {  	_ = 	snop  }
__scs_overlays_trampoline_lowered:
0x8: {  	[smem:$0x3FA0] =	sst s0  }
0x9: {  	[smem:$0x3FA1] =	sst s1  }
0xa: {  	[smem:$0x3FA2] =	sst s2  }
0xb: {  	[smem:$0x3FA3] =	sst s3  }
0xc: {  	[smem:$0x3FA4] =	sst s4  }
0xd: {  	[smem:$0x3FA5] =	sst s5  }
0xe: {  	[smem:$0x3FA6] =	sst s6  }
0xf: {  	[smem:$0x3FA7] =	sst s7  }
0x10: {  	[smem:$0x3FA8] =	sst s8  }
0x11: {  	[smem:$0x3FA9] =	sst s9;
	s0 =	simm.s32 @!p0 $0x0  }
0x12: {  	s1 =	sld [smem:$0x3F8F];
	s0 =	simm.s32 @p0 $0x1  }
0x13: {  	[smem:$0x3FAA] =	sst s0;
	s0 =	simm.s32 @!p1 $0x0  }
0x14: {  	s2 =	sld [smem:$0x3F8E];
	s0 =	simm.s32 @p1 $0x1  }
0x15: {  	[smem:$0x3FAB] =	sst s0;
	s0 =	simm.s32 @!p2 $0x0  }
0x16: {  	s3 =	sld [smem:$0x3FDB];
	s0 =	simm.s32 @p2 $0x1  }
0x17: {  	s4 =	simm.s32 $0x1BF5;
	[smem:$0x3FAD] =	sst s0  }
0x18: {  	s0 =	sld [smem:$0x3F90];
	_ =	swait.ge [sflag:s4], $0x0  }
0x19: {  	s7 =	sld [smem:$0x3F91]  }
0x1a: {  	s8 =	sadd.s32 $0xFFFFE003, lr  }
0x1b: {  	s9 =	sadd.s32 $0xFFFFFEF7, lr;
	s5 =	simm.s32 $0xFFFFFFFF;
	p2 =	slt.u32 s8, $0xFFFFF086  }
0x1c: {  	p1 =	slt.u32 s9, $0xF7A;
	s5 =	simm.s32 @!p2 $0x0  }
0x1d: {  	s5 =	simm.s32 @p1 $0x1;
	p0 =	seq.s32 s7, s2  }
0x1e: {  	s7 =	smul.u32 @!p0 $0xF7A, s2;
	p2 =	seq.s32 @!p0 s5, $0x0  }
0x1f: {  	s9 =	smul.u32 $0xF7A, s1;
	s8 =	simm.s32 @!p0 $0x1BF5;
	p2 =	por !p2, p0  }
0x20: {  	[sflag:s8] =	ssyncset.s32 @!p0 $0xFFFFF086;
	s6 =	sadd.s32 @!p0 s3, s7;
	s7 =	simm.s32 @!p0 $0x108  }
0x21: {  	s3 =	sadd.s32 s3, s9;
	s6 =	sadd.s32 @!p0 $0x88, s6;
	s7 =	simm.s32 @p2 $0x1082  }
0x22: {  	[simem:s7], [sflag:s8] =	dma.local @!p0 [hbm:s6], $0xF7A  }
0x23: {  	s9 =	sor.u32 $0xD0000000, s2;
	s6 =	simm.s32 $0x108;
	_ =	swait.ge @!p0 [sflag:s8], $0x0  }
0x24: {  	s3 =	sadd.s32 $0x88, s3;
	s6 =	simm.s32 @!p1 $0x1082;
	[sflag:s4] =	ssyncset.s32 $0xFFFFF086  }
0x25: {  	[simem:s6], [sflag:s4] =	dma.local [hbm:s3], $0xF7A  }
0x26: {  	[smem:$0x3F91] =	sst s1;
	(tag) =	ssettag s2;
	_ =	strace s9  }
0x27: {  	s1 =	sld [smem:$0x3FA1]  }
0x28: {  	s2 =	sld [smem:$0x3FA2]  }
0x29: {  	s4 =	sld [smem:$0x3FA4]  }
0x2a: {  	p0 =	seq.s32 s5, $0x0;
	s5 =	sld [smem:$0x3FA5]  }
0x2b: {  	s6 =	sld [smem:$0x3FA6]  }
0x2c: {  	s7 =	sld [smem:$0x3FA7]  }
0x2d: {  	s3 =	simm.s32 $0x108;
	s8 =	sld [smem:$0x3FA8]  }
0x2e: {  	s3 =	simm.s32 @!p0 $0x1082;
	s9 =	sld [smem:$0x3FA9]  }
0x2f: {  	lr =	sadd.s32 s0, s3;
	s0 =	sld [smem:$0x3FA0]  }
0x30: {  	s3 =	sld [smem:$0x3FA3]  }
0x31: {  	[smem:$0x3FAC] =	sst s10  }
0x32: {  	s10 =	sld [smem:$0x3FAA];
	_ =	sdelay $0x3  }
0x33: {  	p0 =	seq.s32 s10, $0x1;
	s10 =	sld [smem:$0x3FAC];
	_ =	sdelay $0x3  }
0x34: {  	[smem:$0x3FAC] =	sst s10  }
0x35: {  	s10 =	sld [smem:$0x3FAB];
	_ =	sdelay $0x3  }
0x36: {  	p1 =	seq.s32 s10, $0x1;
	s10 =	sld [smem:$0x3FAC];
	_ =	sdelay $0x3  }
0x37: {  	[smem:$0x3FAC] =	sst s10  }
0x38: {  	s10 =	sld [smem:$0x3FAD]  }
0x39: {  	_ = 	snop;
	(pc) =	sbr.ind lr, $3  }
0x3a: {  	_ = 	snop  }
0x3b: {  	_ = 	snop  }
0x3c: {  	p2 =	seq.s32 s10, $0x1;
	s10 =	sld [smem:$0x3FAC]  }
0x3d: {  	_ =	shalt  }
0x3e: {  	_ =	shalt  }
0x3f: {  	_ =	shalt  }
0x40: {  	_ =	shalt  }
0x41: {  	_ =	shalt  }
0x42: {  	_ =	shalt  }
0x43: {  	_ =	shalt  }
0x44: {  	_ =	shalt  }
0x45: {  	_ =	shalt  }
0x46: {  	_ =	shalt  }
0x47: {  	_ =	shalt  }
0x48: {  	_ =	shalt  }
0x49: {  	_ =	shalt  }
0x4a: {  	_ =	shalt  }
0x4b: {  	_ =	shalt  }
0x4c: {  	_ =	shalt  }
0x4d: {  	_ =	shalt  }
0x4e: {  	_ =	shalt  }
0x4f: {  	_ =	shalt  }
0x50: {  	_ =	shalt  }
0x51: {  	_ =	shalt  }
0x52: {  	_ =	shalt  }
0x53: {  	_ =	shalt  }
0x54: {  	_ =	shalt  }
0x55: {  	_ =	shalt  }
0x56: {  	_ =	shalt  }
0x57: {  	_ =	shalt  }
0x58: {  	_ =	shalt  }
0x59: {  	_ =	shalt  }
0x5a: {  	_ =	shalt  }
0x5b: {  	_ =	shalt  }
0x5c: {  	_ =	shalt  }
0x5d: {  	_ =	shalt  }
0x5e: {  	_ =	shalt  }
0x5f: {  	_ =	shalt  }
0x60: {  	_ =	shalt  }
0x61: {  	_ =	shalt  }
0x62: {  	_ =	shalt  }
0x63: {  	_ =	shalt  }
0x64: {  	_ =	shalt  }
0x65: {  	_ =	shalt  }
0x66: {  	_ =	shalt  }
0x67: {  	_ =	shalt  }
0x68: {  	_ =	shalt  }
0x69: {  	_ =	shalt  }
0x6a: {  	_ =	shalt  }
0x6b: {  	_ =	shalt  }
0x6c: {  	_ =	shalt  }
0x6d: {  	_ =	shalt  }
0x6e: {  	_ =	shalt  }
0x6f: {  	_ =	shalt  }
0x70: {  	_ =	shalt  }
0x71: {  	_ =	shalt  }
0x72: {  	_ =	shalt  }
0x73: {  	_ =	shalt  }
0x74: {  	_ =	shalt  }
0x75: {  	_ =	shalt  }
0x76: {  	_ =	shalt  }
0x77: {  	_ =	shalt  }
0x78: {  	_ =	shalt  }
0x79: {  	_ =	shalt  }
0x7a: {  	_ =	shalt  }
0x7b: {  	_ =	shalt  }
0x7c: {  	_ =	shalt  }
0x7d: {  	_ =	shalt  }
0x7e: {  	_ =	shalt  }
0x7f: {  	_ =	shalt  }
0x80: {  	_ =	shalt  }
0x81: {  	_ =	shalt  }
0x82: {  	_ =	shalt  }
0x83: {  	_ =	shalt  }
0x84: {  	_ =	shalt  }
0x85: {  	_ =	shalt  }
0x86: {  	_ =	shalt  }
0x87: {  	_ =	shalt  }
.Lfunc_end0:
.L_simem_size_0:
called_computation_lowered:
.L_overlay_start_0:
0x88: {  	s2 =	sld [smem:$0x3FD9]  }
0x89: {  	s3 =	sld [smem:$0x3FFE];
	_ =	sdelay $0x1  }
0x8a: {  	s1 =	srdreg.scid  }
0x8b: {  	s0 =	sand.u32 $0x1, s1  }
0x8c: {  	s14 =	sshll.u32 s0, $0xA;
	s2 =	sadd.s32 s3, s2  }
0x8d: {  	s2 =	sadd.s32 s2, s14  }
0x8e: {  	[smem:$0x3FB8] =	sst s2  }
0x8f: {  	_ = 	snop  }
0x90: {  	s2 =	sld [smem:$0x3FD0];
	_ =	sdelay $0x2  }
0x91: {  	s15 =	simm.s32 $0xA;
	s4 =	simm.s32 $0x10  }
0x92: {  	[smem:s4], [sflag:s15] =	dma.local [hbm:s2], $0x1  }
0x93: {  	_ =	swait.eq [sflag:s15], $0x1  }
0x94: {  	[sflag:s15] =	ssyncset.done $0x0  }
0x95: {  	[sflag:s15] =	ssyncadd.s32 $0xFFFFFFFF  }
0x96: {  	s16 =	sld [smem:$0x11];
	(tm) =	ssettm $0x1  }
0x97: {  	s17 =	sld [smem:$0x3FFB];
	_ =	sdelay $0x3  }
0x98: {  	_ =	strace s17  }
0x99: {  	s3 =	sld [smem:$0x3FFC];
	_ =	sdelay $0x3  }
0x9a: {  	_ =	strace s3  }
0x9b: {  	s3 =	sld [smem:$0x3FFD];
	_ =	sdelay $0x3  }
0x9c: {  	_ =	strace s3  }
0x9d: {  	_ =	strace $0x8FFFFFFF  }
0x9e: {  	s18 =	sld [smem:$0x3FDB];
	_ =	sdelay $0x1  }
0x9f: {  	s19 =	simm.s32 $_scs_section_size  }
0xa0: {  	s5 =	simm.s32 $_size__tile_overlayer_lowered;
	s6 =	simm.s32 $_tile_overlayer_lowered  }
0xa1: {  	s22 =	simm.s32 $0x1BFF;
	s21 =	sshll.u32 s6, $0x1;
	s3 =	sadd.s32 s19, s18  }
0xa2: {  	s7 =	simm.s32 $0x0;
	s20 =	sshll.u32 s5, $0x1;
	s5 =	sadd.s32 s21, s3  }
0xa3: {  	[timem:s7], [sflag:s22] =	dma.local [hbm:s5], s20  }
0xa4: {  	_ =	swait.ge [sflag:s22], s20  }
0xa5: {  	s4 =	ssub.s32 $0x0, s20;
	[sflag:s22] =	ssyncset.done $0x0  }
0xa6: {  	[sflag:s22] =	ssyncadd.s32 s4;
	_ =	sdelay $0x1  }
0xa7: {  	s23 =	simm.s32 $0x1B8B  }
0xa8: {  	_ =	swait.ge [sflag:s23], $0x1  }
0xa9: {  	[sflag:s23] =	ssyncset.done $0x0  }
0xaa: {  	s25 =	simm.s32 $0x1B8E;
	s24 =	sld [smem:$0x3FFE];
	[sflag:s23] =	ssyncadd.s32 $0xFFFFFFFF  }
0xab: {  	s26 =	simm.s32 $execute0_lowered;
	[smem:$0x3FD2] =	sst s25  }
0xac: {  	s5 =	sshll.u32 s26, $0x1;
	_ =	strace $0x80000046;
	[dreg:$0x1] =	wrdreg $0xFFFFFFFF  }
0xad: {  	s28 =	simm.s32 $_size_execute0_lowered;
	s3 =	sadd.s32 s3, s5;
	[dreg:$0x0] =	wrdreg $0x0  }
0xae: {  	s5 =	sshll.u32 s28, $0x1;
	[dreg:$0x2] =	wrdreg s3  }
0xaf: {  	[dreg:$0x3] =	wrdreg s5  }
0xb0: {  	[dreg:$0x4] =	wrdreg $0xC0  }
0xb1: {  	_ =	task [dreg:s7], $0x5FFFF  }
0xb2: {  	[dreg:$0x1] =	wrdreg $0xFFFFFFFF  }
0xb3: {  	[dreg:$0x0] =	wrdreg $0x60  }
0xb4: {  	[dreg:$0x2] =	wrdreg s16  }
0xb5: {  	[dreg:$0x3] =	wrdreg s24  }
0xb6: {  	[dreg:$0x4] =	wrdreg $0x28000  }
0xb7: {  	[dreg:$0x5] =	wrdreg $0x9  }
0xb8: {  	_ =	task.clear_ibuf [dreg:s7], $0x6FFFF;
	_ =	strace $0x90000046  }
0xb9: {  	s29 =	simm.s32 $0x9;
	_ =	strace $0x80000048  }
0xba: {  	_ =	swait.ge [sflag:s29], $0x1  }
0xbb: {  	[sflag:s29] =	ssyncadd.s32 $0xFFFFFFFF  }
0xbc: {  	_ =	strace $0x90000048  }
0xbd: {  	_ =	sfence  }
0xbe: {  	s30 =	sld [smem:$0x0];
	_ =	sdelay $0x2  }
0xbf: {  	s31 =	sshll.u32 s1, $0xD;
	s1 =	sshrl.u32 s1, $0x2  }
0xc0: {  	s3 =	sand.u32 $0x4000, s31;
	s1 =	sadd.s32 s1, s30  }
0xc1: {  	s0 =	sor.u32 s3, s0;
	s1 =	sshll.u32 s1, $0x11  }
0xc2: {  	s0 =	sor.u32 s1, s0  }
0xc3: {  	s0 =	sadd.s32 $0x8F2B, s0  }
0xc4: {  	[sflag:s0] =	ssyncadd.remote.s32 $0x1  }
0xc5: {  	_ =	sfence.sel $0xFFFF  }
0xc6: {  	[dreg:$0x0] =	wrdreg $0xFFFFFFFF;
	(pc) =	sbr.abs _section_cstart, $3  }
0xc7: {  	[dreg:$0x1] =	wrdreg $0xFFFFFFFF  }
0xc8: {  	_ =	task.clear_ibuf [dreg:s7], $0x2FFFF;
	_ =	strace $0x9FFFFFFF  }
0xc9: {  	(tm) =	ssettm $0x7FFFFFFF  }
tec
execute0_lowered:
.L_overlay_start_1:
0x0: {  	(tag) =	ssettag $0x1  }
0x1: {  	s2 =	rddreg [dreg:$0x0]  }
0x2: {  	s6 =	rddreg [dreg:$0x1]  }
0x3: {  	s0 =	srdreg.scid;
	s3 =	rddreg [dreg:$0x2];
	s4 =	simm.s32 $0x0  }
0x4: {  	s13 =	simm.s32 $0x5000;
	s14 =	simm.s32 $0x80;
	s15 =	simm.s32 $0x1  }
0x5: {  	s16 =	simm.s32 $0x0;
	s5 =	sand.u32 $0x1, s0;
	s0 =	stileid.u32  }
0x6: {  	[smem:$0x7FF] =	sst s4;
	s1 =	sshll.u32 s5, $0x4;
	s8 =	smul.u32 $0x2800, s0  }
0x7: {  	s9 =	smul.u32 $0x28000, s5;
	s5 =	ssub.s32 $0x2, s5;
	s1 =	sor.u32 s0, s1  }
0x8: {  	s31 =	sshll.u32 s0, $0x6;
	s30 =	sshrl.u32 s5, $0x1;
	s7 =	smul.u32 $0x500, s1  }
0x9: {  	s1 =	rddreg [dreg:$0x3];
	_ =	strace $0x80000047;
	s9 =	sadd.s32 s8, s9  }
0xa: {  	s10 =	sshrl.u32 s8, $0x3;
	s11 =	ssub.s32 s5, s30;
	s12 =	sadd.s32 s8, s3  }
0xb: {  	s9 =	sshrl.u32 s9, $0x3;
	s10 =	sadd.s32 s10, s6;
	s7 =	sadd.s32 s7, s6  }
0xc: {  	s9 =	sadd.s32 s9, s6;
	s6 =	sadd.s32 $0x16A00, s10;
	s10 =	sshrl.u32 s12, $0x3  }
0xd: {  	s12 =	simm.s32 $0x2;
	s5 =	sadd.s32 $0x2A00, s7;
	s7 =	sor.u32 $0x1C03, s31  }
0xe: {  	s8 =	sadd.s32 $0x1BA00, s9;
	s9 =	smax.u32 s11, $0x1;
	s11 =	simm.s32 $0x3  }
.LBB2_1:
0xf: {  	[tilespmem:s4], [sflag:$0x2] =	stream.linear.gather [hbm4b:s5+s4], $0x2800, $0x38;
	[tilespmem:$0x5800] =	vst v63  }
0x10: {  	[spmem:s10], [sflag:s7] =	dma.local [hbm:s6], $0x500  }
0x11: {  	_ =	swait.ge [sflag:s11], $0x500  }
0x12: {  	[sflag:s11] =	ssyncset.done $0x0  }
0x13: {  	[sflag:s11] =	ssyncadd.s32 $0xFFFFFB00  }
0x14: {  	_ =	swait.ge [sflag:s12], $0x2800  }
0x15: {  	[sflag:s12] =	ssyncset.done $0x0  }
0x16: {  	[sflag:s12] =	ssyncadd.s32 $0xFFFFD800  }
0x17: {  	[tilespmem:s13], [sflag:$0x3] =	stream.linear.gather [hbm4b:s2+s4], $0x800, $0x38;
	[tilespmem:$0x5800] =	vst v63  }
0x18: {  	_ =	swait.ge [sflag:s11], $0x800  }
0x19: {  	[sflag:s11] =	ssyncset.done $0x0  }
0x1a: {  	[sflag:s11] =	ssyncadd.s32 $0xFFFFF800  }
0x1b: {  	s17 =	simm.s32 $0x0;
	[bflag:$0x0] =	sbarrier.arrive $0xFFFF  }
0x1c: {  	[spmem:s3] =	stream.indirect.scatter.add.f32 [tilespmem:s13], [sflag:$0x1], $0x10, s17, s14, $0xb8;
	[tilespmem:$0x5800] =	vst v63  }
0x1d: {  	s24 =	simm.s32 $0x80  }
0x1e: {  	[spmem:s3] =	stream.indirect.scatter.add.f32 [tilespmem:s13], [sflag:$0x1], $0x10, s24, s14, $0xb8;
	[tilespmem:$0x5800] =	vst v63  }
0x1f: {  	s25 =	simm.s32 $0x100  }
0x20: {  	[spmem:s3] =	stream.indirect.scatter.add.f32 [tilespmem:s13], [sflag:$0x1], $0x10, s25, s14, $0xb8;
	[tilespmem:$0x5800] =	vst v63  }
0x21: {  	s26 =	simm.s32 $0x180  }
0x22: {  	[spmem:s3] =	stream.indirect.scatter.add.f32 [tilespmem:s13], [sflag:$0x1], $0x10, s26, s14, $0xb8;
	[tilespmem:$0x5800] =	vst v63  }
0x23: {  	s28 =	simm.s32 $0x200  }
0x24: {  	[spmem:s3] =	stream.indirect.scatter.add.f32 [tilespmem:s13], [sflag:$0x1], $0x10, s28, s14, $0xb8;
	[tilespmem:$0x5800] =	vst v63  }
0x25: {  	s29 =	simm.s32 $0x280  }
0x26: {  	[spmem:s3] =	stream.indirect.scatter.add.f32 [tilespmem:s13], [sflag:$0x1], $0x10, s29, s14, $0xb8;
	[tilespmem:$0x5800] =	vst v63  }
0x27: {  	s30 =	simm.s32 $0x300  }
0x28: {  	[spmem:s3] =	stream.indirect.scatter.add.f32 [tilespmem:s13], [sflag:$0x1], $0x10, s30, s14, $0xb8;
	[tilespmem:$0x5800] =	vst v63  }
0x29: {  	s31 =	simm.s32 $0x380  }
0x2a: {  	[spmem:s3] =	stream.indirect.scatter.add.f32 [tilespmem:s13], [sflag:$0x1], $0x10, s31, s14, $0xb8;
	[tilespmem:$0x5800] =	vst v63  }
0x2b: {  	_ =	swait.ge [sflag:s15], $0x800  }
0x2c: {  	[sflag:s15] =	ssyncset.done $0x0  }
0x2d: {  	[sflag:s15] =	ssyncadd.s32 $0xFFFFF800  }
0x2e: {  	_ =	swait.ge [sflag:s15], $0x800  }
0x2f: {  	[sflag:s15] =	ssyncset.done $0x0  }
0x30: {  	[sflag:s15] =	ssyncadd.s32 $0xFFFFF800  }
0x31: {  	_ =	swait.ge [sflag:s15], $0x800  }
0x32: {  	[sflag:s15] =	ssyncset.done $0x0  }
0x33: {  	[sflag:s15] =	ssyncadd.s32 $0xFFFFF800  }
0x34: {  	_ =	swait.ge [sflag:s15], $0x800  }
0x35: {  	[sflag:s15] =	ssyncset.done $0x0  }
0x36: {  	[sflag:s15] =	ssyncadd.s32 $0xFFFFF800  }
0x37: {  	_ =	swait.ge [sflag:s15], $0x800  }
0x38: {  	[sflag:s15] =	ssyncset.done $0x0  }
0x39: {  	[sflag:s15] =	ssyncadd.s32 $0xFFFFF800  }
0x3a: {  	_ =	swait.ge [sflag:s15], $0x800  }
0x3b: {  	[sflag:s15] =	ssyncset.done $0x0  }
0x3c: {  	[sflag:s15] =	ssyncadd.s32 $0xFFFFF800  }
0x3d: {  	_ =	swait.ge [sflag:s15], $0x800  }
0x3e: {  	[sflag:s15] =	ssyncset.done $0x0  }
0x3f: {  	[sflag:s15] =	ssyncadd.s32 $0xFFFFF800  }
0x40: {  	_ =	swait.ge [sflag:s15], $0x800  }
0x41: {  	s19 =	simm.s32 $0x2000;
	s17 =	simm.s32 $0x1000;
	[sflag:s15] =	ssyncset.done $0x0  }
.LBB2_2:
0x42: {  	s20 =	sshra.s32 s17, $0x2  }
0x43: {  	[sflag:s15] =	ssyncadd.s32 $0xFFFFF800;
	s17 =	smov.u32 s19;
	s18 =	sadd.s32 $0x1000, s19  }
0x44: {  	[spmem:s3] =	stream.indirect.scatter.add.f32 [tilespmem:s13], [sflag:$0x1], $0x10, s20, s14, $0xb8;
	[tilespmem:$0x5800] =	vst v63  }
0x45: {  	p0 =	sne.s32 s19, $0x9000;
	s19 =	sadd.s32 $0x80, s20  }
0x46: {  	[spmem:s3] =	stream.indirect.scatter.add.f32 [tilespmem:s13], [sflag:$0x1], $0x10, s19, s14, $0xb8;
	[tilespmem:$0x5800] =	vst v63  }
0x47: {  	s19 =	sadd.s32 $0x100, s20  }
0x48: {  	[spmem:s3] =	stream.indirect.scatter.add.f32 [tilespmem:s13], [sflag:$0x1], $0x10, s19, s14, $0xb8;
	[tilespmem:$0x5800] =	vst v63  }
0x49: {  	s19 =	sadd.s32 $0x180, s20  }
0x4a: {  	[spmem:s3] =	stream.indirect.scatter.add.f32 [tilespmem:s13], [sflag:$0x1], $0x10, s19, s14, $0xb8;
	[tilespmem:$0x5800] =	vst v63  }
0x4b: {  	s19 =	sadd.s32 $0x200, s20  }
0x4c: {  	[spmem:s3] =	stream.indirect.scatter.add.f32 [tilespmem:s13], [sflag:$0x1], $0x10, s19, s14, $0xb8;
	[tilespmem:$0x5800] =	vst v63  }
0x4d: {  	s19 =	sadd.s32 $0x280, s20  }
0x4e: {  	[spmem:s3] =	stream.indirect.scatter.add.f32 [tilespmem:s13], [sflag:$0x1], $0x10, s19, s14, $0xb8;
	[tilespmem:$0x5800] =	vst v63  }
0x4f: {  	s19 =	sadd.s32 $0x300, s20  }
0x50: {  	[spmem:s3] =	stream.indirect.scatter.add.f32 [tilespmem:s13], [sflag:$0x1], $0x10, s19, s14, $0xb8;
	[tilespmem:$0x5800] =	vst v63  }
0x51: {  	s19 =	sadd.s32 $0x380, s20  }
0x52: {  	[spmem:s3] =	stream.indirect.scatter.add.f32 [tilespmem:s13], [sflag:$0x1], $0x10, s19, s14, $0xb8;
	[tilespmem:$0x5800] =	vst v63  }
0x53: {  	_ =	swait.ge [sflag:s15], $0x800  }
0x54: {  	[sflag:s15] =	ssyncset.done $0x0  }
0x55: {  	[sflag:s15] =	ssyncadd.s32 $0xFFFFF800  }
0x56: {  	_ =	swait.ge [sflag:s15], $0x800  }
0x57: {  	[sflag:s15] =	ssyncset.done $0x0  }
0x58: {  	[sflag:s15] =	ssyncadd.s32 $0xFFFFF800  }
0x59: {  	_ =	swait.ge [sflag:s15], $0x800  }
0x5a: {  	[sflag:s15] =	ssyncset.done $0x0  }
0x5b: {  	[sflag:s15] =	ssyncadd.s32 $0xFFFFF800  }
0x5c: {  	_ =	swait.ge [sflag:s15], $0x800  }
0x5d: {  	[sflag:s15] =	ssyncset.done $0x0  }
0x5e: {  	[sflag:s15] =	ssyncadd.s32 $0xFFFFF800  }
0x5f: {  	_ =	swait.ge [sflag:s15], $0x800  }
0x60: {  	[sflag:s15] =	ssyncset.done $0x0  }
0x61: {  	[sflag:s15] =	ssyncadd.s32 $0xFFFFF800  }
0x62: {  	_ =	swait.ge [sflag:s15], $0x800  }
0x63: {  	[sflag:s15] =	ssyncset.done $0x0  }
0x64: {  	[sflag:s15] =	ssyncadd.s32 $0xFFFFF800  }
.Ltmp0:
0x65: {  	_ =	swait.ge [sflag:s15], $0x800;
	(pc) =	sbr.rel @p0 .LBB2_2-.Ltmp0, $4  }
0x66: {  	[sflag:s15] =	ssyncset.done $0x0  }
0x67: {  	[sflag:s15] =	ssyncadd.s32 $0xFFFFF800  }
0x68: {  	_ =	swait.ge [sflag:s15], $0x800  }
0x69: {  	s19 =	smov.u32 s18;
	[sflag:s15] =	ssyncset.done $0x0  }
0x6a: {  	s17 =	sshra.s32 s17, $0x2;
	[sflag:s15] =	ssyncadd.s32 $0xFFFFF800  }
0x6b: {  	[spmem:s3] =	stream.indirect.scatter.add.f32 [tilespmem:s13], [sflag:$0x1], $0x10, s17, s14, $0xb8;
	[tilespmem:$0x5800] =	vst v63  }
0x6c: {  	s18 =	sadd.s32 $0x80, s17  }
0x6d: {  	[spmem:s3] =	stream.indirect.scatter.add.f32 [tilespmem:s13], [sflag:$0x1], $0x10, s18, s14, $0xb8;
	[tilespmem:$0x5800] =	vst v63  }
0x6e: {  	s26 =	sadd.s32 $0x100, s17  }
0x6f: {  	[spmem:s3] =	stream.indirect.scatter.add.f32 [tilespmem:s13], [sflag:$0x1], $0x10, s26, s14, $0xb8;
	[tilespmem:$0x5800] =	vst v63  }
0x70: {  	s28 =	sadd.s32 $0x180, s17  }
0x71: {  	[spmem:s3] =	stream.indirect.scatter.add.f32 [tilespmem:s13], [sflag:$0x1], $0x10, s28, s14, $0xb8;
	[tilespmem:$0x5800] =	vst v63  }
0x72: {  	s29 =	sadd.s32 $0x200, s17  }
0x73: {  	[spmem:s3] =	stream.indirect.scatter.add.f32 [tilespmem:s13], [sflag:$0x1], $0x10, s29, s14, $0xb8;
	[tilespmem:$0x5800] =	vst v63  }
0x74: {  	s30 =	sadd.s32 $0x280, s17  }
0x75: {  	[spmem:s3] =	stream.indirect.scatter.add.f32 [tilespmem:s13], [sflag:$0x1], $0x10, s30, s14, $0xb8;
	[tilespmem:$0x5800] =	vst v63  }
0x76: {  	s31 =	sadd.s32 $0x300, s17  }
0x77: {  	[spmem:s3] =	stream.indirect.scatter.add.f32 [tilespmem:s13], [sflag:$0x1], $0x10, s31, s14, $0xb8;
	[tilespmem:$0x5800] =	vst v63  }
0x78: {  	s17 =	sadd.s32 $0x380, s17  }
0x79: {  	[spmem:s3] =	stream.indirect.scatter.add.f32 [tilespmem:s13], [sflag:$0x1], $0x10, s17, s14, $0xb8;
	[tilespmem:$0x5800] =	vst v63  }
0x7a: {  	_ =	swait.ge [sflag:s15], $0x800  }
0x7b: {  	[sflag:s15] =	ssyncset.done $0x0  }
0x7c: {  	[sflag:s15] =	ssyncadd.s32 $0xFFFFF800  }
0x7d: {  	_ =	swait.ge [sflag:s15], $0x800  }
0x7e: {  	[sflag:s15] =	ssyncset.done $0x0  }
0x7f: {  	[sflag:s15] =	ssyncadd.s32 $0xFFFFF800  }
0x80: {  	_ =	swait.ge [sflag:s15], $0x800  }
0x81: {  	[sflag:s15] =	ssyncset.done $0x0  }
0x82: {  	[sflag:s15] =	ssyncadd.s32 $0xFFFFF800  }
0x83: {  	_ =	swait.ge [sflag:s15], $0x800  }
0x84: {  	[sflag:s15] =	ssyncset.done $0x0  }
0x85: {  	[sflag:s15] =	ssyncadd.s32 $0xFFFFF800  }
0x86: {  	_ =	swait.ge [sflag:s15], $0x800  }
0x87: {  	[sflag:s15] =	ssyncset.done $0x0  }
0x88: {  	[sflag:s15] =	ssyncadd.s32 $0xFFFFF800  }
0x89: {  	_ =	swait.ge [sflag:s15], $0x800  }
0x8a: {  	[sflag:s15] =	ssyncset.done $0x0  }
0x8b: {  	[sflag:s15] =	ssyncadd.s32 $0xFFFFF800  }
0x8c: {  	_ =	swait.ge [sflag:s15], $0x800  }
0x8d: {  	[sflag:s15] =	ssyncset.done $0x0  }
0x8e: {  	[sflag:s15] =	ssyncadd.s32 $0xFFFFF800  }
0x8f: {  	_ =	swait.ge [sflag:s15], $0x800  }
0x90: {  	s16 =	sadd.s32 $0x1, s16;
	[sflag:s15] =	ssyncset.done $0x0  }
0x91: {  	p0 =	sne.s32 s16, s9;
	[sflag:s15] =	ssyncadd.s32 $0xFFFFF800  }
.Ltmp1:
0x92: {  	[bflag:$0x0] =	sbarrier.arrive $0xFFFF;
	(pc) =	sbr.rel @p0 .LBB2_1-.Ltmp1, $4  }
0x93: {  	[hbm:s8], [sflag:s7] =	dma.local [spmem:s10], $0x500  }
0x94: {  	_ =	swait.ge [sflag:s11], $0x500  }
0x95: {  	[sflag:s11] =	ssyncset.done $0x0  }
0x96: {  	[sflag:s11] =	ssyncadd.s32 $0xFFFFFB00  }
0x97: {  	_ =	sfence.sel $0x180000  }
0x98: {  	[bflag:$0x0] =	sbarrier.arrive $0xFFFF  }
0x99: {  	p0 =	sne.s32 s0, $0x0;
	_ =	strace $0x90000047  }
0x9a: {  	s0 =	sadd.s32 @!p0 $0x100000, s1;
	[bflag:$0x2] =	sbarrier.arrive $0xFFFF  }
0x9b: {  	[sflag:s0] =	ssyncadd.tile.s32 @!p0 $0x1;
	_ =	shalt  }
.Lfunc_end2:
_tile_overlayer_lowered:
.L_overlay_start_2:
0x9c: {  	(tag) =	ssettag $0x2  }
0x9d: {  	s0 =	rddreg [dreg:$0x0];
	s2 =	stileid.u32  }
0x9e: {  	s1 =	rddreg [dreg:$0x1];
	p0 =	sne.s32 s2, $0x0  }
0x9f: {  	s3 =	rddreg [dreg:$0x2];
	[bflag:$0x3] =	sbarrier.arrive $0xFFFF;
	s2 =	simm.s32 @!p0 $0x1C03  }
0xa0: {  	[timem:s3], [sflag:s2] =	dma.local @!p0 [hbm:s0], s1  }
0xa1: {  	s0 =	simm.s32 @!p0 $0x3  }
0xa2: {  	_ =	swait.ge @!p0 [sflag:s0], s1  }
0xa3: {  	s1 =	ssub.s32 @!p0 $0x0, s1;
	[sflag:s0] =	ssyncset.done @!p0 $0x0  }
0xa4: {  	[sflag:s0] =	ssyncadd.s32 @!p0 s1  }
0xa5: {  	[bflag:$0x3] =	sbarrier.arrive $0xFFFF  }
0xa6: {  	_ =	shalt  }

// kernel: kernel.13.cloned.1.call-start
scs
__scs_entry_jumppad:
0x0: {  	(pc) =	sbr.rel $0x88, $3  }
0x1: {  	(tag) =	ssettag $0x0;
	lr =	simm.s32 $0x1  }
0x2: {  	[smem:$0x3F91] =	sst lr;
	_ =	strace $0xD0000000  }
0x3: {  	_ = 	snop  }
0x4: {  	_ = 	snop  }
0x5: {  	_ = 	snop  }
0x6: {  	_ = 	snop  }
0x7: {  	_ = 	snop  }
__scs_overlays_trampoline_lowered:
0x8: {  	[smem:$0x3FA0] =	sst s0  }
0x9: {  	[smem:$0x3FA1] =	sst s1  }
0xa: {  	[smem:$0x3FA2] =	sst s2  }
0xb: {  	[smem:$0x3FA3] =	sst s3  }
0xc: {  	[smem:$0x3FA4] =	sst s4  }
0xd: {  	[smem:$0x3FA5] =	sst s5  }
0xe: {  	[smem:$0x3FA6] =	sst s6  }
0xf: {  	[smem:$0x3FA7] =	sst s7  }
0x10: {  	[smem:$0x3FA8] =	sst s8  }
0x11: {  	[smem:$0x3FA9] =	sst s9;
	s0 =	simm.s32 @!p0 $0x0  }
0x12: {  	s1 =	sld [smem:$0x3F8F];
	s0 =	simm.s32 @p0 $0x1  }
0x13: {  	[smem:$0x3FAA] =	sst s0;
	s0 =	simm.s32 @!p1 $0x0  }
0x14: {  	s2 =	sld [smem:$0x3F8E];
	s0 =	simm.s32 @p1 $0x1  }
0x15: {  	[smem:$0x3FAB] =	sst s0;
	s0 =	simm.s32 @!p2 $0x0  }
0x16: {  	s3 =	sld [smem:$0x3FDB];
	s0 =	simm.s32 @p2 $0x1  }
0x17: {  	s4 =	simm.s32 $0x1BF5;
	[smem:$0x3FAD] =	sst s0  }
0x18: {  	s0 =	sld [smem:$0x3F90];
	_ =	swait.ge [sflag:s4], $0x0  }
0x19: {  	s7 =	sld [smem:$0x3F91]  }
0x1a: {  	s8 =	sadd.s32 $0xFFFFE003, lr  }
0x1b: {  	s9 =	sadd.s32 $0xFFFFFEF7, lr;
	s5 =	simm.s32 $0xFFFFFFFF;
	p2 =	slt.u32 s8, $0xFFFFF086  }
0x1c: {  	p1 =	slt.u32 s9, $0xF7A;
	s5 =	simm.s32 @!p2 $0x0  }
0x1d: {  	s5 =	simm.s32 @p1 $0x1;
	p0 =	seq.s32 s7, s2  }
0x1e: {  	s7 =	smul.u32 @!p0 $0xF7A, s2;
	p2 =	seq.s32 @!p0 s5, $0x0  }
0x1f: {  	s9 =	smul.u32 $0xF7A, s1;
	s8 =	simm.s32 @!p0 $0x1BF5;
	p2 =	por !p2, p0  }
0x20: {  	[sflag:s8] =	ssyncset.s32 @!p0 $0xFFFFF086;
	s6 =	sadd.s32 @!p0 s3, s7;
	s7 =	simm.s32 @!p0 $0x108  }
0x21: {  	s3 =	sadd.s32 s3, s9;
	s6 =	sadd.s32 @!p0 $0x88, s6;
	s7 =	simm.s32 @p2 $0x1082  }
0x22: {  	[simem:s7], [sflag:s8] =	dma.local @!p0 [hbm:s6], $0xF7A  }
0x23: {  	s9 =	sor.u32 $0xD0000000, s2;
	s6 =	simm.s32 $0x108;
	_ =	swait.ge @!p0 [sflag:s8], $0x0  }
0x24: {  	s3 =	sadd.s32 $0x88, s3;
	s6 =	simm.s32 @!p1 $0x1082;
	[sflag:s4] =	ssyncset.s32 $0xFFFFF086  }
0x25: {  	[simem:s6], [sflag:s4] =	dma.local [hbm:s3], $0xF7A  }
0x26: {  	[smem:$0x3F91] =	sst s1;
	(tag) =	ssettag s2;
	_ =	strace s9  }
0x27: {  	s1 =	sld [smem:$0x3FA1]  }
0x28: {  	s2 =	sld [smem:$0x3FA2]  }
0x29: {  	s4 =	sld [smem:$0x3FA4]  }
0x2a: {  	p0 =	seq.s32 s5, $0x0;
	s5 =	sld [smem:$0x3FA5]  }
0x2b: {  	s6 =	sld [smem:$0x3FA6]  }
0x2c: {  	s7 =	sld [smem:$0x3FA7]  }
0x2d: {  	s3 =	simm.s32 $0x108;
	s8 =	sld [smem:$0x3FA8]  }
0x2e: {  	s3 =	simm.s32 @!p0 $0x1082;
	s9 =	sld [smem:$0x3FA9]  }
0x2f: {  	lr =	sadd.s32 s0, s3;
	s0 =	sld [smem:$0x3FA0]  }
0x30: {  	s3 =	sld [smem:$0x3FA3]  }
0x31: {  	[smem:$0x3FAC] =	sst s10  }
0x32: {  	s10 =	sld [smem:$0x3FAA];
	_ =	sdelay $0x3  }
0x33: {  	p0 =	seq.s32 s10, $0x1;
	s10 =	sld [smem:$0x3FAC];
	_ =	sdelay $0x3  }
0x34: {  	[smem:$0x3FAC] =	sst s10  }
0x35: {  	s10 =	sld [smem:$0x3FAB];
	_ =	sdelay $0x3  }
0x36: {  	p1 =	seq.s32 s10, $0x1;
	s10 =	sld [smem:$0x3FAC];
	_ =	sdelay $0x3  }
0x37: {  	[smem:$0x3FAC] =	sst s10  }
0x38: {  	s10 =	sld [smem:$0x3FAD]  }
0x39: {  	_ = 	snop;
	(pc) =	sbr.ind lr, $3  }
0x3a: {  	_ = 	snop  }
0x3b: {  	_ = 	snop  }
0x3c: {  	p2 =	seq.s32 s10, $0x1;
	s10 =	sld [smem:$0x3FAC]  }
0x3d: {  	_ =	shalt  }
0x3e: {  	_ =	shalt  }
0x3f: {  	_ =	shalt  }
0x40: {  	_ =	shalt  }
0x41: {  	_ =	shalt  }
0x42: {  	_ =	shalt  }
0x43: {  	_ =	shalt  }
0x44: {  	_ =	shalt  }
0x45: {  	_ =	shalt  }
0x46: {  	_ =	shalt  }
0x47: {  	_ =	shalt  }
0x48: {  	_ =	shalt  }
0x49: {  	_ =	shalt  }
0x4a: {  	_ =	shalt  }
0x4b: {  	_ =	shalt  }
0x4c: {  	_ =	shalt  }
0x4d: {  	_ =	shalt  }
0x4e: {  	_ =	shalt  }
0x4f: {  	_ =	shalt  }
0x50: {  	_ =	shalt  }
0x51: {  	_ =	shalt  }
0x52: {  	_ =	shalt  }
0x53: {  	_ =	shalt  }
0x54: {  	_ =	shalt  }
0x55: {  	_ =	shalt  }
0x56: {  	_ =	shalt  }
0x57: {  	_ =	shalt  }
0x58: {  	_ =	shalt  }
0x59: {  	_ =	shalt  }
0x5a: {  	_ =	shalt  }
0x5b: {  	_ =	shalt  }
0x5c: {  	_ =	shalt  }
0x5d: {  	_ =	shalt  }
0x5e: {  	_ =	shalt  }
0x5f: {  	_ =	shalt  }
0x60: {  	_ =	shalt  }
0x61: {  	_ =	shalt  }
0x62: {  	_ =	shalt  }
0x63: {  	_ =	shalt  }
0x64: {  	_ =	shalt  }
0x65: {  	_ =	shalt  }
0x66: {  	_ =	shalt  }
0x67: {  	_ =	shalt  }
0x68: {  	_ =	shalt  }
0x69: {  	_ =	shalt  }
0x6a: {  	_ =	shalt  }
0x6b: {  	_ =	shalt  }
0x6c: {  	_ =	shalt  }
0x6d: {  	_ =	shalt  }
0x6e: {  	_ =	shalt  }
0x6f: {  	_ =	shalt  }
0x70: {  	_ =	shalt  }
0x71: {  	_ =	shalt  }
0x72: {  	_ =	shalt  }
0x73: {  	_ =	shalt  }
0x74: {  	_ =	shalt  }
0x75: {  	_ =	shalt  }
0x76: {  	_ =	shalt  }
0x77: {  	_ =	shalt  }
0x78: {  	_ =	shalt  }
0x79: {  	_ =	shalt  }
0x7a: {  	_ =	shalt  }
0x7b: {  	_ =	shalt  }
0x7c: {  	_ =	shalt  }
0x7d: {  	_ =	shalt  }
0x7e: {  	_ =	shalt  }
0x7f: {  	_ =	shalt  }
0x80: {  	_ =	shalt  }
0x81: {  	_ =	shalt  }
0x82: {  	_ =	shalt  }
0x83: {  	_ =	shalt  }
0x84: {  	_ =	shalt  }
0x85: {  	_ =	shalt  }
0x86: {  	_ =	shalt  }
0x87: {  	_ =	shalt  }
.Lfunc_end0:
.L_simem_size_0:
called_computation.1_lowered:
.L_overlay_start_0:
0x88: {  	s2 =	sld [smem:$0x3FD9]  }
0x89: {  	s3 =	sld [smem:$0x3FFE];
	_ =	sdelay $0x1  }
0x8a: {  	s1 =	srdreg.scid  }
0x8b: {  	s0 =	sand.u32 $0x1, s1  }
0x8c: {  	s16 =	sshll.u32 s0, $0xA;
	s2 =	sadd.s32 s3, s2  }
0x8d: {  	s2 =	sadd.s32 s2, s16  }
0x8e: {  	[smem:$0x3FB8] =	sst s2  }
0x8f: {  	_ = 	snop  }
0x90: {  	(tm) =	ssettm $0x1  }
0x91: {  	s17 =	sld [smem:$0x3FFB];
	_ =	sdelay $0x3  }
0x92: {  	_ =	strace s17  }
0x93: {  	s2 =	sld [smem:$0x3FFC];
	_ =	sdelay $0x3  }
0x94: {  	_ =	strace s2  }
0x95: {  	s2 =	sld [smem:$0x3FFD];
	_ =	sdelay $0x3  }
0x96: {  	_ =	strace s2  }
0x97: {  	_ =	strace $0x8FFFFFFF  }
0x98: {  	s18 =	sld [smem:$0x3FDB];
	_ =	sdelay $0x1  }
0x99: {  	s19 =	simm.s32 $_scs_section_size  }
0x9a: {  	s4 =	simm.s32 $_size__tile_overlayer_lowered;
	s5 =	simm.s32 $_tile_overlayer_lowered  }
0x9b: {  	s22 =	simm.s32 $0x1BFF;
	s21 =	sshll.u32 s5, $0x1;
	s2 =	sadd.s32 s19, s18  }
0x9c: {  	s6 =	simm.s32 $0x0;
	s20 =	sshll.u32 s4, $0x1;
	s4 =	sadd.s32 s21, s2  }
0x9d: {  	[timem:s6], [sflag:s22] =	dma.local [hbm:s4], s20  }
0x9e: {  	_ =	swait.ge [sflag:s22], s20  }
0x9f: {  	s3 =	ssub.s32 $0x0, s20;
	[sflag:s22] =	ssyncset.done $0x0  }
0xa0: {  	[sflag:s22] =	ssyncadd.s32 s3;
	_ =	sdelay $0x1  }
0xa1: {  	s23 =	simm.s32 $0x1B8B  }
0xa2: {  	_ =	swait.ge [sflag:s23], $0x1  }
0xa3: {  	[sflag:s23] =	ssyncset.done $0x0  }
0xa4: {  	s25 =	simm.s32 $0x1B8E;
	s24 =	sld [smem:$0x3FFE];
	[sflag:s23] =	ssyncadd.s32 $0xFFFFFFFF  }
0xa5: {  	s26 =	simm.s32 $execute0_lowered;
	[smem:$0x3FD2] =	sst s25  }
0xa6: {  	s4 =	sshll.u32 s26, $0x1;
	_ =	strace $0x80000049;
	[dreg:$0x1] =	wrdreg $0xFFFFFFFF  }
0xa7: {  	s28 =	simm.s32 $_size_execute0_lowered;
	s2 =	sadd.s32 s2, s4;
	[dreg:$0x0] =	wrdreg $0x0  }
0xa8: {  	s4 =	sshll.u32 s28, $0x1;
	[dreg:$0x2] =	wrdreg s2  }
0xa9: {  	[dreg:$0x3] =	wrdreg s4  }
0xaa: {  	[dreg:$0x4] =	wrdreg $0xC0  }
0xab: {  	_ =	task [dreg:s6], $0x5FFFF  }
0xac: {  	[dreg:$0x1] =	wrdreg $0xFFFFFFFF  }
0xad: {  	[dreg:$0x0] =	wrdreg $0x60  }
0xae: {  	[dreg:$0x2] =	wrdreg s24  }
0xaf: {  	[dreg:$0x3] =	wrdreg $0x50000  }
0xb0: {  	[dreg:$0x4] =	wrdreg $0x9  }
0xb1: {  	_ =	task.clear_ibuf [dreg:s6], $0x5FFFF;
	_ =	strace $0x90000049  }
0xb2: {  	s29 =	simm.s32 $0x9;
	_ =	strace $0x8000004B  }
0xb3: {  	_ =	swait.ge [sflag:s29], $0x1  }
0xb4: {  	[sflag:s29] =	ssyncadd.s32 $0xFFFFFFFF  }
0xb5: {  	_ =	strace $0x9000004B  }
0xb6: {  	_ =	sfence  }
0xb7: {  	s30 =	sld [smem:$0x0];
	_ =	sdelay $0x2  }
0xb8: {  	s31 =	sshll.u32 s1, $0xD;
	s1 =	sshrl.u32 s1, $0x2  }
0xb9: {  	s3 =	sand.u32 $0x4000, s31;
	s1 =	sadd.s32 s1, s30  }
0xba: {  	s0 =	sor.u32 s3, s0;
	s1 =	sshll.u32 s1, $0x11  }
0xbb: {  	s0 =	sor.u32 s1, s0  }
0xbc: {  	s0 =	sadd.s32 $0x8F2B, s0  }
0xbd: {  	[sflag:s0] =	ssyncadd.remote.s32 $0x1  }
0xbe: {  	_ =	sfence.sel $0xFFFF  }
0xbf: {  	[dreg:$0x0] =	wrdreg $0xFFFFFFFF;
	(pc) =	sbr.abs _section_cstart, $3  }
0xc0: {  	[dreg:$0x1] =	wrdreg $0xFFFFFFFF  }
0xc1: {  	_ =	task.clear_ibuf [dreg:s6], $0x2FFFF;
	_ =	strace $0x9FFFFFFF  }
0xc2: {  	(tm) =	ssettm $0x7FFFFFFF  }
0xc3: {  	_ =	shalt  }
tec
execute0_lowered:
.L_overlay_start_1:
0x0: {  	(tag) =	ssettag $0x1  }
0x1: {  	s0 =	srdreg.scid  }
0x2: {  	s9 =	stileid.u32;
	s3 =	rddreg [dreg:$0x0]  }
0x3: {  	s2 =	rddreg [dreg:$0x1];
	s4 =	simm.s32 $0x0;
	s15 =	simm.s32 $0x80  }
0x4: {  	s16 =	simm.s32 $0xF000;
	s17 =	simm.s32 $0x11000;
	s19 =	simm.s32 $0x13000  }
0x5: {  	s21 =	simm.s32 $0x15000;
	s28 =	simm.s32 $0x1B000;
	s30 =	simm.s32 $0x1D000  }
0x6: {  	s31 =	simm.s32 $0x1;
	s11 =	simm.s32 $0xA;
	s18 =	simm.s32 $0x3  }
0x7: {  	s20 =	simm.s32 $0xB;
	s29 =	simm.s32 $0xD;
	s10 =	simm.s32 $0x8  }
0x8: {  	s12 =	simm.s32 $0x0;
	s0 =	sand.u32 $0x1, s0;
	s5 =	smul.u32 $0xA000, s9  }
0x9: {  	[smem:$0x7FF] =	sst s4;
	s4 =	sadd.s32 $0x66A00, s3;
	s24 =	sshll.u32 s9, $0x6  }
0xa: {  	s1 =	sshll.u32 s0, $0x4;
	s6 =	smul.u32 $0xA0000, s0;
	_ =	strace $0x8000004A  }
0xb: {  	s0 =	ssub.s32 $0x2, s0;
	s14 =	sor.u32 $0x1C12, s24;
	s24 =	simm.s32 $0xC  }
0xc: {  	[dreg:$0x9] =	wrdreg s12;
	s1 =	sor.u32 s9, s1;
	s7 =	sshrl.u32 s5, $0x3  }
0xd: {  	s8 =	sshrl.u32 s0, $0x1;
	s23 =	sadd.s32 s5, s2;
	s9 =	simm.s32 $0xF  }
0xe: {  	[dreg:$0x6] =	wrdreg s14;
	s1 =	smul.u32 $0x500, s1;
	s6 =	sadd.s32 s5, s6  }
0xf: {  	s7 =	sadd.s32 s7, s3;
	s0 =	ssub.s32 s0, s8;
	s26 =	sshrl.u32 s23, $0x3  }
0x10: {  	s23 =	simm.s32 $0x17000;
	s5 =	simm.s32 $0x6;
	s6 =	sshrl.u32 s6, $0x3  }
0x11: {  	s25 =	sadd.s32 $0x7AA00, s7;
	s0 =	smax.u32 s0, $0x1;
	[dreg:$0xa] =	wrdreg s26  }
0x12: {  	s26 =	simm.s32 $0x5;
	s1 =	sadd.s32 s1, s3;
	[dreg:$0x5] =	wrdreg s25  }
0x13: {  	s7 =	simm.s32 $0x7;
	[dreg:$0x8] =	wrdreg s0;
	s22 =	sadd.s32 $0x2A00, s1  }
0x14: {  	s3 =	sadd.s32 s6, s3;
	s1 =	sadd.s32 $0xCA00, s1;
	[dreg:$0x3] =	wrdreg s22  }
0x15: {  	s25 =	simm.s32 $0x19000;
	s3 =	sadd.s32 $0x8EA00, s3;
	[dreg:$0x4] =	wrdreg s1  }
0x16: {  	s0 =	simm.s32 $0x2;
	s6 =	simm.s32 $0xE;
	[dreg:$0x7] =	wrdreg s3  }
0x17: {  	s1 =	simm.s32 $0x9;
	s22 =	simm.s32 $0x4;
	s3 =	simm.s32 $0x10  }
.LBB2_1:
0x18: {  	s12 =	simm.s32 $0x0;
	s13 =	rddreg [dreg:$0x3];
	s8 =	simm.s32 $0x2800  }
0x19: {  	[tilespmem:s8], [sflag:$0x11] =	stream.linear.gather [hbm4b:s13+s12], $0x2800, $0x38;
	[tilespmem:$0x1F000] =	vst v63  }
0x1a: {  	s8 =	rddreg [dreg:$0xa]  }
0x1b: {  	s13 =	rddreg [dreg:$0x4]  }
0x1c: {  	[tilespmem:s12], [sflag:$0x11] =	stream.linear.gather [hbm4b:s13+s12], $0x2800, $0x38;
	[tilespmem:$0x1F000] =	vst v63  }
0x1d: {  	s12 =	rddreg [dreg:$0x5]  }
0x1e: {  	[spmem:s8], [sflag:s14] =	dma.local [hbm:s12], $0x1400  }
0x1f: {  	s12 =	simm.s32 $0x12  }
0x20: {  	_ =	swait.ge [sflag:s12], $0x1400  }
0x21: {  	[sflag:s12] =	ssyncset.done $0x0  }
0x22: {  	s13 =	simm.s32 $0x11;
	[sflag:s12] =	ssyncadd.s32 $0xFFFFEC00  }
0x23: {  	_ =	swait.ge [sflag:s13], $0x2800  }
0x24: {  	[sflag:s13] =	ssyncset.done $0x0  }
0x25: {  	[sflag:s13] =	ssyncadd.s32 $0xFFFFD800  }
0x26: {  	_ =	swait.ge [sflag:s13], $0x2800  }
0x27: {  	[sflag:s13] =	ssyncset.done $0x0  }
0x28: {  	[sflag:s13] =	ssyncadd.s32 $0xFFFFD800  }
0x29: {  	s14 =	simm.s32 $0x0;
	[bflag:$0x0] =	sbarrier.arrive $0xFFFF  }
0x2a: {  	[tilespmem:s16], [sflag:$0x1] =	stream.indirect.gather [hbm4b:s4+s15], $0x40, s14, s15, $0xb8;
	[tilespmem:$0x1F000] =	vst v63  }
0x2b: {  	_ = 	snop  }
0x2c: {  	[tilespmem:s17], [sflag:$0x2] =	stream.indirect.gather [hbm4b:s4+s15], $0x40, s15, s15, $0xb8;
	[tilespmem:$0x1F000] =	vst v63  }
0x2d: {  	s8 =	simm.s32 $0x100  }
0x2e: {  	[tilespmem:s19], [sflag:$0x3] =	stream.indirect.gather [hbm4b:s4+s15], $0x40, s8, s15, $0xb8;
	[tilespmem:$0x1F000] =	vst v63  }
0x2f: {  	s13 =	simm.s32 $0x180  }
0x30: {  	[tilespmem:s21], [sflag:$0x4] =	stream.indirect.gather [hbm4b:s4+s15], $0x40, s13, s15, $0xb8;
	[tilespmem:$0x1F000] =	vst v63  }
0x31: {  	s14 =	simm.s32 $0x200  }
0x32: {  	[tilespmem:s23], [sflag:$0x5] =	stream.indirect.gather [hbm4b:s4+s15], $0x40, s14, s15, $0xb8;
	[tilespmem:$0x1F000] =	vst v63  }
0x33: {  	s8 =	simm.s32 $0x280  }
0x34: {  	[tilespmem:s25], [sflag:$0x6] =	stream.indirect.gather [hbm4b:s4+s15], $0x40, s8, s15, $0xb8;
	[tilespmem:$0x1F000] =	vst v63  }
0x35: {  	s13 =	simm.s32 $0x300  }
0x36: {  	[tilespmem:s28], [sflag:$0x7] =	stream.indirect.gather [hbm4b:s4+s15], $0x40, s13, s15, $0xb8;
	[tilespmem:$0x1F000] =	vst v63  }
0x37: {  	s14 =	simm.s32 $0x380  }
0x38: {  	[tilespmem:s30], [sflag:$0x8] =	stream.indirect.gather [hbm4b:s4+s15], $0x40, s14, s15, $0xb8;
	[tilespmem:$0x1F000] =	vst v63  }
0x39: {  	_ =	swait.ge [sflag:s31], $0x2000  }
0x3a: {  	[sflag:s31] =	ssyncset.done $0x0  }
0x3b: {  	s8 =	simm.s32 $0x2800;
	[sflag:s31] =	ssyncadd.s32 $0xFFFFE000  }
0x3c: {  	[spmem:s2] =	stream.indirect.scatter.add.f32 [tilespmem:s16], [sflag:$0x9], $0x40, s8, s15, $0xb8;
	[tilespmem:$0x1F000] =	vst v63  }
0x3d: {  	_ =	swait.ge [sflag:s1], $0x2000  }
0x3e: {  	[sflag:s1] =	ssyncset.done $0x0  }
0x3f: {  	s13 =	simm.s32 $0x400;
	[sflag:s1] =	ssyncadd.s32 $0xFFFFE000  }
0x40: {  	[tilespmem:s16], [sflag:$0x1] =	stream.indirect.gather [hbm4b:s4+s15], $0x40, s13, s15, $0xb8;
	[tilespmem:$0x1F000] =	vst v63  }
0x41: {  	_ =	swait.ge [sflag:s0], $0x2000  }
0x42: {  	[sflag:s0] =	ssyncset.done $0x0  }
0x43: {  	s14 =	simm.s32 $0x2880;
	[sflag:s0] =	ssyncadd.s32 $0xFFFFE000  }
0x44: {  	[spmem:s2] =	stream.indirect.scatter.add.f32 [tilespmem:s17], [sflag:$0xA], $0x40, s14, s15, $0xb8;
	[tilespmem:$0x1F000] =	vst v63  }
0x45: {  	_ =	swait.ge [sflag:s11], $0x2000  }
0x46: {  	[sflag:s11] =	ssyncset.done $0x0  }
0x47: {  	s8 =	simm.s32 $0x480;
	[sflag:s11] =	ssyncadd.s32 $0xFFFFE000  }
0x48: {  	[tilespmem:s17], [sflag:$0x2] =	stream.indirect.gather [hbm4b:s4+s15], $0x40, s8, s15, $0xb8;
	[tilespmem:$0x1F000] =	vst v63  }
0x49: {  	_ =	swait.ge [sflag:s18], $0x2000  }
0x4a: {  	[sflag:s18] =	ssyncset.done $0x0  }
0x4b: {  	s13 =	simm.s32 $0x2900;
	[sflag:s18] =	ssyncadd.s32 $0xFFFFE000  }
0x4c: {  	[spmem:s2] =	stream.indirect.scatter.add.f32 [tilespmem:s19], [sflag:$0xB], $0x40, s13, s15, $0xb8;
	[tilespmem:$0x1F000] =	vst v63  }
0x4d: {  	_ =	swait.ge [sflag:s20], $0x2000  }
0x4e: {  	[sflag:s20] =	ssyncset.done $0x0  }
0x4f: {  	s14 =	simm.s32 $0x500;
	[sflag:s20] =	ssyncadd.s32 $0xFFFFE000  }
0x50: {  	[tilespmem:s19], [sflag:$0x3] =	stream.indirect.gather [hbm4b:s4+s15], $0x40, s14, s15, $0xb8;
	[tilespmem:$0x1F000] =	vst v63  }
0x51: {  	_ =	swait.ge [sflag:s22], $0x2000  }
0x52: {  	[sflag:s22] =	ssyncset.done $0x0  }
0x53: {  	s8 =	simm.s32 $0x2980;
	[sflag:s22] =	ssyncadd.s32 $0xFFFFE000  }
0x54: {  	[spmem:s2] =	stream.indirect.scatter.add.f32 [tilespmem:s21], [sflag:$0xC], $0x40, s8, s15, $0xb8;
	[tilespmem:$0x1F000] =	vst v63  }
0x55: {  	_ =	swait.ge [sflag:s24], $0x2000  }
0x56: {  	[sflag:s24] =	ssyncset.done $0x0  }
0x57: {  	s13 =	simm.s32 $0x580;
	[sflag:s24] =	ssyncadd.s32 $0xFFFFE000  }
0x58: {  	[tilespmem:s21], [sflag:$0x4] =	stream.indirect.gather [hbm4b:s4+s15], $0x40, s13, s15, $0xb8;
	[tilespmem:$0x1F000] =	vst v63  }
0x59: {  	_ =	swait.ge [sflag:s26], $0x2000  }
0x5a: {  	[sflag:s26] =	ssyncset.done $0x0  }
0x5b: {  	s14 =	simm.s32 $0x2A00;
	[sflag:s26] =	ssyncadd.s32 $0xFFFFE000  }
0x5c: {  	[spmem:s2] =	stream.indirect.scatter.add.f32 [tilespmem:s23], [sflag:$0xD], $0x40, s14, s15, $0xb8;
	[tilespmem:$0x1F000] =	vst v63  }
0x5d: {  	_ =	swait.ge [sflag:s29], $0x2000  }
0x5e: {  	[sflag:s29] =	ssyncset.done $0x0  }
0x5f: {  	s8 =	simm.s32 $0x600;
	[sflag:s29] =	ssyncadd.s32 $0xFFFFE000  }
0x60: {  	[tilespmem:s23], [sflag:$0x5] =	stream.indirect.gather [hbm4b:s4+s15], $0x40, s8, s15, $0xb8;
	[tilespmem:$0x1F000] =	vst v63  }
0x61: {  	_ =	swait.ge [sflag:s5], $0x2000  }
0x62: {  	[sflag:s5] =	ssyncset.done $0x0  }
0x63: {  	s13 =	simm.s32 $0x2A80;
	[sflag:s5] =	ssyncadd.s32 $0xFFFFE000  }
0x64: {  	[spmem:s2] =	stream.indirect.scatter.add.f32 [tilespmem:s25], [sflag:$0xE], $0x40, s13, s15, $0xb8;
	[tilespmem:$0x1F000] =	vst v63  }
0x65: {  	_ =	swait.ge [sflag:s6], $0x2000  }
0x66: {  	[sflag:s6] =	ssyncset.done $0x0  }
0x67: {  	s14 =	simm.s32 $0x680;
	[sflag:s6] =	ssyncadd.s32 $0xFFFFE000  }
0x68: {  	[tilespmem:s25], [sflag:$0x6] =	stream.indirect.gather [hbm4b:s4+s15], $0x40, s14, s15, $0xb8;
	[tilespmem:$0x1F000] =	vst v63  }
0x69: {  	_ =	swait.ge [sflag:s7], $0x2000  }
0x6a: {  	[sflag:s7] =	ssyncset.done $0x0  }
0x6b: {  	s8 =	simm.s32 $0x2B00;
	[sflag:s7] =	ssyncadd.s32 $0xFFFFE000  }
0x6c: {  	[spmem:s2] =	stream.indirect.scatter.add.f32 [tilespmem:s28], [sflag:$0xF], $0x40, s8, s15, $0xb8;
	[tilespmem:$0x1F000] =	vst v63  }
0x6d: {  	_ =	swait.ge [sflag:s9], $0x2000  }
0x6e: {  	[sflag:s9] =	ssyncset.done $0x0  }
0x6f: {  	s13 =	simm.s32 $0x700;
	[sflag:s9] =	ssyncadd.s32 $0xFFFFE000  }
0x70: {  	[tilespmem:s28], [sflag:$0x7] =	stream.indirect.gather [hbm4b:s4+s15], $0x40, s13, s15, $0xb8;
	[tilespmem:$0x1F000] =	vst v63  }
0x71: {  	_ =	swait.ge [sflag:s10], $0x2000  }
0x72: {  	[sflag:s10] =	ssyncset.done $0x0  }
0x73: {  	s14 =	simm.s32 $0x2B80;
	[sflag:s10] =	ssyncadd.s32 $0xFFFFE000  }
0x74: {  	[spmem:s2] =	stream.indirect.scatter.add.f32 [tilespmem:s30], [sflag:$0x10], $0x40, s14, s15, $0xb8;
	[tilespmem:$0x1F000] =	vst v63  }
0x75: {  	_ =	swait.ge [sflag:s3], $0x2000  }
0x76: {  	[sflag:s3] =	ssyncset.done $0x0  }
0x77: {  	s12 =	simm.s32 $0x1000;
	s13 =	simm.s32 $0x780;
	[sflag:s3] =	ssyncadd.s32 $0xFFFFE000  }
.LBB2_2:
0x78: {  	[tilespmem:s30], [sflag:$0x8] =	stream.indirect.gather [hbm4b:s4+s15], $0x40, s13, s15, $0xb8;
	[tilespmem:$0x1F000] =	vst v63  }
0x79: {  	s13 =	smov.u32 s12  }
0x7a: {  	p0 =	sne.s32 s12, $0x8000;
	s12 =	sadd.s32 $0x1000, s12;
	_ =	swait.ge [sflag:s31], $0x2000  }
0x7b: {  	s13 =	sshra.s32 s13, $0x2;
	[sflag:s31] =	ssyncset.done $0x0  }
0x7c: {  	s14 =	sadd.s32 $0x2800, s13;
	[sflag:s31] =	ssyncadd.s32 $0xFFFFE000  }
0x7d: {  	[spmem:s2] =	stream.indirect.scatter.add.f32 [tilespmem:s16], [sflag:$0x9], $0x40, s14, s15, $0xb8;
	[tilespmem:$0x1F000] =	vst v63  }
0x7e: {  	_ =	swait.ge [sflag:s1], $0x2000  }
0x7f: {  	[sflag:s1] =	ssyncset.done $0x0  }
0x80: {  	s14 =	sadd.s32 $0x400, s13;
	[sflag:s1] =	ssyncadd.s32 $0xFFFFE000  }
0x81: {  	[tilespmem:s16], [sflag:$0x1] =	stream.indirect.gather [hbm4b:s4+s15], $0x40, s14, s15, $0xb8;
	[tilespmem:$0x1F000] =	vst v63  }
0x82: {  	_ =	swait.ge [sflag:s0], $0x2000  }
0x83: {  	[sflag:s0] =	ssyncset.done $0x0  }
0x84: {  	s14 =	sadd.s32 $0x2880, s13;
	[sflag:s0] =	ssyncadd.s32 $0xFFFFE000  }
0x85: {  	[spmem:s2] =	stream.indirect.scatter.add.f32 [tilespmem:s17], [sflag:$0xA], $0x40, s14, s15, $0xb8;
	[tilespmem:$0x1F000] =	vst v63  }
0x86: {  	_ =	swait.ge [sflag:s11], $0x2000  }
0x87: {  	[sflag:s11] =	ssyncset.done $0x0  }
0x88: {  	s14 =	sadd.s32 $0x480, s13;
	[sflag:s11] =	ssyncadd.s32 $0xFFFFE000  }
0x89: {  	[tilespmem:s17], [sflag:$0x2] =	stream.indirect.gather [hbm4b:s4+s15], $0x40, s14, s15, $0xb8;
	[tilespmem:$0x1F000] =	vst v63  }
0x8a: {  	_ =	swait.ge [sflag:s18], $0x2000  }
0x8b: {  	[sflag:s18] =	ssyncset.done $0x0  }
0x8c: {  	s14 =	sadd.s32 $0x2900, s13;
	[sflag:s18] =	ssyncadd.s32 $0xFFFFE000  }
0x8d: {  	[spmem:s2] =	stream.indirect.scatter.add.f32 [tilespmem:s19], [sflag:$0xB], $0x40, s14, s15, $0xb8;
	[tilespmem:$0x1F000] =	vst v63  }
0x8e: {  	_ =	swait.ge [sflag:s20], $0x2000  }
0x8f: {  	[sflag:s20] =	ssyncset.done $0x0  }
0x90: {  	s14 =	sadd.s32 $0x500, s13;
	[sflag:s20] =	ssyncadd.s32 $0xFFFFE000  }
0x91: {  	[tilespmem:s19], [sflag:$0x3] =	stream.indirect.gather [hbm4b:s4+s15], $0x40, s14, s15, $0xb8;
	[tilespmem:$0x1F000] =	vst v63  }
0x92: {  	_ =	swait.ge [sflag:s22], $0x2000  }
0x93: {  	[sflag:s22] =	ssyncset.done $0x0  }
0x94: {  	s14 =	sadd.s32 $0x2980, s13;
	[sflag:s22] =	ssyncadd.s32 $0xFFFFE000  }
0x95: {  	[spmem:s2] =	stream.indirect.scatter.add.f32 [tilespmem:s21], [sflag:$0xC], $0x40, s14, s15, $0xb8;
	[tilespmem:$0x1F000] =	vst v63  }
0x96: {  	_ =	swait.ge [sflag:s24], $0x2000  }
0x97: {  	[sflag:s24] =	ssyncset.done $0x0  }
0x98: {  	s14 =	sadd.s32 $0x580, s13;
	[sflag:s24] =	ssyncadd.s32 $0xFFFFE000  }
0x99: {  	[tilespmem:s21], [sflag:$0x4] =	stream.indirect.gather [hbm4b:s4+s15], $0x40, s14, s15, $0xb8;
	[tilespmem:$0x1F000] =	vst v63  }
0x9a: {  	_ =	swait.ge [sflag:s26], $0x2000  }
0x9b: {  	[sflag:s26] =	ssyncset.done $0x0  }
0x9c: {  	s14 =	sadd.s32 $0x2A00, s13;
	[sflag:s26] =	ssyncadd.s32 $0xFFFFE000  }
0x9d: {  	[spmem:s2] =	stream.indirect.scatter.add.f32 [tilespmem:s23], [sflag:$0xD], $0x40, s14, s15, $0xb8;
	[tilespmem:$0x1F000] =	vst v63  }
0x9e: {  	_ =	swait.ge [sflag:s29], $0x2000  }
0x9f: {  	[sflag:s29] =	ssyncset.done $0x0  }
0xa0: {  	s14 =	sadd.s32 $0x600, s13;
	[sflag:s29] =	ssyncadd.s32 $0xFFFFE000  }
0xa1: {  	[tilespmem:s23], [sflag:$0x5] =	stream.indirect.gather [hbm4b:s4+s15], $0x40, s14, s15, $0xb8;
	[tilespmem:$0x1F000] =	vst v63  }
0xa2: {  	_ =	swait.ge [sflag:s5], $0x2000  }
0xa3: {  	[sflag:s5] =	ssyncset.done $0x0  }
0xa4: {  	s14 =	sadd.s32 $0x2A80, s13;
	[sflag:s5] =	ssyncadd.s32 $0xFFFFE000  }
0xa5: {  	[spmem:s2] =	stream.indirect.scatter.add.f32 [tilespmem:s25], [sflag:$0xE], $0x40, s14, s15, $0xb8;
	[tilespmem:$0x1F000] =	vst v63  }
0xa6: {  	_ =	swait.ge [sflag:s6], $0x2000  }
0xa7: {  	[sflag:s6] =	ssyncset.done $0x0  }
0xa8: {  	s14 =	sadd.s32 $0x680, s13;
	[sflag:s6] =	ssyncadd.s32 $0xFFFFE000  }
0xa9: {  	[tilespmem:s25], [sflag:$0x6] =	stream.indirect.gather [hbm4b:s4+s15], $0x40, s14, s15, $0xb8;
	[tilespmem:$0x1F000] =	vst v63  }
0xaa: {  	_ =	swait.ge [sflag:s7], $0x2000  }
0xab: {  	[sflag:s7] =	ssyncset.done $0x0  }
0xac: {  	s14 =	sadd.s32 $0x2B00, s13;
	[sflag:s7] =	ssyncadd.s32 $0xFFFFE000  }
0xad: {  	[spmem:s2] =	stream.indirect.scatter.add.f32 [tilespmem:s28], [sflag:$0xF], $0x40, s14, s15, $0xb8;
	[tilespmem:$0x1F000] =	vst v63  }
0xae: {  	_ =	swait.ge [sflag:s9], $0x2000  }
0xaf: {  	[sflag:s9] =	ssyncset.done $0x0  }
0xb0: {  	s14 =	sadd.s32 $0x700, s13;
	[sflag:s9] =	ssyncadd.s32 $0xFFFFE000  }
0xb1: {  	[tilespmem:s28], [sflag:$0x7] =	stream.indirect.gather [hbm4b:s4+s15], $0x40, s14, s15, $0xb8;
	[tilespmem:$0x1F000] =	vst v63  }
0xb2: {  	_ =	swait.ge [sflag:s10], $0x2000  }
0xb3: {  	[sflag:s10] =	ssyncset.done $0x0  }
.Ltmp0:
0xb4: {  	s14 =	sadd.s32 $0x2B80, s13;
	[sflag:s10] =	ssyncadd.s32 $0xFFFFE000;
	(pc) =	sbr.rel @p0 .LBB2_2-.Ltmp0, $4  }
0xb5: {  	[spmem:s2] =	stream.indirect.scatter.add.f32 [tilespmem:s30], [sflag:$0x10], $0x40, s14, s15, $0xb8;
	[tilespmem:$0x1F000] =	vst v63  }
0xb6: {  	_ =	swait.ge [sflag:s3], $0x2000  }
0xb7: {  	[sflag:s3] =	ssyncset.done $0x0  }
0xb8: {  	s13 =	sadd.s32 $0x780, s13;
	[sflag:s3] =	ssyncadd.s32 $0xFFFFE000  }
0xb9: {  	[tilespmem:s30], [sflag:$0x8] =	stream.indirect.gather [hbm4b:s4+s15], $0x40, s13, s15, $0xb8;
	[tilespmem:$0x1F000] =	vst v63  }
0xba: {  	_ =	swait.ge [sflag:s31], $0x2000  }
0xbb: {  	[sflag:s31] =	ssyncset.done $0x0  }
0xbc: {  	s12 =	simm.s32 $0x4C00;
	[sflag:s31] =	ssyncadd.s32 $0xFFFFE000  }
0xbd: {  	[spmem:s2] =	stream.indirect.scatter.add.f32 [tilespmem:s16], [sflag:$0x9], $0x40, s12, s15, $0xb8;
	[tilespmem:$0x1F000] =	vst v63  }
0xbe: {  	_ =	swait.ge [sflag:s0], $0x2000  }
0xbf: {  	[sflag:s0] =	ssyncset.done $0x0  }
0xc0: {  	s8 =	simm.s32 $0x4C80;
	[sflag:s0] =	ssyncadd.s32 $0xFFFFE000  }
0xc1: {  	[spmem:s2] =	stream.indirect.scatter.add.f32 [tilespmem:s17], [sflag:$0xA], $0x40, s8, s15, $0xb8;
	[tilespmem:$0x1F000] =	vst v63  }
0xc2: {  	_ =	swait.ge [sflag:s18], $0x2000  }
0xc3: {  	[sflag:s18] =	ssyncset.done $0x0  }
0xc4: {  	s13 =	simm.s32 $0x4D00;
	[sflag:s18] =	ssyncadd.s32 $0xFFFFE000  }
0xc5: {  	[spmem:s2] =	stream.indirect.scatter.add.f32 [tilespmem:s19], [sflag:$0xB], $0x40, s13, s15, $0xb8;
	[tilespmem:$0x1F000] =	vst v63  }
0xc6: {  	_ =	swait.ge [sflag:s22], $0x2000  }
0xc7: {  	[sflag:s22] =	ssyncset.done $0x0  }
0xc8: {  	s14 =	simm.s32 $0x4D80;
	[sflag:s22] =	ssyncadd.s32 $0xFFFFE000  }
0xc9: {  	[spmem:s2] =	stream.indirect.scatter.add.f32 [tilespmem:s21], [sflag:$0xC], $0x40, s14, s15, $0xb8;
	[tilespmem:$0x1F000] =	vst v63  }
0xca: {  	_ =	swait.ge [sflag:s26], $0x2000  }
0xcb: {  	[sflag:s26] =	ssyncset.done $0x0  }
0xcc: {  	s8 =	simm.s32 $0x4E00;
	[sflag:s26] =	ssyncadd.s32 $0xFFFFE000  }
0xcd: {  	[spmem:s2] =	stream.indirect.scatter.add.f32 [tilespmem:s23], [sflag:$0xD], $0x40, s8, s15, $0xb8;
	[tilespmem:$0x1F000] =	vst v63  }
0xce: {  	_ =	swait.ge [sflag:s5], $0x2000  }
0xcf: {  	[sflag:s5] =	ssyncset.done $0x0  }
0xd0: {  	s13 =	simm.s32 $0x4E80;
	[sflag:s5] =	ssyncadd.s32 $0xFFFFE000  }
0xd1: {  	[spmem:s2] =	stream.indirect.scatter.add.f32 [tilespmem:s25], [sflag:$0xE], $0x40, s13, s15, $0xb8;
	[tilespmem:$0x1F000] =	vst v63  }
0xd2: {  	_ =	swait.ge [sflag:s7], $0x2000  }
0xd3: {  	[sflag:s7] =	ssyncset.done $0x0  }
0xd4: {  	s14 =	simm.s32 $0x4F00;
	[sflag:s7] =	ssyncadd.s32 $0xFFFFE000  }
0xd5: {  	[spmem:s2] =	stream.indirect.scatter.add.f32 [tilespmem:s28], [sflag:$0xF], $0x40, s14, s15, $0xb8;
	[tilespmem:$0x1F000] =	vst v63  }
0xd6: {  	_ =	swait.ge [sflag:s10], $0x2000  }
0xd7: {  	[sflag:s10] =	ssyncset.done $0x0  }
0xd8: {  	s8 =	simm.s32 $0x4F80;
	[sflag:s10] =	ssyncadd.s32 $0xFFFFE000  }
0xd9: {  	[spmem:s2] =	stream.indirect.scatter.add.f32 [tilespmem:s30], [sflag:$0x10], $0x40, s8, s15, $0xb8;
	[tilespmem:$0x1F000] =	vst v63  }
0xda: {  	_ =	swait.ge [sflag:s1], $0x2000  }
0xdb: {  	[sflag:s1] =	ssyncset.done $0x0  }
0xdc: {  	[sflag:s1] =	ssyncadd.s32 $0xFFFFE000  }
0xdd: {  	_ =	swait.ge [sflag:s11], $0x2000  }
0xde: {  	[sflag:s11] =	ssyncset.done $0x0  }
0xdf: {  	[sflag:s11] =	ssyncadd.s32 $0xFFFFE000  }
0xe0: {  	_ =	swait.ge [sflag:s20], $0x2000  }
0xe1: {  	[sflag:s20] =	ssyncset.done $0x0  }
0xe2: {  	[sflag:s20] =	ssyncadd.s32 $0xFFFFE000  }
0xe3: {  	_ =	swait.ge [sflag:s24], $0x2000  }
0xe4: {  	[sflag:s24] =	ssyncset.done $0x0  }
0xe5: {  	[sflag:s24] =	ssyncadd.s32 $0xFFFFE000  }
0xe6: {  	_ =	swait.ge [sflag:s29], $0x2000  }
0xe7: {  	[sflag:s29] =	ssyncset.done $0x0  }
0xe8: {  	[sflag:s29] =	ssyncadd.s32 $0xFFFFE000  }
0xe9: {  	_ =	swait.ge [sflag:s6], $0x2000  }
0xea: {  	[sflag:s6] =	ssyncset.done $0x0  }
0xeb: {  	[sflag:s6] =	ssyncadd.s32 $0xFFFFE000  }
0xec: {  	_ =	swait.ge [sflag:s9], $0x2000  }
0xed: {  	[sflag:s9] =	ssyncset.done $0x0  }
0xee: {  	[sflag:s9] =	ssyncadd.s32 $0xFFFFE000  }
0xef: {  	_ =	swait.ge [sflag:s3], $0x2000  }
0xf0: {  	[sflag:s3] =	ssyncset.done $0x0  }
0xf1: {  	[sflag:s3] =	ssyncadd.s32 $0xFFFFE000  }
0xf2: {  	[bflag:$0x0] =	sbarrier.arrive $0xFFFF  }
0xf3: {  	s14 =	rddreg [dreg:$0x6]  }
0xf4: {  	s13 =	rddreg [dreg:$0x7]  }
0xf5: {  	s8 =	rddreg [dreg:$0xa]  }
0xf6: {  	[hbm:s13], [sflag:s14] =	dma.local [spmem:s8], $0x1400  }
0xf7: {  	s13 =	simm.s32 $0x12  }
0xf8: {  	_ =	swait.ge [sflag:s13], $0x1400  }
0xf9: {  	s12 =	rddreg [dreg:$0x9]  }
0xfa: {  	s8 =	sadd.s32 $0x1, s12;
	s12 =	rddreg [dreg:$0x8]  }
0xfb: {  	p0 =	sne.s32 s8, s12  }
.Ltmp1:
0xfc: {  	_ = 	snop;
	(pc) =	sbr.rel @p0 .LBB2_1-.Ltmp1, $3  }
0xfd: {  	_ =	sdelay $0x1  }
0xfe: {  	[sflag:s13] =	ssyncset.done $0x0  }
0xff: {  	[sflag:s13] =	ssyncadd.s32 $0xFFFFEC00;
	[dreg:$0x9] =	wrdreg s8  }
0x100: {  	_ =	sfence.sel $0x180000  }
0x101: {  	[bflag:$0x0] =	sbarrier.arrive $0xFFFF  }
0x102: {  	_ =	strace $0x9000004A  }
0x103: {  	s0 =	stileid.u32;
	[bflag:$0x2] =	sbarrier.arrive $0xFFFF  }
0x104: {  	p0 =	sne.s32 s0, $0x0;
	s0 =	rddreg [dreg:$0x2]  }
0x105: {  	s0 =	sadd.s32 @!p0 $0x100000, s0  }
0x106: {  	[sflag:s0] =	ssyncadd.tile.s32 @!p0 $0x1;
	_ =	shalt  }
.Lfunc_end2:
_tile_overlayer_lowered:
.L_overlay_start_2:
0x107: {  	(tag) =	ssettag $0x2  }
0x108: {  	s0 =	rddreg [dreg:$0x0];
	s2 =	stileid.u32  }
0x109: {  	s1 =	rddreg [dreg:$0x1];
	p0 =	sne.s32 s2, $0x0  }
0x10a: {  	s3 =	rddreg [dreg:$0x2];
	[bflag:$0x3] =	sbarrier.arrive $0xFFFF;
	s2 =	simm.s32 @!p0 $0x1C12  }
0x10b: {  	[timem:s3], [sflag:s2] =	dma.local @!p0 [hbm:s0], s1  }
0x10c: {  	s0 =	simm.s32 @!p0 $0x12  }
0x10d: {  	_ =	swait.ge @!p0 [sflag:s0], s1  }
0x10e: {  	s1 =	ssub.s32 @!p0 $0x0, s1;
	[sflag:s0] =	ssyncset.done @!p0 $0x0  }
0x10f: {  	[sflag:s0] =	ssyncadd.s32 @!p0 s1  }
0x110: {  	[bflag:$0x3] =	sbarrier.arrive $0xFFFF  }
0x111: {  	_ =	shalt  }

// kernel: kernel.16.cloned.1.call-start
scs
__scs_entry_jumppad:
0x0: {  	(pc) =	sbr.rel $0x88, $3  }
0x1: {  	(tag) =	ssettag $0x0;
	lr =	simm.s32 $0x1  }
0x2: {  	[smem:$0x3F91] =	sst lr;
	_ =	strace $0xD0000000  }
0x3: {  	_ = 	snop  }
0x4: {  	_ = 	snop  }
0x5: {  	_ = 	snop  }
0x6: {  	_ = 	snop  }
0x7: {  	_ = 	snop  }
__scs_overlays_trampoline_lowered:
0x8: {  	[smem:$0x3FA0] =	sst s0  }
0x9: {  	[smem:$0x3FA1] =	sst s1  }
0xa: {  	[smem:$0x3FA2] =	sst s2  }
0xb: {  	[smem:$0x3FA3] =	sst s3  }
0xc: {  	[smem:$0x3FA4] =	sst s4  }
0xd: {  	[smem:$0x3FA5] =	sst s5  }
0xe: {  	[smem:$0x3FA6] =	sst s6  }
0xf: {  	[smem:$0x3FA7] =	sst s7  }
0x10: {  	[smem:$0x3FA8] =	sst s8  }
0x11: {  	[smem:$0x3FA9] =	sst s9;
	s0 =	simm.s32 @!p0 $0x0  }
0x12: {  	s1 =	sld [smem:$0x3F8F];
	s0 =	simm.s32 @p0 $0x1  }
0x13: {  	[smem:$0x3FAA] =	sst s0;
	s0 =	simm.s32 @!p1 $0x0  }
0x14: {  	s2 =	sld [smem:$0x3F8E];
	s0 =	simm.s32 @p1 $0x1  }
0x15: {  	[smem:$0x3FAB] =	sst s0;
	s0 =	simm.s32 @!p2 $0x0  }
0x16: {  	s3 =	sld [smem:$0x3FDB];
	s0 =	simm.s32 @p2 $0x1  }
0x17: {  	s4 =	simm.s32 $0x1BF5;
	[smem:$0x3FAD] =	sst s0  }
0x18: {  	s0 =	sld [smem:$0x3F90];
	_ =	swait.ge [sflag:s4], $0x0  }
0x19: {  	s7 =	sld [smem:$0x3F91]  }
0x1a: {  	s8 =	sadd.s32 $0xFFFFE003, lr  }
0x1b: {  	s9 =	sadd.s32 $0xFFFFFEF7, lr;
	s5 =	simm.s32 $0xFFFFFFFF;
	p2 =	slt.u32 s8, $0xFFFFF086  }
0x1c: {  	p1 =	slt.u32 s9, $0xF7A;
	s5 =	simm.s32 @!p2 $0x0  }
0x1d: {  	s5 =	simm.s32 @p1 $0x1;
	p0 =	seq.s32 s7, s2  }
0x1e: {  	s7 =	smul.u32 @!p0 $0xF7A, s2;
	p2 =	seq.s32 @!p0 s5, $0x0  }
0x1f: {  	s9 =	smul.u32 $0xF7A, s1;
	s8 =	simm.s32 @!p0 $0x1BF5;
	p2 =	por !p2, p0  }
0x20: {  	[sflag:s8] =	ssyncset.s32 @!p0 $0xFFFFF086;
	s6 =	sadd.s32 @!p0 s3, s7;
	s7 =	simm.s32 @!p0 $0x108  }
0x21: {  	s3 =	sadd.s32 s3, s9;
	s6 =	sadd.s32 @!p0 $0x88, s6;
	s7 =	simm.s32 @p2 $0x1082  }
0x22: {  	[simem:s7], [sflag:s8] =	dma.local @!p0 [hbm:s6], $0xF7A  }
0x23: {  	s9 =	sor.u32 $0xD0000000, s2;
	s6 =	simm.s32 $0x108;
	_ =	swait.ge @!p0 [sflag:s8], $0x0  }
0x24: {  	s3 =	sadd.s32 $0x88, s3;
	s6 =	simm.s32 @!p1 $0x1082;
	[sflag:s4] =	ssyncset.s32 $0xFFFFF086  }
0x25: {  	[simem:s6], [sflag:s4] =	dma.local [hbm:s3], $0xF7A  }
0x26: {  	[smem:$0x3F91] =	sst s1;
	(tag) =	ssettag s2;
	_ =	strace s9  }
0x27: {  	s1 =	sld [smem:$0x3FA1]  }
0x28: {  	s2 =	sld [smem:$0x3FA2]  }
0x29: {  	s4 =	sld [smem:$0x3FA4]  }
0x2a: {  	p0 =	seq.s32 s5, $0x0;
	s5 =	sld [smem:$0x3FA5]  }
0x2b: {  	s6 =	sld [smem:$0x3FA6]  }
0x2c: {  	s7 =	sld [smem:$0x3FA7]  }
0x2d: {  	s3 =	simm.s32 $0x108;
	s8 =	sld [smem:$0x3FA8]  }
0x2e: {  	s3 =	simm.s32 @!p0 $0x1082;
	s9 =	sld [smem:$0x3FA9]  }
0x2f: {  	lr =	sadd.s32 s0, s3;
	s0 =	sld [smem:$0x3FA0]  }
0x30: {  	s3 =	sld [smem:$0x3FA3]  }
0x31: {  	[smem:$0x3FAC] =	sst s10  }
0x32: {  	s10 =	sld [smem:$0x3FAA];
	_ =	sdelay $0x3  }
0x33: {  	p0 =	seq.s32 s10, $0x1;
	s10 =	sld [smem:$0x3FAC];
	_ =	sdelay $0x3  }
0x34: {  	[smem:$0x3FAC] =	sst s10  }
0x35: {  	s10 =	sld [smem:$0x3FAB];
	_ =	sdelay $0x3  }
0x36: {  	p1 =	seq.s32 s10, $0x1;
	s10 =	sld [smem:$0x3FAC];
	_ =	sdelay $0x3  }
0x37: {  	[smem:$0x3FAC] =	sst s10  }
0x38: {  	s10 =	sld [smem:$0x3FAD]  }
0x39: {  	_ = 	snop;
	(pc) =	sbr.ind lr, $3  }
0x3a: {  	_ = 	snop  }
0x3b: {  	_ = 	snop  }
0x3c: {  	p2 =	seq.s32 s10, $0x1;
	s10 =	sld [smem:$0x3FAC]  }
0x3d: {  	_ =	shalt  }
0x3e: {  	_ =	shalt  }
0x3f: {  	_ =	shalt  }
0x40: {  	_ =	shalt  }
0x41: {  	_ =	shalt  }
0x42: {  	_ =	shalt  }
0x43: {  	_ =	shalt  }
0x44: {  	_ =	shalt  }
0x45: {  	_ =	shalt  }
0x46: {  	_ =	shalt  }
0x47: {  	_ =	shalt  }
0x48: {  	_ =	shalt  }
0x49: {  	_ =	shalt  }
0x4a: {  	_ =	shalt  }
0x4b: {  	_ =	shalt  }
0x4c: {  	_ =	shalt  }
0x4d: {  	_ =	shalt  }
0x4e: {  	_ =	shalt  }
0x4f: {  	_ =	shalt  }
0x50: {  	_ =	shalt  }
0x51: {  	_ =	shalt  }
0x52: {  	_ =	shalt  }
0x53: {  	_ =	shalt  }
0x54: {  	_ =	shalt  }
0x55: {  	_ =	shalt  }
0x56: {  	_ =	shalt  }
0x57: {  	_ =	shalt  }
0x58: {  	_ =	shalt  }
0x59: {  	_ =	shalt  }
0x5a: {  	_ =	shalt  }
0x5b: {  	_ =	shalt  }
0x5c: {  	_ =	shalt  }
0x5d: {  	_ =	shalt  }
0x5e: {  	_ =	shalt  }
0x5f: {  	_ =	shalt  }
0x60: {  	_ =	shalt  }
0x61: {  	_ =	shalt  }
0x62: {  	_ =	shalt  }
0x63: {  	_ =	shalt  }
0x64: {  	_ =	shalt  }
0x65: {  	_ =	shalt  }
0x66: {  	_ =	shalt  }
0x67: {  	_ =	shalt  }
0x68: {  	_ =	shalt  }
0x69: {  	_ =	shalt  }
0x6a: {  	_ =	shalt  }
0x6b: {  	_ =	shalt  }
0x6c: {  	_ =	shalt  }
0x6d: {  	_ =	shalt  }
0x6e: {  	_ =	shalt  }
0x6f: {  	_ =	shalt  }
0x70: {  	_ =	shalt  }
0x71: {  	_ =	shalt  }
0x72: {  	_ =	shalt  }
0x73: {  	_ =	shalt  }
0x74: {  	_ =	shalt  }
0x75: {  	_ =	shalt  }
0x76: {  	_ =	shalt  }
0x77: {  	_ =	shalt  }
0x78: {  	_ =	shalt  }
0x79: {  	_ =	shalt  }
0x7a: {  	_ =	shalt  }
0x7b: {  	_ =	shalt  }
0x7c: {  	_ =	shalt  }
0x7d: {  	_ =	shalt  }
0x7e: {  	_ =	shalt  }
0x7f: {  	_ =	shalt  }
0x80: {  	_ =	shalt  }
0x81: {  	_ =	shalt  }
0x82: {  	_ =	shalt  }
0x83: {  	_ =	shalt  }
0x84: {  	_ =	shalt  }
0x85: {  	_ =	shalt  }
0x86: {  	_ =	shalt  }
0x87: {  	_ =	shalt  }
.Lfunc_end0:
.L_simem_size_0:
called_computation.2_lowered:
.L_overlay_start_0:
0x88: {  	s2 =	sld [smem:$0x3FD9]  }
0x89: {  	s3 =	sld [smem:$0x3FFE];
	_ =	sdelay $0x1  }
0x8a: {  	s1 =	srdreg.scid  }
0x8b: {  	s0 =	sand.u32 $0x1, s1  }
0x8c: {  	s16 =	sshll.u32 s0, $0xA;
	s2 =	sadd.s32 s3, s2  }
0x8d: {  	s2 =	sadd.s32 s2, s16  }
0x8e: {  	[smem:$0x3FB8] =	sst s2  }
0x8f: {  	_ = 	snop  }
0x90: {  	(tm) =	ssettm $0x1  }
0x91: {  	s17 =	sld [smem:$0x3FFB];
	_ =	sdelay $0x3  }
0x92: {  	_ =	strace s17  }
0x93: {  	s2 =	sld [smem:$0x3FFC];
	_ =	sdelay $0x3  }
0x94: {  	_ =	strace s2  }
0x95: {  	s2 =	sld [smem:$0x3FFD];
	_ =	sdelay $0x3  }
0x96: {  	_ =	strace s2  }
0x97: {  	_ =	strace $0x8FFFFFFF  }
0x98: {  	s18 =	sld [smem:$0x3FDB];
	_ =	sdelay $0x1  }
0x99: {  	s19 =	simm.s32 $_scs_section_size  }
0x9a: {  	s4 =	simm.s32 $_size__tile_overlayer_lowered;
	s5 =	simm.s32 $_tile_overlayer_lowered  }
0x9b: {  	s22 =	simm.s32 $0x1BFF;
	s21 =	sshll.u32 s5, $0x1;
	s2 =	sadd.s32 s19, s18  }
0x9c: {  	s6 =	simm.s32 $0x0;
	s20 =	sshll.u32 s4, $0x1;
	s4 =	sadd.s32 s21, s2  }
0x9d: {  	[timem:s6], [sflag:s22] =	dma.local [hbm:s4], s20  }
0x9e: {  	_ =	swait.ge [sflag:s22], s20  }
0x9f: {  	s3 =	ssub.s32 $0x0, s20;
	[sflag:s22] =	ssyncset.done $0x0  }
0xa0: {  	[sflag:s22] =	ssyncadd.s32 s3;
	_ =	sdelay $0x1  }
0xa1: {  	s23 =	simm.s32 $0x1B8B  }
0xa2: {  	_ =	swait.ge [sflag:s23], $0x1  }
0xa3: {  	[sflag:s23] =	ssyncset.done $0x0  }
0xa4: {  	s25 =	simm.s32 $0x1B8E;
	s24 =	sld [smem:$0x3FFE];
	[sflag:s23] =	ssyncadd.s32 $0xFFFFFFFF  }
0xa5: {  	s26 =	simm.s32 $execute0_lowered;
	[smem:$0x3FD2] =	sst s25  }
0xa6: {  	s4 =	sshll.u32 s26, $0x1;
	_ =	strace $0x8000004C;
	[dreg:$0x1] =	wrdreg $0xFFFFFFFF  }
0xa7: {  	s28 =	simm.s32 $_size_execute0_lowered;
	s2 =	sadd.s32 s2, s4;
	[dreg:$0x0] =	wrdreg $0x0  }
0xa8: {  	s4 =	sshll.u32 s28, $0x1;
	[dreg:$0x2] =	wrdreg s2  }
0xa9: {  	[dreg:$0x3] =	wrdreg s4  }
0xaa: {  	[dreg:$0x4] =	wrdreg $0xC0  }
0xab: {  	_ =	task [dreg:s6], $0x5FFFF  }
0xac: {  	[dreg:$0x1] =	wrdreg $0xFFFFFFFF  }
0xad: {  	[dreg:$0x0] =	wrdreg $0x60  }
0xae: {  	[dreg:$0x2] =	wrdreg s24  }
0xaf: {  	[dreg:$0x3] =	wrdreg $0x50000  }
0xb0: {  	[dreg:$0x4] =	wrdreg $0x9  }
0xb1: {  	_ =	task.clear_ibuf [dreg:s6], $0x5FFFF;
	_ =	strace $0x9000004C  }
0xb2: {  	s29 =	simm.s32 $0x9;
	_ =	strace $0x8000004E  }
0xb3: {  	_ =	swait.ge [sflag:s29], $0x1  }
0xb4: {  	[sflag:s29] =	ssyncadd.s32 $0xFFFFFFFF  }
0xb5: {  	_ =	strace $0x9000004E  }
0xb6: {  	_ =	sfence  }
0xb7: {  	s30 =	sld [smem:$0x0];
	_ =	sdelay $0x2  }
0xb8: {  	s31 =	sshll.u32 s1, $0xD;
	s1 =	sshrl.u32 s1, $0x2  }
0xb9: {  	s3 =	sand.u32 $0x4000, s31;
	s1 =	sadd.s32 s1, s30  }
0xba: {  	s0 =	sor.u32 s3, s0;
	s1 =	sshll.u32 s1, $0x11  }
0xbb: {  	s0 =	sor.u32 s1, s0  }
0xbc: {  	s0 =	sadd.s32 $0x8F2B, s0  }
0xbd: {  	[sflag:s0] =	ssyncadd.remote.s32 $0x1  }
0xbe: {  	_ =	sfence.sel $0xFFFF  }
0xbf: {  	[dreg:$0x0] =	wrdreg $0xFFFFFFFF;
	(pc) =	sbr.abs _section_cstart, $3  }
0xc0: {  	[dreg:$0x1] =	wrdreg $0xFFFFFFFF  }
0xc1: {  	_ =	task.clear_ibuf [dreg:s6], $0x2FFFF;
	_ =	strace $0x9FFFFFFF  }
0xc2: {  	(tm) =	ssettm $0x7FFFFFFF  }
0xc3: {  	_ =	shalt  }
tec
execute0_lowered:
.L_overlay_start_1:
0x0: {  	(tag) =	ssettag $0x1  }
0x1: {  	s0 =	srdreg.scid  }
0x2: {  	s9 =	stileid.u32;
	s3 =	rddreg [dreg:$0x0]  }
0x3: {  	s2 =	rddreg [dreg:$0x1];
	s4 =	simm.s32 $0x0;
	s15 =	simm.s32 $0x80  }
0x4: {  	s16 =	simm.s32 $0xF000;
	s17 =	simm.s32 $0x11000;
	s19 =	simm.s32 $0x13000  }
0x5: {  	s21 =	simm.s32 $0x15000;
	s28 =	simm.s32 $0x1B000;
	s30 =	simm.s32 $0x1D000  }
0x6: {  	s31 =	simm.s32 $0x1;
	s11 =	simm.s32 $0xA;
	s18 =	simm.s32 $0x3  }
0x7: {  	s20 =	simm.s32 $0xB;
	s29 =	simm.s32 $0xD;
	s10 =	simm.s32 $0x8  }
0x8: {  	s12 =	simm.s32 $0x0;
	s0 =	sand.u32 $0x1, s0;
	s5 =	smul.u32 $0xA000, s9  }
0x9: {  	[smem:$0x7FF] =	sst s4;
	s4 =	sadd.s32 $0x66A00, s3;
	s24 =	sshll.u32 s9, $0x6  }
0xa: {  	s1 =	sshll.u32 s0, $0x4;
	s6 =	smul.u32 $0xA0000, s0;
	_ =	strace $0x8000004D  }
0xb: {  	s0 =	ssub.s32 $0x2, s0;
	s14 =	sor.u32 $0x1C12, s24;
	s24 =	simm.s32 $0xC  }
0xc: {  	[dreg:$0x9] =	wrdreg s12;
	s1 =	sor.u32 s9, s1;
	s7 =	sshrl.u32 s5, $0x3  }
0xd: {  	s8 =	sshrl.u32 s0, $0x1;
	s23 =	sadd.s32 s5, s2;
	s9 =	simm.s32 $0xF  }
0xe: {  	[dreg:$0x6] =	wrdreg s14;
	s1 =	smul.u32 $0x500, s1;
	s6 =	sadd.s32 s5, s6  }
0xf: {  	s7 =	sadd.s32 s7, s3;
	s0 =	ssub.s32 s0, s8;
	s26 =	sshrl.u32 s23, $0x3  }
0x10: {  	s23 =	simm.s32 $0x17000;
	s5 =	simm.s32 $0x6;
	s6 =	sshrl.u32 s6, $0x3  }
0x11: {  	s25 =	sadd.s32 $0x7AA00, s7;
	s0 =	smax.u32 s0, $0x1;
	[dreg:$0xa] =	wrdreg s26  }
0x12: {  	s26 =	simm.s32 $0x5;
	s1 =	sadd.s32 s1, s3;
	[dreg:$0x5] =	wrdreg s25  }
0x13: {  	s7 =	simm.s32 $0x7;
	[dreg:$0x8] =	wrdreg s0;
	s22 =	sadd.s32 $0x2A00, s1  }
0x14: {  	s3 =	sadd.s32 s6, s3;
	s1 =	sadd.s32 $0xCA00, s1;
	[dreg:$0x3] =	wrdreg s22  }
0x15: {  	s25 =	simm.s32 $0x19000;
	s3 =	sadd.s32 $0x8EA00, s3;
	[dreg:$0x4] =	wrdreg s1  }
0x16: {  	s0 =	simm.s32 $0x2;
	s6 =	simm.s32 $0xE;
	[dreg:$0x7] =	wrdreg s3  }
0x17: {  	s1 =	simm.s32 $0x9;
	s22 =	simm.s32 $0x4;
	s3 =	simm.s32 $0x10  }
.LBB2_1:
0x18: {  	s12 =	simm.s32 $0x0;
	s13 =	rddreg [dreg:$0x3];
	s8 =	simm.s32 $0x2800  }
0x19: {  	[tilespmem:s8], [sflag:$0x11] =	stream.linear.gather [hbm4b:s13+s12], $0x2800, $0x38;
	[tilespmem:$0x1F000] =	vst v63  }
0x1a: {  	s8 =	rddreg [dreg:$0xa]  }
0x1b: {  	s13 =	rddreg [dreg:$0x4]  }
0x1c: {  	[tilespmem:s12], [sflag:$0x11] =	stream.linear.gather [hbm4b:s13+s12], $0x2800, $0x38;
	[tilespmem:$0x1F000] =	vst v63  }
0x1d: {  	s12 =	rddreg [dreg:$0x5]  }
0x1e: {  	[spmem:s8], [sflag:s14] =	dma.local [hbm:s12], $0x1400  }
0x1f: {  	s12 =	simm.s32 $0x12  }
0x20: {  	_ =	swait.ge [sflag:s12], $0x1400  }
0x21: {  	[sflag:s12] =	ssyncset.done $0x0  }
0x22: {  	s13 =	simm.s32 $0x11;
	[sflag:s12] =	ssyncadd.s32 $0xFFFFEC00  }
0x23: {  	_ =	swait.ge [sflag:s13], $0x2800  }
0x24: {  	[sflag:s13] =	ssyncset.done $0x0  }
0x25: {  	[sflag:s13] =	ssyncadd.s32 $0xFFFFD800  }
0x26: {  	_ =	swait.ge [sflag:s13], $0x2800  }
0x27: {  	[sflag:s13] =	ssyncset.done $0x0  }
0x28: {  	[sflag:s13] =	ssyncadd.s32 $0xFFFFD800  }
0x29: {  	s14 =	simm.s32 $0x0;
	[bflag:$0x0] =	sbarrier.arrive $0xFFFF  }
0x2a: {  	[tilespmem:s16], [sflag:$0x1] =	stream.indirect.gather [hbm4b:s4+s15], $0x40, s14, s15, $0xb8;
	[tilespmem:$0x1F000] =	vst v63  }
0x2b: {  	_ = 	snop  }
0x2c: {  	[tilespmem:s17], [sflag:$0x2] =	stream.indirect.gather [hbm4b:s4+s15], $0x40, s15, s15, $0xb8;
	[tilespmem:$0x1F000] =	vst v63  }
0x2d: {  	s8 =	simm.s32 $0x100  }
0x2e: {  	[tilespmem:s19], [sflag:$0x3] =	stream.indirect.gather [hbm4b:s4+s15], $0x40, s8, s15, $0xb8;
	[tilespmem:$0x1F000] =	vst v63  }
0x2f: {  	s13 =	simm.s32 $0x180  }
0x30: {  	[tilespmem:s21], [sflag:$0x4] =	stream.indirect.gather [hbm4b:s4+s15], $0x40, s13, s15, $0xb8;
	[tilespmem:$0x1F000] =	vst v63  }
0x31: {  	s14 =	simm.s32 $0x200  }
0x32: {  	[tilespmem:s23], [sflag:$0x5] =	stream.indirect.gather [hbm4b:s4+s15], $0x40, s14, s15, $0xb8;
	[tilespmem:$0x1F000] =	vst v63  }
0x33: {  	s8 =	simm.s32 $0x280  }
0x34: {  	[tilespmem:s25], [sflag:$0x6] =	stream.indirect.gather [hbm4b:s4+s15], $0x40, s8, s15, $0xb8;
	[tilespmem:$0x1F000] =	vst v63  }
0x35: {  	s13 =	simm.s32 $0x300  }
0x36: {  	[tilespmem:s28], [sflag:$0x7] =	stream.indirect.gather [hbm4b:s4+s15], $0x40, s13, s15, $0xb8;
	[tilespmem:$0x1F000] =	vst v63  }
0x37: {  	s14 =	simm.s32 $0x380  }
0x38: {  	[tilespmem:s30], [sflag:$0x8] =	stream.indirect.gather [hbm4b:s4+s15], $0x40, s14, s15, $0xb8;
	[tilespmem:$0x1F000] =	vst v63  }
0x39: {  	_ =	swait.ge [sflag:s31], $0x2000  }
0x3a: {  	[sflag:s31] =	ssyncset.done $0x0  }
0x3b: {  	s8 =	simm.s32 $0x2800;
	[sflag:s31] =	ssyncadd.s32 $0xFFFFE000  }
0x3c: {  	[spmem:s2] =	stream.indirect.scatter.add.f32 [tilespmem:s16], [sflag:$0x9], $0x40, s8, s15, $0xb8;
	[tilespmem:$0x1F000] =	vst v63  }
0x3d: {  	_ =	swait.ge [sflag:s1], $0x2000  }
0x3e: {  	[sflag:s1] =	ssyncset.done $0x0  }
0x3f: {  	s13 =	simm.s32 $0x400;
	[sflag:s1] =	ssyncadd.s32 $0xFFFFE000  }
0x40: {  	[tilespmem:s16], [sflag:$0x1] =	stream.indirect.gather [hbm4b:s4+s15], $0x40, s13, s15, $0xb8;
	[tilespmem:$0x1F000] =	vst v63  }
0x41: {  	_ =	swait.ge [sflag:s0], $0x2000  }
0x42: {  	[sflag:s0] =	ssyncset.done $0x0  }
0x43: {  	s14 =	simm.s32 $0x2880;
	[sflag:s0] =	ssyncadd.s32 $0xFFFFE000  }
0x44: {  	[spmem:s2] =	stream.indirect.scatter.add.f32 [tilespmem:s17], [sflag:$0xA], $0x40, s14, s15, $0xb8;
	[tilespmem:$0x1F000] =	vst v63  }
0x45: {  	_ =	swait.ge [sflag:s11], $0x2000  }
0x46: {  	[sflag:s11] =	ssyncset.done $0x0  }
0x47: {  	s8 =	simm.s32 $0x480;
	[sflag:s11] =	ssyncadd.s32 $0xFFFFE000  }
0x48: {  	[tilespmem:s17], [sflag:$0x2] =	stream.indirect.gather [hbm4b:s4+s15], $0x40, s8, s15, $0xb8;
	[tilespmem:$0x1F000] =	vst v63  }
0x49: {  	_ =	swait.ge [sflag:s18], $0x2000  }
0x4a: {  	[sflag:s18] =	ssyncset.done $0x0  }
0x4b: {  	s13 =	simm.s32 $0x2900;
	[sflag:s18] =	ssyncadd.s32 $0xFFFFE000  }
0x4c: {  	[spmem:s2] =	stream.indirect.scatter.add.f32 [tilespmem:s19], [sflag:$0xB], $0x40, s13, s15, $0xb8;
	[tilespmem:$0x1F000] =	vst v63  }
0x4d: {  	_ =	swait.ge [sflag:s20], $0x2000  }
0x4e: {  	[sflag:s20] =	ssyncset.done $0x0  }
0x4f: {  	s14 =	simm.s32 $0x500;
	[sflag:s20] =	ssyncadd.s32 $0xFFFFE000  }
0x50: {  	[tilespmem:s19], [sflag:$0x3] =	stream.indirect.gather [hbm4b:s4+s15], $0x40, s14, s15, $0xb8;
	[tilespmem:$0x1F000] =	vst v63  }
0x51: {  	_ =	swait.ge [sflag:s22], $0x2000  }
0x52: {  	[sflag:s22] =	ssyncset.done $0x0  }
0x53: {  	s8 =	simm.s32 $0x2980;
	[sflag:s22] =	ssyncadd.s32 $0xFFFFE000  }
0x54: {  	[spmem:s2] =	stream.indirect.scatter.add.f32 [tilespmem:s21], [sflag:$0xC], $0x40, s8, s15, $0xb8;
	[tilespmem:$0x1F000] =	vst v63  }
0x55: {  	_ =	swait.ge [sflag:s24], $0x2000  }
0x56: {  	[sflag:s24] =	ssyncset.done $0x0  }
0x57: {  	s13 =	simm.s32 $0x580;
	[sflag:s24] =	ssyncadd.s32 $0xFFFFE000  }
0x58: {  	[tilespmem:s21], [sflag:$0x4] =	stream.indirect.gather [hbm4b:s4+s15], $0x40, s13, s15, $0xb8;
	[tilespmem:$0x1F000] =	vst v63  }
0x59: {  	_ =	swait.ge [sflag:s26], $0x2000  }
0x5a: {  	[sflag:s26] =	ssyncset.done $0x0  }
0x5b: {  	s14 =	simm.s32 $0x2A00;
	[sflag:s26] =	ssyncadd.s32 $0xFFFFE000  }
0x5c: {  	[spmem:s2] =	stream.indirect.scatter.add.f32 [tilespmem:s23], [sflag:$0xD], $0x40, s14, s15, $0xb8;
	[tilespmem:$0x1F000] =	vst v63  }
0x5d: {  	_ =	swait.ge [sflag:s29], $0x2000  }
0x5e: {  	[sflag:s29] =	ssyncset.done $0x0  }
0x5f: {  	s8 =	simm.s32 $0x600;
	[sflag:s29] =	ssyncadd.s32 $0xFFFFE000  }
0x60: {  	[tilespmem:s23], [sflag:$0x5] =	stream.indirect.gather [hbm4b:s4+s15], $0x40, s8, s15, $0xb8;
	[tilespmem:$0x1F000] =	vst v63  }
0x61: {  	_ =	swait.ge [sflag:s5], $0x2000  }
0x62: {  	[sflag:s5] =	ssyncset.done $0x0  }
0x63: {  	s13 =	simm.s32 $0x2A80;
	[sflag:s5] =	ssyncadd.s32 $0xFFFFE000  }
0x64: {  	[spmem:s2] =	stream.indirect.scatter.add.f32 [tilespmem:s25], [sflag:$0xE], $0x40, s13, s15, $0xb8;
	[tilespmem:$0x1F000] =	vst v63  }
0x65: {  	_ =	swait.ge [sflag:s6], $0x2000  }
0x66: {  	[sflag:s6] =	ssyncset.done $0x0  }
0x67: {  	s14 =	simm.s32 $0x680;
	[sflag:s6] =	ssyncadd.s32 $0xFFFFE000  }
0x68: {  	[tilespmem:s25], [sflag:$0x6] =	stream.indirect.gather [hbm4b:s4+s15], $0x40, s14, s15, $0xb8;
	[tilespmem:$0x1F000] =	vst v63  }
0x69: {  	_ =	swait.ge [sflag:s7], $0x2000  }
0x6a: {  	[sflag:s7] =	ssyncset.done $0x0  }
0x6b: {  	s8 =	simm.s32 $0x2B00;
	[sflag:s7] =	ssyncadd.s32 $0xFFFFE000  }
0x6c: {  	[spmem:s2] =	stream.indirect.scatter.add.f32 [tilespmem:s28], [sflag:$0xF], $0x40, s8, s15, $0xb8;
	[tilespmem:$0x1F000] =	vst v63  }
0x6d: {  	_ =	swait.ge [sflag:s9], $0x2000  }
0x6e: {  	[sflag:s9] =	ssyncset.done $0x0  }
0x6f: {  	s13 =	simm.s32 $0x700;
	[sflag:s9] =	ssyncadd.s32 $0xFFFFE000  }
0x70: {  	[tilespmem:s28], [sflag:$0x7] =	stream.indirect.gather [hbm4b:s4+s15], $0x40, s13, s15, $0xb8;
	[tilespmem:$0x1F000] =	vst v63  }
0x71: {  	_ =	swait.ge [sflag:s10], $0x2000  }
0x72: {  	[sflag:s10] =	ssyncset.done $0x0  }
0x73: {  	s14 =	simm.s32 $0x2B80;
	[sflag:s10] =	ssyncadd.s32 $0xFFFFE000  }
0x74: {  	[spmem:s2] =	stream.indirect.scatter.add.f32 [tilespmem:s30], [sflag:$0x10], $0x40, s14, s15, $0xb8;
	[tilespmem:$0x1F000] =	vst v63  }
0x75: {  	_ =	swait.ge [sflag:s3], $0x2000  }
0x76: {  	[sflag:s3] =	ssyncset.done $0x0  }
0x77: {  	s12 =	simm.s32 $0x1000;
	s13 =	simm.s32 $0x780;
	[sflag:s3] =	ssyncadd.s32 $0xFFFFE000  }
.LBB2_2:
0x78: {  	[tilespmem:s30], [sflag:$0x8] =	stream.indirect.gather [hbm4b:s4+s15], $0x40, s13, s15, $0xb8;
	[tilespmem:$0x1F000] =	vst v63  }
0x79: {  	s13 =	smov.u32 s12  }
0x7a: {  	p0 =	sne.s32 s12, $0x8000;
	s12 =	sadd.s32 $0x1000, s12;
	_ =	swait.ge [sflag:s31], $0x2000  }
0x7b: {  	s13 =	sshra.s32 s13, $0x2;
	[sflag:s31] =	ssyncset.done $0x0  }
0x7c: {  	s14 =	sadd.s32 $0x2800, s13;
	[sflag:s31] =	ssyncadd.s32 $0xFFFFE000  }
0x7d: {  	[spmem:s2] =	stream.indirect.scatter.add.f32 [tilespmem:s16], [sflag:$0x9], $0x40, s14, s15, $0xb8;
	[tilespmem:$0x1F000] =	vst v63  }
0x7e: {  	_ =	swait.ge [sflag:s1], $0x2000  }
0x7f: {  	[sflag:s1] =	ssyncset.done $0x0  }
0x80: {  	s14 =	sadd.s32 $0x400, s13;
	[sflag:s1] =	ssyncadd.s32 $0xFFFFE000  }
0x81: {  	[tilespmem:s16], [sflag:$0x1] =	stream.indirect.gather [hbm4b:s4+s15], $0x40, s14, s15, $0xb8;
	[tilespmem:$0x1F000] =	vst v63  }
0x82: {  	_ =	swait.ge [sflag:s0], $0x2000  }
0x83: {  	[sflag:s0] =	ssyncset.done $0x0  }
0x84: {  	s14 =	sadd.s32 $0x2880, s13;
	[sflag:s0] =	ssyncadd.s32 $0xFFFFE000  }
0x85: {  	[spmem:s2] =	stream.indirect.scatter.add.f32 [tilespmem:s17], [sflag:$0xA], $0x40, s14, s15, $0xb8;
	[tilespmem:$0x1F000] =	vst v63  }
0x86: {  	_ =	swait.ge [sflag:s11], $0x2000  }
0x87: {  	[sflag:s11] =	ssyncset.done $0x0  }
0x88: {  	s14 =	sadd.s32 $0x480, s13;
	[sflag:s11] =	ssyncadd.s32 $0xFFFFE000  }
0x89: {  	[tilespmem:s17], [sflag:$0x2] =	stream.indirect.gather [hbm4b:s4+s15], $0x40, s14, s15, $0xb8;
	[tilespmem:$0x1F000] =	vst v63  }
0x8a: {  	_ =	swait.ge [sflag:s18], $0x2000  }
0x8b: {  	[sflag:s18] =	ssyncset.done $0x0  }
0x8c: {  	s14 =	sadd.s32 $0x2900, s13;
	[sflag:s18] =	ssyncadd.s32 $0xFFFFE000  }
0x8d: {  	[spmem:s2] =	stream.indirect.scatter.add.f32 [tilespmem:s19], [sflag:$0xB], $0x40, s14, s15, $0xb8;
	[tilespmem:$0x1F000] =	vst v63  }
0x8e: {  	_ =	swait.ge [sflag:s20], $0x2000  }
0x8f: {  	[sflag:s20] =	ssyncset.done $0x0  }
0x90: {  	s14 =	sadd.s32 $0x500, s13;
	[sflag:s20] =	ssyncadd.s32 $0xFFFFE000  }
0x91: {  	[tilespmem:s19], [sflag:$0x3] =	stream.indirect.gather [hbm4b:s4+s15], $0x40, s14, s15, $0xb8;
	[tilespmem:$0x1F000] =	vst v63  }
0x92: {  	_ =	swait.ge [sflag:s22], $0x2000  }
0x93: {  	[sflag:s22] =	ssyncset.done $0x0  }
0x94: {  	s14 =	sadd.s32 $0x2980, s13;
	[sflag:s22] =	ssyncadd.s32 $0xFFFFE000  }
0x95: {  	[spmem:s2] =	stream.indirect.scatter.add.f32 [tilespmem:s21], [sflag:$0xC], $0x40, s14, s15, $0xb8;
	[tilespmem:$0x1F000] =	vst v63  }
0x96: {  	_ =	swait.ge [sflag:s24], $0x2000  }
0x97: {  	[sflag:s24] =	ssyncset.done $0x0  }
0x98: {  	s14 =	sadd.s32 $0x580, s13;
	[sflag:s24] =	ssyncadd.s32 $0xFFFFE000  }
0x99: {  	[tilespmem:s21], [sflag:$0x4] =	stream.indirect.gather [hbm4b:s4+s15], $0x40, s14, s15, $0xb8;
	[tilespmem:$0x1F000] =	vst v63  }
0x9a: {  	_ =	swait.ge [sflag:s26], $0x2000  }
0x9b: {  	[sflag:s26] =	ssyncset.done $0x0  }
0x9c: {  	s14 =	sadd.s32 $0x2A00, s13;
	[sflag:s26] =	ssyncadd.s32 $0xFFFFE000  }
0x9d: {  	[spmem:s2] =	stream.indirect.scatter.add.f32 [tilespmem:s23], [sflag:$0xD], $0x40, s14, s15, $0xb8;
	[tilespmem:$0x1F000] =	vst v63  }
0x9e: {  	_ =	swait.ge [sflag:s29], $0x2000  }
0x9f: {  	[sflag:s29] =	ssyncset.done $0x0  }
0xa0: {  	s14 =	sadd.s32 $0x600, s13;
	[sflag:s29] =	ssyncadd.s32 $0xFFFFE000  }
0xa1: {  	[tilespmem:s23], [sflag:$0x5] =	stream.indirect.gather [hbm4b:s4+s15], $0x40, s14, s15, $0xb8;
	[tilespmem:$0x1F000] =	vst v63  }
0xa2: {  	_ =	swait.ge [sflag:s5], $0x2000  }
0xa3: {  	[sflag:s5] =	ssyncset.done $0x0  }
0xa4: {  	s14 =	sadd.s32 $0x2A80, s13;
	[sflag:s5] =	ssyncadd.s32 $0xFFFFE000  }
0xa5: {  	[spmem:s2] =	stream.indirect.scatter.add.f32 [tilespmem:s25], [sflag:$0xE], $0x40, s14, s15, $0xb8;
	[tilespmem:$0x1F000] =	vst v63  }
0xa6: {  	_ =	swait.ge [sflag:s6], $0x2000  }
0xa7: {  	[sflag:s6] =	ssyncset.done $0x0  }
0xa8: {  	s14 =	sadd.s32 $0x680, s13;
	[sflag:s6] =	ssyncadd.s32 $0xFFFFE000  }
0xa9: {  	[tilespmem:s25], [sflag:$0x6] =	stream.indirect.gather [hbm4b:s4+s15], $0x40, s14, s15, $0xb8;
	[tilespmem:$0x1F000] =	vst v63  }
0xaa: {  	_ =	swait.ge [sflag:s7], $0x2000  }
0xab: {  	[sflag:s7] =	ssyncset.done $0x0  }
0xac: {  	s14 =	sadd.s32 $0x2B00, s13;
	[sflag:s7] =	ssyncadd.s32 $0xFFFFE000  }
0xad: {  	[spmem:s2] =	stream.indirect.scatter.add.f32 [tilespmem:s28], [sflag:$0xF], $0x40, s14, s15, $0xb8;
	[tilespmem:$0x1F000] =	vst v63  }
0xae: {  	_ =	swait.ge [sflag:s9], $0x2000  }
0xaf: {  	[sflag:s9] =	ssyncset.done $0x0  }
0xb0: {  	s14 =	sadd.s32 $0x700, s13;
	[sflag:s9] =	ssyncadd.s32 $0xFFFFE000  }
0xb1: {  	[tilespmem:s28], [sflag:$0x7] =	stream.indirect.gather [hbm4b:s4+s15], $0x40, s14, s15, $0xb8;
	[tilespmem:$0x1F000] =	vst v63  }
0xb2: {  	_ =	swait.ge [sflag:s10], $0x2000  }
0xb3: {  	[sflag:s10] =	ssyncset.done $0x0  }
.Ltmp0:
0xb4: {  	s14 =	sadd.s32 $0x2B80, s13;
	[sflag:s10] =	ssyncadd.s32 $0xFFFFE000;
	(pc) =	sbr.rel @p0 .LBB2_2-.Ltmp0, $4  }
0xb5: {  	[spmem:s2] =	stream.indirect.scatter.add.f32 [tilespmem:s30], [sflag:$0x10], $0x40, s14, s15, $0xb8;
	[tilespmem:$0x1F000] =	vst v63  }
0xb6: {  	_ =	swait.ge [sflag:s3], $0x2000  }
0xb7: {  	[sflag:s3] =	ssyncset.done $0x0  }
0xb8: {  	s13 =	sadd.s32 $0x780, s13;
	[sflag:s3] =	ssyncadd.s32 $0xFFFFE000  }
0xb9: {  	[tilespmem:s30], [sflag:$0x8] =	stream.indirect.gather [hbm4b:s4+s15], $0x40, s13, s15, $0xb8;
	[tilespmem:$0x1F000] =	vst v63  }
0xba: {  	_ =	swait.ge [sflag:s31], $0x2000  }
0xbb: {  	[sflag:s31] =	ssyncset.done $0x0  }
0xbc: {  	s12 =	simm.s32 $0x4C00;
	[sflag:s31] =	ssyncadd.s32 $0xFFFFE000  }
0xbd: {  	[spmem:s2] =	stream.indirect.scatter.add.f32 [tilespmem:s16], [sflag:$0x9], $0x40, s12, s15, $0xb8;
	[tilespmem:$0x1F000] =	vst v63  }
0xbe: {  	_ =	swait.ge [sflag:s0], $0x2000  }
0xbf: {  	[sflag:s0] =	ssyncset.done $0x0  }
0xc0: {  	s8 =	simm.s32 $0x4C80;
	[sflag:s0] =	ssyncadd.s32 $0xFFFFE000  }
0xc1: {  	[spmem:s2] =	stream.indirect.scatter.add.f32 [tilespmem:s17], [sflag:$0xA], $0x40, s8, s15, $0xb8;
	[tilespmem:$0x1F000] =	vst v63  }
0xc2: {  	_ =	swait.ge [sflag:s18], $0x2000  }
0xc3: {  	[sflag:s18] =	ssyncset.done $0x0  }
0xc4: {  	s13 =	simm.s32 $0x4D00;
	[sflag:s18] =	ssyncadd.s32 $0xFFFFE000  }
0xc5: {  	[spmem:s2] =	stream.indirect.scatter.add.f32 [tilespmem:s19], [sflag:$0xB], $0x40, s13, s15, $0xb8;
	[tilespmem:$0x1F000] =	vst v63  }
0xc6: {  	_ =	swait.ge [sflag:s22], $0x2000  }
0xc7: {  	[sflag:s22] =	ssyncset.done $0x0  }
0xc8: {  	s14 =	simm.s32 $0x4D80;
	[sflag:s22] =	ssyncadd.s32 $0xFFFFE000  }
0xc9: {  	[spmem:s2] =	stream.indirect.scatter.add.f32 [tilespmem:s21], [sflag:$0xC], $0x40, s14, s15, $0xb8;
	[tilespmem:$0x1F000] =	vst v63  }
0xca: {  	_ =	swait.ge [sflag:s26], $0x2000  }
0xcb: {  	[sflag:s26] =	ssyncset.done $0x0  }
0xcc: {  	s8 =	simm.s32 $0x4E00;
	[sflag:s26] =	ssyncadd.s32 $0xFFFFE000  }
0xcd: {  	[spmem:s2] =	stream.indirect.scatter.add.f32 [tilespmem:s23], [sflag:$0xD], $0x40, s8, s15, $0xb8;
	[tilespmem:$0x1F000] =	vst v63  }
0xce: {  	_ =	swait.ge [sflag:s5], $0x2000  }
0xcf: {  	[sflag:s5] =	ssyncset.done $0x0  }
0xd0: {  	s13 =	simm.s32 $0x4E80;
	[sflag:s5] =	ssyncadd.s32 $0xFFFFE000  }
0xd1: {  	[spmem:s2] =	stream.indirect.scatter.add.f32 [tilespmem:s25], [sflag:$0xE], $0x40, s13, s15, $0xb8;
	[tilespmem:$0x1F000] =	vst v63  }
0xd2: {  	_ =	swait.ge [sflag:s7], $0x2000  }
0xd3: {  	[sflag:s7] =	ssyncset.done $0x0  }
0xd4: {  	s14 =	simm.s32 $0x4F00;
	[sflag:s7] =	ssyncadd.s32 $0xFFFFE000  }
0xd5: {  	[spmem:s2] =	stream.indirect.scatter.add.f32 [tilespmem:s28], [sflag:$0xF], $0x40, s14, s15, $0xb8;
	[tilespmem:$0x1F000] =	vst v63  }
0xd6: {  	_ =	swait.ge [sflag:s10], $0x2000  }
0xd7: {  	[sflag:s10] =	ssyncset.done $0x0  }
0xd8: {  	s8 =	simm.s32 $0x4F80;
	[sflag:s10] =	ssyncadd.s32 $0xFFFFE000  }
0xd9: {  	[spmem:s2] =	stream.indirect.scatter.add.f32 [tilespmem:s30], [sflag:$0x10], $0x40, s8, s15, $0xb8;
	[tilespmem:$0x1F000] =	vst v63  }
0xda: {  	_ =	swait.ge [sflag:s1], $0x2000  }
0xdb: {  	[sflag:s1] =	ssyncset.done $0x0  }
0xdc: {  	[sflag:s1] =	ssyncadd.s32 $0xFFFFE000  }
0xdd: {  	_ =	swait.ge [sflag:s11], $0x2000  }
0xde: {  	[sflag:s11] =	ssyncset.done $0x0  }
0xdf: {  	[sflag:s11] =	ssyncadd.s32 $0xFFFFE000  }
0xe0: {  	_ =	swait.ge [sflag:s20], $0x2000  }
0xe1: {  	[sflag:s20] =	ssyncset.done $0x0  }
0xe2: {  	[sflag:s20] =	ssyncadd.s32 $0xFFFFE000  }
0xe3: {  	_ =	swait.ge [sflag:s24], $0x2000  }
0xe4: {  	[sflag:s24] =	ssyncset.done $0x0  }
0xe5: {  	[sflag:s24] =	ssyncadd.s32 $0xFFFFE000  }
0xe6: {  	_ =	swait.ge [sflag:s29], $0x2000  }
0xe7: {  	[sflag:s29] =	ssyncset.done $0x0  }
0xe8: {  	[sflag:s29] =	ssyncadd.s32 $0xFFFFE000  }
0xe9: {  	_ =	swait.ge [sflag:s6], $0x2000  }
0xea: {  	[sflag:s6] =	ssyncset.done $0x0  }
0xeb: {  	[sflag:s6] =	ssyncadd.s32 $0xFFFFE000  }
0xec: {  	_ =	swait.ge [sflag:s9], $0x2000  }
0xed: {  	[sflag:s9] =	ssyncset.done $0x0  }
0xee: {  	[sflag:s9] =	ssyncadd.s32 $0xFFFFE000  }
0xef: {  	_ =	swait.ge [sflag:s3], $0x2000  }
0xf0: {  	[sflag:s3] =	ssyncset.done $0x0  }
0xf1: {  	[sflag:s3] =	ssyncadd.s32 $0xFFFFE000  }
0xf2: {  	[bflag:$0x0] =	sbarrier.arrive $0xFFFF  }
0xf3: {  	s14 =	rddreg [dreg:$0x6]  }
0xf4: {  	s13 =	rddreg [dreg:$0x7]  }
0xf5: {  	s8 =	rddreg [dreg:$0xa]  }
0xf6: {  	[hbm:s13], [sflag:s14] =	dma.local [spmem:s8], $0x1400  }
0xf7: {  	s13 =	simm.s32 $0x12  }
0xf8: {  	_ =	swait.ge [sflag:s13], $0x1400  }
0xf9: {  	s12 =	rddreg [dreg:$0x9]  }
0xfa: {  	s8 =	sadd.s32 $0x1, s12;
	s12 =	rddreg [dreg:$0x8]  }
0xfb: {  	p0 =	sne.s32 s8, s12  }
.Ltmp1:
0xfc: {  	_ = 	snop;
	(pc) =	sbr.rel @p0 .LBB2_1-.Ltmp1, $3  }
0xfd: {  	_ =	sdelay $0x1  }
0xfe: {  	[sflag:s13] =	ssyncset.done $0x0  }
0xff: {  	[sflag:s13] =	ssyncadd.s32 $0xFFFFEC00;
	[dreg:$0x9] =	wrdreg s8  }
0x100: {  	_ =	sfence.sel $0x180000  }
0x101: {  	[bflag:$0x0] =	sbarrier.arrive $0xFFFF  }
0x102: {  	_ =	strace $0x9000004D  }
0x103: {  	s0 =	stileid.u32;
	[bflag:$0x2] =	sbarrier.arrive $0xFFFF  }
0x104: {  	p0 =	sne.s32 s0, $0x0;
	s0 =	rddreg [dreg:$0x2]  }
0x105: {  	s0 =	sadd.s32 @!p0 $0x100000, s0  }
0x106: {  	[sflag:s0] =	ssyncadd.tile.s32 @!p0 $0x1;
	_ =	shalt  }
.Lfunc_end2:
_tile_overlayer_lowered:
.L_overlay_start_2:
0x107: {  	(tag) =	ssettag $0x2  }
0x108: {  	s0 =	rddreg [dreg:$0x0];
	s2 =	stileid.u32  }
0x109: {  	s1 =	rddreg [dreg:$0x1];
	p0 =	sne.s32 s2, $0x0  }
0x10a: {  	s3 =	rddreg [dreg:$0x2];
	[bflag:$0x3] =	sbarrier.arrive $0xFFFF;
	s2 =	simm.s32 @!p0 $0x1C12  }
0x10b: {  	[timem:s3], [sflag:s2] =	dma.local @!p0 [hbm:s0], s1  }
0x10c: {  	s0 =	simm.s32 @!p0 $0x12  }
0x10d: {  	_ =	swait.ge @!p0 [sflag:s0], s1  }
0x10e: {  	s1 =	ssub.s32 @!p0 $0x0, s1;
	[sflag:s0] =	ssyncset.done @!p0 $0x0  }
0x10f: {  	[sflag:s0] =	ssyncadd.s32 @!p0 s1  }
0x110: {  	[bflag:$0x3] =	sbarrier.arrive $0xFFFF  }
0x111: {  	_ =	shalt  }

// kernel: kernel.19.cloned.1.call-start
scs
__scs_entry_jumppad:
0x0: {  	(pc) =	sbr.rel $0x88, $3  }
0x1: {  	(tag) =	ssettag $0x0;
	lr =	simm.s32 $0x1  }
0x2: {  	[smem:$0x3F91] =	sst lr;
	_ =	strace $0xD0000000  }
0x3: {  	_ = 	snop  }
0x4: {  	_ = 	snop  }
0x5: {  	_ = 	snop  }
0x6: {  	_ = 	snop  }
0x7: {  	_ = 	snop  }
__scs_overlays_trampoline_lowered:
0x8: {  	[smem:$0x3FA0] =	sst s0  }
0x9: {  	[smem:$0x3FA1] =	sst s1  }
0xa: {  	[smem:$0x3FA2] =	sst s2  }
0xb: {  	[smem:$0x3FA3] =	sst s3  }
0xc: {  	[smem:$0x3FA4] =	sst s4  }
0xd: {  	[smem:$0x3FA5] =	sst s5  }
0xe: {  	[smem:$0x3FA6] =	sst s6  }
0xf: {  	[smem:$0x3FA7] =	sst s7  }
0x10: {  	[smem:$0x3FA8] =	sst s8  }
0x11: {  	[smem:$0x3FA9] =	sst s9;
	s0 =	simm.s32 @!p0 $0x0  }
0x12: {  	s1 =	sld [smem:$0x3F8F];
	s0 =	simm.s32 @p0 $0x1  }
0x13: {  	[smem:$0x3FAA] =	sst s0;
	s0 =	simm.s32 @!p1 $0x0  }
0x14: {  	s2 =	sld [smem:$0x3F8E];
	s0 =	simm.s32 @p1 $0x1  }
0x15: {  	[smem:$0x3FAB] =	sst s0;
	s0 =	simm.s32 @!p2 $0x0  }
0x16: {  	s3 =	sld [smem:$0x3FDB];
	s0 =	simm.s32 @p2 $0x1  }
0x17: {  	s4 =	simm.s32 $0x1BF5;
	[smem:$0x3FAD] =	sst s0  }
0x18: {  	s0 =	sld [smem:$0x3F90];
	_ =	swait.ge [sflag:s4], $0x0  }
0x19: {  	s7 =	sld [smem:$0x3F91]  }
0x1a: {  	s8 =	sadd.s32 $0xFFFFE003, lr  }
0x1b: {  	s9 =	sadd.s32 $0xFFFFFEF7, lr;
	s5 =	simm.s32 $0xFFFFFFFF;
	p2 =	slt.u32 s8, $0xFFFFF086  }
0x1c: {  	p1 =	slt.u32 s9, $0xF7A;
	s5 =	simm.s32 @!p2 $0x0  }
0x1d: {  	s5 =	simm.s32 @p1 $0x1;
	p0 =	seq.s32 s7, s2  }
0x1e: {  	s7 =	smul.u32 @!p0 $0xF7A, s2;
	p2 =	seq.s32 @!p0 s5, $0x0  }
0x1f: {  	s9 =	smul.u32 $0xF7A, s1;
	s8 =	simm.s32 @!p0 $0x1BF5;
	p2 =	por !p2, p0  }
0x20: {  	[sflag:s8] =	ssyncset.s32 @!p0 $0xFFFFF086;
	s6 =	sadd.s32 @!p0 s3, s7;
	s7 =	simm.s32 @!p0 $0x108  }
0x21: {  	s3 =	sadd.s32 s3, s9;
	s6 =	sadd.s32 @!p0 $0x88, s6;
	s7 =	simm.s32 @p2 $0x1082  }
0x22: {  	[simem:s7], [sflag:s8] =	dma.local @!p0 [hbm:s6], $0xF7A  }
0x23: {  	s9 =	sor.u32 $0xD0000000, s2;
	s6 =	simm.s32 $0x108;
	_ =	swait.ge @!p0 [sflag:s8], $0x0  }
0x24: {  	s3 =	sadd.s32 $0x88, s3;
	s6 =	simm.s32 @!p1 $0x1082;
	[sflag:s4] =	ssyncset.s32 $0xFFFFF086  }
0x25: {  	[simem:s6], [sflag:s4] =	dma.local [hbm:s3], $0xF7A  }
0x26: {  	[smem:$0x3F91] =	sst s1;
	(tag) =	ssettag s2;
	_ =	strace s9  }
0x27: {  	s1 =	sld [smem:$0x3FA1]  }
0x28: {  	s2 =	sld [smem:$0x3FA2]  }
0x29: {  	s4 =	sld [smem:$0x3FA4]  }
0x2a: {  	p0 =	seq.s32 s5, $0x0;
	s5 =	sld [smem:$0x3FA5]  }
0x2b: {  	s6 =	sld [smem:$0x3FA6]  }
0x2c: {  	s7 =	sld [smem:$0x3FA7]  }
0x2d: {  	s3 =	simm.s32 $0x108;
	s8 =	sld [smem:$0x3FA8]  }
0x2e: {  	s3 =	simm.s32 @!p0 $0x1082;
	s9 =	sld [smem:$0x3FA9]  }
0x2f: {  	lr =	sadd.s32 s0, s3;
	s0 =	sld [smem:$0x3FA0]  }
0x30: {  	s3 =	sld [smem:$0x3FA3]  }
0x31: {  	[smem:$0x3FAC] =	sst s10  }
0x32: {  	s10 =	sld [smem:$0x3FAA];
	_ =	sdelay $0x3  }
0x33: {  	p0 =	seq.s32 s10, $0x1;
	s10 =	sld [smem:$0x3FAC];
	_ =	sdelay $0x3  }
0x34: {  	[smem:$0x3FAC] =	sst s10  }
0x35: {  	s10 =	sld [smem:$0x3FAB];
	_ =	sdelay $0x3  }
0x36: {  	p1 =	seq.s32 s10, $0x1;
	s10 =	sld [smem:$0x3FAC];
	_ =	sdelay $0x3  }
0x37: {  	[smem:$0x3FAC] =	sst s10  }
0x38: {  	s10 =	sld [smem:$0x3FAD]  }
0x39: {  	_ = 	snop;
	(pc) =	sbr.ind lr, $3  }
0x3a: {  	_ = 	snop  }
0x3b: {  	_ = 	snop  }
0x3c: {  	p2 =	seq.s32 s10, $0x1;
	s10 =	sld [smem:$0x3FAC]  }
0x3d: {  	_ =	shalt  }
0x3e: {  	_ =	shalt  }
0x3f: {  	_ =	shalt  }
0x40: {  	_ =	shalt  }
0x41: {  	_ =	shalt  }
0x42: {  	_ =	shalt  }
0x43: {  	_ =	shalt  }
0x44: {  	_ =	shalt  }
0x45: {  	_ =	shalt  }
0x46: {  	_ =	shalt  }
0x47: {  	_ =	shalt  }
0x48: {  	_ =	shalt  }
0x49: {  	_ =	shalt  }
0x4a: {  	_ =	shalt  }
0x4b: {  	_ =	shalt  }
0x4c: {  	_ =	shalt  }
0x4d: {  	_ =	shalt  }
0x4e: {  	_ =	shalt  }
0x4f: {  	_ =	shalt  }
0x50: {  	_ =	shalt  }
0x51: {  	_ =	shalt  }
0x52: {  	_ =	shalt  }
0x53: {  	_ =	shalt  }
0x54: {  	_ =	shalt  }
0x55: {  	_ =	shalt  }
0x56: {  	_ =	shalt  }
0x57: {  	_ =	shalt  }
0x58: {  	_ =	shalt  }
0x59: {  	_ =	shalt  }
0x5a: {  	_ =	shalt  }
0x5b: {  	_ =	shalt  }
0x5c: {  	_ =	shalt  }
0x5d: {  	_ =	shalt  }
0x5e: {  	_ =	shalt  }
0x5f: {  	_ =	shalt  }
0x60: {  	_ =	shalt  }
0x61: {  	_ =	shalt  }
0x62: {  	_ =	shalt  }
0x63: {  	_ =	shalt  }
0x64: {  	_ =	shalt  }
0x65: {  	_ =	shalt  }
0x66: {  	_ =	shalt  }
0x67: {  	_ =	shalt  }
0x68: {  	_ =	shalt  }
0x69: {  	_ =	shalt  }
0x6a: {  	_ =	shalt  }
0x6b: {  	_ =	shalt  }
0x6c: {  	_ =	shalt  }
0x6d: {  	_ =	shalt  }
0x6e: {  	_ =	shalt  }
0x6f: {  	_ =	shalt  }
0x70: {  	_ =	shalt  }
0x71: {  	_ =	shalt  }
0x72: {  	_ =	shalt  }
0x73: {  	_ =	shalt  }
0x74: {  	_ =	shalt  }
0x75: {  	_ =	shalt  }
0x76: {  	_ =	shalt  }
0x77: {  	_ =	shalt  }
0x78: {  	_ =	shalt  }
0x79: {  	_ =	shalt  }
0x7a: {  	_ =	shalt  }
0x7b: {  	_ =	shalt  }
0x7c: {  	_ =	shalt  }
0x7d: {  	_ =	shalt  }
0x7e: {  	_ =	shalt  }
0x7f: {  	_ =	shalt  }
0x80: {  	_ =	shalt  }
0x81: {  	_ =	shalt  }
0x82: {  	_ =	shalt  }
0x83: {  	_ =	shalt  }
0x84: {  	_ =	shalt  }
0x85: {  	_ =	shalt  }
0x86: {  	_ =	shalt  }
0x87: {  	_ =	shalt  }
.Lfunc_end0:
.L_simem_size_0:
called_computation.3_lowered:
.L_overlay_start_0:
0x88: {  	s2 =	sld [smem:$0x3FD9]  }
0x89: {  	s3 =	sld [smem:$0x3FFE];
	_ =	sdelay $0x1  }
0x8a: {  	s1 =	srdreg.scid  }
0x8b: {  	s0 =	sand.u32 $0x1, s1  }
0x8c: {  	s16 =	sshll.u32 s0, $0xA;
	s2 =	sadd.s32 s3, s2  }
0x8d: {  	s2 =	sadd.s32 s2, s16  }
0x8e: {  	[smem:$0x3FB8] =	sst s2  }
0x8f: {  	_ = 	snop  }
0x90: {  	(tm) =	ssettm $0x1  }
0x91: {  	s17 =	sld [smem:$0x3FFB];
	_ =	sdelay $0x3  }
0x92: {  	_ =	strace s17  }
0x93: {  	s2 =	sld [smem:$0x3FFC];
	_ =	sdelay $0x3  }
0x94: {  	_ =	strace s2  }
0x95: {  	s2 =	sld [smem:$0x3FFD];
	_ =	sdelay $0x3  }
0x96: {  	_ =	strace s2  }
0x97: {  	_ =	strace $0x8FFFFFFF  }
0x98: {  	s18 =	sld [smem:$0x3FDB];
	_ =	sdelay $0x1  }
0x99: {  	s19 =	simm.s32 $_scs_section_size  }
0x9a: {  	s4 =	simm.s32 $_size__tile_overlayer_lowered;
	s5 =	simm.s32 $_tile_overlayer_lowered  }
0x9b: {  	s22 =	simm.s32 $0x1BFF;
	s21 =	sshll.u32 s5, $0x1;
	s2 =	sadd.s32 s19, s18  }
0x9c: {  	s6 =	simm.s32 $0x0;
	s20 =	sshll.u32 s4, $0x1;
	s4 =	sadd.s32 s21, s2  }
0x9d: {  	[timem:s6], [sflag:s22] =	dma.local [hbm:s4], s20  }
0x9e: {  	_ =	swait.ge [sflag:s22], s20  }
0x9f: {  	s3 =	ssub.s32 $0x0, s20;
	[sflag:s22] =	ssyncset.done $0x0  }
0xa0: {  	[sflag:s22] =	ssyncadd.s32 s3;
	_ =	sdelay $0x1  }
0xa1: {  	s23 =	simm.s32 $0x1B8B  }
0xa2: {  	_ =	swait.ge [sflag:s23], $0x1  }
0xa3: {  	[sflag:s23] =	ssyncset.done $0x0  }
0xa4: {  	s25 =	simm.s32 $0x1B8E;
	s24 =	sld [smem:$0x3FFE];
	[sflag:s23] =	ssyncadd.s32 $0xFFFFFFFF  }
0xa5: {  	s26 =	simm.s32 $execute0_lowered;
	[smem:$0x3FD2] =	sst s25  }
0xa6: {  	s4 =	sshll.u32 s26, $0x1;
	_ =	strace $0x8000004F;
	[dreg:$0x1] =	wrdreg $0xFFFFFFFF  }
0xa7: {  	s28 =	simm.s32 $_size_execute0_lowered;
	s2 =	sadd.s32 s2, s4;
	[dreg:$0x0] =	wrdreg $0x0  }
0xa8: {  	s4 =	sshll.u32 s28, $0x1;
	[dreg:$0x2] =	wrdreg s2  }
0xa9: {  	[dreg:$0x3] =	wrdreg s4  }
0xaa: {  	[dreg:$0x4] =	wrdreg $0xC0  }
0xab: {  	_ =	task [dreg:s6], $0x5FFFF  }
0xac: {  	[dreg:$0x1] =	wrdreg $0xFFFFFFFF  }
0xad: {  	[dreg:$0x0] =	wrdreg $0x60  }
0xae: {  	[dreg:$0x2] =	wrdreg s24  }
0xaf: {  	[dreg:$0x3] =	wrdreg $0x50000  }
0xb0: {  	[dreg:$0x4] =	wrdreg $0x9  }
0xb1: {  	_ =	task.clear_ibuf [dreg:s6], $0x5FFFF;
	_ =	strace $0x9000004F  }
0xb2: {  	s29 =	simm.s32 $0x9;
	_ =	strace $0x80000051  }
0xb3: {  	_ =	swait.ge [sflag:s29], $0x1  }
0xb4: {  	[sflag:s29] =	ssyncadd.s32 $0xFFFFFFFF  }
0xb5: {  	_ =	strace $0x90000051  }
0xb6: {  	_ =	sfence  }
0xb7: {  	s30 =	sld [smem:$0x0];
	_ =	sdelay $0x2  }
0xb8: {  	s31 =	sshll.u32 s1, $0xD;
	s1 =	sshrl.u32 s1, $0x2  }
0xb9: {  	s3 =	sand.u32 $0x4000, s31;
	s1 =	sadd.s32 s1, s30  }
0xba: {  	s0 =	sor.u32 s3, s0;
	s1 =	sshll.u32 s1, $0x11  }
0xbb: {  	s0 =	sor.u32 s1, s0  }
0xbc: {  	s0 =	sadd.s32 $0x8F2B, s0  }
0xbd: {  	[sflag:s0] =	ssyncadd.remote.s32 $0x1  }
0xbe: {  	_ =	sfence.sel $0xFFFF  }
0xbf: {  	[dreg:$0x0] =	wrdreg $0xFFFFFFFF;
	(pc) =	sbr.abs _section_cstart, $3  }
0xc0: {  	[dreg:$0x1] =	wrdreg $0xFFFFFFFF  }
0xc1: {  	_ =	task.clear_ibuf [dreg:s6], $0x2FFFF;
	_ =	strace $0x9FFFFFFF  }
0xc2: {  	(tm) =	ssettm $0x7FFFFFFF  }
0xc3: {  	_ =	shalt  }
tec
execute0_lowered:
.L_overlay_start_1:
0x0: {  	(tag) =	ssettag $0x1  }
0x1: {  	s0 =	srdreg.scid  }
0x2: {  	s9 =	stileid.u32;
	s3 =	rddreg [dreg:$0x0]  }
0x3: {  	s2 =	rddreg [dreg:$0x1];
	s4 =	simm.s32 $0x0;
	s15 =	simm.s32 $0x80  }
0x4: {  	s16 =	simm.s32 $0xA000;
	s17 =	simm.s32 $0xB000;
	s19 =	simm.s32 $0xC000  }
0x5: {  	s21 =	simm.s32 $0xD000;
	s28 =	simm.s32 $0x10000;
	s30 =	simm.s32 $0x11000  }
0x6: {  	s31 =	simm.s32 $0x1;
	s11 =	simm.s32 $0xA;
	s18 =	simm.s32 $0x3  }
0x7: {  	s20 =	simm.s32 $0xB;
	s29 =	simm.s32 $0xD;
	s10 =	simm.s32 $0x8  }
0x8: {  	s12 =	simm.s32 $0x0;
	s0 =	sand.u32 $0x1, s0;
	s5 =	smul.u32 $0x5000, s9  }
0x9: {  	[smem:$0x7FF] =	sst s4;
	s4 =	sadd.s32 $0x66A00, s3;
	s24 =	sshll.u32 s9, $0x6  }
0xa: {  	s1 =	sshll.u32 s0, $0x4;
	s6 =	smul.u32 $0x50000, s0;
	_ =	strace $0x80000050  }
0xb: {  	s0 =	ssub.s32 $0x2, s0;
	s14 =	sor.u32 $0x1C12, s24;
	s24 =	simm.s32 $0xC  }
0xc: {  	[dreg:$0x9] =	wrdreg s12;
	s1 =	sor.u32 s9, s1;
	s7 =	sshrl.u32 s5, $0x3  }
0xd: {  	s8 =	sshrl.u32 s0, $0x1;
	s23 =	sadd.s32 s5, s2;
	s9 =	simm.s32 $0xF  }
0xe: {  	[dreg:$0x6] =	wrdreg s14;
	s1 =	smul.u32 $0x500, s1;
	s6 =	sadd.s32 s5, s6  }
0xf: {  	s7 =	sadd.s32 s7, s3;
	s0 =	ssub.s32 s0, s8;
	s26 =	sshrl.u32 s23, $0x3  }
0x10: {  	s23 =	simm.s32 $0xE000;
	s5 =	simm.s32 $0x6;
	s6 =	sshrl.u32 s6, $0x3  }
0x11: {  	s25 =	sadd.s32 $0x70A00, s7;
	s0 =	smax.u32 s0, $0x1;
	[dreg:$0xa] =	wrdreg s26  }
0x12: {  	s26 =	simm.s32 $0x5;
	s1 =	sadd.s32 s1, s3;
	[dreg:$0x5] =	wrdreg s25  }
0x13: {  	s7 =	simm.s32 $0x7;
	[dreg:$0x8] =	wrdreg s0;
	s22 =	sadd.s32 $0x2A00, s1  }
0x14: {  	s3 =	sadd.s32 s6, s3;
	s1 =	sadd.s32 $0xCA00, s1;
	[dreg:$0x3] =	wrdreg s22  }
0x15: {  	s25 =	simm.s32 $0xF000;
	s3 =	sadd.s32 $0x7AA00, s3;
	[dreg:$0x4] =	wrdreg s1  }
0x16: {  	s0 =	simm.s32 $0x2;
	s6 =	simm.s32 $0xE;
	[dreg:$0x7] =	wrdreg s3  }
0x17: {  	s1 =	simm.s32 $0x9;
	s22 =	simm.s32 $0x4;
	s3 =	simm.s32 $0x10  }
.LBB2_1:
0x18: {  	s12 =	simm.s32 $0x0;
	s13 =	rddreg [dreg:$0x3];
	s8 =	simm.s32 $0x2800  }
0x19: {  	[tilespmem:s8], [sflag:$0x11] =	stream.linear.gather [hbm4b:s13+s12], $0x2800, $0x38;
	[tilespmem:$0x12000] =	vst v63  }
0x1a: {  	s8 =	rddreg [dreg:$0xa]  }
0x1b: {  	s13 =	rddreg [dreg:$0x4]  }
0x1c: {  	[tilespmem:s12], [sflag:$0x11] =	stream.linear.gather [hbm4b:s13+s12], $0x2800, $0x38;
	[tilespmem:$0x12000] =	vst v63  }
0x1d: {  	s12 =	rddreg [dreg:$0x5]  }
0x1e: {  	[spmem:s8], [sflag:s14] =	dma.local [hbm:s12], $0xA00  }
0x1f: {  	s12 =	simm.s32 $0x12  }
0x20: {  	_ =	swait.ge [sflag:s12], $0xA00  }
0x21: {  	[sflag:s12] =	ssyncset.done $0x0  }
0x22: {  	s13 =	simm.s32 $0x11;
	[sflag:s12] =	ssyncadd.s32 $0xFFFFF600  }
0x23: {  	_ =	swait.ge [sflag:s13], $0x2800  }
0x24: {  	[sflag:s13] =	ssyncset.done $0x0  }
0x25: {  	[sflag:s13] =	ssyncadd.s32 $0xFFFFD800  }
0x26: {  	_ =	swait.ge [sflag:s13], $0x2800  }
0x27: {  	[sflag:s13] =	ssyncset.done $0x0  }
0x28: {  	[sflag:s13] =	ssyncadd.s32 $0xFFFFD800  }
0x29: {  	s14 =	simm.s32 $0x0;
	[bflag:$0x0] =	sbarrier.arrive $0xFFFF  }
0x2a: {  	[tilespmem:s16], [sflag:$0x1] =	stream.indirect.gather [hbm4b:s4+s15], $0x20, s14, s15, $0xb8;
	[tilespmem:$0x12000] =	vst v63  }
0x2b: {  	_ = 	snop  }
0x2c: {  	[tilespmem:s17], [sflag:$0x2] =	stream.indirect.gather [hbm4b:s4+s15], $0x20, s15, s15, $0xb8;
	[tilespmem:$0x12000] =	vst v63  }
0x2d: {  	s8 =	simm.s32 $0x100  }
0x2e: {  	[tilespmem:s19], [sflag:$0x3] =	stream.indirect.gather [hbm4b:s4+s15], $0x20, s8, s15, $0xb8;
	[tilespmem:$0x12000] =	vst v63  }
0x2f: {  	s13 =	simm.s32 $0x180  }
0x30: {  	[tilespmem:s21], [sflag:$0x4] =	stream.indirect.gather [hbm4b:s4+s15], $0x20, s13, s15, $0xb8;
	[tilespmem:$0x12000] =	vst v63  }
0x31: {  	s14 =	simm.s32 $0x200  }
0x32: {  	[tilespmem:s23], [sflag:$0x5] =	stream.indirect.gather [hbm4b:s4+s15], $0x20, s14, s15, $0xb8;
	[tilespmem:$0x12000] =	vst v63  }
0x33: {  	s8 =	simm.s32 $0x280  }
0x34: {  	[tilespmem:s25], [sflag:$0x6] =	stream.indirect.gather [hbm4b:s4+s15], $0x20, s8, s15, $0xb8;
	[tilespmem:$0x12000] =	vst v63  }
0x35: {  	s13 =	simm.s32 $0x300  }
0x36: {  	[tilespmem:s28], [sflag:$0x7] =	stream.indirect.gather [hbm4b:s4+s15], $0x20, s13, s15, $0xb8;
	[tilespmem:$0x12000] =	vst v63  }
0x37: {  	s14 =	simm.s32 $0x380  }
0x38: {  	[tilespmem:s30], [sflag:$0x8] =	stream.indirect.gather [hbm4b:s4+s15], $0x20, s14, s15, $0xb8;
	[tilespmem:$0x12000] =	vst v63  }
0x39: {  	_ =	swait.ge [sflag:s31], $0x1000  }
0x3a: {  	[sflag:s31] =	ssyncset.done $0x0  }
0x3b: {  	s8 =	simm.s32 $0x2800;
	[sflag:s31] =	ssyncadd.s32 $0xFFFFF000  }
0x3c: {  	[spmem:s2] =	stream.indirect.scatter.add.f32 [tilespmem:s16], [sflag:$0x9], $0x20, s8, s15, $0xb8;
	[tilespmem:$0x12000] =	vst v63  }
0x3d: {  	_ =	swait.ge [sflag:s1], $0x1000  }
0x3e: {  	[sflag:s1] =	ssyncset.done $0x0  }
0x3f: {  	s13 =	simm.s32 $0x400;
	[sflag:s1] =	ssyncadd.s32 $0xFFFFF000  }
0x40: {  	[tilespmem:s16], [sflag:$0x1] =	stream.indirect.gather [hbm4b:s4+s15], $0x20, s13, s15, $0xb8;
	[tilespmem:$0x12000] =	vst v63  }
0x41: {  	_ =	swait.ge [sflag:s0], $0x1000  }
0x42: {  	[sflag:s0] =	ssyncset.done $0x0  }
0x43: {  	s14 =	simm.s32 $0x2880;
	[sflag:s0] =	ssyncadd.s32 $0xFFFFF000  }
0x44: {  	[spmem:s2] =	stream.indirect.scatter.add.f32 [tilespmem:s17], [sflag:$0xA], $0x20, s14, s15, $0xb8;
	[tilespmem:$0x12000] =	vst v63  }
0x45: {  	_ =	swait.ge [sflag:s11], $0x1000  }
0x46: {  	[sflag:s11] =	ssyncset.done $0x0  }
0x47: {  	s8 =	simm.s32 $0x480;
	[sflag:s11] =	ssyncadd.s32 $0xFFFFF000  }
0x48: {  	[tilespmem:s17], [sflag:$0x2] =	stream.indirect.gather [hbm4b:s4+s15], $0x20, s8, s15, $0xb8;
	[tilespmem:$0x12000] =	vst v63  }
0x49: {  	_ =	swait.ge [sflag:s18], $0x1000  }
0x4a: {  	[sflag:s18] =	ssyncset.done $0x0  }
0x4b: {  	s13 =	simm.s32 $0x2900;
	[sflag:s18] =	ssyncadd.s32 $0xFFFFF000  }
0x4c: {  	[spmem:s2] =	stream.indirect.scatter.add.f32 [tilespmem:s19], [sflag:$0xB], $0x20, s13, s15, $0xb8;
	[tilespmem:$0x12000] =	vst v63  }
0x4d: {  	_ =	swait.ge [sflag:s20], $0x1000  }
0x4e: {  	[sflag:s20] =	ssyncset.done $0x0  }
0x4f: {  	s14 =	simm.s32 $0x500;
	[sflag:s20] =	ssyncadd.s32 $0xFFFFF000  }
0x50: {  	[tilespmem:s19], [sflag:$0x3] =	stream.indirect.gather [hbm4b:s4+s15], $0x20, s14, s15, $0xb8;
	[tilespmem:$0x12000] =	vst v63  }
0x51: {  	_ =	swait.ge [sflag:s22], $0x1000  }
0x52: {  	[sflag:s22] =	ssyncset.done $0x0  }
0x53: {  	s8 =	simm.s32 $0x2980;
	[sflag:s22] =	ssyncadd.s32 $0xFFFFF000  }
0x54: {  	[spmem:s2] =	stream.indirect.scatter.add.f32 [tilespmem:s21], [sflag:$0xC], $0x20, s8, s15, $0xb8;
	[tilespmem:$0x12000] =	vst v63  }
0x55: {  	_ =	swait.ge [sflag:s24], $0x1000  }
0x56: {  	[sflag:s24] =	ssyncset.done $0x0  }
0x57: {  	s13 =	simm.s32 $0x580;
	[sflag:s24] =	ssyncadd.s32 $0xFFFFF000  }
0x58: {  	[tilespmem:s21], [sflag:$0x4] =	stream.indirect.gather [hbm4b:s4+s15], $0x20, s13, s15, $0xb8;
	[tilespmem:$0x12000] =	vst v63  }
0x59: {  	_ =	swait.ge [sflag:s26], $0x1000  }
0x5a: {  	[sflag:s26] =	ssyncset.done $0x0  }
0x5b: {  	s14 =	simm.s32 $0x2A00;
	[sflag:s26] =	ssyncadd.s32 $0xFFFFF000  }
0x5c: {  	[spmem:s2] =	stream.indirect.scatter.add.f32 [tilespmem:s23], [sflag:$0xD], $0x20, s14, s15, $0xb8;
	[tilespmem:$0x12000] =	vst v63  }
0x5d: {  	_ =	swait.ge [sflag:s29], $0x1000  }
0x5e: {  	[sflag:s29] =	ssyncset.done $0x0  }
0x5f: {  	s8 =	simm.s32 $0x600;
	[sflag:s29] =	ssyncadd.s32 $0xFFFFF000  }
0x60: {  	[tilespmem:s23], [sflag:$0x5] =	stream.indirect.gather [hbm4b:s4+s15], $0x20, s8, s15, $0xb8;
	[tilespmem:$0x12000] =	vst v63  }
0x61: {  	_ =	swait.ge [sflag:s5], $0x1000  }
0x62: {  	[sflag:s5] =	ssyncset.done $0x0  }
0x63: {  	s13 =	simm.s32 $0x2A80;
	[sflag:s5] =	ssyncadd.s32 $0xFFFFF000  }
0x64: {  	[spmem:s2] =	stream.indirect.scatter.add.f32 [tilespmem:s25], [sflag:$0xE], $0x20, s13, s15, $0xb8;
	[tilespmem:$0x12000] =	vst v63  }
0x65: {  	_ =	swait.ge [sflag:s6], $0x1000  }
0x66: {  	[sflag:s6] =	ssyncset.done $0x0  }
0x67: {  	s14 =	simm.s32 $0x680;
	[sflag:s6] =	ssyncadd.s32 $0xFFFFF000  }
0x68: {  	[tilespmem:s25], [sflag:$0x6] =	stream.indirect.gather [hbm4b:s4+s15], $0x20, s14, s15, $0xb8;
	[tilespmem:$0x12000] =	vst v63  }
0x69: {  	_ =	swait.ge [sflag:s7], $0x1000  }
0x6a: {  	[sflag:s7] =	ssyncset.done $0x0  }
0x6b: {  	s8 =	simm.s32 $0x2B00;
	[sflag:s7] =	ssyncadd.s32 $0xFFFFF000  }
0x6c: {  	[spmem:s2] =	stream.indirect.scatter.add.f32 [tilespmem:s28], [sflag:$0xF], $0x20, s8, s15, $0xb8;
	[tilespmem:$0x12000] =	vst v63  }
0x6d: {  	_ =	swait.ge [sflag:s9], $0x1000  }
0x6e: {  	[sflag:s9] =	ssyncset.done $0x0  }
0x6f: {  	s13 =	simm.s32 $0x700;
	[sflag:s9] =	ssyncadd.s32 $0xFFFFF000  }
0x70: {  	[tilespmem:s28], [sflag:$0x7] =	stream.indirect.gather [hbm4b:s4+s15], $0x20, s13, s15, $0xb8;
	[tilespmem:$0x12000] =	vst v63  }
0x71: {  	_ =	swait.ge [sflag:s10], $0x1000  }
0x72: {  	[sflag:s10] =	ssyncset.done $0x0  }
0x73: {  	s14 =	simm.s32 $0x2B80;
	[sflag:s10] =	ssyncadd.s32 $0xFFFFF000  }
0x74: {  	[spmem:s2] =	stream.indirect.scatter.add.f32 [tilespmem:s30], [sflag:$0x10], $0x20, s14, s15, $0xb8;
	[tilespmem:$0x12000] =	vst v63  }
0x75: {  	_ =	swait.ge [sflag:s3], $0x1000  }
0x76: {  	[sflag:s3] =	ssyncset.done $0x0  }
0x77: {  	s12 =	simm.s32 $0x1000;
	s13 =	simm.s32 $0x780;
	[sflag:s3] =	ssyncadd.s32 $0xFFFFF000  }
.LBB2_2:
0x78: {  	[tilespmem:s30], [sflag:$0x8] =	stream.indirect.gather [hbm4b:s4+s15], $0x20, s13, s15, $0xb8;
	[tilespmem:$0x12000] =	vst v63  }
0x79: {  	s13 =	smov.u32 s12  }
0x7a: {  	p0 =	sne.s32 s12, $0x8000;
	s12 =	sadd.s32 $0x1000, s12;
	_ =	swait.ge [sflag:s31], $0x1000  }
0x7b: {  	s13 =	sshra.s32 s13, $0x2;
	[sflag:s31] =	ssyncset.done $0x0  }
0x7c: {  	s14 =	sadd.s32 $0x2800, s13;
	[sflag:s31] =	ssyncadd.s32 $0xFFFFF000  }
0x7d: {  	[spmem:s2] =	stream.indirect.scatter.add.f32 [tilespmem:s16], [sflag:$0x9], $0x20, s14, s15, $0xb8;
	[tilespmem:$0x12000] =	vst v63  }
0x7e: {  	_ =	swait.ge [sflag:s1], $0x1000  }
0x7f: {  	[sflag:s1] =	ssyncset.done $0x0  }
0x80: {  	s14 =	sadd.s32 $0x400, s13;
	[sflag:s1] =	ssyncadd.s32 $0xFFFFF000  }
0x81: {  	[tilespmem:s16], [sflag:$0x1] =	stream.indirect.gather [hbm4b:s4+s15], $0x20, s14, s15, $0xb8;
	[tilespmem:$0x12000] =	vst v63  }
0x82: {  	_ =	swait.ge [sflag:s0], $0x1000  }
0x83: {  	[sflag:s0] =	ssyncset.done $0x0  }
0x84: {  	s14 =	sadd.s32 $0x2880, s13;
	[sflag:s0] =	ssyncadd.s32 $0xFFFFF000  }
0x85: {  	[spmem:s2] =	stream.indirect.scatter.add.f32 [tilespmem:s17], [sflag:$0xA], $0x20, s14, s15, $0xb8;
	[tilespmem:$0x12000] =	vst v63  }
0x86: {  	_ =	swait.ge [sflag:s11], $0x1000  }
0x87: {  	[sflag:s11] =	ssyncset.done $0x0  }
0x88: {  	s14 =	sadd.s32 $0x480, s13;
	[sflag:s11] =	ssyncadd.s32 $0xFFFFF000  }
0x89: {  	[tilespmem:s17], [sflag:$0x2] =	stream.indirect.gather [hbm4b:s4+s15], $0x20, s14, s15, $0xb8;
	[tilespmem:$0x12000] =	vst v63  }
0x8a: {  	_ =	swait.ge [sflag:s18], $0x1000  }
0x8b: {  	[sflag:s18] =	ssyncset.done $0x0  }
0x8c: {  	s14 =	sadd.s32 $0x2900, s13;
	[sflag:s18] =	ssyncadd.s32 $0xFFFFF000  }
0x8d: {  	[spmem:s2] =	stream.indirect.scatter.add.f32 [tilespmem:s19], [sflag:$0xB], $0x20, s14, s15, $0xb8;
	[tilespmem:$0x12000] =	vst v63  }
0x8e: {  	_ =	swait.ge [sflag:s20], $0x1000  }
0x8f: {  	[sflag:s20] =	ssyncset.done $0x0  }
0x90: {  	s14 =	sadd.s32 $0x500, s13;
	[sflag:s20] =	ssyncadd.s32 $0xFFFFF000  }
0x91: {  	[tilespmem:s19], [sflag:$0x3] =	stream.indirect.gather [hbm4b:s4+s15], $0x20, s14, s15, $0xb8;
	[tilespmem:$0x12000] =	vst v63  }
0x92: {  	_ =	swait.ge [sflag:s22], $0x1000  }
0x93: {  	[sflag:s22] =	ssyncset.done $0x0  }
0x94: {  	s14 =	sadd.s32 $0x2980, s13;
	[sflag:s22] =	ssyncadd.s32 $0xFFFFF000  }
0x95: {  	[spmem:s2] =	stream.indirect.scatter.add.f32 [tilespmem:s21], [sflag:$0xC], $0x20, s14, s15, $0xb8;
	[tilespmem:$0x12000] =	vst v63  }
0x96: {  	_ =	swait.ge [sflag:s24], $0x1000  }
0x97: {  	[sflag:s24] =	ssyncset.done $0x0  }
0x98: {  	s14 =	sadd.s32 $0x580, s13;
	[sflag:s24] =	ssyncadd.s32 $0xFFFFF000  }
0x99: {  	[tilespmem:s21], [sflag:$0x4] =	stream.indirect.gather [hbm4b:s4+s15], $0x20, s14, s15, $0xb8;
	[tilespmem:$0x12000] =	vst v63  }
0x9a: {  	_ =	swait.ge [sflag:s26], $0x1000  }
0x9b: {  	[sflag:s26] =	ssyncset.done $0x0  }
0x9c: {  	s14 =	sadd.s32 $0x2A00, s13;
	[sflag:s26] =	ssyncadd.s32 $0xFFFFF000  }
0x9d: {  	[spmem:s2] =	stream.indirect.scatter.add.f32 [tilespmem:s23], [sflag:$0xD], $0x20, s14, s15, $0xb8;
	[tilespmem:$0x12000] =	vst v63  }
0x9e: {  	_ =	swait.ge [sflag:s29], $0x1000  }
0x9f: {  	[sflag:s29] =	ssyncset.done $0x0  }
0xa0: {  	s14 =	sadd.s32 $0x600, s13;
	[sflag:s29] =	ssyncadd.s32 $0xFFFFF000  }
0xa1: {  	[tilespmem:s23], [sflag:$0x5] =	stream.indirect.gather [hbm4b:s4+s15], $0x20, s14, s15, $0xb8;
	[tilespmem:$0x12000] =	vst v63  }
0xa2: {  	_ =	swait.ge [sflag:s5], $0x1000  }
0xa3: {  	[sflag:s5] =	ssyncset.done $0x0  }
0xa4: {  	s14 =	sadd.s32 $0x2A80, s13;
	[sflag:s5] =	ssyncadd.s32 $0xFFFFF000  }
0xa5: {  	[spmem:s2] =	stream.indirect.scatter.add.f32 [tilespmem:s25], [sflag:$0xE], $0x20, s14, s15, $0xb8;
	[tilespmem:$0x12000] =	vst v63  }
0xa6: {  	_ =	swait.ge [sflag:s6], $0x1000  }
0xa7: {  	[sflag:s6] =	ssyncset.done $0x0  }
0xa8: {  	s14 =	sadd.s32 $0x680, s13;
	[sflag:s6] =	ssyncadd.s32 $0xFFFFF000  }
0xa9: {  	[tilespmem:s25], [sflag:$0x6] =	stream.indirect.gather [hbm4b:s4+s15], $0x20, s14, s15, $0xb8;
	[tilespmem:$0x12000] =	vst v63  }
0xaa: {  	_ =	swait.ge [sflag:s7], $0x1000  }
0xab: {  	[sflag:s7] =	ssyncset.done $0x0  }
0xac: {  	s14 =	sadd.s32 $0x2B00, s13;
	[sflag:s7] =	ssyncadd.s32 $0xFFFFF000  }
0xad: {  	[spmem:s2] =	stream.indirect.scatter.add.f32 [tilespmem:s28], [sflag:$0xF], $0x20, s14, s15, $0xb8;
	[tilespmem:$0x12000] =	vst v63  }
0xae: {  	_ =	swait.ge [sflag:s9], $0x1000  }
0xaf: {  	[sflag:s9] =	ssyncset.done $0x0  }
0xb0: {  	s14 =	sadd.s32 $0x700, s13;
	[sflag:s9] =	ssyncadd.s32 $0xFFFFF000  }
0xb1: {  	[tilespmem:s28], [sflag:$0x7] =	stream.indirect.gather [hbm4b:s4+s15], $0x20, s14, s15, $0xb8;
	[tilespmem:$0x12000] =	vst v63  }
0xb2: {  	_ =	swait.ge [sflag:s10], $0x1000  }
0xb3: {  	[sflag:s10] =	ssyncset.done $0x0  }
.Ltmp0:
0xb4: {  	s14 =	sadd.s32 $0x2B80, s13;
	[sflag:s10] =	ssyncadd.s32 $0xFFFFF000;
	(pc) =	sbr.rel @p0 .LBB2_2-.Ltmp0, $4  }
0xb5: {  	[spmem:s2] =	stream.indirect.scatter.add.f32 [tilespmem:s30], [sflag:$0x10], $0x20, s14, s15, $0xb8;
	[tilespmem:$0x12000] =	vst v63  }
0xb6: {  	_ =	swait.ge [sflag:s3], $0x1000  }
0xb7: {  	[sflag:s3] =	ssyncset.done $0x0  }
0xb8: {  	s13 =	sadd.s32 $0x780, s13;
	[sflag:s3] =	ssyncadd.s32 $0xFFFFF000  }
0xb9: {  	[tilespmem:s30], [sflag:$0x8] =	stream.indirect.gather [hbm4b:s4+s15], $0x20, s13, s15, $0xb8;
	[tilespmem:$0x12000] =	vst v63  }
0xba: {  	_ =	swait.ge [sflag:s31], $0x1000  }
0xbb: {  	[sflag:s31] =	ssyncset.done $0x0  }
0xbc: {  	s12 =	simm.s32 $0x4C00;
	[sflag:s31] =	ssyncadd.s32 $0xFFFFF000  }
0xbd: {  	[spmem:s2] =	stream.indirect.scatter.add.f32 [tilespmem:s16], [sflag:$0x9], $0x20, s12, s15, $0xb8;
	[tilespmem:$0x12000] =	vst v63  }
0xbe: {  	_ =	swait.ge [sflag:s0], $0x1000  }
0xbf: {  	[sflag:s0] =	ssyncset.done $0x0  }
0xc0: {  	s8 =	simm.s32 $0x4C80;
	[sflag:s0] =	ssyncadd.s32 $0xFFFFF000  }
0xc1: {  	[spmem:s2] =	stream.indirect.scatter.add.f32 [tilespmem:s17], [sflag:$0xA], $0x20, s8, s15, $0xb8;
	[tilespmem:$0x12000] =	vst v63  }
0xc2: {  	_ =	swait.ge [sflag:s18], $0x1000  }
0xc3: {  	[sflag:s18] =	ssyncset.done $0x0  }
0xc4: {  	s13 =	simm.s32 $0x4D00;
	[sflag:s18] =	ssyncadd.s32 $0xFFFFF000  }
0xc5: {  	[spmem:s2] =	stream.indirect.scatter.add.f32 [tilespmem:s19], [sflag:$0xB], $0x20, s13, s15, $0xb8;
	[tilespmem:$0x12000] =	vst v63  }
0xc6: {  	_ =	swait.ge [sflag:s22], $0x1000  }
0xc7: {  	[sflag:s22] =	ssyncset.done $0x0  }
0xc8: {  	s14 =	simm.s32 $0x4D80;
	[sflag:s22] =	ssyncadd.s32 $0xFFFFF000  }
0xc9: {  	[spmem:s2] =	stream.indirect.scatter.add.f32 [tilespmem:s21], [sflag:$0xC], $0x20, s14, s15, $0xb8;
	[tilespmem:$0x12000] =	vst v63  }
0xca: {  	_ =	swait.ge [sflag:s26], $0x1000  }
0xcb: {  	[sflag:s26] =	ssyncset.done $0x0  }
0xcc: {  	s8 =	simm.s32 $0x4E00;
	[sflag:s26] =	ssyncadd.s32 $0xFFFFF000  }
0xcd: {  	[spmem:s2] =	stream.indirect.scatter.add.f32 [tilespmem:s23], [sflag:$0xD], $0x20, s8, s15, $0xb8;
	[tilespmem:$0x12000] =	vst v63  }
0xce: {  	_ =	swait.ge [sflag:s5], $0x1000  }
0xcf: {  	[sflag:s5] =	ssyncset.done $0x0  }
0xd0: {  	s13 =	simm.s32 $0x4E80;
	[sflag:s5] =	ssyncadd.s32 $0xFFFFF000  }
0xd1: {  	[spmem:s2] =	stream.indirect.scatter.add.f32 [tilespmem:s25], [sflag:$0xE], $0x20, s13, s15, $0xb8;
	[tilespmem:$0x12000] =	vst v63  }
0xd2: {  	_ =	swait.ge [sflag:s7], $0x1000  }
0xd3: {  	[sflag:s7] =	ssyncset.done $0x0  }
0xd4: {  	s14 =	simm.s32 $0x4F00;
	[sflag:s7] =	ssyncadd.s32 $0xFFFFF000  }
0xd5: {  	[spmem:s2] =	stream.indirect.scatter.add.f32 [tilespmem:s28], [sflag:$0xF], $0x20, s14, s15, $0xb8;
	[tilespmem:$0x12000] =	vst v63  }
0xd6: {  	_ =	swait.ge [sflag:s10], $0x1000  }
0xd7: {  	[sflag:s10] =	ssyncset.done $0x0  }
0xd8: {  	s8 =	simm.s32 $0x4F80;
	[sflag:s10] =	ssyncadd.s32 $0xFFFFF000  }
0xd9: {  	[spmem:s2] =	stream.indirect.scatter.add.f32 [tilespmem:s30], [sflag:$0x10], $0x20, s8, s15, $0xb8;
	[tilespmem:$0x12000] =	vst v63  }
0xda: {  	_ =	swait.ge [sflag:s1], $0x1000  }
0xdb: {  	[sflag:s1] =	ssyncset.done $0x0  }
0xdc: {  	[sflag:s1] =	ssyncadd.s32 $0xFFFFF000  }
0xdd: {  	_ =	swait.ge [sflag:s11], $0x1000  }
0xde: {  	[sflag:s11] =	ssyncset.done $0x0  }
0xdf: {  	[sflag:s11] =	ssyncadd.s32 $0xFFFFF000  }
0xe0: {  	_ =	swait.ge [sflag:s20], $0x1000  }
0xe1: {  	[sflag:s20] =	ssyncset.done $0x0  }
0xe2: {  	[sflag:s20] =	ssyncadd.s32 $0xFFFFF000  }
0xe3: {  	_ =	swait.ge [sflag:s24], $0x1000  }
0xe4: {  	[sflag:s24] =	ssyncset.done $0x0  }
0xe5: {  	[sflag:s24] =	ssyncadd.s32 $0xFFFFF000  }
0xe6: {  	_ =	swait.ge [sflag:s29], $0x1000  }
0xe7: {  	[sflag:s29] =	ssyncset.done $0x0  }
0xe8: {  	[sflag:s29] =	ssyncadd.s32 $0xFFFFF000  }
0xe9: {  	_ =	swait.ge [sflag:s6], $0x1000  }
0xea: {  	[sflag:s6] =	ssyncset.done $0x0  }
0xeb: {  	[sflag:s6] =	ssyncadd.s32 $0xFFFFF000  }
0xec: {  	_ =	swait.ge [sflag:s9], $0x1000  }
0xed: {  	[sflag:s9] =	ssyncset.done $0x0  }
0xee: {  	[sflag:s9] =	ssyncadd.s32 $0xFFFFF000  }
0xef: {  	_ =	swait.ge [sflag:s3], $0x1000  }
0xf0: {  	[sflag:s3] =	ssyncset.done $0x0  }
0xf1: {  	[sflag:s3] =	ssyncadd.s32 $0xFFFFF000  }
0xf2: {  	[bflag:$0x0] =	sbarrier.arrive $0xFFFF  }
0xf3: {  	s14 =	rddreg [dreg:$0x6]  }
0xf4: {  	s13 =	rddreg [dreg:$0x7]  }
0xf5: {  	s8 =	rddreg [dreg:$0xa]  }
0xf6: {  	[hbm:s13], [sflag:s14] =	dma.local [spmem:s8], $0xA00  }
0xf7: {  	s13 =	simm.s32 $0x12  }
0xf8: {  	_ =	swait.ge [sflag:s13], $0xA00  }
0xf9: {  	s12 =	rddreg [dreg:$0x9]  }
0xfa: {  	s8 =	sadd.s32 $0x1, s12;
	s12 =	rddreg [dreg:$0x8]  }
0xfb: {  	p0 =	sne.s32 s8, s12  }
.Ltmp1:
0xfc: {  	_ = 	snop;
	(pc) =	sbr.rel @p0 .LBB2_1-.Ltmp1, $3  }
0xfd: {  	_ =	sdelay $0x1  }
0xfe: {  	[sflag:s13] =	ssyncset.done $0x0  }
0xff: {  	[sflag:s13] =	ssyncadd.s32 $0xFFFFF600;
	[dreg:$0x9] =	wrdreg s8  }
0x100: {  	_ =	sfence.sel $0x180000  }
0x101: {  	[bflag:$0x0] =	sbarrier.arrive $0xFFFF  }
0x102: {  	_ =	strace $0x90000050  }
0x103: {  	s0 =	stileid.u32;
	[bflag:$0x2] =	sbarrier.arrive $0xFFFF  }
0x104: {  	p0 =	sne.s32 s0, $0x0;
	s0 =	rddreg [dreg:$0x2]  }
0x105: {  	s0 =	sadd.s32 @!p0 $0x100000, s0  }
0x106: {  	[sflag:s0] =	ssyncadd.tile.s32 @!p0 $0x1;
	_ =	shalt  }
.Lfunc_end2:
_tile_overlayer_lowered:
.L_overlay_start_2:
0x107: {  	(tag) =	ssettag $0x2  }
0x108: {  	s0 =	rddreg [dreg:$0x0];
	s2 =	stileid.u32  }
0x109: {  	s1 =	rddreg [dreg:$0x1];
	p0 =	sne.s32 s2, $0x0  }
0x10a: {  	s3 =	rddreg [dreg:$0x2];
	[bflag:$0x3] =	sbarrier.arrive $0xFFFF;
	s2 =	simm.s32 @!p0 $0x1C12  }
0x10b: {  	[timem:s3], [sflag:s2] =	dma.local @!p0 [hbm:s0], s1  }
0x10c: {  	s0 =	simm.s32 @!p0 $0x12  }
0x10d: {  	_ =	swait.ge @!p0 [sflag:s0], s1  }
0x10e: {  	s1 =	ssub.s32 @!p0 $0x0, s1;
	[sflag:s0] =	ssyncset.done @!p0 $0x0  }
0x10f: {  	[sflag:s0] =	ssyncadd.s32 @!p0 s1  }
0x110: {  	[bflag:$0x3] =	sbarrier.arrive $0xFFFF  }
0x111: {  	_ =	shalt  }

</sc_bundles>
